<compile_context>
chip_gen: v7x
topology: tpu7x:2x2x1
jax: 0.10.2.dev20260603
libtpu: 0.0.44.dev20260713+nightly
codegen_flags: <defaults>
</compile_context>

<pallas_src>
import functools

import jax
import jax.numpy as jnp
from jax import lax
from jax.experimental import pallas as pl
from jax.experimental.pallas import tpu as pltpu
from jax.experimental.pallas import tpu_sc as plsc

_LN_EPS = 1e-5


def _ln_body(x_ref, g_ref, b_ref, o_ref):
    x = x_ref[...]
    mean = jnp.mean(x, axis=0, keepdims=True)
    var = jnp.mean((x - mean) ** 2, axis=0, keepdims=True)
    y = (x - mean) / jnp.sqrt(var + _LN_EPS) * g_ref[...].T + b_ref[...].T
    o_ref[...] = jnp.concatenate([y.T, jnp.zeros_like(y).T], axis=-1)


def _ln_table(table_t, gamma, beta):
    d, v = table_t.shape
    vp = (v + 12799) // 12800 * 12800
    table_t = jnp.pad(table_t, ((0, 0), (0, vp - v)))
    rows = 12800
    grid = vp // rows
    return pl.pallas_call(
        _ln_body,
        grid=(grid,),
        in_specs=[
            pl.BlockSpec((d, rows), lambda i: (0, i)),
            pl.BlockSpec((1, d), lambda i: (0, 0)),
            pl.BlockSpec((1, d), lambda i: (0, 0)),
        ],
        out_specs=pl.BlockSpec((rows, 2 * d), lambda i: (i, 0)),
        out_shape=jax.ShapeDtypeStruct((vp, 2 * d), jnp.float32),
    )(table_t, gamma.reshape(1, d), beta.reshape(1, d))


def _make_sc_row_gather(n, d, chunk, nbuf=2):
    info = plsc.get_sparse_core_info()
    nw = info.num_cores * info.num_subcores
    n_per_w = n // nw
    steps = n_per_w // chunk
    assert n_per_w % chunk == 0 and steps % nbuf == 0
    mesh = plsc.VectorSubcoreMesh(core_axis_name="c", subcore_axis_name="s")

    @functools.partial(
        pl.kernel,
        out_type=jax.ShapeDtypeStruct((n, d), jnp.float32),
        mesh=mesh,
        scratch_types=[
            pltpu.VMEM((n_per_w,), jnp.int32),
        ] + [pltpu.VMEM((chunk, d), jnp.float32)] * nbuf
          + [pltpu.SemaphoreType.DMA] * (2 * nbuf),
    )
    def sc_gather(idx_hbm, table_hbm, out_hbm, idx_all, *bufs):
        rows = bufs[:nbuf]
        sem_g = bufs[nbuf:2 * nbuf]
        sem_w = bufs[2 * nbuf:3 * nbuf]
        wid = lax.axis_index("s") * info.num_cores + lax.axis_index("c")
        w_base = wid * n_per_w

        pltpu.sync_copy(idx_hbm.at[pl.ds(w_base, n_per_w)], idx_all)

        def gather(g, s):
            return pltpu.make_async_copy(
                table_hbm.at[idx_all.at[pl.ds(g * chunk, chunk)]],
                rows[s], sem_g[s])

        def write(g, s):
            return pltpu.make_async_copy(
                rows[s], out_hbm.at[pl.ds(w_base + g * chunk, chunk)],
                sem_w[s])

        for s in range(nbuf):
            gather(s, s).start()

        def body(big, carry):
            for s in range(nbuf):
                g = big * nbuf + s
                gather(g, s).wait()
                write(g, s).start()
                nxt = g + nbuf

                @pl.when(nxt < steps)
                def _():
                    write(g, s).wait()
                    gather(nxt, s).start()
            return carry

        lax.fori_loop(0, steps // nbuf, body, 0, unroll=False)
        for s in range(nbuf):
            write(steps - nbuf + s, s).wait()

    return sc_gather


def _transpose_body(gf_ref, gn_ref, o_ref):
    dn = o_ref.shape[1] - gf_ref.shape[2]
    for i in range(gf_ref.shape[1]):
        o_ref[i, : gf_ref.shape[2]] = gf_ref[:, i, :].T
        o_ref[i, gf_ref.shape[2]:] = gn_ref[:, i, :dn].T


def _transpose_body2(gf_ref, gn_ref, t_ref, o_ref):
    del t_ref
    _transpose_body(gf_ref, gn_ref, o_ref)


def _tc_transpose(g3f, g3n, d, l_total, l_off, t_partial=None):
    b, lh, df = g3f.shape
    dnp = g3n.shape[2]
    bb, lb = 128, 8
    lo = l_off // lb
    out_shape = jax.ShapeDtypeStruct((l_total, d, b), jnp.float32)
    in_specs = [
        pl.BlockSpec((bb, lb, df), lambda i, j: (j, i, 0)),
        pl.BlockSpec((bb, lb, dnp), lambda i, j: (j, i, 0)),
    ]
    out_specs = pl.BlockSpec((lb, d, bb), lambda i, j: (i + lo, 0, j))
    grid = (lh // lb, b // bb)
    if t_partial is None:
        return pl.pallas_call(
            _transpose_body, grid=grid, in_specs=in_specs,
            out_specs=out_specs, out_shape=out_shape,
        )(g3f, g3n)
    return pl.pallas_call(
        _transpose_body2, grid=grid,
        in_specs=in_specs + [pl.BlockSpec(memory_space=pl.ANY)],
        out_specs=out_specs, out_shape=out_shape,
        input_output_aliases={2: 0},
    )(g3f, g3n, t_partial)


def kernel(item_ids, frozen_emb, item_table, ln_gamma, ln_beta):
    b, l = item_ids.shape
    v, df = frozen_emb.shape
    dn = item_table.shape[1]
    d = df + dn

    normed = _ln_table(item_table.T, ln_gamma, ln_beta)
    dnp = normed.shape[1]
    nsplit = 4
    base = l // nsplit // 8 * 8
    splits = [base] * (nsplit - 1) + [l - base * (nsplit - 1)]
    t, off = None, 0
    for lh in splits:
        idsh = item_ids[:, off:off + lh].reshape(b * lh).astype(jnp.int32)
        gf = _make_sc_row_gather(b * lh, df, chunk=64)(idsh, frozen_emb)
        gn = _make_sc_row_gather(b * lh, dnp, chunk=128)(idsh, normed)
        t = _tc_transpose(gf.reshape(b, lh, df), gn.reshape(b, lh, dnp),
                          d, l, off, t)
        off += lh
    return jnp.transpose(t, (2, 0, 1))

# --- scband reference (transcript-rebuilt; emitter-appended) ---
"""Pipeline reference for scband-embedding-layer-20504173871833 (READ-ONLY COPY).

The authoritative reference and input builder live on the scoring server;
editing this copy changes nothing except your own understanding.
"""

import jax, jax.numpy as jnp
import numpy as np

NUM_ITEMS = 100000
EMBED_DIM = 64
FROZEN_DIM = 512
B = 1024
L = 200


def setup_inputs(seed: int = 0) -> dict:
    key = jax.random.key(seed)
    k1, k2, k3 = jax.random.split(key, 3)
    item_ids = jax.random.randint(k1, (B, L), 0, NUM_ITEMS, dtype=jnp.int64) if jax.config.read('jax_enable_x64') else jax.random.randint(k1, (B, L), 0, NUM_ITEMS, dtype=jnp.int32)
    frozen = jax.random.normal(k2, (NUM_ITEMS, FROZEN_DIM), dtype=jnp.float32)
    frozen = frozen / (jnp.linalg.norm(frozen, axis=1, keepdims=True) + 1e-8)
    limit = float(np.sqrt(6.0 / (NUM_ITEMS + EMBED_DIM)))  # xavier_uniform
    table = jax.random.uniform(k3, (NUM_ITEMS, EMBED_DIM), minval=-limit, maxval=limit, dtype=jnp.float32)
    table = table.at[0].set(0.0)  # padding_idx=0 zeroed
    ln_gamma = jnp.ones((EMBED_DIM,), dtype=jnp.float32)
    ln_beta = jnp.zeros((EMBED_DIM,), dtype=jnp.float32)
    return {
        'item_ids': item_ids,
        'frozen_emb': frozen,
        'item_table': table,
        'ln_gamma': ln_gamma,
        'ln_beta': ln_beta,
    }


def _layer_norm(x, gamma, beta, eps=1e-5):
    mean = jnp.mean(x, axis=-1, keepdims=True)
    var = jnp.var(x, axis=-1, keepdims=True)
    return (x - mean) / jnp.sqrt(var + eps) * gamma + beta


def reference(item_ids, frozen_emb, item_table, ln_gamma, ln_beta):
    # frozen buffer gather
    frozen = jnp.take(frozen_emb, item_ids, axis=0)
    # learnable embedding gather
    learnable = jnp.take(item_table, item_ids, axis=0)
    learnable = _layer_norm(learnable, ln_gamma, ln_beta)
    final_emb = jnp.concatenate([frozen, learnable], axis=-1)
    return final_emb

if __name__ == "__main__":
    import jax
    _d = setup_inputs()
    print(jax.jit(kernel)(*tuple(_d.values())))

</pallas_src>

<mosaic_0001>
#map = affine_map<(d0, d1) -> (0)>
#map1 = affine_map<(d0, d1) -> (0, 0)>
module attributes {stable_mosaic.version = 14 : i64} {
  func.func @sc_gather(%arg0: i32, %arg1: i32, %arg2: memref<49152xi32, #tpu.memory_space<hbm>>, %arg3: memref<102400x128xf32, #tpu.memory_space<hbm>>, %arg4: memref<49152x128xf32, #tpu.memory_space<hbm>>, %arg5: memref<1536xi32, #tpu.memory_space<vmem>>, %arg6: memref<128x128xf32, #tpu.memory_space<vmem>>, %arg7: memref<128x128xf32, #tpu.memory_space<vmem>>, %arg8: memref<!tpu.dma_semaphore, #tpu.memory_space<semaphore_mem>>, %arg9: memref<!tpu.dma_semaphore, #tpu.memory_space<semaphore_mem>>, %arg10: memref<!tpu.dma_semaphore, #tpu.memory_space<semaphore_mem>>, %arg11: memref<!tpu.dma_semaphore, #tpu.memory_space<semaphore_mem>>) attributes {dimension_semantics = [#tpu.dimension_semantics<core_parallel>, #tpu.dimension_semantics<subcore_parallel>], iteration_bounds = array<i64: 2, 16>, scalar_prefetch = 0 : i64, scratch_operands = 7 : i64, tpu.core_type = #tpu.core_type<sc_vector_subcore>, window_params = [{transform_indices = #map}, {transform_indices = #map1}, {transform_indices = #map1}]} {
    %mul3A = arith.constant 2 : i32
    %mul3A_0 = arith.muli %arg1, %mul3A : i32
    %add3A = arith.addi %mul3A_0, %arg0 : i32
    %mul3A_1 = arith.constant 1536 : i32
    %mul3A_2 = arith.muli %add3A, %mul3A_1 : i32
    "tpu.region"() ({
      %run_scoped3A = tpu.sem_alloc : memref<!tpu.dma_semaphore, #tpu.memory_space<semaphore_mem>>
      %dma_start3A_28 = tpu.memref_slice %arg2[%mul3A_2] : memref<49152xi32, #tpu.memory_space<hbm>> -> memref<1536xi32, #tpu.memory_space<hbm>>
      %dma_start3A_29 = tpu.memref_slice %arg2[%mul3A_2] : memref<49152xi32, #tpu.memory_space<hbm>> -> memref<1536xi32, #tpu.memory_space<hbm>>
      tpu.enqueue_dma source(%dma_start3A_29 : memref<1536xi32, #tpu.memory_space<hbm>>) target(%arg5 : memref<1536xi32, #tpu.memory_space<vmem>>) target_semaphore(%run_scoped3A : memref<!tpu.dma_semaphore, #tpu.memory_space<semaphore_mem>>)
      %dma_wait3A_30 = tpu.memref_slice %arg2[%mul3A_2] : memref<49152xi32, #tpu.memory_space<hbm>> -> memref<1536xi32, #tpu.memory_space<hbm>>
      %dma_wait3A_31 = tpu.memref_slice %arg2[%mul3A_2] : memref<49152xi32, #tpu.memory_space<hbm>> -> memref<1536xi32, #tpu.memory_space<hbm>>
      tpu.wait_dma2 semaphore(%run_scoped3A : memref<!tpu.dma_semaphore, #tpu.memory_space<semaphore_mem>>) src(%dma_wait3A_31 : memref<1536xi32, #tpu.memory_space<hbm>>) dst(%arg5 : memref<1536xi32, #tpu.memory_space<vmem>>)
      tpu.yield
    }) : () -> ()
    %dma_start3A = arith.constant 0 : i32
    %dma_start3A_3 = tpu.memref_slice %arg5[%dma_start3A] : memref<1536xi32, #tpu.memory_space<vmem>> -> memref<128xi32, #tpu.memory_space<vmem>>
    %dma_start3A_4 = arith.constant 0 : i32
    %dma_start3A_5 = arith.constant 0 : i32
    %dma_start3A_6 = tpu.memref_slice %arg3[%dma_start3A_4, %dma_start3A_5] : memref<102400x128xf32, #tpu.memory_space<hbm>> -> memref<102400x128xf32, #tpu.memory_space<hbm>>
    tpu.enqueue_indirect_dma source(%dma_start3A_6 : memref<102400x128xf32, #tpu.memory_space<hbm>>) target(%arg6 : memref<128x128xf32, #tpu.memory_space<vmem>>) offsets(%dma_start3A_3 : memref<128xi32, #tpu.memory_space<vmem>>) semaphore(%arg8 : memref<!tpu.dma_semaphore, #tpu.memory_space<semaphore_mem>>)
    %dma_start3A_7 = arith.constant 128 : i32
    %dma_start3A_8 = tpu.memref_slice %arg5[%dma_start3A_7] : memref<1536xi32, #tpu.memory_space<vmem>> -> memref<128xi32, #tpu.memory_space<vmem>>
    %dma_start3A_9 = arith.constant 0 : i32
    %dma_start3A_10 = arith.constant 0 : i32
    %dma_start3A_11 = tpu.memref_slice %arg3[%dma_start3A_9, %dma_start3A_10] : memref<102400x128xf32, #tpu.memory_space<hbm>> -> memref<102400x128xf32, #tpu.memory_space<hbm>>
    tpu.enqueue_indirect_dma source(%dma_start3A_11 : memref<102400x128xf32, #tpu.memory_space<hbm>>) target(%arg7 : memref<128x128xf32, #tpu.memory_space<vmem>>) offsets(%dma_start3A_8 : memref<128xi32, #tpu.memory_space<vmem>>) semaphore(%arg9 : memref<!tpu.dma_semaphore, #tpu.memory_space<semaphore_mem>>)
    %scan3A = arith.constant 0 : i32
    %scan3A_12 = arith.constant 0 : i32
    %scan3A_13 = arith.constant 6 : i32
    %scan3A_14 = arith.addi %scan3A_12, %scan3A_13 : i32
    %scan3A_15 = arith.constant 1 : i32
    scf.for %scan3A_28 = %scan3A_12 to %scan3A_14 step %scan3A_15  : i32 {
      %mul3A_29 = arith.constant 2 : i32
      %mul3A_30 = arith.muli %scan3A_28, %mul3A_29 : i32
      %add3A_31 = arith.constant 0 : i32
      %add3A_32 = arith.addi %mul3A_30, %add3A_31 : i32
      %mul3A_33 = arith.constant 128 : i32
      %mul3A_34 = arith.muli %add3A_32, %mul3A_33 : i32
      %dma_wait3A_35 = tpu.memref_slice %arg5[%mul3A_34] : memref<1536xi32, #tpu.memory_space<vmem>> -> memref<128xi32, #tpu.memory_space<vmem>>
      %dma_wait3A_36 = arith.constant 0 : i32
      %dma_wait3A_37 = arith.constant 0 : i32
      %dma_wait3A_38 = tpu.memref_slice %arg3[%dma_wait3A_36, %dma_wait3A_37] : memref<102400x128xf32, #tpu.memory_space<hbm>> -> memref<102400x128xf32, #tpu.memory_space<hbm>>
      tpu.wait_indirect_dma semaphore(%arg8 : memref<!tpu.dma_semaphore, #tpu.memory_space<semaphore_mem>>) src(%dma_wait3A_38 : memref<102400x128xf32, #tpu.memory_space<hbm>>) dst(%arg6 : memref<128x128xf32, #tpu.memory_space<vmem>>)
      %mul3A_39 = arith.constant 128 : i32
      %mul3A_40 = arith.muli %add3A_32, %mul3A_39 : i32
      %add3A_41 = arith.addi %mul3A_2, %mul3A_40 : i32
      %dma_start3A_42 = arith.constant 0 : i32
      %dma_start3A_43 = tpu.memref_slice %arg4[%add3A_41, %dma_start3A_42] : memref<49152x128xf32, #tpu.memory_space<hbm>> -> memref<128x128xf32, #tpu.memory_space<hbm>>
      %dma_start3A_44 = arith.constant 0 : i32
      %dma_start3A_45 = tpu.memref_slice %arg4[%add3A_41, %dma_start3A_44] : memref<49152x128xf32, #tpu.memory_space<hbm>> -> memref<128x128xf32, #tpu.memory_space<hbm>>
      tpu.enqueue_dma source(%arg6 : memref<128x128xf32, #tpu.memory_space<vmem>>) target(%dma_start3A_45 : memref<128x128xf32, #tpu.memory_space<hbm>>) target_semaphore(%arg10 : memref<!tpu.dma_semaphore, #tpu.memory_space<semaphore_mem>>)
      %add3A_46 = arith.constant 2 : i32
      %add3A_47 = arith.addi %add3A_32, %add3A_46 : i32
      %lt3A = arith.constant 12 : i32
      %lt3A_48 = arith.cmpi slt, %add3A_47, %lt3A : i32
      %convert_element_type3A = arith.extui %lt3A_48 : i1 to i32
      %cond3A = arith.constant 0 : i32
      %cond3A_49 = arith.cmpi ne, %convert_element_type3A, %cond3A : i32
      scf.if %cond3A_49 {
        %mul3A_74 = arith.constant 128 : i32
        %mul3A_75 = arith.muli %add3A_32, %mul3A_74 : i32
        %add3A_76 = arith.addi %mul3A_2, %mul3A_75 : i32
        %dma_wait3A_77 = arith.constant 0 : i32
        %dma_wait3A_78 = tpu.memref_slice %arg4[%add3A_76, %dma_wait3A_77] : memref<49152x128xf32, #tpu.memory_space<hbm>> -> memref<128x128xf32, #tpu.memory_space<hbm>>
        %dma_wait3A_79 = arith.constant 0 : i32
        %dma_wait3A_80 = tpu.memref_slice %arg4[%add3A_76, %dma_wait3A_79] : memref<49152x128xf32, #tpu.memory_space<hbm>> -> memref<128x128xf32, #tpu.memory_space<hbm>>
        tpu.wait_dma2 semaphore(%arg10 : memref<!tpu.dma_semaphore, #tpu.memory_space<semaphore_mem>>) src(%arg6 : memref<128x128xf32, #tpu.memory_space<vmem>>) dst(%dma_wait3A_80 : memref<128x128xf32, #tpu.memory_space<hbm>>)
        %mul3A_81 = arith.constant 128 : i32
        %mul3A_82 = arith.muli %add3A_47, %mul3A_81 : i32
        %dma_start3A_83 = tpu.memref_slice %arg5[%mul3A_82] : memref<1536xi32, #tpu.memory_space<vmem>> -> memref<128xi32, #tpu.memory_space<vmem>>
        %dma_start3A_84 = arith.constant 0 : i32
        %dma_start3A_85 = arith.constant 0 : i32
        %dma_start3A_86 = tpu.memref_slice %arg3[%dma_start3A_84, %dma_start3A_85] : memref<102400x128xf32, #tpu.memory_space<hbm>> -> memref<102400x128xf32, #tpu.memory_space<hbm>>
        tpu.enqueue_indirect_dma source(%dma_start3A_86 : memref<102400x128xf32, #tpu.memory_space<hbm>>) target(%arg6 : memref<128x128xf32, #tpu.memory_space<vmem>>) offsets(%dma_start3A_83 : memref<128xi32, #tpu.memory_space<vmem>>) semaphore(%arg8 : memref<!tpu.dma_semaphore, #tpu.memory_space<semaphore_mem>>)
      } else {
      }
      %mul3A_50 = arith.constant 2 : i32
      %mul3A_51 = arith.muli %scan3A_28, %mul3A_50 : i32
      %add3A_52 = arith.constant 1 : i32
      %add3A_53 = arith.addi %mul3A_51, %add3A_52 : i32
      %mul3A_54 = arith.constant 128 : i32
      %mul3A_55 = arith.muli %add3A_53, %mul3A_54 : i32
      %dma_wait3A_56 = tpu.memref_slice %arg5[%mul3A_55] : memref<1536xi32, #tpu.memory_space<vmem>> -> memref<128xi32, #tpu.memory_space<vmem>>
      %dma_wait3A_57 = arith.constant 0 : i32
      %dma_wait3A_58 = arith.constant 0 : i32
      %dma_wait3A_59 = tpu.memref_slice %arg3[%dma_wait3A_57, %dma_wait3A_58] : memref<102400x128xf32, #tpu.memory_space<hbm>> -> memref<102400x128xf32, #tpu.memory_space<hbm>>
      tpu.wait_indirect_dma semaphore(%arg9 : memref<!tpu.dma_semaphore, #tpu.memory_space<semaphore_mem>>) src(%dma_wait3A_59 : memref<102400x128xf32, #tpu.memory_space<hbm>>) dst(%arg7 : memref<128x128xf32, #tpu.memory_space<vmem>>)
      %mul3A_60 = arith.constant 128 : i32
      %mul3A_61 = arith.muli %add3A_53, %mul3A_60 : i32
      %add3A_62 = arith.addi %mul3A_2, %mul3A_61 : i32
      %dma_start3A_63 = arith.constant 0 : i32
      %dma_start3A_64 = tpu.memref_slice %arg4[%add3A_62, %dma_start3A_63] : memref<49152x128xf32, #tpu.memory_space<hbm>> -> memref<128x128xf32, #tpu.memory_space<hbm>>
      %dma_start3A_65 = arith.constant 0 : i32
      %dma_start3A_66 = tpu.memref_slice %arg4[%add3A_62, %dma_start3A_65] : memref<49152x128xf32, #tpu.memory_space<hbm>> -> memref<128x128xf32, #tpu.memory_space<hbm>>
      tpu.enqueue_dma source(%arg7 : memref<128x128xf32, #tpu.memory_space<vmem>>) target(%dma_start3A_66 : memref<128x128xf32, #tpu.memory_space<hbm>>) target_semaphore(%arg11 : memref<!tpu.dma_semaphore, #tpu.memory_space<semaphore_mem>>)
      %add3A_67 = arith.constant 2 : i32
      %add3A_68 = arith.addi %add3A_53, %add3A_67 : i32
      %lt3A_69 = arith.constant 12 : i32
      %lt3A_70 = arith.cmpi slt, %add3A_68, %lt3A_69 : i32
      %convert_element_type3A_71 = arith.extui %lt3A_70 : i1 to i32
      %cond3A_72 = arith.constant 0 : i32
      %cond3A_73 = arith.cmpi ne, %convert_element_type3A_71, %cond3A_72 : i32
      scf.if %cond3A_73 {
        %mul3A_74 = arith.constant 128 : i32
        %mul3A_75 = arith.muli %add3A_53, %mul3A_74 : i32
        %add3A_76 = arith.addi %mul3A_2, %mul3A_75 : i32
        %dma_wait3A_77 = arith.constant 0 : i32
        %dma_wait3A_78 = tpu.memref_slice %arg4[%add3A_76, %dma_wait3A_77] : memref<49152x128xf32, #tpu.memory_space<hbm>> -> memref<128x128xf32, #tpu.memory_space<hbm>>
        %dma_wait3A_79 = arith.constant 0 : i32
        %dma_wait3A_80 = tpu.memref_slice %arg4[%add3A_76, %dma_wait3A_79] : memref<49152x128xf32, #tpu.memory_space<hbm>> -> memref<128x128xf32, #tpu.memory_space<hbm>>
        tpu.wait_dma2 semaphore(%arg11 : memref<!tpu.dma_semaphore, #tpu.memory_space<semaphore_mem>>) src(%arg7 : memref<128x128xf32, #tpu.memory_space<vmem>>) dst(%dma_wait3A_80 : memref<128x128xf32, #tpu.memory_space<hbm>>)
        %mul3A_81 = arith.constant 128 : i32
        %mul3A_82 = arith.muli %add3A_68, %mul3A_81 : i32
        %dma_start3A_83 = tpu.memref_slice %arg5[%mul3A_82] : memref<1536xi32, #tpu.memory_space<vmem>> -> memref<128xi32, #tpu.memory_space<vmem>>
        %dma_start3A_84 = arith.constant 0 : i32
        %dma_start3A_85 = arith.constant 0 : i32
        %dma_start3A_86 = tpu.memref_slice %arg3[%dma_start3A_84, %dma_start3A_85] : memref<102400x128xf32, #tpu.memory_space<hbm>> -> memref<102400x128xf32, #tpu.memory_space<hbm>>
        tpu.enqueue_indirect_dma source(%dma_start3A_86 : memref<102400x128xf32, #tpu.memory_space<hbm>>) target(%arg7 : memref<128x128xf32, #tpu.memory_space<vmem>>) offsets(%dma_start3A_83 : memref<128xi32, #tpu.memory_space<vmem>>) semaphore(%arg9 : memref<!tpu.dma_semaphore, #tpu.memory_space<semaphore_mem>>)
      } else {
      }
    }
    %scan3A_16 = arith.constant 6 : i32
    %add3A_17 = arith.constant 1280 : i32
    %add3A_18 = arith.addi %mul3A_2, %add3A_17 : i32
    %dma_wait3A = arith.constant 0 : i32
    %dma_wait3A_19 = tpu.memref_slice %arg4[%add3A_18, %dma_wait3A] : memref<49152x128xf32, #tpu.memory_space<hbm>> -> memref<128x128xf32, #tpu.memory_space<hbm>>
    %dma_wait3A_20 = arith.constant 0 : i32
    %dma_wait3A_21 = tpu.memref_slice %arg4[%add3A_18, %dma_wait3A_20] : memref<49152x128xf32, #tpu.memory_space<hbm>> -> memref<128x128xf32, #tpu.memory_space<hbm>>
    tpu.wait_dma2 semaphore(%arg10 : memref<!tpu.dma_semaphore, #tpu.memory_space<semaphore_mem>>) src(%arg6 : memref<128x128xf32, #tpu.memory_space<vmem>>) dst(%dma_wait3A_21 : memref<128x128xf32, #tpu.memory_space<hbm>>)
    %add3A_22 = arith.constant 1408 : i32
    %add3A_23 = arith.addi %mul3A_2, %add3A_22 : i32
    %dma_wait3A_24 = arith.constant 0 : i32
    %dma_wait3A_25 = tpu.memref_slice %arg4[%add3A_23, %dma_wait3A_24] : memref<49152x128xf32, #tpu.memory_space<hbm>> -> memref<128x128xf32, #tpu.memory_space<hbm>>
    %dma_wait3A_26 = arith.constant 0 : i32
    %dma_wait3A_27 = tpu.memref_slice %arg4[%add3A_23, %dma_wait3A_26] : memref<49152x128xf32, #tpu.memory_space<hbm>> -> memref<128x128xf32, #tpu.memory_space<hbm>>
    tpu.wait_dma2 semaphore(%arg11 : memref<!tpu.dma_semaphore, #tpu.memory_space<semaphore_mem>>) src(%arg7 : memref<128x128xf32, #tpu.memory_space<vmem>>) dst(%dma_wait3A_27 : memref<128x128xf32, #tpu.memory_space<hbm>>)
    return
  }
}

#map = affine_map<(d0, d1) -> (0)>
#map1 = affine_map<(d0, d1) -> (0, 0)>
module attributes {stable_mosaic.version = 14 : i64} {
  func.func @sc_gather(%arg0: i32, %arg1: i32, %arg2: memref<49152xi32, #tpu.memory_space<hbm>>, %arg3: memref<100000x512xf32, #tpu.memory_space<hbm>>, %arg4: memref<49152x512xf32, #tpu.memory_space<hbm>>, %arg5: memref<1536xi32, #tpu.memory_space<vmem>>, %arg6: memref<64x512xf32, #tpu.memory_space<vmem>>, %arg7: memref<64x512xf32, #tpu.memory_space<vmem>>, %arg8: memref<!tpu.dma_semaphore, #tpu.memory_space<semaphore_mem>>, %arg9: memref<!tpu.dma_semaphore, #tpu.memory_space<semaphore_mem>>, %arg10: memref<!tpu.dma_semaphore, #tpu.memory_space<semaphore_mem>>, %arg11: memref<!tpu.dma_semaphore, #tpu.memory_space<semaphore_mem>>) attributes {dimension_semantics = [#tpu.dimension_semantics<core_parallel>, #tpu.dimension_semantics<subcore_parallel>], iteration_bounds = array<i64: 2, 16>, scalar_prefetch = 0 : i64, scratch_operands = 7 : i64, tpu.core_type = #tpu.core_type<sc_vector_subcore>, window_params = [{transform_indices = #map}, {transform_indices = #map1}, {transform_indices = #map1}]} {
    %mul3A = arith.constant 2 : i32
    %mul3A_0 = arith.muli %arg1, %mul3A : i32
    %add3A = arith.addi %mul3A_0, %arg0 : i32
    %mul3A_1 = arith.constant 1536 : i32
    %mul3A_2 = arith.muli %add3A, %mul3A_1 : i32
    "tpu.region"() ({
      %run_scoped3A = tpu.sem_alloc : memref<!tpu.dma_semaphore, #tpu.memory_space<semaphore_mem>>
      %dma_start3A_28 = tpu.memref_slice %arg2[%mul3A_2] : memref<49152xi32, #tpu.memory_space<hbm>> -> memref<1536xi32, #tpu.memory_space<hbm>>
      %dma_start3A_29 = tpu.memref_slice %arg2[%mul3A_2] : memref<49152xi32, #tpu.memory_space<hbm>> -> memref<1536xi32, #tpu.memory_space<hbm>>
      tpu.enqueue_dma source(%dma_start3A_29 : memref<1536xi32, #tpu.memory_space<hbm>>) target(%arg5 : memref<1536xi32, #tpu.memory_space<vmem>>) target_semaphore(%run_scoped3A : memref<!tpu.dma_semaphore, #tpu.memory_space<semaphore_mem>>)
      %dma_wait3A_30 = tpu.memref_slice %arg2[%mul3A_2] : memref<49152xi32, #tpu.memory_space<hbm>> -> memref<1536xi32, #tpu.memory_space<hbm>>
      %dma_wait3A_31 = tpu.memref_slice %arg2[%mul3A_2] : memref<49152xi32, #tpu.memory_space<hbm>> -> memref<1536xi32, #tpu.memory_space<hbm>>
      tpu.wait_dma2 semaphore(%run_scoped3A : memref<!tpu.dma_semaphore, #tpu.memory_space<semaphore_mem>>) src(%dma_wait3A_31 : memref<1536xi32, #tpu.memory_space<hbm>>) dst(%arg5 : memref<1536xi32, #tpu.memory_space<vmem>>)
      tpu.yield
    }) : () -> ()
    %dma_start3A = arith.constant 0 : i32
    %dma_start3A_3 = tpu.memref_slice %arg5[%dma_start3A] : memref<1536xi32, #tpu.memory_space<vmem>> -> memref<64xi32, #tpu.memory_space<vmem>>
    %dma_start3A_4 = arith.constant 0 : i32
    %dma_start3A_5 = arith.constant 0 : i32
    %dma_start3A_6 = tpu.memref_slice %arg3[%dma_start3A_4, %dma_start3A_5] : memref<100000x512xf32, #tpu.memory_space<hbm>> -> memref<100000x512xf32, #tpu.memory_space<hbm>>
    tpu.enqueue_indirect_dma source(%dma_start3A_6 : memref<100000x512xf32, #tpu.memory_space<hbm>>) target(%arg6 : memref<64x512xf32, #tpu.memory_space<vmem>>) offsets(%dma_start3A_3 : memref<64xi32, #tpu.memory_space<vmem>>) semaphore(%arg8 : memref<!tpu.dma_semaphore, #tpu.memory_space<semaphore_mem>>)
    %dma_start3A_7 = arith.constant 64 : i32
    %dma_start3A_8 = tpu.memref_slice %arg5[%dma_start3A_7] : memref<1536xi32, #tpu.memory_space<vmem>> -> memref<64xi32, #tpu.memory_space<vmem>>
    %dma_start3A_9 = arith.constant 0 : i32
    %dma_start3A_10 = arith.constant 0 : i32
    %dma_start3A_11 = tpu.memref_slice %arg3[%dma_start3A_9, %dma_start3A_10] : memref<100000x512xf32, #tpu.memory_space<hbm>> -> memref<100000x512xf32, #tpu.memory_space<hbm>>
    tpu.enqueue_indirect_dma source(%dma_start3A_11 : memref<100000x512xf32, #tpu.memory_space<hbm>>) target(%arg7 : memref<64x512xf32, #tpu.memory_space<vmem>>) offsets(%dma_start3A_8 : memref<64xi32, #tpu.memory_space<vmem>>) semaphore(%arg9 : memref<!tpu.dma_semaphore, #tpu.memory_space<semaphore_mem>>)
    %scan3A = arith.constant 0 : i32
    %scan3A_12 = arith.constant 0 : i32
    %scan3A_13 = arith.constant 12 : i32
    %scan3A_14 = arith.addi %scan3A_12, %scan3A_13 : i32
    %scan3A_15 = arith.constant 1 : i32
    scf.for %scan3A_28 = %scan3A_12 to %scan3A_14 step %scan3A_15  : i32 {
      %mul3A_29 = arith.constant 2 : i32
      %mul3A_30 = arith.muli %scan3A_28, %mul3A_29 : i32
      %add3A_31 = arith.constant 0 : i32
      %add3A_32 = arith.addi %mul3A_30, %add3A_31 : i32
      %mul3A_33 = arith.constant 64 : i32
      %mul3A_34 = arith.muli %add3A_32, %mul3A_33 : i32
      %dma_wait3A_35 = tpu.memref_slice %arg5[%mul3A_34] : memref<1536xi32, #tpu.memory_space<vmem>> -> memref<64xi32, #tpu.memory_space<vmem>>
      %dma_wait3A_36 = arith.constant 0 : i32
      %dma_wait3A_37 = arith.constant 0 : i32
      %dma_wait3A_38 = tpu.memref_slice %arg3[%dma_wait3A_36, %dma_wait3A_37] : memref<100000x512xf32, #tpu.memory_space<hbm>> -> memref<100000x512xf32, #tpu.memory_space<hbm>>
      tpu.wait_indirect_dma semaphore(%arg8 : memref<!tpu.dma_semaphore, #tpu.memory_space<semaphore_mem>>) src(%dma_wait3A_38 : memref<100000x512xf32, #tpu.memory_space<hbm>>) dst(%arg6 : memref<64x512xf32, #tpu.memory_space<vmem>>)
      %mul3A_39 = arith.constant 64 : i32
      %mul3A_40 = arith.muli %add3A_32, %mul3A_39 : i32
      %add3A_41 = arith.addi %mul3A_2, %mul3A_40 : i32
      %dma_start3A_42 = arith.constant 0 : i32
      %dma_start3A_43 = tpu.memref_slice %arg4[%add3A_41, %dma_start3A_42] : memref<49152x512xf32, #tpu.memory_space<hbm>> -> memref<64x512xf32, #tpu.memory_space<hbm>>
      %dma_start3A_44 = arith.constant 0 : i32
      %dma_start3A_45 = tpu.memref_slice %arg4[%add3A_41, %dma_start3A_44] : memref<49152x512xf32, #tpu.memory_space<hbm>> -> memref<64x512xf32, #tpu.memory_space<hbm>>
      tpu.enqueue_dma source(%arg6 : memref<64x512xf32, #tpu.memory_space<vmem>>) target(%dma_start3A_45 : memref<64x512xf32, #tpu.memory_space<hbm>>) target_semaphore(%arg10 : memref<!tpu.dma_semaphore, #tpu.memory_space<semaphore_mem>>)
      %add3A_46 = arith.constant 2 : i32
      %add3A_47 = arith.addi %add3A_32, %add3A_46 : i32
      %lt3A = arith.constant 24 : i32
      %lt3A_48 = arith.cmpi slt, %add3A_47, %lt3A : i32
      %convert_element_type3A = arith.extui %lt3A_48 : i1 to i32
      %cond3A = arith.constant 0 : i32
      %cond3A_49 = arith.cmpi ne, %convert_element_type3A, %cond3A : i32
      scf.if %cond3A_49 {
        %mul3A_74 = arith.constant 64 : i32
        %mul3A_75 = arith.muli %add3A_32, %mul3A_74 : i32
        %add3A_76 = arith.addi %mul3A_2, %mul3A_75 : i32
        %dma_wait3A_77 = arith.constant 0 : i32
        %dma_wait3A_78 = tpu.memref_slice %arg4[%add3A_76, %dma_wait3A_77] : memref<49152x512xf32, #tpu.memory_space<hbm>> -> memref<64x512xf32, #tpu.memory_space<hbm>>
        %dma_wait3A_79 = arith.constant 0 : i32
        %dma_wait3A_80 = tpu.memref_slice %arg4[%add3A_76, %dma_wait3A_79] : memref<49152x512xf32, #tpu.memory_space<hbm>> -> memref<64x512xf32, #tpu.memory_space<hbm>>
        tpu.wait_dma2 semaphore(%arg10 : memref<!tpu.dma_semaphore, #tpu.memory_space<semaphore_mem>>) src(%arg6 : memref<64x512xf32, #tpu.memory_space<vmem>>) dst(%dma_wait3A_80 : memref<64x512xf32, #tpu.memory_space<hbm>>)
        %mul3A_81 = arith.constant 64 : i32
        %mul3A_82 = arith.muli %add3A_47, %mul3A_81 : i32
        %dma_start3A_83 = tpu.memref_slice %arg5[%mul3A_82] : memref<1536xi32, #tpu.memory_space<vmem>> -> memref<64xi32, #tpu.memory_space<vmem>>
        %dma_start3A_84 = arith.constant 0 : i32
        %dma_start3A_85 = arith.constant 0 : i32
        %dma_start3A_86 = tpu.memref_slice %arg3[%dma_start3A_84, %dma_start3A_85] : memref<100000x512xf32, #tpu.memory_space<hbm>> -> memref<100000x512xf32, #tpu.memory_space<hbm>>
        tpu.enqueue_indirect_dma source(%dma_start3A_86 : memref<100000x512xf32, #tpu.memory_space<hbm>>) target(%arg6 : memref<64x512xf32, #tpu.memory_space<vmem>>) offsets(%dma_start3A_83 : memref<64xi32, #tpu.memory_space<vmem>>) semaphore(%arg8 : memref<!tpu.dma_semaphore, #tpu.memory_space<semaphore_mem>>)
      } else {
      }
      %mul3A_50 = arith.constant 2 : i32
      %mul3A_51 = arith.muli %scan3A_28, %mul3A_50 : i32
      %add3A_52 = arith.constant 1 : i32
      %add3A_53 = arith.addi %mul3A_51, %add3A_52 : i32
      %mul3A_54 = arith.constant 64 : i32
      %mul3A_55 = arith.muli %add3A_53, %mul3A_54 : i32
      %dma_wait3A_56 = tpu.memref_slice %arg5[%mul3A_55] : memref<1536xi32, #tpu.memory_space<vmem>> -> memref<64xi32, #tpu.memory_space<vmem>>
      %dma_wait3A_57 = arith.constant 0 : i32
      %dma_wait3A_58 = arith.constant 0 : i32
      %dma_wait3A_59 = tpu.memref_slice %arg3[%dma_wait3A_57, %dma_wait3A_58] : memref<100000x512xf32, #tpu.memory_space<hbm>> -> memref<100000x512xf32, #tpu.memory_space<hbm>>
      tpu.wait_indirect_dma semaphore(%arg9 : memref<!tpu.dma_semaphore, #tpu.memory_space<semaphore_mem>>) src(%dma_wait3A_59 : memref<100000x512xf32, #tpu.memory_space<hbm>>) dst(%arg7 : memref<64x512xf32, #tpu.memory_space<vmem>>)
      %mul3A_60 = arith.constant 64 : i32
      %mul3A_61 = arith.muli %add3A_53, %mul3A_60 : i32
      %add3A_62 = arith.addi %mul3A_2, %mul3A_61 : i32
      %dma_start3A_63 = arith.constant 0 : i32
      %dma_start3A_64 = tpu.memref_slice %arg4[%add3A_62, %dma_start3A_63] : memref<49152x512xf32, #tpu.memory_space<hbm>> -> memref<64x512xf32, #tpu.memory_space<hbm>>
      %dma_start3A_65 = arith.constant 0 : i32
      %dma_start3A_66 = tpu.memref_slice %arg4[%add3A_62, %dma_start3A_65] : memref<49152x512xf32, #tpu.memory_space<hbm>> -> memref<64x512xf32, #tpu.memory_space<hbm>>
      tpu.enqueue_dma source(%arg7 : memref<64x512xf32, #tpu.memory_space<vmem>>) target(%dma_start3A_66 : memref<64x512xf32, #tpu.memory_space<hbm>>) target_semaphore(%arg11 : memref<!tpu.dma_semaphore, #tpu.memory_space<semaphore_mem>>)
      %add3A_67 = arith.constant 2 : i32
      %add3A_68 = arith.addi %add3A_53, %add3A_67 : i32
      %lt3A_69 = arith.constant 24 : i32
      %lt3A_70 = arith.cmpi slt, %add3A_68, %lt3A_69 : i32
      %convert_element_type3A_71 = arith.extui %lt3A_70 : i1 to i32
      %cond3A_72 = arith.constant 0 : i32
      %cond3A_73 = arith.cmpi ne, %convert_element_type3A_71, %cond3A_72 : i32
      scf.if %cond3A_73 {
        %mul3A_74 = arith.constant 64 : i32
        %mul3A_75 = arith.muli %add3A_53, %mul3A_74 : i32
        %add3A_76 = arith.addi %mul3A_2, %mul3A_75 : i32
        %dma_wait3A_77 = arith.constant 0 : i32
        %dma_wait3A_78 = tpu.memref_slice %arg4[%add3A_76, %dma_wait3A_77] : memref<49152x512xf32, #tpu.memory_space<hbm>> -> memref<64x512xf32, #tpu.memory_space<hbm>>
        %dma_wait3A_79 = arith.constant 0 : i32
        %dma_wait3A_80 = tpu.memref_slice %arg4[%add3A_76, %dma_wait3A_79] : memref<49152x512xf32, #tpu.memory_space<hbm>> -> memref<64x512xf32, #tpu.memory_space<hbm>>
        tpu.wait_dma2 semaphore(%arg11 : memref<!tpu.dma_semaphore, #tpu.memory_space<semaphore_mem>>) src(%arg7 : memref<64x512xf32, #tpu.memory_space<vmem>>) dst(%dma_wait3A_80 : memref<64x512xf32, #tpu.memory_space<hbm>>)
        %mul3A_81 = arith.constant 64 : i32
        %mul3A_82 = arith.muli %add3A_68, %mul3A_81 : i32
        %dma_start3A_83 = tpu.memref_slice %arg5[%mul3A_82] : memref<1536xi32, #tpu.memory_space<vmem>> -> memref<64xi32, #tpu.memory_space<vmem>>
        %dma_start3A_84 = arith.constant 0 : i32
        %dma_start3A_85 = arith.constant 0 : i32
        %dma_start3A_86 = tpu.memref_slice %arg3[%dma_start3A_84, %dma_start3A_85] : memref<100000x512xf32, #tpu.memory_space<hbm>> -> memref<100000x512xf32, #tpu.memory_space<hbm>>
        tpu.enqueue_indirect_dma source(%dma_start3A_86 : memref<100000x512xf32, #tpu.memory_space<hbm>>) target(%arg7 : memref<64x512xf32, #tpu.memory_space<vmem>>) offsets(%dma_start3A_83 : memref<64xi32, #tpu.memory_space<vmem>>) semaphore(%arg9 : memref<!tpu.dma_semaphore, #tpu.memory_space<semaphore_mem>>)
      } else {
      }
    }
    %scan3A_16 = arith.constant 12 : i32
    %add3A_17 = arith.constant 1408 : i32
    %add3A_18 = arith.addi %mul3A_2, %add3A_17 : i32
    %dma_wait3A = arith.constant 0 : i32
    %dma_wait3A_19 = tpu.memref_slice %arg4[%add3A_18, %dma_wait3A] : memref<49152x512xf32, #tpu.memory_space<hbm>> -> memref<64x512xf32, #tpu.memory_space<hbm>>
    %dma_wait3A_20 = arith.constant 0 : i32
    %dma_wait3A_21 = tpu.memref_slice %arg4[%add3A_18, %dma_wait3A_20] : memref<49152x512xf32, #tpu.memory_space<hbm>> -> memref<64x512xf32, #tpu.memory_space<hbm>>
    tpu.wait_dma2 semaphore(%arg10 : memref<!tpu.dma_semaphore, #tpu.memory_space<semaphore_mem>>) src(%arg6 : memref<64x512xf32, #tpu.memory_space<vmem>>) dst(%dma_wait3A_21 : memref<64x512xf32, #tpu.memory_space<hbm>>)
    %add3A_22 = arith.constant 1472 : i32
    %add3A_23 = arith.addi %mul3A_2, %add3A_22 : i32
    %dma_wait3A_24 = arith.constant 0 : i32
    %dma_wait3A_25 = tpu.memref_slice %arg4[%add3A_23, %dma_wait3A_24] : memref<49152x512xf32, #tpu.memory_space<hbm>> -> memref<64x512xf32, #tpu.memory_space<hbm>>
    %dma_wait3A_26 = arith.constant 0 : i32
    %dma_wait3A_27 = tpu.memref_slice %arg4[%add3A_23, %dma_wait3A_26] : memref<49152x512xf32, #tpu.memory_space<hbm>> -> memref<64x512xf32, #tpu.memory_space<hbm>>
    tpu.wait_dma2 semaphore(%arg11 : memref<!tpu.dma_semaphore, #tpu.memory_space<semaphore_mem>>) src(%arg7 : memref<64x512xf32, #tpu.memory_space<vmem>>) dst(%dma_wait3A_27 : memref<64x512xf32, #tpu.memory_space<hbm>>)
    return
  }
}

#map = affine_map<(d0, d1) -> (0)>
#map1 = affine_map<(d0, d1) -> (0, 0)>
module attributes {stable_mosaic.version = 14 : i64} {
  func.func @sc_gather(%arg0: i32, %arg1: i32, %arg2: memref<49152xi32, #tpu.memory_space<hbm>>, %arg3: memref<102400x128xf32, #tpu.memory_space<hbm>>, %arg4: memref<49152x128xf32, #tpu.memory_space<hbm>>, %arg5: memref<1536xi32, #tpu.memory_space<vmem>>, %arg6: memref<128x128xf32, #tpu.memory_space<vmem>>, %arg7: memref<128x128xf32, #tpu.memory_space<vmem>>, %arg8: memref<!tpu.dma_semaphore, #tpu.memory_space<semaphore_mem>>, %arg9: memref<!tpu.dma_semaphore, #tpu.memory_space<semaphore_mem>>, %arg10: memref<!tpu.dma_semaphore, #tpu.memory_space<semaphore_mem>>, %arg11: memref<!tpu.dma_semaphore, #tpu.memory_space<semaphore_mem>>) attributes {dimension_semantics = [#tpu.dimension_semantics<core_parallel>, #tpu.dimension_semantics<subcore_parallel>], iteration_bounds = array<i64: 2, 16>, scalar_prefetch = 0 : i64, scratch_operands = 7 : i64, tpu.core_type = #tpu.core_type<sc_vector_subcore>, window_params = [{transform_indices = #map}, {transform_indices = #map1}, {transform_indices = #map1}]} {
    %mul3A = arith.constant 2 : i32
    %mul3A_0 = arith.muli %arg1, %mul3A : i32
    %add3A = arith.addi %mul3A_0, %arg0 : i32
    %mul3A_1 = arith.constant 1536 : i32
    %mul3A_2 = arith.muli %add3A, %mul3A_1 : i32
    "tpu.region"() ({
      %run_scoped3A = tpu.sem_alloc : memref<!tpu.dma_semaphore, #tpu.memory_space<semaphore_mem>>
      %dma_start3A_28 = tpu.memref_slice %arg2[%mul3A_2] : memref<49152xi32, #tpu.memory_space<hbm>> -> memref<1536xi32, #tpu.memory_space<hbm>>
      %dma_start3A_29 = tpu.memref_slice %arg2[%mul3A_2] : memref<49152xi32, #tpu.memory_space<hbm>> -> memref<1536xi32, #tpu.memory_space<hbm>>
      tpu.enqueue_dma source(%dma_start3A_29 : memref<1536xi32, #tpu.memory_space<hbm>>) target(%arg5 : memref<1536xi32, #tpu.memory_space<vmem>>) target_semaphore(%run_scoped3A : memref<!tpu.dma_semaphore, #tpu.memory_space<semaphore_mem>>)
      %dma_wait3A_30 = tpu.memref_slice %arg2[%mul3A_2] : memref<49152xi32, #tpu.memory_space<hbm>> -> memref<1536xi32, #tpu.memory_space<hbm>>
      %dma_wait3A_31 = tpu.memref_slice %arg2[%mul3A_2] : memref<49152xi32, #tpu.memory_space<hbm>> -> memref<1536xi32, #tpu.memory_space<hbm>>
      tpu.wait_dma2 semaphore(%run_scoped3A : memref<!tpu.dma_semaphore, #tpu.memory_space<semaphore_mem>>) src(%dma_wait3A_31 : memref<1536xi32, #tpu.memory_space<hbm>>) dst(%arg5 : memref<1536xi32, #tpu.memory_space<vmem>>)
      tpu.yield
    }) : () -> ()
    %dma_start3A = arith.constant 0 : i32
    %dma_start3A_3 = tpu.memref_slice %arg5[%dma_start3A] : memref<1536xi32, #tpu.memory_space<vmem>> -> memref<128xi32, #tpu.memory_space<vmem>>
    %dma_start3A_4 = arith.constant 0 : i32
    %dma_start3A_5 = arith.constant 0 : i32
    %dma_start3A_6 = tpu.memref_slice %arg3[%dma_start3A_4, %dma_start3A_5] : memref<102400x128xf32, #tpu.memory_space<hbm>> -> memref<102400x128xf32, #tpu.memory_space<hbm>>
    tpu.enqueue_indirect_dma source(%dma_start3A_6 : memref<102400x128xf32, #tpu.memory_space<hbm>>) target(%arg6 : memref<128x128xf32, #tpu.memory_space<vmem>>) offsets(%dma_start3A_3 : memref<128xi32, #tpu.memory_space<vmem>>) semaphore(%arg8 : memref<!tpu.dma_semaphore, #tpu.memory_space<semaphore_mem>>)
    %dma_start3A_7 = arith.constant 128 : i32
    %dma_start3A_8 = tpu.memref_slice %arg5[%dma_start3A_7] : memref<1536xi32, #tpu.memory_space<vmem>> -> memref<128xi32, #tpu.memory_space<vmem>>
    %dma_start3A_9 = arith.constant 0 : i32
    %dma_start3A_10 = arith.constant 0 : i32
    %dma_start3A_11 = tpu.memref_slice %arg3[%dma_start3A_9, %dma_start3A_10] : memref<102400x128xf32, #tpu.memory_space<hbm>> -> memref<102400x128xf32, #tpu.memory_space<hbm>>
    tpu.enqueue_indirect_dma source(%dma_start3A_11 : memref<102400x128xf32, #tpu.memory_space<hbm>>) target(%arg7 : memref<128x128xf32, #tpu.memory_space<vmem>>) offsets(%dma_start3A_8 : memref<128xi32, #tpu.memory_space<vmem>>) semaphore(%arg9 : memref<!tpu.dma_semaphore, #tpu.memory_space<semaphore_mem>>)
    %scan3A = arith.constant 0 : i32
    %scan3A_12 = arith.constant 0 : i32
    %scan3A_13 = arith.constant 6 : i32
    %scan3A_14 = arith.addi %scan3A_12, %scan3A_13 : i32
    %scan3A_15 = arith.constant 1 : i32
    scf.for %scan3A_28 = %scan3A_12 to %scan3A_14 step %scan3A_15  : i32 {
      %mul3A_29 = arith.constant 2 : i32
      %mul3A_30 = arith.muli %scan3A_28, %mul3A_29 : i32
      %add3A_31 = arith.constant 0 : i32
      %add3A_32 = arith.addi %mul3A_30, %add3A_31 : i32
      %mul3A_33 = arith.constant 128 : i32
      %mul3A_34 = arith.muli %add3A_32, %mul3A_33 : i32
      %dma_wait3A_35 = tpu.memref_slice %arg5[%mul3A_34] : memref<1536xi32, #tpu.memory_space<vmem>> -> memref<128xi32, #tpu.memory_space<vmem>>
      %dma_wait3A_36 = arith.constant 0 : i32
      %dma_wait3A_37 = arith.constant 0 : i32
      %dma_wait3A_38 = tpu.memref_slice %arg3[%dma_wait3A_36, %dma_wait3A_37] : memref<102400x128xf32, #tpu.memory_space<hbm>> -> memref<102400x128xf32, #tpu.memory_space<hbm>>
      tpu.wait_indirect_dma semaphore(%arg8 : memref<!tpu.dma_semaphore, #tpu.memory_space<semaphore_mem>>) src(%dma_wait3A_38 : memref<102400x128xf32, #tpu.memory_space<hbm>>) dst(%arg6 : memref<128x128xf32, #tpu.memory_space<vmem>>)
      %mul3A_39 = arith.constant 128 : i32
      %mul3A_40 = arith.muli %add3A_32, %mul3A_39 : i32
      %add3A_41 = arith.addi %mul3A_2, %mul3A_40 : i32
      %dma_start3A_42 = arith.constant 0 : i32
      %dma_start3A_43 = tpu.memref_slice %arg4[%add3A_41, %dma_start3A_42] : memref<49152x128xf32, #tpu.memory_space<hbm>> -> memref<128x128xf32, #tpu.memory_space<hbm>>
      %dma_start3A_44 = arith.constant 0 : i32
      %dma_start3A_45 = tpu.memref_slice %arg4[%add3A_41, %dma_start3A_44] : memref<49152x128xf32, #tpu.memory_space<hbm>> -> memref<128x128xf32, #tpu.memory_space<hbm>>
      tpu.enqueue_dma source(%arg6 : memref<128x128xf32, #tpu.memory_space<vmem>>) target(%dma_start3A_45 : memref<128x128xf32, #tpu.memory_space<hbm>>) target_semaphore(%arg10 : memref<!tpu.dma_semaphore, #tpu.memory_space<semaphore_mem>>)
      %add3A_46 = arith.constant 2 : i32
      %add3A_47 = arith.addi %add3A_32, %add3A_46 : i32
      %lt3A = arith.constant 12 : i32
      %lt3A_48 = arith.cmpi slt, %add3A_47, %lt3A : i32
      %convert_element_type3A = arith.extui %lt3A_48 : i1 to i32
      %cond3A = arith.constant 0 : i32
      %cond3A_49 = arith.cmpi ne, %convert_element_type3A, %cond3A : i32
      scf.if %cond3A_49 {
        %mul3A_74 = arith.constant 128 : i32
        %mul3A_75 = arith.muli %add3A_32, %mul3A_74 : i32
        %add3A_76 = arith.addi %mul3A_2, %mul3A_75 : i32
        %dma_wait3A_77 = arith.constant 0 : i32
        %dma_wait3A_78 = tpu.memref_slice %arg4[%add3A_76, %dma_wait3A_77] : memref<49152x128xf32, #tpu.memory_space<hbm>> -> memref<128x128xf32, #tpu.memory_space<hbm>>
        %dma_wait3A_79 = arith.constant 0 : i32
        %dma_wait3A_80 = tpu.memref_slice %arg4[%add3A_76, %dma_wait3A_79] : memref<49152x128xf32, #tpu.memory_space<hbm>> -> memref<128x128xf32, #tpu.memory_space<hbm>>
        tpu.wait_dma2 semaphore(%arg10 : memref<!tpu.dma_semaphore, #tpu.memory_space<semaphore_mem>>) src(%arg6 : memref<128x128xf32, #tpu.memory_space<vmem>>) dst(%dma_wait3A_80 : memref<128x128xf32, #tpu.memory_space<hbm>>)
        %mul3A_81 = arith.constant 128 : i32
        %mul3A_82 = arith.muli %add3A_47, %mul3A_81 : i32
        %dma_start3A_83 = tpu.memref_slice %arg5[%mul3A_82] : memref<1536xi32, #tpu.memory_space<vmem>> -> memref<128xi32, #tpu.memory_space<vmem>>
        %dma_start3A_84 = arith.constant 0 : i32
        %dma_start3A_85 = arith.constant 0 : i32
        %dma_start3A_86 = tpu.memref_slice %arg3[%dma_start3A_84, %dma_start3A_85] : memref<102400x128xf32, #tpu.memory_space<hbm>> -> memref<102400x128xf32, #tpu.memory_space<hbm>>
        tpu.enqueue_indirect_dma source(%dma_start3A_86 : memref<102400x128xf32, #tpu.memory_space<hbm>>) target(%arg6 : memref<128x128xf32, #tpu.memory_space<vmem>>) offsets(%dma_start3A_83 : memref<128xi32, #tpu.memory_space<vmem>>) semaphore(%arg8 : memref<!tpu.dma_semaphore, #tpu.memory_space<semaphore_mem>>)
      } else {
      }
      %mul3A_50 = arith.constant 2 : i32
      %mul3A_51 = arith.muli %scan3A_28, %mul3A_50 : i32
      %add3A_52 = arith.constant 1 : i32
      %add3A_53 = arith.addi %mul3A_51, %add3A_52 : i32
      %mul3A_54 = arith.constant 128 : i32
      %mul3A_55 = arith.muli %add3A_53, %mul3A_54 : i32
      %dma_wait3A_56 = tpu.memref_slice %arg5[%mul3A_55] : memref<1536xi32, #tpu.memory_space<vmem>> -> memref<128xi32, #tpu.memory_space<vmem>>
      %dma_wait3A_57 = arith.constant 0 : i32
      %dma_wait3A_58 = arith.constant 0 : i32
      %dma_wait3A_59 = tpu.memref_slice %arg3[%dma_wait3A_57, %dma_wait3A_58] : memref<102400x128xf32, #tpu.memory_space<hbm>> -> memref<102400x128xf32, #tpu.memory_space<hbm>>
      tpu.wait_indirect_dma semaphore(%arg9 : memref<!tpu.dma_semaphore, #tpu.memory_space<semaphore_mem>>) src(%dma_wait3A_59 : memref<102400x128xf32, #tpu.memory_space<hbm>>) dst(%arg7 : memref<128x128xf32, #tpu.memory_space<vmem>>)
      %mul3A_60 = arith.constant 128 : i32
      %mul3A_61 = arith.muli %add3A_53, %mul3A_60 : i32
      %add3A_62 = arith.addi %mul3A_2, %mul3A_61 : i32
      %dma_start3A_63 = arith.constant 0 : i32
      %dma_start3A_64 = tpu.memref_slice %arg4[%add3A_62, %dma_start3A_63] : memref<49152x128xf32, #tpu.memory_space<hbm>> -> memref<128x128xf32, #tpu.memory_space<hbm>>
      %dma_start3A_65 = arith.constant 0 : i32
      %dma_start3A_66 = tpu.memref_slice %arg4[%add3A_62, %dma_start3A_65] : memref<49152x128xf32, #tpu.memory_space<hbm>> -> memref<128x128xf32, #tpu.memory_space<hbm>>
      tpu.enqueue_dma source(%arg7 : memref<128x128xf32, #tpu.memory_space<vmem>>) target(%dma_start3A_66 : memref<128x128xf32, #tpu.memory_space<hbm>>) target_semaphore(%arg11 : memref<!tpu.dma_semaphore, #tpu.memory_space<semaphore_mem>>)
      %add3A_67 = arith.constant 2 : i32
      %add3A_68 = arith.addi %add3A_53, %add3A_67 : i32
      %lt3A_69 = arith.constant 12 : i32
      %lt3A_70 = arith.cmpi slt, %add3A_68, %lt3A_69 : i32
      %convert_element_type3A_71 = arith.extui %lt3A_70 : i1 to i32
      %cond3A_72 = arith.constant 0 : i32
      %cond3A_73 = arith.cmpi ne, %convert_element_type3A_71, %cond3A_72 : i32
      scf.if %cond3A_73 {
        %mul3A_74 = arith.constant 128 : i32
        %mul3A_75 = arith.muli %add3A_53, %mul3A_74 : i32
        %add3A_76 = arith.addi %mul3A_2, %mul3A_75 : i32
        %dma_wait3A_77 = arith.constant 0 : i32
        %dma_wait3A_78 = tpu.memref_slice %arg4[%add3A_76, %dma_wait3A_77] : memref<49152x128xf32, #tpu.memory_space<hbm>> -> memref<128x128xf32, #tpu.memory_space<hbm>>
        %dma_wait3A_79 = arith.constant 0 : i32
        %dma_wait3A_80 = tpu.memref_slice %arg4[%add3A_76, %dma_wait3A_79] : memref<49152x128xf32, #tpu.memory_space<hbm>> -> memref<128x128xf32, #tpu.memory_space<hbm>>
        tpu.wait_dma2 semaphore(%arg11 : memref<!tpu.dma_semaphore, #tpu.memory_space<semaphore_mem>>) src(%arg7 : memref<128x128xf32, #tpu.memory_space<vmem>>) dst(%dma_wait3A_80 : memref<128x128xf32, #tpu.memory_space<hbm>>)
        %mul3A_81 = arith.constant 128 : i32
        %mul3A_82 = arith.muli %add3A_68, %mul3A_81 : i32
        %dma_start3A_83 = tpu.memref_slice %arg5[%mul3A_82] : memref<1536xi32, #tpu.memory_space<vmem>> -> memref<128xi32, #tpu.memory_space<vmem>>
        %dma_start3A_84 = arith.constant 0 : i32
        %dma_start3A_85 = arith.constant 0 : i32
        %dma_start3A_86 = tpu.memref_slice %arg3[%dma_start3A_84, %dma_start3A_85] : memref<102400x128xf32, #tpu.memory_space<hbm>> -> memref<102400x128xf32, #tpu.memory_space<hbm>>
        tpu.enqueue_indirect_dma source(%dma_start3A_86 : memref<102400x128xf32, #tpu.memory_space<hbm>>) target(%arg7 : memref<128x128xf32, #tpu.memory_space<vmem>>) offsets(%dma_start3A_83 : memref<128xi32, #tpu.memory_space<vmem>>) semaphore(%arg9 : memref<!tpu.dma_semaphore, #tpu.memory_space<semaphore_mem>>)
      } else {
      }
    }
    %scan3A_16 = arith.constant 6 : i32
    %add3A_17 = arith.constant 1280 : i32
    %add3A_18 = arith.addi %mul3A_2, %add3A_17 : i32
    %dma_wait3A = arith.constant 0 : i32
    %dma_wait3A_19 = tpu.memref_slice %arg4[%add3A_18, %dma_wait3A] : memref<49152x128xf32, #tpu.memory_space<hbm>> -> memref<128x128xf32, #tpu.memory_space<hbm>>
    %dma_wait3A_20 = arith.constant 0 : i32
    %dma_wait3A_21 = tpu.memref_slice %arg4[%add3A_18, %dma_wait3A_20] : memref<49152x128xf32, #tpu.memory_space<hbm>> -> memref<128x128xf32, #tpu.memory_space<hbm>>
    tpu.wait_dma2 semaphore(%arg10 : memref<!tpu.dma_semaphore, #tpu.memory_space<semaphore_mem>>) src(%arg6 : memref<128x128xf32, #tpu.memory_space<vmem>>) dst(%dma_wait3A_21 : memref<128x128xf32, #tpu.memory_space<hbm>>)
    %add3A_22 = arith.constant 1408 : i32
    %add3A_23 = arith.addi %mul3A_2, %add3A_22 : i32
    %dma_wait3A_24 = arith.constant 0 : i32
    %dma_wait3A_25 = tpu.memref_slice %arg4[%add3A_23, %dma_wait3A_24] : memref<49152x128xf32, #tpu.memory_space<hbm>> -> memref<128x128xf32, #tpu.memory_space<hbm>>
    %dma_wait3A_26 = arith.constant 0 : i32
    %dma_wait3A_27 = tpu.memref_slice %arg4[%add3A_23, %dma_wait3A_26] : memref<49152x128xf32, #tpu.memory_space<hbm>> -> memref<128x128xf32, #tpu.memory_space<hbm>>
    tpu.wait_dma2 semaphore(%arg11 : memref<!tpu.dma_semaphore, #tpu.memory_space<semaphore_mem>>) src(%arg7 : memref<128x128xf32, #tpu.memory_space<vmem>>) dst(%dma_wait3A_27 : memref<128x128xf32, #tpu.memory_space<hbm>>)
    return
  }
}

#map = affine_map<(d0, d1) -> (0)>
#map1 = affine_map<(d0, d1) -> (0, 0)>
module attributes {stable_mosaic.version = 14 : i64} {
  func.func @sc_gather(%arg0: i32, %arg1: i32, %arg2: memref<49152xi32, #tpu.memory_space<hbm>>, %arg3: memref<100000x512xf32, #tpu.memory_space<hbm>>, %arg4: memref<49152x512xf32, #tpu.memory_space<hbm>>, %arg5: memref<1536xi32, #tpu.memory_space<vmem>>, %arg6: memref<64x512xf32, #tpu.memory_space<vmem>>, %arg7: memref<64x512xf32, #tpu.memory_space<vmem>>, %arg8: memref<!tpu.dma_semaphore, #tpu.memory_space<semaphore_mem>>, %arg9: memref<!tpu.dma_semaphore, #tpu.memory_space<semaphore_mem>>, %arg10: memref<!tpu.dma_semaphore, #tpu.memory_space<semaphore_mem>>, %arg11: memref<!tpu.dma_semaphore, #tpu.memory_space<semaphore_mem>>) attributes {dimension_semantics = [#tpu.dimension_semantics<core_parallel>, #tpu.dimension_semantics<subcore_parallel>], iteration_bounds = array<i64: 2, 16>, scalar_prefetch = 0 : i64, scratch_operands = 7 : i64, tpu.core_type = #tpu.core_type<sc_vector_subcore>, window_params = [{transform_indices = #map}, {transform_indices = #map1}, {transform_indices = #map1}]} {
    %mul3A = arith.constant 2 : i32
    %mul3A_0 = arith.muli %arg1, %mul3A : i32
    %add3A = arith.addi %mul3A_0, %arg0 : i32
    %mul3A_1 = arith.constant 1536 : i32
    %mul3A_2 = arith.muli %add3A, %mul3A_1 : i32
    "tpu.region"() ({
      %run_scoped3A = tpu.sem_alloc : memref<!tpu.dma_semaphore, #tpu.memory_space<semaphore_mem>>
      %dma_start3A_28 = tpu.memref_slice %arg2[%mul3A_2] : memref<49152xi32, #tpu.memory_space<hbm>> -> memref<1536xi32, #tpu.memory_space<hbm>>
      %dma_start3A_29 = tpu.memref_slice %arg2[%mul3A_2] : memref<49152xi32, #tpu.memory_space<hbm>> -> memref<1536xi32, #tpu.memory_space<hbm>>
      tpu.enqueue_dma source(%dma_start3A_29 : memref<1536xi32, #tpu.memory_space<hbm>>) target(%arg5 : memref<1536xi32, #tpu.memory_space<vmem>>) target_semaphore(%run_scoped3A : memref<!tpu.dma_semaphore, #tpu.memory_space<semaphore_mem>>)
      %dma_wait3A_30 = tpu.memref_slice %arg2[%mul3A_2] : memref<49152xi32, #tpu.memory_space<hbm>> -> memref<1536xi32, #tpu.memory_space<hbm>>
      %dma_wait3A_31 = tpu.memref_slice %arg2[%mul3A_2] : memref<49152xi32, #tpu.memory_space<hbm>> -> memref<1536xi32, #tpu.memory_space<hbm>>
      tpu.wait_dma2 semaphore(%run_scoped3A : memref<!tpu.dma_semaphore, #tpu.memory_space<semaphore_mem>>) src(%dma_wait3A_31 : memref<1536xi32, #tpu.memory_space<hbm>>) dst(%arg5 : memref<1536xi32, #tpu.memory_space<vmem>>)
      tpu.yield
    }) : () -> ()
    %dma_start3A = arith.constant 0 : i32
    %dma_start3A_3 = tpu.memref_slice %arg5[%dma_start3A] : memref<1536xi32, #tpu.memory_space<vmem>> -> memref<64xi32, #tpu.memory_space<vmem>>
    %dma_start3A_4 = arith.constant 0 : i32
    %dma_start3A_5 = arith.constant 0 : i32
    %dma_start3A_6 = tpu.memref_slice %arg3[%dma_start3A_4, %dma_start3A_5] : memref<100000x512xf32, #tpu.memory_space<hbm>> -> memref<100000x512xf32, #tpu.memory_space<hbm>>
    tpu.enqueue_indirect_dma source(%dma_start3A_6 : memref<100000x512xf32, #tpu.memory_space<hbm>>) target(%arg6 : memref<64x512xf32, #tpu.memory_space<vmem>>) offsets(%dma_start3A_3 : memref<64xi32, #tpu.memory_space<vmem>>) semaphore(%arg8 : memref<!tpu.dma_semaphore, #tpu.memory_space<semaphore_mem>>)
    %dma_start3A_7 = arith.constant 64 : i32
    %dma_start3A_8 = tpu.memref_slice %arg5[%dma_start3A_7] : memref<1536xi32, #tpu.memory_space<vmem>> -> memref<64xi32, #tpu.memory_space<vmem>>
    %dma_start3A_9 = arith.constant 0 : i32
    %dma_start3A_10 = arith.constant 0 : i32
    %dma_start3A_11 = tpu.memref_slice %arg3[%dma_start3A_9, %dma_start3A_10] : memref<100000x512xf32, #tpu.memory_space<hbm>> -> memref<100000x512xf32, #tpu.memory_space<hbm>>
    tpu.enqueue_indirect_dma source(%dma_start3A_11 : memref<100000x512xf32, #tpu.memory_space<hbm>>) target(%arg7 : memref<64x512xf32, #tpu.memory_space<vmem>>) offsets(%dma_start3A_8 : memref<64xi32, #tpu.memory_space<vmem>>) semaphore(%arg9 : memref<!tpu.dma_semaphore, #tpu.memory_space<semaphore_mem>>)
    %scan3A = arith.constant 0 : i32
    %scan3A_12 = arith.constant 0 : i32
    %scan3A_13 = arith.constant 12 : i32
    %scan3A_14 = arith.addi %scan3A_12, %scan3A_13 : i32
    %scan3A_15 = arith.constant 1 : i32
    scf.for %scan3A_28 = %scan3A_12 to %scan3A_14 step %scan3A_15  : i32 {
      %mul3A_29 = arith.constant 2 : i32
      %mul3A_30 = arith.muli %scan3A_28, %mul3A_29 : i32
      %add3A_31 = arith.constant 0 : i32
      %add3A_32 = arith.addi %mul3A_30, %add3A_31 : i32
      %mul3A_33 = arith.constant 64 : i32
      %mul3A_34 = arith.muli %add3A_32, %mul3A_33 : i32
      %dma_wait3A_35 = tpu.memref_slice %arg5[%mul3A_34] : memref<1536xi32, #tpu.memory_space<vmem>> -> memref<64xi32, #tpu.memory_space<vmem>>
      %dma_wait3A_36 = arith.constant 0 : i32
      %dma_wait3A_37 = arith.constant 0 : i32
      %dma_wait3A_38 = tpu.memref_slice %arg3[%dma_wait3A_36, %dma_wait3A_37] : memref<100000x512xf32, #tpu.memory_space<hbm>> -> memref<100000x512xf32, #tpu.memory_space<hbm>>
      tpu.wait_indirect_dma semaphore(%arg8 : memref<!tpu.dma_semaphore, #tpu.memory_space<semaphore_mem>>) src(%dma_wait3A_38 : memref<100000x512xf32, #tpu.memory_space<hbm>>) dst(%arg6 : memref<64x512xf32, #tpu.memory_space<vmem>>)
      %mul3A_39 = arith.constant 64 : i32
      %mul3A_40 = arith.muli %add3A_32, %mul3A_39 : i32
      %add3A_41 = arith.addi %mul3A_2, %mul3A_40 : i32
      %dma_start3A_42 = arith.constant 0 : i32
      %dma_start3A_43 = tpu.memref_slice %arg4[%add3A_41, %dma_start3A_42] : memref<49152x512xf32, #tpu.memory_space<hbm>> -> memref<64x512xf32, #tpu.memory_space<hbm>>
      %dma_start3A_44 = arith.constant 0 : i32
      %dma_start3A_45 = tpu.memref_slice %arg4[%add3A_41, %dma_start3A_44] : memref<49152x512xf32, #tpu.memory_space<hbm>> -> memref<64x512xf32, #tpu.memory_space<hbm>>
      tpu.enqueue_dma source(%arg6 : memref<64x512xf32, #tpu.memory_space<vmem>>) target(%dma_start3A_45 : memref<64x512xf32, #tpu.memory_space<hbm>>) target_semaphore(%arg10 : memref<!tpu.dma_semaphore, #tpu.memory_space<semaphore_mem>>)
      %add3A_46 = arith.constant 2 : i32
      %add3A_47 = arith.addi %add3A_32, %add3A_46 : i32
      %lt3A = arith.constant 24 : i32
      %lt3A_48 = arith.cmpi slt, %add3A_47, %lt3A : i32
      %convert_element_type3A = arith.extui %lt3A_48 : i1 to i32
      %cond3A = arith.constant 0 : i32
      %cond3A_49 = arith.cmpi ne, %convert_element_type3A, %cond3A : i32
      scf.if %cond3A_49 {
        %mul3A_74 = arith.constant 64 : i32
        %mul3A_75 = arith.muli %add3A_32, %mul3A_74 : i32
        %add3A_76 = arith.addi %mul3A_2, %mul3A_75 : i32
        %dma_wait3A_77 = arith.constant 0 : i32
        %dma_wait3A_78 = tpu.memref_slice %arg4[%add3A_76, %dma_wait3A_77] : memref<49152x512xf32, #tpu.memory_space<hbm>> -> memref<64x512xf32, #tpu.memory_space<hbm>>
        %dma_wait3A_79 = arith.constant 0 : i32
        %dma_wait3A_80 = tpu.memref_slice %arg4[%add3A_76, %dma_wait3A_79] : memref<49152x512xf32, #tpu.memory_space<hbm>> -> memref<64x512xf32, #tpu.memory_space<hbm>>
        tpu.wait_dma2 semaphore(%arg10 : memref<!tpu.dma_semaphore, #tpu.memory_space<semaphore_mem>>) src(%arg6 : memref<64x512xf32, #tpu.memory_space<vmem>>) dst(%dma_wait3A_80 : memref<64x512xf32, #tpu.memory_space<hbm>>)
        %mul3A_81 = arith.constant 64 : i32
        %mul3A_82 = arith.muli %add3A_47, %mul3A_81 : i32
        %dma_start3A_83 = tpu.memref_slice %arg5[%mul3A_82] : memref<1536xi32, #tpu.memory_space<vmem>> -> memref<64xi32, #tpu.memory_space<vmem>>
        %dma_start3A_84 = arith.constant 0 : i32
        %dma_start3A_85 = arith.constant 0 : i32
        %dma_start3A_86 = tpu.memref_slice %arg3[%dma_start3A_84, %dma_start3A_85] : memref<100000x512xf32, #tpu.memory_space<hbm>> -> memref<100000x512xf32, #tpu.memory_space<hbm>>
        tpu.enqueue_indirect_dma source(%dma_start3A_86 : memref<100000x512xf32, #tpu.memory_space<hbm>>) target(%arg6 : memref<64x512xf32, #tpu.memory_space<vmem>>) offsets(%dma_start3A_83 : memref<64xi32, #tpu.memory_space<vmem>>) semaphore(%arg8 : memref<!tpu.dma_semaphore, #tpu.memory_space<semaphore_mem>>)
      } else {
      }
      %mul3A_50 = arith.constant 2 : i32
      %mul3A_51 = arith.muli %scan3A_28, %mul3A_50 : i32
      %add3A_52 = arith.constant 1 : i32
      %add3A_53 = arith.addi %mul3A_51, %add3A_52 : i32
      %mul3A_54 = arith.constant 64 : i32
      %mul3A_55 = arith.muli %add3A_53, %mul3A_54 : i32
      %dma_wait3A_56 = tpu.memref_slice %arg5[%mul3A_55] : memref<1536xi32, #tpu.memory_space<vmem>> -> memref<64xi32, #tpu.memory_space<vmem>>
      %dma_wait3A_57 = arith.constant 0 : i32
      %dma_wait3A_58 = arith.constant 0 : i32
      %dma_wait3A_59 = tpu.memref_slice %arg3[%dma_wait3A_57, %dma_wait3A_58] : memref<100000x512xf32, #tpu.memory_space<hbm>> -> memref<100000x512xf32, #tpu.memory_space<hbm>>
      tpu.wait_indirect_dma semaphore(%arg9 : memref<!tpu.dma_semaphore, #tpu.memory_space<semaphore_mem>>) src(%dma_wait3A_59 : memref<100000x512xf32, #tpu.memory_space<hbm>>) dst(%arg7 : memref<64x512xf32, #tpu.memory_space<vmem>>)
      %mul3A_60 = arith.constant 64 : i32
      %mul3A_61 = arith.muli %add3A_53, %mul3A_60 : i32
      %add3A_62 = arith.addi %mul3A_2, %mul3A_61 : i32
      %dma_start3A_63 = arith.constant 0 : i32
      %dma_start3A_64 = tpu.memref_slice %arg4[%add3A_62, %dma_start3A_63] : memref<49152x512xf32, #tpu.memory_space<hbm>> -> memref<64x512xf32, #tpu.memory_space<hbm>>
      %dma_start3A_65 = arith.constant 0 : i32
      %dma_start3A_66 = tpu.memref_slice %arg4[%add3A_62, %dma_start3A_65] : memref<49152x512xf32, #tpu.memory_space<hbm>> -> memref<64x512xf32, #tpu.memory_space<hbm>>
      tpu.enqueue_dma source(%arg7 : memref<64x512xf32, #tpu.memory_space<vmem>>) target(%dma_start3A_66 : memref<64x512xf32, #tpu.memory_space<hbm>>) target_semaphore(%arg11 : memref<!tpu.dma_semaphore, #tpu.memory_space<semaphore_mem>>)
      %add3A_67 = arith.constant 2 : i32
      %add3A_68 = arith.addi %add3A_53, %add3A_67 : i32
      %lt3A_69 = arith.constant 24 : i32
      %lt3A_70 = arith.cmpi slt, %add3A_68, %lt3A_69 : i32
      %convert_element_type3A_71 = arith.extui %lt3A_70 : i1 to i32
      %cond3A_72 = arith.constant 0 : i32
      %cond3A_73 = arith.cmpi ne, %convert_element_type3A_71, %cond3A_72 : i32
      scf.if %cond3A_73 {
        %mul3A_74 = arith.constant 64 : i32
        %mul3A_75 = arith.muli %add3A_53, %mul3A_74 : i32
        %add3A_76 = arith.addi %mul3A_2, %mul3A_75 : i32
        %dma_wait3A_77 = arith.constant 0 : i32
        %dma_wait3A_78 = tpu.memref_slice %arg4[%add3A_76, %dma_wait3A_77] : memref<49152x512xf32, #tpu.memory_space<hbm>> -> memref<64x512xf32, #tpu.memory_space<hbm>>
        %dma_wait3A_79 = arith.constant 0 : i32
        %dma_wait3A_80 = tpu.memref_slice %arg4[%add3A_76, %dma_wait3A_79] : memref<49152x512xf32, #tpu.memory_space<hbm>> -> memref<64x512xf32, #tpu.memory_space<hbm>>
        tpu.wait_dma2 semaphore(%arg11 : memref<!tpu.dma_semaphore, #tpu.memory_space<semaphore_mem>>) src(%arg7 : memref<64x512xf32, #tpu.memory_space<vmem>>) dst(%dma_wait3A_80 : memref<64x512xf32, #tpu.memory_space<hbm>>)
        %mul3A_81 = arith.constant 64 : i32
        %mul3A_82 = arith.muli %add3A_68, %mul3A_81 : i32
        %dma_start3A_83 = tpu.memref_slice %arg5[%mul3A_82] : memref<1536xi32, #tpu.memory_space<vmem>> -> memref<64xi32, #tpu.memory_space<vmem>>
        %dma_start3A_84 = arith.constant 0 : i32
        %dma_start3A_85 = arith.constant 0 : i32
        %dma_start3A_86 = tpu.memref_slice %arg3[%dma_start3A_84, %dma_start3A_85] : memref<100000x512xf32, #tpu.memory_space<hbm>> -> memref<100000x512xf32, #tpu.memory_space<hbm>>
        tpu.enqueue_indirect_dma source(%dma_start3A_86 : memref<100000x512xf32, #tpu.memory_space<hbm>>) target(%arg7 : memref<64x512xf32, #tpu.memory_space<vmem>>) offsets(%dma_start3A_83 : memref<64xi32, #tpu.memory_space<vmem>>) semaphore(%arg9 : memref<!tpu.dma_semaphore, #tpu.memory_space<semaphore_mem>>)
      } else {
      }
    }
    %scan3A_16 = arith.constant 12 : i32
    %add3A_17 = arith.constant 1408 : i32
    %add3A_18 = arith.addi %mul3A_2, %add3A_17 : i32
    %dma_wait3A = arith.constant 0 : i32
    %dma_wait3A_19 = tpu.memref_slice %arg4[%add3A_18, %dma_wait3A] : memref<49152x512xf32, #tpu.memory_space<hbm>> -> memref<64x512xf32, #tpu.memory_space<hbm>>
    %dma_wait3A_20 = arith.constant 0 : i32
    %dma_wait3A_21 = tpu.memref_slice %arg4[%add3A_18, %dma_wait3A_20] : memref<49152x512xf32, #tpu.memory_space<hbm>> -> memref<64x512xf32, #tpu.memory_space<hbm>>
    tpu.wait_dma2 semaphore(%arg10 : memref<!tpu.dma_semaphore, #tpu.memory_space<semaphore_mem>>) src(%arg6 : memref<64x512xf32, #tpu.memory_space<vmem>>) dst(%dma_wait3A_21 : memref<64x512xf32, #tpu.memory_space<hbm>>)
    %add3A_22 = arith.constant 1472 : i32
    %add3A_23 = arith.addi %mul3A_2, %add3A_22 : i32
    %dma_wait3A_24 = arith.constant 0 : i32
    %dma_wait3A_25 = tpu.memref_slice %arg4[%add3A_23, %dma_wait3A_24] : memref<49152x512xf32, #tpu.memory_space<hbm>> -> memref<64x512xf32, #tpu.memory_space<hbm>>
    %dma_wait3A_26 = arith.constant 0 : i32
    %dma_wait3A_27 = tpu.memref_slice %arg4[%add3A_23, %dma_wait3A_26] : memref<49152x512xf32, #tpu.memory_space<hbm>> -> memref<64x512xf32, #tpu.memory_space<hbm>>
    tpu.wait_dma2 semaphore(%arg11 : memref<!tpu.dma_semaphore, #tpu.memory_space<semaphore_mem>>) src(%arg7 : memref<64x512xf32, #tpu.memory_space<vmem>>) dst(%dma_wait3A_27 : memref<64x512xf32, #tpu.memory_space<hbm>>)
    return
  }
}

#map = affine_map<(d0, d1) -> (0)>
#map1 = affine_map<(d0, d1) -> (0, 0)>
module attributes {stable_mosaic.version = 14 : i64} {
  func.func @sc_gather(%arg0: i32, %arg1: i32, %arg2: memref<49152xi32, #tpu.memory_space<hbm>>, %arg3: memref<102400x128xf32, #tpu.memory_space<hbm>>, %arg4: memref<49152x128xf32, #tpu.memory_space<hbm>>, %arg5: memref<1536xi32, #tpu.memory_space<vmem>>, %arg6: memref<128x128xf32, #tpu.memory_space<vmem>>, %arg7: memref<128x128xf32, #tpu.memory_space<vmem>>, %arg8: memref<!tpu.dma_semaphore, #tpu.memory_space<semaphore_mem>>, %arg9: memref<!tpu.dma_semaphore, #tpu.memory_space<semaphore_mem>>, %arg10: memref<!tpu.dma_semaphore, #tpu.memory_space<semaphore_mem>>, %arg11: memref<!tpu.dma_semaphore, #tpu.memory_space<semaphore_mem>>) attributes {dimension_semantics = [#tpu.dimension_semantics<core_parallel>, #tpu.dimension_semantics<subcore_parallel>], iteration_bounds = array<i64: 2, 16>, scalar_prefetch = 0 : i64, scratch_operands = 7 : i64, tpu.core_type = #tpu.core_type<sc_vector_subcore>, window_params = [{transform_indices = #map}, {transform_indices = #map1}, {transform_indices = #map1}]} {
    %mul3A = arith.constant 2 : i32
    %mul3A_0 = arith.muli %arg1, %mul3A : i32
    %add3A = arith.addi %mul3A_0, %arg0 : i32
    %mul3A_1 = arith.constant 1536 : i32
    %mul3A_2 = arith.muli %add3A, %mul3A_1 : i32
    "tpu.region"() ({
      %run_scoped3A = tpu.sem_alloc : memref<!tpu.dma_semaphore, #tpu.memory_space<semaphore_mem>>
      %dma_start3A_28 = tpu.memref_slice %arg2[%mul3A_2] : memref<49152xi32, #tpu.memory_space<hbm>> -> memref<1536xi32, #tpu.memory_space<hbm>>
      %dma_start3A_29 = tpu.memref_slice %arg2[%mul3A_2] : memref<49152xi32, #tpu.memory_space<hbm>> -> memref<1536xi32, #tpu.memory_space<hbm>>
      tpu.enqueue_dma source(%dma_start3A_29 : memref<1536xi32, #tpu.memory_space<hbm>>) target(%arg5 : memref<1536xi32, #tpu.memory_space<vmem>>) target_semaphore(%run_scoped3A : memref<!tpu.dma_semaphore, #tpu.memory_space<semaphore_mem>>)
      %dma_wait3A_30 = tpu.memref_slice %arg2[%mul3A_2] : memref<49152xi32, #tpu.memory_space<hbm>> -> memref<1536xi32, #tpu.memory_space<hbm>>
      %dma_wait3A_31 = tpu.memref_slice %arg2[%mul3A_2] : memref<49152xi32, #tpu.memory_space<hbm>> -> memref<1536xi32, #tpu.memory_space<hbm>>
      tpu.wait_dma2 semaphore(%run_scoped3A : memref<!tpu.dma_semaphore, #tpu.memory_space<semaphore_mem>>) src(%dma_wait3A_31 : memref<1536xi32, #tpu.memory_space<hbm>>) dst(%arg5 : memref<1536xi32, #tpu.memory_space<vmem>>)
      tpu.yield
    }) : () -> ()
    %dma_start3A = arith.constant 0 : i32
    %dma_start3A_3 = tpu.memref_slice %arg5[%dma_start3A] : memref<1536xi32, #tpu.memory_space<vmem>> -> memref<128xi32, #tpu.memory_space<vmem>>
    %dma_start3A_4 = arith.constant 0 : i32
    %dma_start3A_5 = arith.constant 0 : i32
    %dma_start3A_6 = tpu.memref_slice %arg3[%dma_start3A_4, %dma_start3A_5] : memref<102400x128xf32, #tpu.memory_space<hbm>> -> memref<102400x128xf32, #tpu.memory_space<hbm>>
    tpu.enqueue_indirect_dma source(%dma_start3A_6 : memref<102400x128xf32, #tpu.memory_space<hbm>>) target(%arg6 : memref<128x128xf32, #tpu.memory_space<vmem>>) offsets(%dma_start3A_3 : memref<128xi32, #tpu.memory_space<vmem>>) semaphore(%arg8 : memref<!tpu.dma_semaphore, #tpu.memory_space<semaphore_mem>>)
    %dma_start3A_7 = arith.constant 128 : i32
    %dma_start3A_8 = tpu.memref_slice %arg5[%dma_start3A_7] : memref<1536xi32, #tpu.memory_space<vmem>> -> memref<128xi32, #tpu.memory_space<vmem>>
    %dma_start3A_9 = arith.constant 0 : i32
    %dma_start3A_10 = arith.constant 0 : i32
    %dma_start3A_11 = tpu.memref_slice %arg3[%dma_start3A_9, %dma_start3A_10] : memref<102400x128xf32, #tpu.memory_space<hbm>> -> memref<102400x128xf32, #tpu.memory_space<hbm>>
    tpu.enqueue_indirect_dma source(%dma_start3A_11 : memref<102400x128xf32, #tpu.memory_space<hbm>>) target(%arg7 : memref<128x128xf32, #tpu.memory_space<vmem>>) offsets(%dma_start3A_8 : memref<128xi32, #tpu.memory_space<vmem>>) semaphore(%arg9 : memref<!tpu.dma_semaphore, #tpu.memory_space<semaphore_mem>>)
    %scan3A = arith.constant 0 : i32
    %scan3A_12 = arith.constant 0 : i32
    %scan3A_13 = arith.constant 6 : i32
    %scan3A_14 = arith.addi %scan3A_12, %scan3A_13 : i32
    %scan3A_15 = arith.constant 1 : i32
    scf.for %scan3A_28 = %scan3A_12 to %scan3A_14 step %scan3A_15  : i32 {
      %mul3A_29 = arith.constant 2 : i32
      %mul3A_30 = arith.muli %scan3A_28, %mul3A_29 : i32
      %add3A_31 = arith.constant 0 : i32
      %add3A_32 = arith.addi %mul3A_30, %add3A_31 : i32
      %mul3A_33 = arith.constant 128 : i32
      %mul3A_34 = arith.muli %add3A_32, %mul3A_33 : i32
      %dma_wait3A_35 = tpu.memref_slice %arg5[%mul3A_34] : memref<1536xi32, #tpu.memory_space<vmem>> -> memref<128xi32, #tpu.memory_space<vmem>>
      %dma_wait3A_36 = arith.constant 0 : i32
      %dma_wait3A_37 = arith.constant 0 : i32
      %dma_wait3A_38 = tpu.memref_slice %arg3[%dma_wait3A_36, %dma_wait3A_37] : memref<102400x128xf32, #tpu.memory_space<hbm>> -> memref<102400x128xf32, #tpu.memory_space<hbm>>
      tpu.wait_indirect_dma semaphore(%arg8 : memref<!tpu.dma_semaphore, #tpu.memory_space<semaphore_mem>>) src(%dma_wait3A_38 : memref<102400x128xf32, #tpu.memory_space<hbm>>) dst(%arg6 : memref<128x128xf32, #tpu.memory_space<vmem>>)
      %mul3A_39 = arith.constant 128 : i32
      %mul3A_40 = arith.muli %add3A_32, %mul3A_39 : i32
      %add3A_41 = arith.addi %mul3A_2, %mul3A_40 : i32
      %dma_start3A_42 = arith.constant 0 : i32
      %dma_start3A_43 = tpu.memref_slice %arg4[%add3A_41, %dma_start3A_42] : memref<49152x128xf32, #tpu.memory_space<hbm>> -> memref<128x128xf32, #tpu.memory_space<hbm>>
      %dma_start3A_44 = arith.constant 0 : i32
      %dma_start3A_45 = tpu.memref_slice %arg4[%add3A_41, %dma_start3A_44] : memref<49152x128xf32, #tpu.memory_space<hbm>> -> memref<128x128xf32, #tpu.memory_space<hbm>>
      tpu.enqueue_dma source(%arg6 : memref<128x128xf32, #tpu.memory_space<vmem>>) target(%dma_start3A_45 : memref<128x128xf32, #tpu.memory_space<hbm>>) target_semaphore(%arg10 : memref<!tpu.dma_semaphore, #tpu.memory_space<semaphore_mem>>)
      %add3A_46 = arith.constant 2 : i32
      %add3A_47 = arith.addi %add3A_32, %add3A_46 : i32
      %lt3A = arith.constant 12 : i32
      %lt3A_48 = arith.cmpi slt, %add3A_47, %lt3A : i32
      %convert_element_type3A = arith.extui %lt3A_48 : i1 to i32
      %cond3A = arith.constant 0 : i32
      %cond3A_49 = arith.cmpi ne, %convert_element_type3A, %cond3A : i32
      scf.if %cond3A_49 {
        %mul3A_74 = arith.constant 128 : i32
        %mul3A_75 = arith.muli %add3A_32, %mul3A_74 : i32
        %add3A_76 = arith.addi %mul3A_2, %mul3A_75 : i32
        %dma_wait3A_77 = arith.constant 0 : i32
        %dma_wait3A_78 = tpu.memref_slice %arg4[%add3A_76, %dma_wait3A_77] : memref<49152x128xf32, #tpu.memory_space<hbm>> -> memref<128x128xf32, #tpu.memory_space<hbm>>
        %dma_wait3A_79 = arith.constant 0 : i32
        %dma_wait3A_80 = tpu.memref_slice %arg4[%add3A_76, %dma_wait3A_79] : memref<49152x128xf32, #tpu.memory_space<hbm>> -> memref<128x128xf32, #tpu.memory_space<hbm>>
        tpu.wait_dma2 semaphore(%arg10 : memref<!tpu.dma_semaphore, #tpu.memory_space<semaphore_mem>>) src(%arg6 : memref<128x128xf32, #tpu.memory_space<vmem>>) dst(%dma_wait3A_80 : memref<128x128xf32, #tpu.memory_space<hbm>>)
        %mul3A_81 = arith.constant 128 : i32
        %mul3A_82 = arith.muli %add3A_47, %mul3A_81 : i32
        %dma_start3A_83 = tpu.memref_slice %arg5[%mul3A_82] : memref<1536xi32, #tpu.memory_space<vmem>> -> memref<128xi32, #tpu.memory_space<vmem>>
        %dma_start3A_84 = arith.constant 0 : i32
        %dma_start3A_85 = arith.constant 0 : i32
        %dma_start3A_86 = tpu.memref_slice %arg3[%dma_start3A_84, %dma_start3A_85] : memref<102400x128xf32, #tpu.memory_space<hbm>> -> memref<102400x128xf32, #tpu.memory_space<hbm>>
        tpu.enqueue_indirect_dma source(%dma_start3A_86 : memref<102400x128xf32, #tpu.memory_space<hbm>>) target(%arg6 : memref<128x128xf32, #tpu.memory_space<vmem>>) offsets(%dma_start3A_83 : memref<128xi32, #tpu.memory_space<vmem>>) semaphore(%arg8 : memref<!tpu.dma_semaphore, #tpu.memory_space<semaphore_mem>>)
      } else {
      }
      %mul3A_50 = arith.constant 2 : i32
      %mul3A_51 = arith.muli %scan3A_28, %mul3A_50 : i32
      %add3A_52 = arith.constant 1 : i32
      %add3A_53 = arith.addi %mul3A_51, %add3A_52 : i32
      %mul3A_54 = arith.constant 128 : i32
      %mul3A_55 = arith.muli %add3A_53, %mul3A_54 : i32
      %dma_wait3A_56 = tpu.memref_slice %arg5[%mul3A_55] : memref<1536xi32, #tpu.memory_space<vmem>> -> memref<128xi32, #tpu.memory_space<vmem>>
      %dma_wait3A_57 = arith.constant 0 : i32
      %dma_wait3A_58 = arith.constant 0 : i32
      %dma_wait3A_59 = tpu.memref_slice %arg3[%dma_wait3A_57, %dma_wait3A_58] : memref<102400x128xf32, #tpu.memory_space<hbm>> -> memref<102400x128xf32, #tpu.memory_space<hbm>>
      tpu.wait_indirect_dma semaphore(%arg9 : memref<!tpu.dma_semaphore, #tpu.memory_space<semaphore_mem>>) src(%dma_wait3A_59 : memref<102400x128xf32, #tpu.memory_space<hbm>>) dst(%arg7 : memref<128x128xf32, #tpu.memory_space<vmem>>)
      %mul3A_60 = arith.constant 128 : i32
      %mul3A_61 = arith.muli %add3A_53, %mul3A_60 : i32
      %add3A_62 = arith.addi %mul3A_2, %mul3A_61 : i32
      %dma_start3A_63 = arith.constant 0 : i32
      %dma_start3A_64 = tpu.memref_slice %arg4[%add3A_62, %dma_start3A_63] : memref<49152x128xf32, #tpu.memory_space<hbm>> -> memref<128x128xf32, #tpu.memory_space<hbm>>
      %dma_start3A_65 = arith.constant 0 : i32
      %dma_start3A_66 = tpu.memref_slice %arg4[%add3A_62, %dma_start3A_65] : memref<49152x128xf32, #tpu.memory_space<hbm>> -> memref<128x128xf32, #tpu.memory_space<hbm>>
      tpu.enqueue_dma source(%arg7 : memref<128x128xf32, #tpu.memory_space<vmem>>) target(%dma_start3A_66 : memref<128x128xf32, #tpu.memory_space<hbm>>) target_semaphore(%arg11 : memref<!tpu.dma_semaphore, #tpu.memory_space<semaphore_mem>>)
      %add3A_67 = arith.constant 2 : i32
      %add3A_68 = arith.addi %add3A_53, %add3A_67 : i32
      %lt3A_69 = arith.constant 12 : i32
      %lt3A_70 = arith.cmpi slt, %add3A_68, %lt3A_69 : i32
      %convert_element_type3A_71 = arith.extui %lt3A_70 : i1 to i32
      %cond3A_72 = arith.constant 0 : i32
      %cond3A_73 = arith.cmpi ne, %convert_element_type3A_71, %cond3A_72 : i32
      scf.if %cond3A_73 {
        %mul3A_74 = arith.constant 128 : i32
        %mul3A_75 = arith.muli %add3A_53, %mul3A_74 : i32
        %add3A_76 = arith.addi %mul3A_2, %mul3A_75 : i32
        %dma_wait3A_77 = arith.constant 0 : i32
        %dma_wait3A_78 = tpu.memref_slice %arg4[%add3A_76, %dma_wait3A_77] : memref<49152x128xf32, #tpu.memory_space<hbm>> -> memref<128x128xf32, #tpu.memory_space<hbm>>
        %dma_wait3A_79 = arith.constant 0 : i32
        %dma_wait3A_80 = tpu.memref_slice %arg4[%add3A_76, %dma_wait3A_79] : memref<49152x128xf32, #tpu.memory_space<hbm>> -> memref<128x128xf32, #tpu.memory_space<hbm>>
        tpu.wait_dma2 semaphore(%arg11 : memref<!tpu.dma_semaphore, #tpu.memory_space<semaphore_mem>>) src(%arg7 : memref<128x128xf32, #tpu.memory_space<vmem>>) dst(%dma_wait3A_80 : memref<128x128xf32, #tpu.memory_space<hbm>>)
        %mul3A_81 = arith.constant 128 : i32
        %mul3A_82 = arith.muli %add3A_68, %mul3A_81 : i32
        %dma_start3A_83 = tpu.memref_slice %arg5[%mul3A_82] : memref<1536xi32, #tpu.memory_space<vmem>> -> memref<128xi32, #tpu.memory_space<vmem>>
        %dma_start3A_84 = arith.constant 0 : i32
        %dma_start3A_85 = arith.constant 0 : i32
        %dma_start3A_86 = tpu.memref_slice %arg3[%dma_start3A_84, %dma_start3A_85] : memref<102400x128xf32, #tpu.memory_space<hbm>> -> memref<102400x128xf32, #tpu.memory_space<hbm>>
        tpu.enqueue_indirect_dma source(%dma_start3A_86 : memref<102400x128xf32, #tpu.memory_space<hbm>>) target(%arg7 : memref<128x128xf32, #tpu.memory_space<vmem>>) offsets(%dma_start3A_83 : memref<128xi32, #tpu.memory_space<vmem>>) semaphore(%arg9 : memref<!tpu.dma_semaphore, #tpu.memory_space<semaphore_mem>>)
      } else {
      }
    }
    %scan3A_16 = arith.constant 6 : i32
    %add3A_17 = arith.constant 1280 : i32
    %add3A_18 = arith.addi %mul3A_2, %add3A_17 : i32
    %dma_wait3A = arith.constant 0 : i32
    %dma_wait3A_19 = tpu.memref_slice %arg4[%add3A_18, %dma_wait3A] : memref<49152x128xf32, #tpu.memory_space<hbm>> -> memref<128x128xf32, #tpu.memory_space<hbm>>
    %dma_wait3A_20 = arith.constant 0 : i32
    %dma_wait3A_21 = tpu.memref_slice %arg4[%add3A_18, %dma_wait3A_20] : memref<49152x128xf32, #tpu.memory_space<hbm>> -> memref<128x128xf32, #tpu.memory_space<hbm>>
    tpu.wait_dma2 semaphore(%arg10 : memref<!tpu.dma_semaphore, #tpu.memory_space<semaphore_mem>>) src(%arg6 : memref<128x128xf32, #tpu.memory_space<vmem>>) dst(%dma_wait3A_21 : memref<128x128xf32, #tpu.memory_space<hbm>>)
    %add3A_22 = arith.constant 1408 : i32
    %add3A_23 = arith.addi %mul3A_2, %add3A_22 : i32
    %dma_wait3A_24 = arith.constant 0 : i32
    %dma_wait3A_25 = tpu.memref_slice %arg4[%add3A_23, %dma_wait3A_24] : memref<49152x128xf32, #tpu.memory_space<hbm>> -> memref<128x128xf32, #tpu.memory_space<hbm>>
    %dma_wait3A_26 = arith.constant 0 : i32
    %dma_wait3A_27 = tpu.memref_slice %arg4[%add3A_23, %dma_wait3A_26] : memref<49152x128xf32, #tpu.memory_space<hbm>> -> memref<128x128xf32, #tpu.memory_space<hbm>>
    tpu.wait_dma2 semaphore(%arg11 : memref<!tpu.dma_semaphore, #tpu.memory_space<semaphore_mem>>) src(%arg7 : memref<128x128xf32, #tpu.memory_space<vmem>>) dst(%dma_wait3A_27 : memref<128x128xf32, #tpu.memory_space<hbm>>)
    return
  }
}

#map = affine_map<(d0, d1) -> (0)>
#map1 = affine_map<(d0, d1) -> (0, 0)>
module attributes {stable_mosaic.version = 14 : i64} {
  func.func @sc_gather(%arg0: i32, %arg1: i32, %arg2: memref<49152xi32, #tpu.memory_space<hbm>>, %arg3: memref<100000x512xf32, #tpu.memory_space<hbm>>, %arg4: memref<49152x512xf32, #tpu.memory_space<hbm>>, %arg5: memref<1536xi32, #tpu.memory_space<vmem>>, %arg6: memref<64x512xf32, #tpu.memory_space<vmem>>, %arg7: memref<64x512xf32, #tpu.memory_space<vmem>>, %arg8: memref<!tpu.dma_semaphore, #tpu.memory_space<semaphore_mem>>, %arg9: memref<!tpu.dma_semaphore, #tpu.memory_space<semaphore_mem>>, %arg10: memref<!tpu.dma_semaphore, #tpu.memory_space<semaphore_mem>>, %arg11: memref<!tpu.dma_semaphore, #tpu.memory_space<semaphore_mem>>) attributes {dimension_semantics = [#tpu.dimension_semantics<core_parallel>, #tpu.dimension_semantics<subcore_parallel>], iteration_bounds = array<i64: 2, 16>, scalar_prefetch = 0 : i64, scratch_operands = 7 : i64, tpu.core_type = #tpu.core_type<sc_vector_subcore>, window_params = [{transform_indices = #map}, {transform_indices = #map1}, {transform_indices = #map1}]} {
    %mul3A = arith.constant 2 : i32
    %mul3A_0 = arith.muli %arg1, %mul3A : i32
    %add3A = arith.addi %mul3A_0, %arg0 : i32
    %mul3A_1 = arith.constant 1536 : i32
    %mul3A_2 = arith.muli %add3A, %mul3A_1 : i32
    "tpu.region"() ({
      %run_scoped3A = tpu.sem_alloc : memref<!tpu.dma_semaphore, #tpu.memory_space<semaphore_mem>>
      %dma_start3A_28 = tpu.memref_slice %arg2[%mul3A_2] : memref<49152xi32, #tpu.memory_space<hbm>> -> memref<1536xi32, #tpu.memory_space<hbm>>
      %dma_start3A_29 = tpu.memref_slice %arg2[%mul3A_2] : memref<49152xi32, #tpu.memory_space<hbm>> -> memref<1536xi32, #tpu.memory_space<hbm>>
      tpu.enqueue_dma source(%dma_start3A_29 : memref<1536xi32, #tpu.memory_space<hbm>>) target(%arg5 : memref<1536xi32, #tpu.memory_space<vmem>>) target_semaphore(%run_scoped3A : memref<!tpu.dma_semaphore, #tpu.memory_space<semaphore_mem>>)
      %dma_wait3A_30 = tpu.memref_slice %arg2[%mul3A_2] : memref<49152xi32, #tpu.memory_space<hbm>> -> memref<1536xi32, #tpu.memory_space<hbm>>
      %dma_wait3A_31 = tpu.memref_slice %arg2[%mul3A_2] : memref<49152xi32, #tpu.memory_space<hbm>> -> memref<1536xi32, #tpu.memory_space<hbm>>
      tpu.wait_dma2 semaphore(%run_scoped3A : memref<!tpu.dma_semaphore, #tpu.memory_space<semaphore_mem>>) src(%dma_wait3A_31 : memref<1536xi32, #tpu.memory_space<hbm>>) dst(%arg5 : memref<1536xi32, #tpu.memory_space<vmem>>)
      tpu.yield
    }) : () -> ()
    %dma_start3A = arith.constant 0 : i32
    %dma_start3A_3 = tpu.memref_slice %arg5[%dma_start3A] : memref<1536xi32, #tpu.memory_space<vmem>> -> memref<64xi32, #tpu.memory_space<vmem>>
    %dma_start3A_4 = arith.constant 0 : i32
    %dma_start3A_5 = arith.constant 0 : i32
    %dma_start3A_6 = tpu.memref_slice %arg3[%dma_start3A_4, %dma_start3A_5] : memref<100000x512xf32, #tpu.memory_space<hbm>> -> memref<100000x512xf32, #tpu.memory_space<hbm>>
    tpu.enqueue_indirect_dma source(%dma_start3A_6 : memref<100000x512xf32, #tpu.memory_space<hbm>>) target(%arg6 : memref<64x512xf32, #tpu.memory_space<vmem>>) offsets(%dma_start3A_3 : memref<64xi32, #tpu.memory_space<vmem>>) semaphore(%arg8 : memref<!tpu.dma_semaphore, #tpu.memory_space<semaphore_mem>>)
    %dma_start3A_7 = arith.constant 64 : i32
    %dma_start3A_8 = tpu.memref_slice %arg5[%dma_start3A_7] : memref<1536xi32, #tpu.memory_space<vmem>> -> memref<64xi32, #tpu.memory_space<vmem>>
    %dma_start3A_9 = arith.constant 0 : i32
    %dma_start3A_10 = arith.constant 0 : i32
    %dma_start3A_11 = tpu.memref_slice %arg3[%dma_start3A_9, %dma_start3A_10] : memref<100000x512xf32, #tpu.memory_space<hbm>> -> memref<100000x512xf32, #tpu.memory_space<hbm>>
    tpu.enqueue_indirect_dma source(%dma_start3A_11 : memref<100000x512xf32, #tpu.memory_space<hbm>>) target(%arg7 : memref<64x512xf32, #tpu.memory_space<vmem>>) offsets(%dma_start3A_8 : memref<64xi32, #tpu.memory_space<vmem>>) semaphore(%arg9 : memref<!tpu.dma_semaphore, #tpu.memory_space<semaphore_mem>>)
    %scan3A = arith.constant 0 : i32
    %scan3A_12 = arith.constant 0 : i32
    %scan3A_13 = arith.constant 12 : i32
    %scan3A_14 = arith.addi %scan3A_12, %scan3A_13 : i32
    %scan3A_15 = arith.constant 1 : i32
    scf.for %scan3A_28 = %scan3A_12 to %scan3A_14 step %scan3A_15  : i32 {
      %mul3A_29 = arith.constant 2 : i32
      %mul3A_30 = arith.muli %scan3A_28, %mul3A_29 : i32
      %add3A_31 = arith.constant 0 : i32
      %add3A_32 = arith.addi %mul3A_30, %add3A_31 : i32
      %mul3A_33 = arith.constant 64 : i32
      %mul3A_34 = arith.muli %add3A_32, %mul3A_33 : i32
      %dma_wait3A_35 = tpu.memref_slice %arg5[%mul3A_34] : memref<1536xi32, #tpu.memory_space<vmem>> -> memref<64xi32, #tpu.memory_space<vmem>>
      %dma_wait3A_36 = arith.constant 0 : i32
      %dma_wait3A_37 = arith.constant 0 : i32
      %dma_wait3A_38 = tpu.memref_slice %arg3[%dma_wait3A_36, %dma_wait3A_37] : memref<100000x512xf32, #tpu.memory_space<hbm>> -> memref<100000x512xf32, #tpu.memory_space<hbm>>
      tpu.wait_indirect_dma semaphore(%arg8 : memref<!tpu.dma_semaphore, #tpu.memory_space<semaphore_mem>>) src(%dma_wait3A_38 : memref<100000x512xf32, #tpu.memory_space<hbm>>) dst(%arg6 : memref<64x512xf32, #tpu.memory_space<vmem>>)
      %mul3A_39 = arith.constant 64 : i32
      %mul3A_40 = arith.muli %add3A_32, %mul3A_39 : i32
      %add3A_41 = arith.addi %mul3A_2, %mul3A_40 : i32
      %dma_start3A_42 = arith.constant 0 : i32
      %dma_start3A_43 = tpu.memref_slice %arg4[%add3A_41, %dma_start3A_42] : memref<49152x512xf32, #tpu.memory_space<hbm>> -> memref<64x512xf32, #tpu.memory_space<hbm>>
      %dma_start3A_44 = arith.constant 0 : i32
      %dma_start3A_45 = tpu.memref_slice %arg4[%add3A_41, %dma_start3A_44] : memref<49152x512xf32, #tpu.memory_space<hbm>> -> memref<64x512xf32, #tpu.memory_space<hbm>>
      tpu.enqueue_dma source(%arg6 : memref<64x512xf32, #tpu.memory_space<vmem>>) target(%dma_start3A_45 : memref<64x512xf32, #tpu.memory_space<hbm>>) target_semaphore(%arg10 : memref<!tpu.dma_semaphore, #tpu.memory_space<semaphore_mem>>)
      %add3A_46 = arith.constant 2 : i32
      %add3A_47 = arith.addi %add3A_32, %add3A_46 : i32
      %lt3A = arith.constant 24 : i32
      %lt3A_48 = arith.cmpi slt, %add3A_47, %lt3A : i32
      %convert_element_type3A = arith.extui %lt3A_48 : i1 to i32
      %cond3A = arith.constant 0 : i32
      %cond3A_49 = arith.cmpi ne, %convert_element_type3A, %cond3A : i32
      scf.if %cond3A_49 {
        %mul3A_74 = arith.constant 64 : i32
        %mul3A_75 = arith.muli %add3A_32, %mul3A_74 : i32
        %add3A_76 = arith.addi %mul3A_2, %mul3A_75 : i32
        %dma_wait3A_77 = arith.constant 0 : i32
        %dma_wait3A_78 = tpu.memref_slice %arg4[%add3A_76, %dma_wait3A_77] : memref<49152x512xf32, #tpu.memory_space<hbm>> -> memref<64x512xf32, #tpu.memory_space<hbm>>
        %dma_wait3A_79 = arith.constant 0 : i32
        %dma_wait3A_80 = tpu.memref_slice %arg4[%add3A_76, %dma_wait3A_79] : memref<49152x512xf32, #tpu.memory_space<hbm>> -> memref<64x512xf32, #tpu.memory_space<hbm>>
        tpu.wait_dma2 semaphore(%arg10 : memref<!tpu.dma_semaphore, #tpu.memory_space<semaphore_mem>>) src(%arg6 : memref<64x512xf32, #tpu.memory_space<vmem>>) dst(%dma_wait3A_80 : memref<64x512xf32, #tpu.memory_space<hbm>>)
        %mul3A_81 = arith.constant 64 : i32
        %mul3A_82 = arith.muli %add3A_47, %mul3A_81 : i32
        %dma_start3A_83 = tpu.memref_slice %arg5[%mul3A_82] : memref<1536xi32, #tpu.memory_space<vmem>> -> memref<64xi32, #tpu.memory_space<vmem>>
        %dma_start3A_84 = arith.constant 0 : i32
        %dma_start3A_85 = arith.constant 0 : i32
        %dma_start3A_86 = tpu.memref_slice %arg3[%dma_start3A_84, %dma_start3A_85] : memref<100000x512xf32, #tpu.memory_space<hbm>> -> memref<100000x512xf32, #tpu.memory_space<hbm>>
        tpu.enqueue_indirect_dma source(%dma_start3A_86 : memref<100000x512xf32, #tpu.memory_space<hbm>>) target(%arg6 : memref<64x512xf32, #tpu.memory_space<vmem>>) offsets(%dma_start3A_83 : memref<64xi32, #tpu.memory_space<vmem>>) semaphore(%arg8 : memref<!tpu.dma_semaphore, #tpu.memory_space<semaphore_mem>>)
      } else {
      }
      %mul3A_50 = arith.constant 2 : i32
      %mul3A_51 = arith.muli %scan3A_28, %mul3A_50 : i32
      %add3A_52 = arith.constant 1 : i32
      %add3A_53 = arith.addi %mul3A_51, %add3A_52 : i32
      %mul3A_54 = arith.constant 64 : i32
      %mul3A_55 = arith.muli %add3A_53, %mul3A_54 : i32
      %dma_wait3A_56 = tpu.memref_slice %arg5[%mul3A_55] : memref<1536xi32, #tpu.memory_space<vmem>> -> memref<64xi32, #tpu.memory_space<vmem>>
      %dma_wait3A_57 = arith.constant 0 : i32
      %dma_wait3A_58 = arith.constant 0 : i32
      %dma_wait3A_59 = tpu.memref_slice %arg3[%dma_wait3A_57, %dma_wait3A_58] : memref<100000x512xf32, #tpu.memory_space<hbm>> -> memref<100000x512xf32, #tpu.memory_space<hbm>>
      tpu.wait_indirect_dma semaphore(%arg9 : memref<!tpu.dma_semaphore, #tpu.memory_space<semaphore_mem>>) src(%dma_wait3A_59 : memref<100000x512xf32, #tpu.memory_space<hbm>>) dst(%arg7 : memref<64x512xf32, #tpu.memory_space<vmem>>)
      %mul3A_60 = arith.constant 64 : i32
      %mul3A_61 = arith.muli %add3A_53, %mul3A_60 : i32
      %add3A_62 = arith.addi %mul3A_2, %mul3A_61 : i32
      %dma_start3A_63 = arith.constant 0 : i32
      %dma_start3A_64 = tpu.memref_slice %arg4[%add3A_62, %dma_start3A_63] : memref<49152x512xf32, #tpu.memory_space<hbm>> -> memref<64x512xf32, #tpu.memory_space<hbm>>
      %dma_start3A_65 = arith.constant 0 : i32
      %dma_start3A_66 = tpu.memref_slice %arg4[%add3A_62, %dma_start3A_65] : memref<49152x512xf32, #tpu.memory_space<hbm>> -> memref<64x512xf32, #tpu.memory_space<hbm>>
      tpu.enqueue_dma source(%arg7 : memref<64x512xf32, #tpu.memory_space<vmem>>) target(%dma_start3A_66 : memref<64x512xf32, #tpu.memory_space<hbm>>) target_semaphore(%arg11 : memref<!tpu.dma_semaphore, #tpu.memory_space<semaphore_mem>>)
      %add3A_67 = arith.constant 2 : i32
      %add3A_68 = arith.addi %add3A_53, %add3A_67 : i32
      %lt3A_69 = arith.constant 24 : i32
      %lt3A_70 = arith.cmpi slt, %add3A_68, %lt3A_69 : i32
      %convert_element_type3A_71 = arith.extui %lt3A_70 : i1 to i32
      %cond3A_72 = arith.constant 0 : i32
      %cond3A_73 = arith.cmpi ne, %convert_element_type3A_71, %cond3A_72 : i32
      scf.if %cond3A_73 {
        %mul3A_74 = arith.constant 64 : i32
        %mul3A_75 = arith.muli %add3A_53, %mul3A_74 : i32
        %add3A_76 = arith.addi %mul3A_2, %mul3A_75 : i32
        %dma_wait3A_77 = arith.constant 0 : i32
        %dma_wait3A_78 = tpu.memref_slice %arg4[%add3A_76, %dma_wait3A_77] : memref<49152x512xf32, #tpu.memory_space<hbm>> -> memref<64x512xf32, #tpu.memory_space<hbm>>
        %dma_wait3A_79 = arith.constant 0 : i32
        %dma_wait3A_80 = tpu.memref_slice %arg4[%add3A_76, %dma_wait3A_79] : memref<49152x512xf32, #tpu.memory_space<hbm>> -> memref<64x512xf32, #tpu.memory_space<hbm>>
        tpu.wait_dma2 semaphore(%arg11 : memref<!tpu.dma_semaphore, #tpu.memory_space<semaphore_mem>>) src(%arg7 : memref<64x512xf32, #tpu.memory_space<vmem>>) dst(%dma_wait3A_80 : memref<64x512xf32, #tpu.memory_space<hbm>>)
        %mul3A_81 = arith.constant 64 : i32
        %mul3A_82 = arith.muli %add3A_68, %mul3A_81 : i32
        %dma_start3A_83 = tpu.memref_slice %arg5[%mul3A_82] : memref<1536xi32, #tpu.memory_space<vmem>> -> memref<64xi32, #tpu.memory_space<vmem>>
        %dma_start3A_84 = arith.constant 0 : i32
        %dma_start3A_85 = arith.constant 0 : i32
        %dma_start3A_86 = tpu.memref_slice %arg3[%dma_start3A_84, %dma_start3A_85] : memref<100000x512xf32, #tpu.memory_space<hbm>> -> memref<100000x512xf32, #tpu.memory_space<hbm>>
        tpu.enqueue_indirect_dma source(%dma_start3A_86 : memref<100000x512xf32, #tpu.memory_space<hbm>>) target(%arg7 : memref<64x512xf32, #tpu.memory_space<vmem>>) offsets(%dma_start3A_83 : memref<64xi32, #tpu.memory_space<vmem>>) semaphore(%arg9 : memref<!tpu.dma_semaphore, #tpu.memory_space<semaphore_mem>>)
      } else {
      }
    }
    %scan3A_16 = arith.constant 12 : i32
    %add3A_17 = arith.constant 1408 : i32
    %add3A_18 = arith.addi %mul3A_2, %add3A_17 : i32
    %dma_wait3A = arith.constant 0 : i32
    %dma_wait3A_19 = tpu.memref_slice %arg4[%add3A_18, %dma_wait3A] : memref<49152x512xf32, #tpu.memory_space<hbm>> -> memref<64x512xf32, #tpu.memory_space<hbm>>
    %dma_wait3A_20 = arith.constant 0 : i32
    %dma_wait3A_21 = tpu.memref_slice %arg4[%add3A_18, %dma_wait3A_20] : memref<49152x512xf32, #tpu.memory_space<hbm>> -> memref<64x512xf32, #tpu.memory_space<hbm>>
    tpu.wait_dma2 semaphore(%arg10 : memref<!tpu.dma_semaphore, #tpu.memory_space<semaphore_mem>>) src(%arg6 : memref<64x512xf32, #tpu.memory_space<vmem>>) dst(%dma_wait3A_21 : memref<64x512xf32, #tpu.memory_space<hbm>>)
    %add3A_22 = arith.constant 1472 : i32
    %add3A_23 = arith.addi %mul3A_2, %add3A_22 : i32
    %dma_wait3A_24 = arith.constant 0 : i32
    %dma_wait3A_25 = tpu.memref_slice %arg4[%add3A_23, %dma_wait3A_24] : memref<49152x512xf32, #tpu.memory_space<hbm>> -> memref<64x512xf32, #tpu.memory_space<hbm>>
    %dma_wait3A_26 = arith.constant 0 : i32
    %dma_wait3A_27 = tpu.memref_slice %arg4[%add3A_23, %dma_wait3A_26] : memref<49152x512xf32, #tpu.memory_space<hbm>> -> memref<64x512xf32, #tpu.memory_space<hbm>>
    tpu.wait_dma2 semaphore(%arg11 : memref<!tpu.dma_semaphore, #tpu.memory_space<semaphore_mem>>) src(%arg7 : memref<64x512xf32, #tpu.memory_space<vmem>>) dst(%dma_wait3A_27 : memref<64x512xf32, #tpu.memory_space<hbm>>)
    return
  }
}

#map = affine_map<(d0, d1) -> (0)>
#map1 = affine_map<(d0, d1) -> (0, 0)>
module attributes {stable_mosaic.version = 14 : i64} {
  func.func @sc_gather(%arg0: i32, %arg1: i32, %arg2: memref<57344xi32, #tpu.memory_space<hbm>>, %arg3: memref<102400x128xf32, #tpu.memory_space<hbm>>, %arg4: memref<57344x128xf32, #tpu.memory_space<hbm>>, %arg5: memref<1792xi32, #tpu.memory_space<vmem>>, %arg6: memref<128x128xf32, #tpu.memory_space<vmem>>, %arg7: memref<128x128xf32, #tpu.memory_space<vmem>>, %arg8: memref<!tpu.dma_semaphore, #tpu.memory_space<semaphore_mem>>, %arg9: memref<!tpu.dma_semaphore, #tpu.memory_space<semaphore_mem>>, %arg10: memref<!tpu.dma_semaphore, #tpu.memory_space<semaphore_mem>>, %arg11: memref<!tpu.dma_semaphore, #tpu.memory_space<semaphore_mem>>) attributes {dimension_semantics = [#tpu.dimension_semantics<core_parallel>, #tpu.dimension_semantics<subcore_parallel>], iteration_bounds = array<i64: 2, 16>, scalar_prefetch = 0 : i64, scratch_operands = 7 : i64, tpu.core_type = #tpu.core_type<sc_vector_subcore>, window_params = [{transform_indices = #map}, {transform_indices = #map1}, {transform_indices = #map1}]} {
    %mul3A = arith.constant 2 : i32
    %mul3A_0 = arith.muli %arg1, %mul3A : i32
    %add3A = arith.addi %mul3A_0, %arg0 : i32
    %mul3A_1 = arith.constant 1792 : i32
    %mul3A_2 = arith.muli %add3A, %mul3A_1 : i32
    "tpu.region"() ({
      %run_scoped3A = tpu.sem_alloc : memref<!tpu.dma_semaphore, #tpu.memory_space<semaphore_mem>>
      %dma_start3A_28 = tpu.memref_slice %arg2[%mul3A_2] : memref<57344xi32, #tpu.memory_space<hbm>> -> memref<1792xi32, #tpu.memory_space<hbm>>
      %dma_start3A_29 = tpu.memref_slice %arg2[%mul3A_2] : memref<57344xi32, #tpu.memory_space<hbm>> -> memref<1792xi32, #tpu.memory_space<hbm>>
      tpu.enqueue_dma source(%dma_start3A_29 : memref<1792xi32, #tpu.memory_space<hbm>>) target(%arg5 : memref<1792xi32, #tpu.memory_space<vmem>>) target_semaphore(%run_scoped3A : memref<!tpu.dma_semaphore, #tpu.memory_space<semaphore_mem>>)
      %dma_wait3A_30 = tpu.memref_slice %arg2[%mul3A_2] : memref<57344xi32, #tpu.memory_space<hbm>> -> memref<1792xi32, #tpu.memory_space<hbm>>
      %dma_wait3A_31 = tpu.memref_slice %arg2[%mul3A_2] : memref<57344xi32, #tpu.memory_space<hbm>> -> memref<1792xi32, #tpu.memory_space<hbm>>
      tpu.wait_dma2 semaphore(%run_scoped3A : memref<!tpu.dma_semaphore, #tpu.memory_space<semaphore_mem>>) src(%dma_wait3A_31 : memref<1792xi32, #tpu.memory_space<hbm>>) dst(%arg5 : memref<1792xi32, #tpu.memory_space<vmem>>)
      tpu.yield
    }) : () -> ()
    %dma_start3A = arith.constant 0 : i32
    %dma_start3A_3 = tpu.memref_slice %arg5[%dma_start3A] : memref<1792xi32, #tpu.memory_space<vmem>> -> memref<128xi32, #tpu.memory_space<vmem>>
    %dma_start3A_4 = arith.constant 0 : i32
    %dma_start3A_5 = arith.constant 0 : i32
    %dma_start3A_6 = tpu.memref_slice %arg3[%dma_start3A_4, %dma_start3A_5] : memref<102400x128xf32, #tpu.memory_space<hbm>> -> memref<102400x128xf32, #tpu.memory_space<hbm>>
    tpu.enqueue_indirect_dma source(%dma_start3A_6 : memref<102400x128xf32, #tpu.memory_space<hbm>>) target(%arg6 : memref<128x128xf32, #tpu.memory_space<vmem>>) offsets(%dma_start3A_3 : memref<128xi32, #tpu.memory_space<vmem>>) semaphore(%arg8 : memref<!tpu.dma_semaphore, #tpu.memory_space<semaphore_mem>>)
    %dma_start3A_7 = arith.constant 128 : i32
    %dma_start3A_8 = tpu.memref_slice %arg5[%dma_start3A_7] : memref<1792xi32, #tpu.memory_space<vmem>> -> memref<128xi32, #tpu.memory_space<vmem>>
    %dma_start3A_9 = arith.constant 0 : i32
    %dma_start3A_10 = arith.constant 0 : i32
    %dma_start3A_11 = tpu.memref_slice %arg3[%dma_start3A_9, %dma_start3A_10] : memref<102400x128xf32, #tpu.memory_space<hbm>> -> memref<102400x128xf32, #tpu.memory_space<hbm>>
    tpu.enqueue_indirect_dma source(%dma_start3A_11 : memref<102400x128xf32, #tpu.memory_space<hbm>>) target(%arg7 : memref<128x128xf32, #tpu.memory_space<vmem>>) offsets(%dma_start3A_8 : memref<128xi32, #tpu.memory_space<vmem>>) semaphore(%arg9 : memref<!tpu.dma_semaphore, #tpu.memory_space<semaphore_mem>>)
    %scan3A = arith.constant 0 : i32
    %scan3A_12 = arith.constant 0 : i32
    %scan3A_13 = arith.constant 7 : i32
    %scan3A_14 = arith.addi %scan3A_12, %scan3A_13 : i32
    %scan3A_15 = arith.constant 1 : i32
    scf.for %scan3A_28 = %scan3A_12 to %scan3A_14 step %scan3A_15  : i32 {
      %mul3A_29 = arith.constant 2 : i32
      %mul3A_30 = arith.muli %scan3A_28, %mul3A_29 : i32
      %add3A_31 = arith.constant 0 : i32
      %add3A_32 = arith.addi %mul3A_30, %add3A_31 : i32
      %mul3A_33 = arith.constant 128 : i32
      %mul3A_34 = arith.muli %add3A_32, %mul3A_33 : i32
      %dma_wait3A_35 = tpu.memref_slice %arg5[%mul3A_34] : memref<1792xi32, #tpu.memory_space<vmem>> -> memref<128xi32, #tpu.memory_space<vmem>>
      %dma_wait3A_36 = arith.constant 0 : i32
      %dma_wait3A_37 = arith.constant 0 : i32
      %dma_wait3A_38 = tpu.memref_slice %arg3[%dma_wait3A_36, %dma_wait3A_37] : memref<102400x128xf32, #tpu.memory_space<hbm>> -> memref<102400x128xf32, #tpu.memory_space<hbm>>
      tpu.wait_indirect_dma semaphore(%arg8 : memref<!tpu.dma_semaphore, #tpu.memory_space<semaphore_mem>>) src(%dma_wait3A_38 : memref<102400x128xf32, #tpu.memory_space<hbm>>) dst(%arg6 : memref<128x128xf32, #tpu.memory_space<vmem>>)
      %mul3A_39 = arith.constant 128 : i32
      %mul3A_40 = arith.muli %add3A_32, %mul3A_39 : i32
      %add3A_41 = arith.addi %mul3A_2, %mul3A_40 : i32
      %dma_start3A_42 = arith.constant 0 : i32
      %dma_start3A_43 = tpu.memref_slice %arg4[%add3A_41, %dma_start3A_42] : memref<57344x128xf32, #tpu.memory_space<hbm>> -> memref<128x128xf32, #tpu.memory_space<hbm>>
      %dma_start3A_44 = arith.constant 0 : i32
      %dma_start3A_45 = tpu.memref_slice %arg4[%add3A_41, %dma_start3A_44] : memref<57344x128xf32, #tpu.memory_space<hbm>> -> memref<128x128xf32, #tpu.memory_space<hbm>>
      tpu.enqueue_dma source(%arg6 : memref<128x128xf32, #tpu.memory_space<vmem>>) target(%dma_start3A_45 : memref<128x128xf32, #tpu.memory_space<hbm>>) target_semaphore(%arg10 : memref<!tpu.dma_semaphore, #tpu.memory_space<semaphore_mem>>)
      %add3A_46 = arith.constant 2 : i32
      %add3A_47 = arith.addi %add3A_32, %add3A_46 : i32
      %lt3A = arith.constant 14 : i32
      %lt3A_48 = arith.cmpi slt, %add3A_47, %lt3A : i32
      %convert_element_type3A = arith.extui %lt3A_48 : i1 to i32
      %cond3A = arith.constant 0 : i32
      %cond3A_49 = arith.cmpi ne, %convert_element_type3A, %cond3A : i32
      scf.if %cond3A_49 {
        %mul3A_74 = arith.constant 128 : i32
        %mul3A_75 = arith.muli %add3A_32, %mul3A_74 : i32
        %add3A_76 = arith.addi %mul3A_2, %mul3A_75 : i32
        %dma_wait3A_77 = arith.constant 0 : i32
        %dma_wait3A_78 = tpu.memref_slice %arg4[%add3A_76, %dma_wait3A_77] : memref<57344x128xf32, #tpu.memory_space<hbm>> -> memref<128x128xf32, #tpu.memory_space<hbm>>
        %dma_wait3A_79 = arith.constant 0 : i32
        %dma_wait3A_80 = tpu.memref_slice %arg4[%add3A_76, %dma_wait3A_79] : memref<57344x128xf32, #tpu.memory_space<hbm>> -> memref<128x128xf32, #tpu.memory_space<hbm>>
        tpu.wait_dma2 semaphore(%arg10 : memref<!tpu.dma_semaphore, #tpu.memory_space<semaphore_mem>>) src(%arg6 : memref<128x128xf32, #tpu.memory_space<vmem>>) dst(%dma_wait3A_80 : memref<128x128xf32, #tpu.memory_space<hbm>>)
        %mul3A_81 = arith.constant 128 : i32
        %mul3A_82 = arith.muli %add3A_47, %mul3A_81 : i32
        %dma_start3A_83 = tpu.memref_slice %arg5[%mul3A_82] : memref<1792xi32, #tpu.memory_space<vmem>> -> memref<128xi32, #tpu.memory_space<vmem>>
        %dma_start3A_84 = arith.constant 0 : i32
        %dma_start3A_85 = arith.constant 0 : i32
        %dma_start3A_86 = tpu.memref_slice %arg3[%dma_start3A_84, %dma_start3A_85] : memref<102400x128xf32, #tpu.memory_space<hbm>> -> memref<102400x128xf32, #tpu.memory_space<hbm>>
        tpu.enqueue_indirect_dma source(%dma_start3A_86 : memref<102400x128xf32, #tpu.memory_space<hbm>>) target(%arg6 : memref<128x128xf32, #tpu.memory_space<vmem>>) offsets(%dma_start3A_83 : memref<128xi32, #tpu.memory_space<vmem>>) semaphore(%arg8 : memref<!tpu.dma_semaphore, #tpu.memory_space<semaphore_mem>>)
      } else {
      }
      %mul3A_50 = arith.constant 2 : i32
      %mul3A_51 = arith.muli %scan3A_28, %mul3A_50 : i32
      %add3A_52 = arith.constant 1 : i32
      %add3A_53 = arith.addi %mul3A_51, %add3A_52 : i32
      %mul3A_54 = arith.constant 128 : i32
      %mul3A_55 = arith.muli %add3A_53, %mul3A_54 : i32
      %dma_wait3A_56 = tpu.memref_slice %arg5[%mul3A_55] : memref<1792xi32, #tpu.memory_space<vmem>> -> memref<128xi32, #tpu.memory_space<vmem>>
      %dma_wait3A_57 = arith.constant 0 : i32
      %dma_wait3A_58 = arith.constant 0 : i32
      %dma_wait3A_59 = tpu.memref_slice %arg3[%dma_wait3A_57, %dma_wait3A_58] : memref<102400x128xf32, #tpu.memory_space<hbm>> -> memref<102400x128xf32, #tpu.memory_space<hbm>>
      tpu.wait_indirect_dma semaphore(%arg9 : memref<!tpu.dma_semaphore, #tpu.memory_space<semaphore_mem>>) src(%dma_wait3A_59 : memref<102400x128xf32, #tpu.memory_space<hbm>>) dst(%arg7 : memref<128x128xf32, #tpu.memory_space<vmem>>)
      %mul3A_60 = arith.constant 128 : i32
      %mul3A_61 = arith.muli %add3A_53, %mul3A_60 : i32
      %add3A_62 = arith.addi %mul3A_2, %mul3A_61 : i32
      %dma_start3A_63 = arith.constant 0 : i32
      %dma_start3A_64 = tpu.memref_slice %arg4[%add3A_62, %dma_start3A_63] : memref<57344x128xf32, #tpu.memory_space<hbm>> -> memref<128x128xf32, #tpu.memory_space<hbm>>
      %dma_start3A_65 = arith.constant 0 : i32
      %dma_start3A_66 = tpu.memref_slice %arg4[%add3A_62, %dma_start3A_65] : memref<57344x128xf32, #tpu.memory_space<hbm>> -> memref<128x128xf32, #tpu.memory_space<hbm>>
      tpu.enqueue_dma source(%arg7 : memref<128x128xf32, #tpu.memory_space<vmem>>) target(%dma_start3A_66 : memref<128x128xf32, #tpu.memory_space<hbm>>) target_semaphore(%arg11 : memref<!tpu.dma_semaphore, #tpu.memory_space<semaphore_mem>>)
      %add3A_67 = arith.constant 2 : i32
      %add3A_68 = arith.addi %add3A_53, %add3A_67 : i32
      %lt3A_69 = arith.constant 14 : i32
      %lt3A_70 = arith.cmpi slt, %add3A_68, %lt3A_69 : i32
      %convert_element_type3A_71 = arith.extui %lt3A_70 : i1 to i32
      %cond3A_72 = arith.constant 0 : i32
      %cond3A_73 = arith.cmpi ne, %convert_element_type3A_71, %cond3A_72 : i32
      scf.if %cond3A_73 {
        %mul3A_74 = arith.constant 128 : i32
        %mul3A_75 = arith.muli %add3A_53, %mul3A_74 : i32
        %add3A_76 = arith.addi %mul3A_2, %mul3A_75 : i32
        %dma_wait3A_77 = arith.constant 0 : i32
        %dma_wait3A_78 = tpu.memref_slice %arg4[%add3A_76, %dma_wait3A_77] : memref<57344x128xf32, #tpu.memory_space<hbm>> -> memref<128x128xf32, #tpu.memory_space<hbm>>
        %dma_wait3A_79 = arith.constant 0 : i32
        %dma_wait3A_80 = tpu.memref_slice %arg4[%add3A_76, %dma_wait3A_79] : memref<57344x128xf32, #tpu.memory_space<hbm>> -> memref<128x128xf32, #tpu.memory_space<hbm>>
        tpu.wait_dma2 semaphore(%arg11 : memref<!tpu.dma_semaphore, #tpu.memory_space<semaphore_mem>>) src(%arg7 : memref<128x128xf32, #tpu.memory_space<vmem>>) dst(%dma_wait3A_80 : memref<128x128xf32, #tpu.memory_space<hbm>>)
        %mul3A_81 = arith.constant 128 : i32
        %mul3A_82 = arith.muli %add3A_68, %mul3A_81 : i32
        %dma_start3A_83 = tpu.memref_slice %arg5[%mul3A_82] : memref<1792xi32, #tpu.memory_space<vmem>> -> memref<128xi32, #tpu.memory_space<vmem>>
        %dma_start3A_84 = arith.constant 0 : i32
        %dma_start3A_85 = arith.constant 0 : i32
        %dma_start3A_86 = tpu.memref_slice %arg3[%dma_start3A_84, %dma_start3A_85] : memref<102400x128xf32, #tpu.memory_space<hbm>> -> memref<102400x128xf32, #tpu.memory_space<hbm>>
        tpu.enqueue_indirect_dma source(%dma_start3A_86 : memref<102400x128xf32, #tpu.memory_space<hbm>>) target(%arg7 : memref<128x128xf32, #tpu.memory_space<vmem>>) offsets(%dma_start3A_83 : memref<128xi32, #tpu.memory_space<vmem>>) semaphore(%arg9 : memref<!tpu.dma_semaphore, #tpu.memory_space<semaphore_mem>>)
      } else {
      }
    }
    %scan3A_16 = arith.constant 7 : i32
    %add3A_17 = arith.constant 1536 : i32
    %add3A_18 = arith.addi %mul3A_2, %add3A_17 : i32
    %dma_wait3A = arith.constant 0 : i32
    %dma_wait3A_19 = tpu.memref_slice %arg4[%add3A_18, %dma_wait3A] : memref<57344x128xf32, #tpu.memory_space<hbm>> -> memref<128x128xf32, #tpu.memory_space<hbm>>
    %dma_wait3A_20 = arith.constant 0 : i32
    %dma_wait3A_21 = tpu.memref_slice %arg4[%add3A_18, %dma_wait3A_20] : memref<57344x128xf32, #tpu.memory_space<hbm>> -> memref<128x128xf32, #tpu.memory_space<hbm>>
    tpu.wait_dma2 semaphore(%arg10 : memref<!tpu.dma_semaphore, #tpu.memory_space<semaphore_mem>>) src(%arg6 : memref<128x128xf32, #tpu.memory_space<vmem>>) dst(%dma_wait3A_21 : memref<128x128xf32, #tpu.memory_space<hbm>>)
    %add3A_22 = arith.constant 1664 : i32
    %add3A_23 = arith.addi %mul3A_2, %add3A_22 : i32
    %dma_wait3A_24 = arith.constant 0 : i32
    %dma_wait3A_25 = tpu.memref_slice %arg4[%add3A_23, %dma_wait3A_24] : memref<57344x128xf32, #tpu.memory_space<hbm>> -> memref<128x128xf32, #tpu.memory_space<hbm>>
    %dma_wait3A_26 = arith.constant 0 : i32
    %dma_wait3A_27 = tpu.memref_slice %arg4[%add3A_23, %dma_wait3A_26] : memref<57344x128xf32, #tpu.memory_space<hbm>> -> memref<128x128xf32, #tpu.memory_space<hbm>>
    tpu.wait_dma2 semaphore(%arg11 : memref<!tpu.dma_semaphore, #tpu.memory_space<semaphore_mem>>) src(%arg7 : memref<128x128xf32, #tpu.memory_space<vmem>>) dst(%dma_wait3A_27 : memref<128x128xf32, #tpu.memory_space<hbm>>)
    return
  }
}

#map = affine_map<(d0, d1) -> (0)>
#map1 = affine_map<(d0, d1) -> (0, 0)>
module attributes {stable_mosaic.version = 14 : i64} {
  func.func @sc_gather(%arg0: i32, %arg1: i32, %arg2: memref<57344xi32, #tpu.memory_space<hbm>>, %arg3: memref<100000x512xf32, #tpu.memory_space<hbm>>, %arg4: memref<57344x512xf32, #tpu.memory_space<hbm>>, %arg5: memref<1792xi32, #tpu.memory_space<vmem>>, %arg6: memref<64x512xf32, #tpu.memory_space<vmem>>, %arg7: memref<64x512xf32, #tpu.memory_space<vmem>>, %arg8: memref<!tpu.dma_semaphore, #tpu.memory_space<semaphore_mem>>, %arg9: memref<!tpu.dma_semaphore, #tpu.memory_space<semaphore_mem>>, %arg10: memref<!tpu.dma_semaphore, #tpu.memory_space<semaphore_mem>>, %arg11: memref<!tpu.dma_semaphore, #tpu.memory_space<semaphore_mem>>) attributes {dimension_semantics = [#tpu.dimension_semantics<core_parallel>, #tpu.dimension_semantics<subcore_parallel>], iteration_bounds = array<i64: 2, 16>, scalar_prefetch = 0 : i64, scratch_operands = 7 : i64, tpu.core_type = #tpu.core_type<sc_vector_subcore>, window_params = [{transform_indices = #map}, {transform_indices = #map1}, {transform_indices = #map1}]} {
    %mul3A = arith.constant 2 : i32
    %mul3A_0 = arith.muli %arg1, %mul3A : i32
    %add3A = arith.addi %mul3A_0, %arg0 : i32
    %mul3A_1 = arith.constant 1792 : i32
    %mul3A_2 = arith.muli %add3A, %mul3A_1 : i32
    "tpu.region"() ({
      %run_scoped3A = tpu.sem_alloc : memref<!tpu.dma_semaphore, #tpu.memory_space<semaphore_mem>>
      %dma_start3A_28 = tpu.memref_slice %arg2[%mul3A_2] : memref<57344xi32, #tpu.memory_space<hbm>> -> memref<1792xi32, #tpu.memory_space<hbm>>
      %dma_start3A_29 = tpu.memref_slice %arg2[%mul3A_2] : memref<57344xi32, #tpu.memory_space<hbm>> -> memref<1792xi32, #tpu.memory_space<hbm>>
      tpu.enqueue_dma source(%dma_start3A_29 : memref<1792xi32, #tpu.memory_space<hbm>>) target(%arg5 : memref<1792xi32, #tpu.memory_space<vmem>>) target_semaphore(%run_scoped3A : memref<!tpu.dma_semaphore, #tpu.memory_space<semaphore_mem>>)
      %dma_wait3A_30 = tpu.memref_slice %arg2[%mul3A_2] : memref<57344xi32, #tpu.memory_space<hbm>> -> memref<1792xi32, #tpu.memory_space<hbm>>
      %dma_wait3A_31 = tpu.memref_slice %arg2[%mul3A_2] : memref<57344xi32, #tpu.memory_space<hbm>> -> memref<1792xi32, #tpu.memory_space<hbm>>
      tpu.wait_dma2 semaphore(%run_scoped3A : memref<!tpu.dma_semaphore, #tpu.memory_space<semaphore_mem>>) src(%dma_wait3A_31 : memref<1792xi32, #tpu.memory_space<hbm>>) dst(%arg5 : memref<1792xi32, #tpu.memory_space<vmem>>)
      tpu.yield
    }) : () -> ()
    %dma_start3A = arith.constant 0 : i32
    %dma_start3A_3 = tpu.memref_slice %arg5[%dma_start3A] : memref<1792xi32, #tpu.memory_space<vmem>> -> memref<64xi32, #tpu.memory_space<vmem>>
    %dma_start3A_4 = arith.constant 0 : i32
    %dma_start3A_5 = arith.constant 0 : i32
    %dma_start3A_6 = tpu.memref_slice %arg3[%dma_start3A_4, %dma_start3A_5] : memref<100000x512xf32, #tpu.memory_space<hbm>> -> memref<100000x512xf32, #tpu.memory_space<hbm>>
    tpu.enqueue_indirect_dma source(%dma_start3A_6 : memref<100000x512xf32, #tpu.memory_space<hbm>>) target(%arg6 : memref<64x512xf32, #tpu.memory_space<vmem>>) offsets(%dma_start3A_3 : memref<64xi32, #tpu.memory_space<vmem>>) semaphore(%arg8 : memref<!tpu.dma_semaphore, #tpu.memory_space<semaphore_mem>>)
    %dma_start3A_7 = arith.constant 64 : i32
    %dma_start3A_8 = tpu.memref_slice %arg5[%dma_start3A_7] : memref<1792xi32, #tpu.memory_space<vmem>> -> memref<64xi32, #tpu.memory_space<vmem>>
    %dma_start3A_9 = arith.constant 0 : i32
    %dma_start3A_10 = arith.constant 0 : i32
    %dma_start3A_11 = tpu.memref_slice %arg3[%dma_start3A_9, %dma_start3A_10] : memref<100000x512xf32, #tpu.memory_space<hbm>> -> memref<100000x512xf32, #tpu.memory_space<hbm>>
    tpu.enqueue_indirect_dma source(%dma_start3A_11 : memref<100000x512xf32, #tpu.memory_space<hbm>>) target(%arg7 : memref<64x512xf32, #tpu.memory_space<vmem>>) offsets(%dma_start3A_8 : memref<64xi32, #tpu.memory_space<vmem>>) semaphore(%arg9 : memref<!tpu.dma_semaphore, #tpu.memory_space<semaphore_mem>>)
    %scan3A = arith.constant 0 : i32
    %scan3A_12 = arith.constant 0 : i32
    %scan3A_13 = arith.constant 14 : i32
    %scan3A_14 = arith.addi %scan3A_12, %scan3A_13 : i32
    %scan3A_15 = arith.constant 1 : i32
    scf.for %scan3A_28 = %scan3A_12 to %scan3A_14 step %scan3A_15  : i32 {
      %mul3A_29 = arith.constant 2 : i32
      %mul3A_30 = arith.muli %scan3A_28, %mul3A_29 : i32
      %add3A_31 = arith.constant 0 : i32
      %add3A_32 = arith.addi %mul3A_30, %add3A_31 : i32
      %mul3A_33 = arith.constant 64 : i32
      %mul3A_34 = arith.muli %add3A_32, %mul3A_33 : i32
      %dma_wait3A_35 = tpu.memref_slice %arg5[%mul3A_34] : memref<1792xi32, #tpu.memory_space<vmem>> -> memref<64xi32, #tpu.memory_space<vmem>>
      %dma_wait3A_36 = arith.constant 0 : i32
      %dma_wait3A_37 = arith.constant 0 : i32
      %dma_wait3A_38 = tpu.memref_slice %arg3[%dma_wait3A_36, %dma_wait3A_37] : memref<100000x512xf32, #tpu.memory_space<hbm>> -> memref<100000x512xf32, #tpu.memory_space<hbm>>
      tpu.wait_indirect_dma semaphore(%arg8 : memref<!tpu.dma_semaphore, #tpu.memory_space<semaphore_mem>>) src(%dma_wait3A_38 : memref<100000x512xf32, #tpu.memory_space<hbm>>) dst(%arg6 : memref<64x512xf32, #tpu.memory_space<vmem>>)
      %mul3A_39 = arith.constant 64 : i32
      %mul3A_40 = arith.muli %add3A_32, %mul3A_39 : i32
      %add3A_41 = arith.addi %mul3A_2, %mul3A_40 : i32
      %dma_start3A_42 = arith.constant 0 : i32
      %dma_start3A_43 = tpu.memref_slice %arg4[%add3A_41, %dma_start3A_42] : memref<57344x512xf32, #tpu.memory_space<hbm>> -> memref<64x512xf32, #tpu.memory_space<hbm>>
      %dma_start3A_44 = arith.constant 0 : i32
      %dma_start3A_45 = tpu.memref_slice %arg4[%add3A_41, %dma_start3A_44] : memref<57344x512xf32, #tpu.memory_space<hbm>> -> memref<64x512xf32, #tpu.memory_space<hbm>>
      tpu.enqueue_dma source(%arg6 : memref<64x512xf32, #tpu.memory_space<vmem>>) target(%dma_start3A_45 : memref<64x512xf32, #tpu.memory_space<hbm>>) target_semaphore(%arg10 : memref<!tpu.dma_semaphore, #tpu.memory_space<semaphore_mem>>)
      %add3A_46 = arith.constant 2 : i32
      %add3A_47 = arith.addi %add3A_32, %add3A_46 : i32
      %lt3A = arith.constant 28 : i32
      %lt3A_48 = arith.cmpi slt, %add3A_47, %lt3A : i32
      %convert_element_type3A = arith.extui %lt3A_48 : i1 to i32
      %cond3A = arith.constant 0 : i32
      %cond3A_49 = arith.cmpi ne, %convert_element_type3A, %cond3A : i32
      scf.if %cond3A_49 {
        %mul3A_74 = arith.constant 64 : i32
        %mul3A_75 = arith.muli %add3A_32, %mul3A_74 : i32
        %add3A_76 = arith.addi %mul3A_2, %mul3A_75 : i32
        %dma_wait3A_77 = arith.constant 0 : i32
        %dma_wait3A_78 = tpu.memref_slice %arg4[%add3A_76, %dma_wait3A_77] : memref<57344x512xf32, #tpu.memory_space<hbm>> -> memref<64x512xf32, #tpu.memory_space<hbm>>
        %dma_wait3A_79 = arith.constant 0 : i32
        %dma_wait3A_80 = tpu.memref_slice %arg4[%add3A_76, %dma_wait3A_79] : memref<57344x512xf32, #tpu.memory_space<hbm>> -> memref<64x512xf32, #tpu.memory_space<hbm>>
        tpu.wait_dma2 semaphore(%arg10 : memref<!tpu.dma_semaphore, #tpu.memory_space<semaphore_mem>>) src(%arg6 : memref<64x512xf32, #tpu.memory_space<vmem>>) dst(%dma_wait3A_80 : memref<64x512xf32, #tpu.memory_space<hbm>>)
        %mul3A_81 = arith.constant 64 : i32
        %mul3A_82 = arith.muli %add3A_47, %mul3A_81 : i32
        %dma_start3A_83 = tpu.memref_slice %arg5[%mul3A_82] : memref<1792xi32, #tpu.memory_space<vmem>> -> memref<64xi32, #tpu.memory_space<vmem>>
        %dma_start3A_84 = arith.constant 0 : i32
        %dma_start3A_85 = arith.constant 0 : i32
        %dma_start3A_86 = tpu.memref_slice %arg3[%dma_start3A_84, %dma_start3A_85] : memref<100000x512xf32, #tpu.memory_space<hbm>> -> memref<100000x512xf32, #tpu.memory_space<hbm>>
        tpu.enqueue_indirect_dma source(%dma_start3A_86 : memref<100000x512xf32, #tpu.memory_space<hbm>>) target(%arg6 : memref<64x512xf32, #tpu.memory_space<vmem>>) offsets(%dma_start3A_83 : memref<64xi32, #tpu.memory_space<vmem>>) semaphore(%arg8 : memref<!tpu.dma_semaphore, #tpu.memory_space<semaphore_mem>>)
      } else {
      }
      %mul3A_50 = arith.constant 2 : i32
      %mul3A_51 = arith.muli %scan3A_28, %mul3A_50 : i32
      %add3A_52 = arith.constant 1 : i32
      %add3A_53 = arith.addi %mul3A_51, %add3A_52 : i32
      %mul3A_54 = arith.constant 64 : i32
      %mul3A_55 = arith.muli %add3A_53, %mul3A_54 : i32
      %dma_wait3A_56 = tpu.memref_slice %arg5[%mul3A_55] : memref<1792xi32, #tpu.memory_space<vmem>> -> memref<64xi32, #tpu.memory_space<vmem>>
      %dma_wait3A_57 = arith.constant 0 : i32
      %dma_wait3A_58 = arith.constant 0 : i32
      %dma_wait3A_59 = tpu.memref_slice %arg3[%dma_wait3A_57, %dma_wait3A_58] : memref<100000x512xf32, #tpu.memory_space<hbm>> -> memref<100000x512xf32, #tpu.memory_space<hbm>>
      tpu.wait_indirect_dma semaphore(%arg9 : memref<!tpu.dma_semaphore, #tpu.memory_space<semaphore_mem>>) src(%dma_wait3A_59 : memref<100000x512xf32, #tpu.memory_space<hbm>>) dst(%arg7 : memref<64x512xf32, #tpu.memory_space<vmem>>)
      %mul3A_60 = arith.constant 64 : i32
      %mul3A_61 = arith.muli %add3A_53, %mul3A_60 : i32
      %add3A_62 = arith.addi %mul3A_2, %mul3A_61 : i32
      %dma_start3A_63 = arith.constant 0 : i32
      %dma_start3A_64 = tpu.memref_slice %arg4[%add3A_62, %dma_start3A_63] : memref<57344x512xf32, #tpu.memory_space<hbm>> -> memref<64x512xf32, #tpu.memory_space<hbm>>
      %dma_start3A_65 = arith.constant 0 : i32
      %dma_start3A_66 = tpu.memref_slice %arg4[%add3A_62, %dma_start3A_65] : memref<57344x512xf32, #tpu.memory_space<hbm>> -> memref<64x512xf32, #tpu.memory_space<hbm>>
      tpu.enqueue_dma source(%arg7 : memref<64x512xf32, #tpu.memory_space<vmem>>) target(%dma_start3A_66 : memref<64x512xf32, #tpu.memory_space<hbm>>) target_semaphore(%arg11 : memref<!tpu.dma_semaphore, #tpu.memory_space<semaphore_mem>>)
      %add3A_67 = arith.constant 2 : i32
      %add3A_68 = arith.addi %add3A_53, %add3A_67 : i32
      %lt3A_69 = arith.constant 28 : i32
      %lt3A_70 = arith.cmpi slt, %add3A_68, %lt3A_69 : i32
      %convert_element_type3A_71 = arith.extui %lt3A_70 : i1 to i32
      %cond3A_72 = arith.constant 0 : i32
      %cond3A_73 = arith.cmpi ne, %convert_element_type3A_71, %cond3A_72 : i32
      scf.if %cond3A_73 {
        %mul3A_74 = arith.constant 64 : i32
        %mul3A_75 = arith.muli %add3A_53, %mul3A_74 : i32
        %add3A_76 = arith.addi %mul3A_2, %mul3A_75 : i32
        %dma_wait3A_77 = arith.constant 0 : i32
        %dma_wait3A_78 = tpu.memref_slice %arg4[%add3A_76, %dma_wait3A_77] : memref<57344x512xf32, #tpu.memory_space<hbm>> -> memref<64x512xf32, #tpu.memory_space<hbm>>
        %dma_wait3A_79 = arith.constant 0 : i32
        %dma_wait3A_80 = tpu.memref_slice %arg4[%add3A_76, %dma_wait3A_79] : memref<57344x512xf32, #tpu.memory_space<hbm>> -> memref<64x512xf32, #tpu.memory_space<hbm>>
        tpu.wait_dma2 semaphore(%arg11 : memref<!tpu.dma_semaphore, #tpu.memory_space<semaphore_mem>>) src(%arg7 : memref<64x512xf32, #tpu.memory_space<vmem>>) dst(%dma_wait3A_80 : memref<64x512xf32, #tpu.memory_space<hbm>>)
        %mul3A_81 = arith.constant 64 : i32
        %mul3A_82 = arith.muli %add3A_68, %mul3A_81 : i32
        %dma_start3A_83 = tpu.memref_slice %arg5[%mul3A_82] : memref<1792xi32, #tpu.memory_space<vmem>> -> memref<64xi32, #tpu.memory_space<vmem>>
        %dma_start3A_84 = arith.constant 0 : i32
        %dma_start3A_85 = arith.constant 0 : i32
        %dma_start3A_86 = tpu.memref_slice %arg3[%dma_start3A_84, %dma_start3A_85] : memref<100000x512xf32, #tpu.memory_space<hbm>> -> memref<100000x512xf32, #tpu.memory_space<hbm>>
        tpu.enqueue_indirect_dma source(%dma_start3A_86 : memref<100000x512xf32, #tpu.memory_space<hbm>>) target(%arg7 : memref<64x512xf32, #tpu.memory_space<vmem>>) offsets(%dma_start3A_83 : memref<64xi32, #tpu.memory_space<vmem>>) semaphore(%arg9 : memref<!tpu.dma_semaphore, #tpu.memory_space<semaphore_mem>>)
      } else {
      }
    }
    %scan3A_16 = arith.constant 14 : i32
    %add3A_17 = arith.constant 1664 : i32
    %add3A_18 = arith.addi %mul3A_2, %add3A_17 : i32
    %dma_wait3A = arith.constant 0 : i32
    %dma_wait3A_19 = tpu.memref_slice %arg4[%add3A_18, %dma_wait3A] : memref<57344x512xf32, #tpu.memory_space<hbm>> -> memref<64x512xf32, #tpu.memory_space<hbm>>
    %dma_wait3A_20 = arith.constant 0 : i32
    %dma_wait3A_21 = tpu.memref_slice %arg4[%add3A_18, %dma_wait3A_20] : memref<57344x512xf32, #tpu.memory_space<hbm>> -> memref<64x512xf32, #tpu.memory_space<hbm>>
    tpu.wait_dma2 semaphore(%arg10 : memref<!tpu.dma_semaphore, #tpu.memory_space<semaphore_mem>>) src(%arg6 : memref<64x512xf32, #tpu.memory_space<vmem>>) dst(%dma_wait3A_21 : memref<64x512xf32, #tpu.memory_space<hbm>>)
    %add3A_22 = arith.constant 1728 : i32
    %add3A_23 = arith.addi %mul3A_2, %add3A_22 : i32
    %dma_wait3A_24 = arith.constant 0 : i32
    %dma_wait3A_25 = tpu.memref_slice %arg4[%add3A_23, %dma_wait3A_24] : memref<57344x512xf32, #tpu.memory_space<hbm>> -> memref<64x512xf32, #tpu.memory_space<hbm>>
    %dma_wait3A_26 = arith.constant 0 : i32
    %dma_wait3A_27 = tpu.memref_slice %arg4[%add3A_23, %dma_wait3A_26] : memref<57344x512xf32, #tpu.memory_space<hbm>> -> memref<64x512xf32, #tpu.memory_space<hbm>>
    tpu.wait_dma2 semaphore(%arg11 : memref<!tpu.dma_semaphore, #tpu.memory_space<semaphore_mem>>) src(%arg7 : memref<64x512xf32, #tpu.memory_space<vmem>>) dst(%dma_wait3A_27 : memref<64x512xf32, #tpu.memory_space<hbm>>)
    return
  }
}

module attributes {stable_mosaic.version = 14 : i64} {
  func.func @_ln_body(%arg0: i32, %arg1: memref<64x12800xf32, #tpu.memory_space<vmem>>, %arg2: memref<1x64xf32, #tpu.memory_space<vmem>>, %arg3: memref<1x64xf32, #tpu.memory_space<vmem>>, %arg4: memref<12800x128xf32, #tpu.memory_space<vmem>>) attributes {dimension_semantics = [#tpu.dimension_semantics<arbitrary>], iteration_bounds = array<i64: 8>, scalar_prefetch = 0 : i64, scratch_operands = 0 : i64, tpu.core_type = #tpu.core_type<tc>, window_params = [{transform_indices = @transform_0, window_bounds = array<i64: 64, 12800>}, {pipeline_mode = #tpu.pipeline_mode<synchronous>, transform_indices = @transform_1, window_bounds = array<i64: 1, 64>}, {pipeline_mode = #tpu.pipeline_mode<synchronous>, transform_indices = @transform_2, window_bounds = array<i64: 1, 64>}, {transform_indices = @transform_3, window_bounds = array<i64: 12800, 128>}]} {
    %get3A = arith.constant 0 : index
    %get3A_0 = arith.constant 0 : index
    %get3A_1 = vector.load %arg1[%get3A, %get3A_0] : memref<64x12800xf32, #tpu.memory_space<vmem>>, vector<64x12800xf32>
    %reduce_sum3A = arith.constant dense<0.000000e+00> : vector<12800xf32>
    %reduce_sum3A_2 = vector.multi_reduction <add>, %get3A_1, %reduce_sum3A [0] : vector<64x12800xf32> to vector<12800xf32>
    %broadcast_in_dim3A = vector.shape_cast %reduce_sum3A_2 : vector<12800xf32> to vector<1x12800xf32>
    %div3A = arith.constant 6.400000e+01 : f32
    %div3A_3 = vector.broadcast %div3A : f32 to vector<1x12800xf32>
    %div3A_4 = arith.divf %broadcast_in_dim3A, %div3A_3 : vector<1x12800xf32>
    %sub3A = vector.broadcast %div3A_4 : vector<1x12800xf32> to vector<64x12800xf32>
    %sub3A_5 = arith.subf %get3A_1, %sub3A : vector<64x12800xf32>
    %integer_pow3A = arith.mulf %sub3A_5, %sub3A_5 : vector<64x12800xf32>
    %reduce_sum3A_6 = arith.constant dense<0.000000e+00> : vector<12800xf32>
    %reduce_sum3A_7 = vector.multi_reduction <add>, %integer_pow3A, %reduce_sum3A_6 [0] : vector<64x12800xf32> to vector<12800xf32>
    %broadcast_in_dim3A_8 = vector.shape_cast %reduce_sum3A_7 : vector<12800xf32> to vector<1x12800xf32>
    %div3A_9 = arith.constant 6.400000e+01 : f32
    %div3A_10 = vector.broadcast %div3A_9 : f32 to vector<1x12800xf32>
    %div3A_11 = arith.divf %broadcast_in_dim3A_8, %div3A_10 : vector<1x12800xf32>
    %sub3A_12 = vector.broadcast %div3A_4 : vector<1x12800xf32> to vector<64x12800xf32>
    %sub3A_13 = arith.subf %get3A_1, %sub3A_12 : vector<64x12800xf32>
    %add3A = arith.constant 9.99999974E-6 : f32
    %add3A_14 = vector.broadcast %add3A : f32 to vector<1x12800xf32>
    %add3A_15 = arith.addf %div3A_11, %add3A_14 : vector<1x12800xf32>
    %sqrt3A = math.sqrt %add3A_15 : vector<1x12800xf32>
    %div3A_16 = vector.broadcast %sqrt3A : vector<1x12800xf32> to vector<64x12800xf32>
    %div3A_17 = arith.divf %sub3A_13, %div3A_16 : vector<64x12800xf32>
    %get3A_18 = arith.constant 0 : index
    %get3A_19 = arith.constant 0 : index
    %get3A_20 = vector.load %arg2[%get3A_18, %get3A_19] : memref<1x64xf32, #tpu.memory_space<vmem>>, vector<1x64xf32>
    %transpose3A = tpu.transpose %get3A_20, [1, 0] : vector<1x64xf32> -> vector<64x1xf32>
    %mul3A = vector.broadcast %transpose3A : vector<64x1xf32> to vector<64x12800xf32>
    %mul3A_21 = arith.mulf %div3A_17, %mul3A : vector<64x12800xf32>
    %get3A_22 = arith.constant 0 : index
    %get3A_23 = arith.constant 0 : index
    %get3A_24 = vector.load %arg3[%get3A_22, %get3A_23] : memref<1x64xf32, #tpu.memory_space<vmem>>, vector<1x64xf32>
    %transpose3A_25 = tpu.transpose %get3A_24, [1, 0] : vector<1x64xf32> -> vector<64x1xf32>
    %add3A_26 = vector.broadcast %transpose3A_25 : vector<64x1xf32> to vector<64x12800xf32>
    %add3A_27 = arith.addf %mul3A_21, %add3A_26 : vector<64x12800xf32>
    %transpose3A_28 = tpu.transpose %add3A_27, [1, 0] : vector<64x12800xf32> -> vector<12800x64xf32>
    %broadcast_in_dim3A_29 = arith.constant 0.000000e+00 : f32
    %broadcast_in_dim3A_30 = vector.broadcast %broadcast_in_dim3A_29 : f32 to vector<64x12800xf32>
    %transpose3A_31 = tpu.transpose %broadcast_in_dim3A_30, [1, 0] : vector<64x12800xf32> -> vector<12800x64xf32>
    %concatenate3A = tpu.concatenate %transpose3A_28, %transpose3A_31 in 1 : vector<12800x64xf32>, vector<12800x64xf32> -> vector<12800x128xf32>
    %swap3A = arith.constant 0 : index
    %swap3A_32 = arith.constant 0 : index
    %swap3A_33 = vector.load %arg4[%swap3A, %swap3A_32] : memref<12800x128xf32, #tpu.memory_space<vmem>>, vector<12800x128xf32>
    tpu.vector_store %arg4[%swap3A, %swap3A_32], %concatenate3A {strides = array<i32>} : memref<12800x128xf32, #tpu.memory_space<vmem>>, vector<12800x128xf32>,
    return
  }
  func.func @transform_0(%arg0: i32) -> (i32, i32) {
    %c0_i32 = arith.constant 0 : i32
    %c0_i32_0 = arith.constant 0 : i32
    return %c0_i32, %arg0 : i32, i32
  }
  func.func @transform_1(%arg0: i32) -> (i32, i32) {
    %c0_i32 = arith.constant 0 : i32
    %c0_i32_0 = arith.constant 0 : i32
    %c0_i32_1 = arith.constant 0 : i32
    return %c0_i32, %c0_i32_0 : i32, i32
  }
  func.func @transform_2(%arg0: i32) -> (i32, i32) {
    %c0_i32 = arith.constant 0 : i32
    %c0_i32_0 = arith.constant 0 : i32
    %c0_i32_1 = arith.constant 0 : i32
    return %c0_i32, %c0_i32_0 : i32, i32
  }
  func.func @transform_3(%arg0: i32) -> (i32, i32) {
    %c0_i32 = arith.constant 0 : i32
    %c0_i32_0 = arith.constant 0 : i32
    return %arg0, %c0_i32 : i32, i32
  }
}

module attributes {stable_mosaic.version = 14 : i64} {
  func.func @_transpose_body2(%arg0: i32, %arg1: i32, %arg2: memref<128x8x512xf32, #tpu.memory_space<vmem>>, %arg3: memref<128x8x128xf32, #tpu.memory_space<vmem>>, %arg4: memref<200x576x1024xf32, #tpu.memory_space<any>>, %arg5: memref<8x576x128xf32, #tpu.memory_space<vmem>>) attributes {dimension_semantics = [#tpu.dimension_semantics<arbitrary>, #tpu.dimension_semantics<arbitrary>], iteration_bounds = array<i64: 6, 8>, scalar_prefetch = 0 : i64, scratch_operands = 0 : i64, tpu.core_type = #tpu.core_type<tc>, window_params = [{transform_indices = @transform_0, window_bounds = array<i64: 128, 8, 512>}, {transform_indices = @transform_1, window_bounds = array<i64: 128, 8, 128>}, {}, {transform_indices = @transform_3, window_bounds = array<i64: 8, 576, 128>}]} {
    %get3A = arith.constant 0 : index
    %get3A_0 = arith.constant 0 : index
    %get3A_1 = arith.constant 0 : index
    %get3A_2 = vector.load %arg2[%get3A, %get3A_0, %get3A_1] : memref<128x8x512xf32, #tpu.memory_space<vmem>>, vector<128x1x512xf32>
    %get3A_3 = vector.shape_cast %get3A_2 : vector<128x1x512xf32> to vector<128x512xf32>
    %transpose3A = tpu.transpose %get3A_3, [1, 0] : vector<128x512xf32> -> vector<512x128xf32>
    %swap3A = arith.constant 0 : index
    %swap3A_4 = arith.constant 0 : index
    %swap3A_5 = arith.constant 0 : index
    %swap3A_6 = vector.load %arg5[%swap3A, %swap3A_4, %swap3A_5] : memref<8x576x128xf32, #tpu.memory_space<vmem>>, vector<1x512x128xf32>
    %swap3A_7 = vector.shape_cast %swap3A_6 : vector<1x512x128xf32> to vector<512x128xf32>
    %swap3A_8 = vector.shape_cast %transpose3A : vector<512x128xf32> to vector<1x512x128xf32>
    tpu.vector_store %arg5[%swap3A, %swap3A_4, %swap3A_5], %swap3A_8 {strides = array<i32>} : memref<8x576x128xf32, #tpu.memory_space<vmem>>, vector<1x512x128xf32>,
    %get3A_9 = arith.constant 0 : index
    %get3A_10 = arith.constant 0 : index
    %get3A_11 = arith.constant 0 : index
    %get3A_12 = vector.load %arg3[%get3A_9, %get3A_10, %get3A_11] : memref<128x8x128xf32, #tpu.memory_space<vmem>>, vector<128x1x64xf32>
    %get3A_13 = vector.shape_cast %get3A_12 : vector<128x1x64xf32> to vector<128x64xf32>
    %transpose3A_14 = tpu.transpose %get3A_13, [1, 0] : vector<128x64xf32> -> vector<64x128xf32>
    %swap3A_15 = arith.constant 0 : index
    %swap3A_16 = arith.constant 512 : index
    %swap3A_17 = arith.constant 0 : index
    %swap3A_18 = vector.load %arg5[%swap3A_15, %swap3A_16, %swap3A_17] : memref<8x576x128xf32, #tpu.memory_space<vmem>>, vector<1x64x128xf32>
    %swap3A_19 = vector.shape_cast %swap3A_18 : vector<1x64x128xf32> to vector<64x128xf32>
    %swap3A_20 = vector.shape_cast %transpose3A_14 : vector<64x128xf32> to vector<1x64x128xf32>
    tpu.vector_store %arg5[%swap3A_15, %swap3A_16, %swap3A_17], %swap3A_20 {strides = array<i32>} : memref<8x576x128xf32, #tpu.memory_space<vmem>>, vector<1x64x128xf32>,
    %get3A_21 = arith.constant 0 : index
    %get3A_22 = arith.constant 1 : index
    %get3A_23 = arith.constant 0 : index
    %get3A_24 = vector.load %arg2[%get3A_21, %get3A_22, %get3A_23] : memref<128x8x512xf32, #tpu.memory_space<vmem>>, vector<128x1x512xf32>
    %get3A_25 = vector.shape_cast %get3A_24 : vector<128x1x512xf32> to vector<128x512xf32>
    %transpose3A_26 = tpu.transpose %get3A_25, [1, 0] : vector<128x512xf32> -> vector<512x128xf32>
    %swap3A_27 = arith.constant 1 : index
    %swap3A_28 = arith.constant 0 : index
    %swap3A_29 = arith.constant 0 : index
    %swap3A_30 = vector.load %arg5[%swap3A_27, %swap3A_28, %swap3A_29] : memref<8x576x128xf32, #tpu.memory_space<vmem>>, vector<1x512x128xf32>
    %swap3A_31 = vector.shape_cast %swap3A_30 : vector<1x512x128xf32> to vector<512x128xf32>
    %swap3A_32 = vector.shape_cast %transpose3A_26 : vector<512x128xf32> to vector<1x512x128xf32>
    tpu.vector_store %arg5[%swap3A_27, %swap3A_28, %swap3A_29], %swap3A_32 {strides = array<i32>} : memref<8x576x128xf32, #tpu.memory_space<vmem>>, vector<1x512x128xf32>,
    %get3A_33 = arith.constant 0 : index
    %get3A_34 = arith.constant 1 : index
    %get3A_35 = arith.constant 0 : index
    %get3A_36 = vector.load %arg3[%get3A_33, %get3A_34, %get3A_35] : memref<128x8x128xf32, #tpu.memory_space<vmem>>, vector<128x1x64xf32>
    %get3A_37 = vector.shape_cast %get3A_36 : vector<128x1x64xf32> to vector<128x64xf32>
    %transpose3A_38 = tpu.transpose %get3A_37, [1, 0] : vector<128x64xf32> -> vector<64x128xf32>
    %swap3A_39 = arith.constant 1 : index
    %swap3A_40 = arith.constant 512 : index
    %swap3A_41 = arith.constant 0 : index
    %swap3A_42 = vector.load %arg5[%swap3A_39, %swap3A_40, %swap3A_41] : memref<8x576x128xf32, #tpu.memory_space<vmem>>, vector<1x64x128xf32>
    %swap3A_43 = vector.shape_cast %swap3A_42 : vector<1x64x128xf32> to vector<64x128xf32>
    %swap3A_44 = vector.shape_cast %transpose3A_38 : vector<64x128xf32> to vector<1x64x128xf32>
    tpu.vector_store %arg5[%swap3A_39, %swap3A_40, %swap3A_41], %swap3A_44 {strides = array<i32>} : memref<8x576x128xf32, #tpu.memory_space<vmem>>, vector<1x64x128xf32>,
    %get3A_45 = arith.constant 0 : index
    %get3A_46 = arith.constant 2 : index
    %get3A_47 = arith.constant 0 : index
    %get3A_48 = vector.load %arg2[%get3A_45, %get3A_46, %get3A_47] : memref<128x8x512xf32, #tpu.memory_space<vmem>>, vector<128x1x512xf32>
    %get3A_49 = vector.shape_cast %get3A_48 : vector<128x1x512xf32> to vector<128x512xf32>
    %transpose3A_50 = tpu.transpose %get3A_49, [1, 0] : vector<128x512xf32> -> vector<512x128xf32>
    %swap3A_51 = arith.constant 2 : index
    %swap3A_52 = arith.constant 0 : index
    %swap3A_53 = arith.constant 0 : index
    %swap3A_54 = vector.load %arg5[%swap3A_51, %swap3A_52, %swap3A_53] : memref<8x576x128xf32, #tpu.memory_space<vmem>>, vector<1x512x128xf32>
    %swap3A_55 = vector.shape_cast %swap3A_54 : vector<1x512x128xf32> to vector<512x128xf32>
    %swap3A_56 = vector.shape_cast %transpose3A_50 : vector<512x128xf32> to vector<1x512x128xf32>
    tpu.vector_store %arg5[%swap3A_51, %swap3A_52, %swap3A_53], %swap3A_56 {strides = array<i32>} : memref<8x576x128xf32, #tpu.memory_space<vmem>>, vector<1x512x128xf32>,
    %get3A_57 = arith.constant 0 : index
    %get3A_58 = arith.constant 2 : index
    %get3A_59 = arith.constant 0 : index
    %get3A_60 = vector.load %arg3[%get3A_57, %get3A_58, %get3A_59] : memref<128x8x128xf32, #tpu.memory_space<vmem>>, vector<128x1x64xf32>
    %get3A_61 = vector.shape_cast %get3A_60 : vector<128x1x64xf32> to vector<128x64xf32>
    %transpose3A_62 = tpu.transpose %get3A_61, [1, 0] : vector<128x64xf32> -> vector<64x128xf32>
    %swap3A_63 = arith.constant 2 : index
    %swap3A_64 = arith.constant 512 : index
    %swap3A_65 = arith.constant 0 : index
    %swap3A_66 = vector.load %arg5[%swap3A_63, %swap3A_64, %swap3A_65] : memref<8x576x128xf32, #tpu.memory_space<vmem>>, vector<1x64x128xf32>
    %swap3A_67 = vector.shape_cast %swap3A_66 : vector<1x64x128xf32> to vector<64x128xf32>
    %swap3A_68 = vector.shape_cast %transpose3A_62 : vector<64x128xf32> to vector<1x64x128xf32>
    tpu.vector_store %arg5[%swap3A_63, %swap3A_64, %swap3A_65], %swap3A_68 {strides = array<i32>} : memref<8x576x128xf32, #tpu.memory_space<vmem>>, vector<1x64x128xf32>,
    %get3A_69 = arith.constant 0 : index
    %get3A_70 = arith.constant 3 : index
    %get3A_71 = arith.constant 0 : index
    %get3A_72 = vector.load %arg2[%get3A_69, %get3A_70, %get3A_71] : memref<128x8x512xf32, #tpu.memory_space<vmem>>, vector<128x1x512xf32>
    %get3A_73 = vector.shape_cast %get3A_72 : vector<128x1x512xf32> to vector<128x512xf32>
    %transpose3A_74 = tpu.transpose %get3A_73, [1, 0] : vector<128x512xf32> -> vector<512x128xf32>
    %swap3A_75 = arith.constant 3 : index
    %swap3A_76 = arith.constant 0 : index
    %swap3A_77 = arith.constant 0 : index
    %swap3A_78 = vector.load %arg5[%swap3A_75, %swap3A_76, %swap3A_77] : memref<8x576x128xf32, #tpu.memory_space<vmem>>, vector<1x512x128xf32>
    %swap3A_79 = vector.shape_cast %swap3A_78 : vector<1x512x128xf32> to vector<512x128xf32>
    %swap3A_80 = vector.shape_cast %transpose3A_74 : vector<512x128xf32> to vector<1x512x128xf32>
    tpu.vector_store %arg5[%swap3A_75, %swap3A_76, %swap3A_77], %swap3A_80 {strides = array<i32>} : memref<8x576x128xf32, #tpu.memory_space<vmem>>, vector<1x512x128xf32>,
    %get3A_81 = arith.constant 0 : index
    %get3A_82 = arith.constant 3 : index
    %get3A_83 = arith.constant 0 : index
    %get3A_84 = vector.load %arg3[%get3A_81, %get3A_82, %get3A_83] : memref<128x8x128xf32, #tpu.memory_space<vmem>>, vector<128x1x64xf32>
    %get3A_85 = vector.shape_cast %get3A_84 : vector<128x1x64xf32> to vector<128x64xf32>
    %transpose3A_86 = tpu.transpose %get3A_85, [1, 0] : vector<128x64xf32> -> vector<64x128xf32>
    %swap3A_87 = arith.constant 3 : index
    %swap3A_88 = arith.constant 512 : index
    %swap3A_89 = arith.constant 0 : index
    %swap3A_90 = vector.load %arg5[%swap3A_87, %swap3A_88, %swap3A_89] : memref<8x576x128xf32, #tpu.memory_space<vmem>>, vector<1x64x128xf32>
    %swap3A_91 = vector.shape_cast %swap3A_90 : vector<1x64x128xf32> to vector<64x128xf32>
    %swap3A_92 = vector.shape_cast %transpose3A_86 : vector<64x128xf32> to vector<1x64x128xf32>
    tpu.vector_store %arg5[%swap3A_87, %swap3A_88, %swap3A_89], %swap3A_92 {strides = array<i32>} : memref<8x576x128xf32, #tpu.memory_space<vmem>>, vector<1x64x128xf32>,
    %get3A_93 = arith.constant 0 : index
    %get3A_94 = arith.constant 4 : index
    %get3A_95 = arith.constant 0 : index
    %get3A_96 = vector.load %arg2[%get3A_93, %get3A_94, %get3A_95] : memref<128x8x512xf32, #tpu.memory_space<vmem>>, vector<128x1x512xf32>
    %get3A_97 = vector.shape_cast %get3A_96 : vector<128x1x512xf32> to vector<128x512xf32>
    %transpose3A_98 = tpu.transpose %get3A_97, [1, 0] : vector<128x512xf32> -> vector<512x128xf32>
    %swap3A_99 = arith.constant 4 : index
    %swap3A_100 = arith.constant 0 : index
    %swap3A_101 = arith.constant 0 : index
    %swap3A_102 = vector.load %arg5[%swap3A_99, %swap3A_100, %swap3A_101] : memref<8x576x128xf32, #tpu.memory_space<vmem>>, vector<1x512x128xf32>
    %swap3A_103 = vector.shape_cast %swap3A_102 : vector<1x512x128xf32> to vector<512x128xf32>
    %swap3A_104 = vector.shape_cast %transpose3A_98 : vector<512x128xf32> to vector<1x512x128xf32>
    tpu.vector_store %arg5[%swap3A_99, %swap3A_100, %swap3A_101], %swap3A_104 {strides = array<i32>} : memref<8x576x128xf32, #tpu.memory_space<vmem>>, vector<1x512x128xf32>,
    %get3A_105 = arith.constant 0 : index
    %get3A_106 = arith.constant 4 : index
    %get3A_107 = arith.constant 0 : index
    %get3A_108 = vector.load %arg3[%get3A_105, %get3A_106, %get3A_107] : memref<128x8x128xf32, #tpu.memory_space<vmem>>, vector<128x1x64xf32>
    %get3A_109 = vector.shape_cast %get3A_108 : vector<128x1x64xf32> to vector<128x64xf32>
    %transpose3A_110 = tpu.transpose %get3A_109, [1, 0] : vector<128x64xf32> -> vector<64x128xf32>
    %swap3A_111 = arith.constant 4 : index
    %swap3A_112 = arith.constant 512 : index
    %swap3A_113 = arith.constant 0 : index
    %swap3A_114 = vector.load %arg5[%swap3A_111, %swap3A_112, %swap3A_113] : memref<8x576x128xf32, #tpu.memory_space<vmem>>, vector<1x64x128xf32>
    %swap3A_115 = vector.shape_cast %swap3A_114 : vector<1x64x128xf32> to vector<64x128xf32>
    %swap3A_116 = vector.shape_cast %transpose3A_110 : vector<64x128xf32> to vector<1x64x128xf32>
    tpu.vector_store %arg5[%swap3A_111, %swap3A_112, %swap3A_113], %swap3A_116 {strides = array<i32>} : memref<8x576x128xf32, #tpu.memory_space<vmem>>, vector<1x64x128xf32>,
    %get3A_117 = arith.constant 0 : index
    %get3A_118 = arith.constant 5 : index
    %get3A_119 = arith.constant 0 : index
    %get3A_120 = vector.load %arg2[%get3A_117, %get3A_118, %get3A_119] : memref<128x8x512xf32, #tpu.memory_space<vmem>>, vector<128x1x512xf32>
    %get3A_121 = vector.shape_cast %get3A_120 : vector<128x1x512xf32> to vector<128x512xf32>
    %transpose3A_122 = tpu.transpose %get3A_121, [1, 0] : vector<128x512xf32> -> vector<512x128xf32>
    %swap3A_123 = arith.constant 5 : index
    %swap3A_124 = arith.constant 0 : index
    %swap3A_125 = arith.constant 0 : index
    %swap3A_126 = vector.load %arg5[%swap3A_123, %swap3A_124, %swap3A_125] : memref<8x576x128xf32, #tpu.memory_space<vmem>>, vector<1x512x128xf32>
    %swap3A_127 = vector.shape_cast %swap3A_126 : vector<1x512x128xf32> to vector<512x128xf32>
    %swap3A_128 = vector.shape_cast %transpose3A_122 : vector<512x128xf32> to vector<1x512x128xf32>
    tpu.vector_store %arg5[%swap3A_123, %swap3A_124, %swap3A_125], %swap3A_128 {strides = array<i32>} : memref<8x576x128xf32, #tpu.memory_space<vmem>>, vector<1x512x128xf32>,
    %get3A_129 = arith.constant 0 : index
    %get3A_130 = arith.constant 5 : index
    %get3A_131 = arith.constant 0 : index
    %get3A_132 = vector.load %arg3[%get3A_129, %get3A_130, %get3A_131] : memref<128x8x128xf32, #tpu.memory_space<vmem>>, vector<128x1x64xf32>
    %get3A_133 = vector.shape_cast %get3A_132 : vector<128x1x64xf32> to vector<128x64xf32>
    %transpose3A_134 = tpu.transpose %get3A_133, [1, 0] : vector<128x64xf32> -> vector<64x128xf32>
    %swap3A_135 = arith.constant 5 : index
    %swap3A_136 = arith.constant 512 : index
    %swap3A_137 = arith.constant 0 : index
    %swap3A_138 = vector.load %arg5[%swap3A_135, %swap3A_136, %swap3A_137] : memref<8x576x128xf32, #tpu.memory_space<vmem>>, vector<1x64x128xf32>
    %swap3A_139 = vector.shape_cast %swap3A_138 : vector<1x64x128xf32> to vector<64x128xf32>
    %swap3A_140 = vector.shape_cast %transpose3A_134 : vector<64x128xf32> to vector<1x64x128xf32>
    tpu.vector_store %arg5[%swap3A_135, %swap3A_136, %swap3A_137], %swap3A_140 {strides = array<i32>} : memref<8x576x128xf32, #tpu.memory_space<vmem>>, vector<1x64x128xf32>,
    %get3A_141 = arith.constant 0 : index
    %get3A_142 = arith.constant 6 : index
    %get3A_143 = arith.constant 0 : index
    %get3A_144 = vector.load %arg2[%get3A_141, %get3A_142, %get3A_143] : memref<128x8x512xf32, #tpu.memory_space<vmem>>, vector<128x1x512xf32>
    %get3A_145 = vector.shape_cast %get3A_144 : vector<128x1x512xf32> to vector<128x512xf32>
    %transpose3A_146 = tpu.transpose %get3A_145, [1, 0] : vector<128x512xf32> -> vector<512x128xf32>
    %swap3A_147 = arith.constant 6 : index
    %swap3A_148 = arith.constant 0 : index
    %swap3A_149 = arith.constant 0 : index
    %swap3A_150 = vector.load %arg5[%swap3A_147, %swap3A_148, %swap3A_149] : memref<8x576x128xf32, #tpu.memory_space<vmem>>, vector<1x512x128xf32>
    %swap3A_151 = vector.shape_cast %swap3A_150 : vector<1x512x128xf32> to vector<512x128xf32>
    %swap3A_152 = vector.shape_cast %transpose3A_146 : vector<512x128xf32> to vector<1x512x128xf32>
    tpu.vector_store %arg5[%swap3A_147, %swap3A_148, %swap3A_149], %swap3A_152 {strides = array<i32>} : memref<8x576x128xf32, #tpu.memory_space<vmem>>, vector<1x512x128xf32>,
    %get3A_153 = arith.constant 0 : index
    %get3A_154 = arith.constant 6 : index
    %get3A_155 = arith.constant 0 : index
    %get3A_156 = vector.load %arg3[%get3A_153, %get3A_154, %get3A_155] : memref<128x8x128xf32, #tpu.memory_space<vmem>>, vector<128x1x64xf32>
    %get3A_157 = vector.shape_cast %get3A_156 : vector<128x1x64xf32> to vector<128x64xf32>
    %transpose3A_158 = tpu.transpose %get3A_157, [1, 0] : vector<128x64xf32> -> vector<64x128xf32>
    %swap3A_159 = arith.constant 6 : index
    %swap3A_160 = arith.constant 512 : index
    %swap3A_161 = arith.constant 0 : index
    %swap3A_162 = vector.load %arg5[%swap3A_159, %swap3A_160, %swap3A_161] : memref<8x576x128xf32, #tpu.memory_space<vmem>>, vector<1x64x128xf32>
    %swap3A_163 = vector.shape_cast %swap3A_162 : vector<1x64x128xf32> to vector<64x128xf32>
    %swap3A_164 = vector.shape_cast %transpose3A_158 : vector<64x128xf32> to vector<1x64x128xf32>
    tpu.vector_store %arg5[%swap3A_159, %swap3A_160, %swap3A_161], %swap3A_164 {strides = array<i32>} : memref<8x576x128xf32, #tpu.memory_space<vmem>>, vector<1x64x128xf32>,
    %get3A_165 = arith.constant 0 : index
    %get3A_166 = arith.constant 7 : index
    %get3A_167 = arith.constant 0 : index
    %get3A_168 = vector.load %arg2[%get3A_165, %get3A_166, %get3A_167] : memref<128x8x512xf32, #tpu.memory_space<vmem>>, vector<128x1x512xf32>
    %get3A_169 = vector.shape_cast %get3A_168 : vector<128x1x512xf32> to vector<128x512xf32>
    %transpose3A_170 = tpu.transpose %get3A_169, [1, 0] : vector<128x512xf32> -> vector<512x128xf32>
    %swap3A_171 = arith.constant 7 : index
    %swap3A_172 = arith.constant 0 : index
    %swap3A_173 = arith.constant 0 : index
    %swap3A_174 = vector.load %arg5[%swap3A_171, %swap3A_172, %swap3A_173] : memref<8x576x128xf32, #tpu.memory_space<vmem>>, vector<1x512x128xf32>
    %swap3A_175 = vector.shape_cast %swap3A_174 : vector<1x512x128xf32> to vector<512x128xf32>
    %swap3A_176 = vector.shape_cast %transpose3A_170 : vector<512x128xf32> to vector<1x512x128xf32>
    tpu.vector_store %arg5[%swap3A_171, %swap3A_172, %swap3A_173], %swap3A_176 {strides = array<i32>} : memref<8x576x128xf32, #tpu.memory_space<vmem>>, vector<1x512x128xf32>,
    %get3A_177 = arith.constant 0 : index
    %get3A_178 = arith.constant 7 : index
    %get3A_179 = arith.constant 0 : index
    %get3A_180 = vector.load %arg3[%get3A_177, %get3A_178, %get3A_179] : memref<128x8x128xf32, #tpu.memory_space<vmem>>, vector<128x1x64xf32>
    %get3A_181 = vector.shape_cast %get3A_180 : vector<128x1x64xf32> to vector<128x64xf32>
    %transpose3A_182 = tpu.transpose %get3A_181, [1, 0] : vector<128x64xf32> -> vector<64x128xf32>
    %swap3A_183 = arith.constant 7 : index
    %swap3A_184 = arith.constant 512 : index
    %swap3A_185 = arith.constant 0 : index
    %swap3A_186 = vector.load %arg5[%swap3A_183, %swap3A_184, %swap3A_185] : memref<8x576x128xf32, #tpu.memory_space<vmem>>, vector<1x64x128xf32>
    %swap3A_187 = vector.shape_cast %swap3A_186 : vector<1x64x128xf32> to vector<64x128xf32>
    %swap3A_188 = vector.shape_cast %transpose3A_182 : vector<64x128xf32> to vector<1x64x128xf32>
    tpu.vector_store %arg5[%swap3A_183, %swap3A_184, %swap3A_185], %swap3A_188 {strides = array<i32>} : memref<8x576x128xf32, #tpu.memory_space<vmem>>, vector<1x64x128xf32>,
    return
  }
  func.func @transform_0(%arg0: i32, %arg1: i32) -> (i32, i32, i32) {
    %c0_i32 = arith.constant 0 : i32
    %c0_i32_0 = arith.constant 0 : i32
    return %arg1, %arg0, %c0_i32 : i32, i32, i32
  }
  func.func @transform_1(%arg0: i32, %arg1: i32) -> (i32, i32, i32) {
    %c0_i32 = arith.constant 0 : i32
    %c0_i32_0 = arith.constant 0 : i32
    return %arg1, %arg0, %c0_i32 : i32, i32, i32
  }
  func.func @transform_3(%arg0: i32, %arg1: i32) -> (i32, i32, i32) {
    %add3A = arith.constant 6 : i32
    %add3A_0 = arith.addi %arg0, %add3A : i32
    %c0_i32 = arith.constant 0 : i32
    %c0_i32_1 = arith.constant 0 : i32
    return %add3A_0, %c0_i32, %arg1 : i32, i32, i32
  }
}

module attributes {stable_mosaic.version = 14 : i64} {
  func.func @_transpose_body(%arg0: i32, %arg1: i32, %arg2: memref<128x8x512xf32, #tpu.memory_space<vmem>>, %arg3: memref<128x8x128xf32, #tpu.memory_space<vmem>>, %arg4: memref<8x576x128xf32, #tpu.memory_space<vmem>>) attributes {dimension_semantics = [#tpu.dimension_semantics<arbitrary>, #tpu.dimension_semantics<arbitrary>], iteration_bounds = array<i64: 6, 8>, scalar_prefetch = 0 : i64, scratch_operands = 0 : i64, tpu.core_type = #tpu.core_type<tc>, window_params = [{transform_indices = @transform_0, window_bounds = array<i64: 128, 8, 512>}, {transform_indices = @transform_1, window_bounds = array<i64: 128, 8, 128>}, {transform_indices = @transform_2, window_bounds = array<i64: 8, 576, 128>}]} {
    %get3A = arith.constant 0 : index
    %get3A_0 = arith.constant 0 : index
    %get3A_1 = arith.constant 0 : index
    %get3A_2 = vector.load %arg2[%get3A, %get3A_0, %get3A_1] : memref<128x8x512xf32, #tpu.memory_space<vmem>>, vector<128x1x512xf32>
    %get3A_3 = vector.shape_cast %get3A_2 : vector<128x1x512xf32> to vector<128x512xf32>
    %transpose3A = tpu.transpose %get3A_3, [1, 0] : vector<128x512xf32> -> vector<512x128xf32>
    %swap3A = arith.constant 0 : index
    %swap3A_4 = arith.constant 0 : index
    %swap3A_5 = arith.constant 0 : index
    %swap3A_6 = vector.load %arg4[%swap3A, %swap3A_4, %swap3A_5] : memref<8x576x128xf32, #tpu.memory_space<vmem>>, vector<1x512x128xf32>
    %swap3A_7 = vector.shape_cast %swap3A_6 : vector<1x512x128xf32> to vector<512x128xf32>
    %swap3A_8 = vector.shape_cast %transpose3A : vector<512x128xf32> to vector<1x512x128xf32>
    tpu.vector_store %arg4[%swap3A, %swap3A_4, %swap3A_5], %swap3A_8 {strides = array<i32>} : memref<8x576x128xf32, #tpu.memory_space<vmem>>, vector<1x512x128xf32>,
    %get3A_9 = arith.constant 0 : index
    %get3A_10 = arith.constant 0 : index
    %get3A_11 = arith.constant 0 : index
    %get3A_12 = vector.load %arg3[%get3A_9, %get3A_10, %get3A_11] : memref<128x8x128xf32, #tpu.memory_space<vmem>>, vector<128x1x64xf32>
    %get3A_13 = vector.shape_cast %get3A_12 : vector<128x1x64xf32> to vector<128x64xf32>
    %transpose3A_14 = tpu.transpose %get3A_13, [1, 0] : vector<128x64xf32> -> vector<64x128xf32>
    %swap3A_15 = arith.constant 0 : index
    %swap3A_16 = arith.constant 512 : index
    %swap3A_17 = arith.constant 0 : index
    %swap3A_18 = vector.load %arg4[%swap3A_15, %swap3A_16, %swap3A_17] : memref<8x576x128xf32, #tpu.memory_space<vmem>>, vector<1x64x128xf32>
    %swap3A_19 = vector.shape_cast %swap3A_18 : vector<1x64x128xf32> to vector<64x128xf32>
    %swap3A_20 = vector.shape_cast %transpose3A_14 : vector<64x128xf32> to vector<1x64x128xf32>
    tpu.vector_store %arg4[%swap3A_15, %swap3A_16, %swap3A_17], %swap3A_20 {strides = array<i32>} : memref<8x576x128xf32, #tpu.memory_space<vmem>>, vector<1x64x128xf32>,
    %get3A_21 = arith.constant 0 : index
    %get3A_22 = arith.constant 1 : index
    %get3A_23 = arith.constant 0 : index
    %get3A_24 = vector.load %arg2[%get3A_21, %get3A_22, %get3A_23] : memref<128x8x512xf32, #tpu.memory_space<vmem>>, vector<128x1x512xf32>
    %get3A_25 = vector.shape_cast %get3A_24 : vector<128x1x512xf32> to vector<128x512xf32>
    %transpose3A_26 = tpu.transpose %get3A_25, [1, 0] : vector<128x512xf32> -> vector<512x128xf32>
    %swap3A_27 = arith.constant 1 : index
    %swap3A_28 = arith.constant 0 : index
    %swap3A_29 = arith.constant 0 : index
    %swap3A_30 = vector.load %arg4[%swap3A_27, %swap3A_28, %swap3A_29] : memref<8x576x128xf32, #tpu.memory_space<vmem>>, vector<1x512x128xf32>
    %swap3A_31 = vector.shape_cast %swap3A_30 : vector<1x512x128xf32> to vector<512x128xf32>
    %swap3A_32 = vector.shape_cast %transpose3A_26 : vector<512x128xf32> to vector<1x512x128xf32>
    tpu.vector_store %arg4[%swap3A_27, %swap3A_28, %swap3A_29], %swap3A_32 {strides = array<i32>} : memref<8x576x128xf32, #tpu.memory_space<vmem>>, vector<1x512x128xf32>,
    %get3A_33 = arith.constant 0 : index
    %get3A_34 = arith.constant 1 : index
    %get3A_35 = arith.constant 0 : index
    %get3A_36 = vector.load %arg3[%get3A_33, %get3A_34, %get3A_35] : memref<128x8x128xf32, #tpu.memory_space<vmem>>, vector<128x1x64xf32>
    %get3A_37 = vector.shape_cast %get3A_36 : vector<128x1x64xf32> to vector<128x64xf32>
    %transpose3A_38 = tpu.transpose %get3A_37, [1, 0] : vector<128x64xf32> -> vector<64x128xf32>
    %swap3A_39 = arith.constant 1 : index
    %swap3A_40 = arith.constant 512 : index
    %swap3A_41 = arith.constant 0 : index
    %swap3A_42 = vector.load %arg4[%swap3A_39, %swap3A_40, %swap3A_41] : memref<8x576x128xf32, #tpu.memory_space<vmem>>, vector<1x64x128xf32>
    %swap3A_43 = vector.shape_cast %swap3A_42 : vector<1x64x128xf32> to vector<64x128xf32>
    %swap3A_44 = vector.shape_cast %transpose3A_38 : vector<64x128xf32> to vector<1x64x128xf32>
    tpu.vector_store %arg4[%swap3A_39, %swap3A_40, %swap3A_41], %swap3A_44 {strides = array<i32>} : memref<8x576x128xf32, #tpu.memory_space<vmem>>, vector<1x64x128xf32>,
    %get3A_45 = arith.constant 0 : index
    %get3A_46 = arith.constant 2 : index
    %get3A_47 = arith.constant 0 : index
    %get3A_48 = vector.load %arg2[%get3A_45, %get3A_46, %get3A_47] : memref<128x8x512xf32, #tpu.memory_space<vmem>>, vector<128x1x512xf32>
    %get3A_49 = vector.shape_cast %get3A_48 : vector<128x1x512xf32> to vector<128x512xf32>
    %transpose3A_50 = tpu.transpose %get3A_49, [1, 0] : vector<128x512xf32> -> vector<512x128xf32>
    %swap3A_51 = arith.constant 2 : index
    %swap3A_52 = arith.constant 0 : index
    %swap3A_53 = arith.constant 0 : index
    %swap3A_54 = vector.load %arg4[%swap3A_51, %swap3A_52, %swap3A_53] : memref<8x576x128xf32, #tpu.memory_space<vmem>>, vector<1x512x128xf32>
    %swap3A_55 = vector.shape_cast %swap3A_54 : vector<1x512x128xf32> to vector<512x128xf32>
    %swap3A_56 = vector.shape_cast %transpose3A_50 : vector<512x128xf32> to vector<1x512x128xf32>
    tpu.vector_store %arg4[%swap3A_51, %swap3A_52, %swap3A_53], %swap3A_56 {strides = array<i32>} : memref<8x576x128xf32, #tpu.memory_space<vmem>>, vector<1x512x128xf32>,
    %get3A_57 = arith.constant 0 : index
    %get3A_58 = arith.constant 2 : index
    %get3A_59 = arith.constant 0 : index
    %get3A_60 = vector.load %arg3[%get3A_57, %get3A_58, %get3A_59] : memref<128x8x128xf32, #tpu.memory_space<vmem>>, vector<128x1x64xf32>
    %get3A_61 = vector.shape_cast %get3A_60 : vector<128x1x64xf32> to vector<128x64xf32>
    %transpose3A_62 = tpu.transpose %get3A_61, [1, 0] : vector<128x64xf32> -> vector<64x128xf32>
    %swap3A_63 = arith.constant 2 : index
    %swap3A_64 = arith.constant 512 : index
    %swap3A_65 = arith.constant 0 : index
    %swap3A_66 = vector.load %arg4[%swap3A_63, %swap3A_64, %swap3A_65] : memref<8x576x128xf32, #tpu.memory_space<vmem>>, vector<1x64x128xf32>
    %swap3A_67 = vector.shape_cast %swap3A_66 : vector<1x64x128xf32> to vector<64x128xf32>
    %swap3A_68 = vector.shape_cast %transpose3A_62 : vector<64x128xf32> to vector<1x64x128xf32>
    tpu.vector_store %arg4[%swap3A_63, %swap3A_64, %swap3A_65], %swap3A_68 {strides = array<i32>} : memref<8x576x128xf32, #tpu.memory_space<vmem>>, vector<1x64x128xf32>,
    %get3A_69 = arith.constant 0 : index
    %get3A_70 = arith.constant 3 : index
    %get3A_71 = arith.constant 0 : index
    %get3A_72 = vector.load %arg2[%get3A_69, %get3A_70, %get3A_71] : memref<128x8x512xf32, #tpu.memory_space<vmem>>, vector<128x1x512xf32>
    %get3A_73 = vector.shape_cast %get3A_72 : vector<128x1x512xf32> to vector<128x512xf32>
    %transpose3A_74 = tpu.transpose %get3A_73, [1, 0] : vector<128x512xf32> -> vector<512x128xf32>
    %swap3A_75 = arith.constant 3 : index
    %swap3A_76 = arith.constant 0 : index
    %swap3A_77 = arith.constant 0 : index
    %swap3A_78 = vector.load %arg4[%swap3A_75, %swap3A_76, %swap3A_77] : memref<8x576x128xf32, #tpu.memory_space<vmem>>, vector<1x512x128xf32>
    %swap3A_79 = vector.shape_cast %swap3A_78 : vector<1x512x128xf32> to vector<512x128xf32>
    %swap3A_80 = vector.shape_cast %transpose3A_74 : vector<512x128xf32> to vector<1x512x128xf32>
    tpu.vector_store %arg4[%swap3A_75, %swap3A_76, %swap3A_77], %swap3A_80 {strides = array<i32>} : memref<8x576x128xf32, #tpu.memory_space<vmem>>, vector<1x512x128xf32>,
    %get3A_81 = arith.constant 0 : index
    %get3A_82 = arith.constant 3 : index
    %get3A_83 = arith.constant 0 : index
    %get3A_84 = vector.load %arg3[%get3A_81, %get3A_82, %get3A_83] : memref<128x8x128xf32, #tpu.memory_space<vmem>>, vector<128x1x64xf32>
    %get3A_85 = vector.shape_cast %get3A_84 : vector<128x1x64xf32> to vector<128x64xf32>
    %transpose3A_86 = tpu.transpose %get3A_85, [1, 0] : vector<128x64xf32> -> vector<64x128xf32>
    %swap3A_87 = arith.constant 3 : index
    %swap3A_88 = arith.constant 512 : index
    %swap3A_89 = arith.constant 0 : index
    %swap3A_90 = vector.load %arg4[%swap3A_87, %swap3A_88, %swap3A_89] : memref<8x576x128xf32, #tpu.memory_space<vmem>>, vector<1x64x128xf32>
    %swap3A_91 = vector.shape_cast %swap3A_90 : vector<1x64x128xf32> to vector<64x128xf32>
    %swap3A_92 = vector.shape_cast %transpose3A_86 : vector<64x128xf32> to vector<1x64x128xf32>
    tpu.vector_store %arg4[%swap3A_87, %swap3A_88, %swap3A_89], %swap3A_92 {strides = array<i32>} : memref<8x576x128xf32, #tpu.memory_space<vmem>>, vector<1x64x128xf32>,
    %get3A_93 = arith.constant 0 : index
    %get3A_94 = arith.constant 4 : index
    %get3A_95 = arith.constant 0 : index
    %get3A_96 = vector.load %arg2[%get3A_93, %get3A_94, %get3A_95] : memref<128x8x512xf32, #tpu.memory_space<vmem>>, vector<128x1x512xf32>
    %get3A_97 = vector.shape_cast %get3A_96 : vector<128x1x512xf32> to vector<128x512xf32>
    %transpose3A_98 = tpu.transpose %get3A_97, [1, 0] : vector<128x512xf32> -> vector<512x128xf32>
    %swap3A_99 = arith.constant 4 : index
    %swap3A_100 = arith.constant 0 : index
    %swap3A_101 = arith.constant 0 : index
    %swap3A_102 = vector.load %arg4[%swap3A_99, %swap3A_100, %swap3A_101] : memref<8x576x128xf32, #tpu.memory_space<vmem>>, vector<1x512x128xf32>
    %swap3A_103 = vector.shape_cast %swap3A_102 : vector<1x512x128xf32> to vector<512x128xf32>
    %swap3A_104 = vector.shape_cast %transpose3A_98 : vector<512x128xf32> to vector<1x512x128xf32>
    tpu.vector_store %arg4[%swap3A_99, %swap3A_100, %swap3A_101], %swap3A_104 {strides = array<i32>} : memref<8x576x128xf32, #tpu.memory_space<vmem>>, vector<1x512x128xf32>,
    %get3A_105 = arith.constant 0 : index
    %get3A_106 = arith.constant 4 : index
    %get3A_107 = arith.constant 0 : index
    %get3A_108 = vector.load %arg3[%get3A_105, %get3A_106, %get3A_107] : memref<128x8x128xf32, #tpu.memory_space<vmem>>, vector<128x1x64xf32>
    %get3A_109 = vector.shape_cast %get3A_108 : vector<128x1x64xf32> to vector<128x64xf32>
    %transpose3A_110 = tpu.transpose %get3A_109, [1, 0] : vector<128x64xf32> -> vector<64x128xf32>
    %swap3A_111 = arith.constant 4 : index
    %swap3A_112 = arith.constant 512 : index
    %swap3A_113 = arith.constant 0 : index
    %swap3A_114 = vector.load %arg4[%swap3A_111, %swap3A_112, %swap3A_113] : memref<8x576x128xf32, #tpu.memory_space<vmem>>, vector<1x64x128xf32>
    %swap3A_115 = vector.shape_cast %swap3A_114 : vector<1x64x128xf32> to vector<64x128xf32>
    %swap3A_116 = vector.shape_cast %transpose3A_110 : vector<64x128xf32> to vector<1x64x128xf32>
    tpu.vector_store %arg4[%swap3A_111, %swap3A_112, %swap3A_113], %swap3A_116 {strides = array<i32>} : memref<8x576x128xf32, #tpu.memory_space<vmem>>, vector<1x64x128xf32>,
    %get3A_117 = arith.constant 0 : index
    %get3A_118 = arith.constant 5 : index
    %get3A_119 = arith.constant 0 : index
    %get3A_120 = vector.load %arg2[%get3A_117, %get3A_118, %get3A_119] : memref<128x8x512xf32, #tpu.memory_space<vmem>>, vector<128x1x512xf32>
    %get3A_121 = vector.shape_cast %get3A_120 : vector<128x1x512xf32> to vector<128x512xf32>
    %transpose3A_122 = tpu.transpose %get3A_121, [1, 0] : vector<128x512xf32> -> vector<512x128xf32>
    %swap3A_123 = arith.constant 5 : index
    %swap3A_124 = arith.constant 0 : index
    %swap3A_125 = arith.constant 0 : index
    %swap3A_126 = vector.load %arg4[%swap3A_123, %swap3A_124, %swap3A_125] : memref<8x576x128xf32, #tpu.memory_space<vmem>>, vector<1x512x128xf32>
    %swap3A_127 = vector.shape_cast %swap3A_126 : vector<1x512x128xf32> to vector<512x128xf32>
    %swap3A_128 = vector.shape_cast %transpose3A_122 : vector<512x128xf32> to vector<1x512x128xf32>
    tpu.vector_store %arg4[%swap3A_123, %swap3A_124, %swap3A_125], %swap3A_128 {strides = array<i32>} : memref<8x576x128xf32, #tpu.memory_space<vmem>>, vector<1x512x128xf32>,
    %get3A_129 = arith.constant 0 : index
    %get3A_130 = arith.constant 5 : index
    %get3A_131 = arith.constant 0 : index
    %get3A_132 = vector.load %arg3[%get3A_129, %get3A_130, %get3A_131] : memref<128x8x128xf32, #tpu.memory_space<vmem>>, vector<128x1x64xf32>
    %get3A_133 = vector.shape_cast %get3A_132 : vector<128x1x64xf32> to vector<128x64xf32>
    %transpose3A_134 = tpu.transpose %get3A_133, [1, 0] : vector<128x64xf32> -> vector<64x128xf32>
    %swap3A_135 = arith.constant 5 : index
    %swap3A_136 = arith.constant 512 : index
    %swap3A_137 = arith.constant 0 : index
    %swap3A_138 = vector.load %arg4[%swap3A_135, %swap3A_136, %swap3A_137] : memref<8x576x128xf32, #tpu.memory_space<vmem>>, vector<1x64x128xf32>
    %swap3A_139 = vector.shape_cast %swap3A_138 : vector<1x64x128xf32> to vector<64x128xf32>
    %swap3A_140 = vector.shape_cast %transpose3A_134 : vector<64x128xf32> to vector<1x64x128xf32>
    tpu.vector_store %arg4[%swap3A_135, %swap3A_136, %swap3A_137], %swap3A_140 {strides = array<i32>} : memref<8x576x128xf32, #tpu.memory_space<vmem>>, vector<1x64x128xf32>,
    %get3A_141 = arith.constant 0 : index
    %get3A_142 = arith.constant 6 : index
    %get3A_143 = arith.constant 0 : index
    %get3A_144 = vector.load %arg2[%get3A_141, %get3A_142, %get3A_143] : memref<128x8x512xf32, #tpu.memory_space<vmem>>, vector<128x1x512xf32>
    %get3A_145 = vector.shape_cast %get3A_144 : vector<128x1x512xf32> to vector<128x512xf32>
    %transpose3A_146 = tpu.transpose %get3A_145, [1, 0] : vector<128x512xf32> -> vector<512x128xf32>
    %swap3A_147 = arith.constant 6 : index
    %swap3A_148 = arith.constant 0 : index
    %swap3A_149 = arith.constant 0 : index
    %swap3A_150 = vector.load %arg4[%swap3A_147, %swap3A_148, %swap3A_149] : memref<8x576x128xf32, #tpu.memory_space<vmem>>, vector<1x512x128xf32>
    %swap3A_151 = vector.shape_cast %swap3A_150 : vector<1x512x128xf32> to vector<512x128xf32>
    %swap3A_152 = vector.shape_cast %transpose3A_146 : vector<512x128xf32> to vector<1x512x128xf32>
    tpu.vector_store %arg4[%swap3A_147, %swap3A_148, %swap3A_149], %swap3A_152 {strides = array<i32>} : memref<8x576x128xf32, #tpu.memory_space<vmem>>, vector<1x512x128xf32>,
    %get3A_153 = arith.constant 0 : index
    %get3A_154 = arith.constant 6 : index
    %get3A_155 = arith.constant 0 : index
    %get3A_156 = vector.load %arg3[%get3A_153, %get3A_154, %get3A_155] : memref<128x8x128xf32, #tpu.memory_space<vmem>>, vector<128x1x64xf32>
    %get3A_157 = vector.shape_cast %get3A_156 : vector<128x1x64xf32> to vector<128x64xf32>
    %transpose3A_158 = tpu.transpose %get3A_157, [1, 0] : vector<128x64xf32> -> vector<64x128xf32>
    %swap3A_159 = arith.constant 6 : index
    %swap3A_160 = arith.constant 512 : index
    %swap3A_161 = arith.constant 0 : index
    %swap3A_162 = vector.load %arg4[%swap3A_159, %swap3A_160, %swap3A_161] : memref<8x576x128xf32, #tpu.memory_space<vmem>>, vector<1x64x128xf32>
    %swap3A_163 = vector.shape_cast %swap3A_162 : vector<1x64x128xf32> to vector<64x128xf32>
    %swap3A_164 = vector.shape_cast %transpose3A_158 : vector<64x128xf32> to vector<1x64x128xf32>
    tpu.vector_store %arg4[%swap3A_159, %swap3A_160, %swap3A_161], %swap3A_164 {strides = array<i32>} : memref<8x576x128xf32, #tpu.memory_space<vmem>>, vector<1x64x128xf32>,
    %get3A_165 = arith.constant 0 : index
    %get3A_166 = arith.constant 7 : index
    %get3A_167 = arith.constant 0 : index
    %get3A_168 = vector.load %arg2[%get3A_165, %get3A_166, %get3A_167] : memref<128x8x512xf32, #tpu.memory_space<vmem>>, vector<128x1x512xf32>
    %get3A_169 = vector.shape_cast %get3A_168 : vector<128x1x512xf32> to vector<128x512xf32>
    %transpose3A_170 = tpu.transpose %get3A_169, [1, 0] : vector<128x512xf32> -> vector<512x128xf32>
    %swap3A_171 = arith.constant 7 : index
    %swap3A_172 = arith.constant 0 : index
    %swap3A_173 = arith.constant 0 : index
    %swap3A_174 = vector.load %arg4[%swap3A_171, %swap3A_172, %swap3A_173] : memref<8x576x128xf32, #tpu.memory_space<vmem>>, vector<1x512x128xf32>
    %swap3A_175 = vector.shape_cast %swap3A_174 : vector<1x512x128xf32> to vector<512x128xf32>
    %swap3A_176 = vector.shape_cast %transpose3A_170 : vector<512x128xf32> to vector<1x512x128xf32>
    tpu.vector_store %arg4[%swap3A_171, %swap3A_172, %swap3A_173], %swap3A_176 {strides = array<i32>} : memref<8x576x128xf32, #tpu.memory_space<vmem>>, vector<1x512x128xf32>,
    %get3A_177 = arith.constant 0 : index
    %get3A_178 = arith.constant 7 : index
    %get3A_179 = arith.constant 0 : index
    %get3A_180 = vector.load %arg3[%get3A_177, %get3A_178, %get3A_179] : memref<128x8x128xf32, #tpu.memory_space<vmem>>, vector<128x1x64xf32>
    %get3A_181 = vector.shape_cast %get3A_180 : vector<128x1x64xf32> to vector<128x64xf32>
    %transpose3A_182 = tpu.transpose %get3A_181, [1, 0] : vector<128x64xf32> -> vector<64x128xf32>
    %swap3A_183 = arith.constant 7 : index
    %swap3A_184 = arith.constant 512 : index
    %swap3A_185 = arith.constant 0 : index
    %swap3A_186 = vector.load %arg4[%swap3A_183, %swap3A_184, %swap3A_185] : memref<8x576x128xf32, #tpu.memory_space<vmem>>, vector<1x64x128xf32>
    %swap3A_187 = vector.shape_cast %swap3A_186 : vector<1x64x128xf32> to vector<64x128xf32>
    %swap3A_188 = vector.shape_cast %transpose3A_182 : vector<64x128xf32> to vector<1x64x128xf32>
    tpu.vector_store %arg4[%swap3A_183, %swap3A_184, %swap3A_185], %swap3A_188 {strides = array<i32>} : memref<8x576x128xf32, #tpu.memory_space<vmem>>, vector<1x64x128xf32>,
    return
  }
  func.func @transform_0(%arg0: i32, %arg1: i32) -> (i32, i32, i32) {
    %c0_i32 = arith.constant 0 : i32
    %c0_i32_0 = arith.constant 0 : i32
    return %arg1, %arg0, %c0_i32 : i32, i32, i32
  }
  func.func @transform_1(%arg0: i32, %arg1: i32) -> (i32, i32, i32) {
    %c0_i32 = arith.constant 0 : i32
    %c0_i32_0 = arith.constant 0 : i32
    return %arg1, %arg0, %c0_i32 : i32, i32, i32
  }
  func.func @transform_2(%arg0: i32, %arg1: i32) -> (i32, i32, i32) {
    %add3A = arith.constant 0 : i32
    %add3A_0 = arith.addi %arg0, %add3A : i32
    %c0_i32 = arith.constant 0 : i32
    %c0_i32_1 = arith.constant 0 : i32
    return %add3A_0, %c0_i32, %arg1 : i32, i32, i32
  }
}

module attributes {stable_mosaic.version = 14 : i64} {
  func.func @_transpose_body2(%arg0: i32, %arg1: i32, %arg2: memref<128x8x512xf32, #tpu.memory_space<vmem>>, %arg3: memref<128x8x128xf32, #tpu.memory_space<vmem>>, %arg4: memref<200x576x1024xf32, #tpu.memory_space<any>>, %arg5: memref<8x576x128xf32, #tpu.memory_space<vmem>>) attributes {dimension_semantics = [#tpu.dimension_semantics<arbitrary>, #tpu.dimension_semantics<arbitrary>], iteration_bounds = array<i64: 6, 8>, scalar_prefetch = 0 : i64, scratch_operands = 0 : i64, tpu.core_type = #tpu.core_type<tc>, window_params = [{transform_indices = @transform_0, window_bounds = array<i64: 128, 8, 512>}, {transform_indices = @transform_1, window_bounds = array<i64: 128, 8, 128>}, {}, {transform_indices = @transform_3, window_bounds = array<i64: 8, 576, 128>}]} {
    %get3A = arith.constant 0 : index
    %get3A_0 = arith.constant 0 : index
    %get3A_1 = arith.constant 0 : index
    %get3A_2 = vector.load %arg2[%get3A, %get3A_0, %get3A_1] : memref<128x8x512xf32, #tpu.memory_space<vmem>>, vector<128x1x512xf32>
    %get3A_3 = vector.shape_cast %get3A_2 : vector<128x1x512xf32> to vector<128x512xf32>
    %transpose3A = tpu.transpose %get3A_3, [1, 0] : vector<128x512xf32> -> vector<512x128xf32>
    %swap3A = arith.constant 0 : index
    %swap3A_4 = arith.constant 0 : index
    %swap3A_5 = arith.constant 0 : index
    %swap3A_6 = vector.load %arg5[%swap3A, %swap3A_4, %swap3A_5] : memref<8x576x128xf32, #tpu.memory_space<vmem>>, vector<1x512x128xf32>
    %swap3A_7 = vector.shape_cast %swap3A_6 : vector<1x512x128xf32> to vector<512x128xf32>
    %swap3A_8 = vector.shape_cast %transpose3A : vector<512x128xf32> to vector<1x512x128xf32>
    tpu.vector_store %arg5[%swap3A, %swap3A_4, %swap3A_5], %swap3A_8 {strides = array<i32>} : memref<8x576x128xf32, #tpu.memory_space<vmem>>, vector<1x512x128xf32>,
    %get3A_9 = arith.constant 0 : index
    %get3A_10 = arith.constant 0 : index
    %get3A_11 = arith.constant 0 : index
    %get3A_12 = vector.load %arg3[%get3A_9, %get3A_10, %get3A_11] : memref<128x8x128xf32, #tpu.memory_space<vmem>>, vector<128x1x64xf32>
    %get3A_13 = vector.shape_cast %get3A_12 : vector<128x1x64xf32> to vector<128x64xf32>
    %transpose3A_14 = tpu.transpose %get3A_13, [1, 0] : vector<128x64xf32> -> vector<64x128xf32>
    %swap3A_15 = arith.constant 0 : index
    %swap3A_16 = arith.constant 512 : index
    %swap3A_17 = arith.constant 0 : index
    %swap3A_18 = vector.load %arg5[%swap3A_15, %swap3A_16, %swap3A_17] : memref<8x576x128xf32, #tpu.memory_space<vmem>>, vector<1x64x128xf32>
    %swap3A_19 = vector.shape_cast %swap3A_18 : vector<1x64x128xf32> to vector<64x128xf32>
    %swap3A_20 = vector.shape_cast %transpose3A_14 : vector<64x128xf32> to vector<1x64x128xf32>
    tpu.vector_store %arg5[%swap3A_15, %swap3A_16, %swap3A_17], %swap3A_20 {strides = array<i32>} : memref<8x576x128xf32, #tpu.memory_space<vmem>>, vector<1x64x128xf32>,
    %get3A_21 = arith.constant 0 : index
    %get3A_22 = arith.constant 1 : index
    %get3A_23 = arith.constant 0 : index
    %get3A_24 = vector.load %arg2[%get3A_21, %get3A_22, %get3A_23] : memref<128x8x512xf32, #tpu.memory_space<vmem>>, vector<128x1x512xf32>
    %get3A_25 = vector.shape_cast %get3A_24 : vector<128x1x512xf32> to vector<128x512xf32>
    %transpose3A_26 = tpu.transpose %get3A_25, [1, 0] : vector<128x512xf32> -> vector<512x128xf32>
    %swap3A_27 = arith.constant 1 : index
    %swap3A_28 = arith.constant 0 : index
    %swap3A_29 = arith.constant 0 : index
    %swap3A_30 = vector.load %arg5[%swap3A_27, %swap3A_28, %swap3A_29] : memref<8x576x128xf32, #tpu.memory_space<vmem>>, vector<1x512x128xf32>
    %swap3A_31 = vector.shape_cast %swap3A_30 : vector<1x512x128xf32> to vector<512x128xf32>
    %swap3A_32 = vector.shape_cast %transpose3A_26 : vector<512x128xf32> to vector<1x512x128xf32>
    tpu.vector_store %arg5[%swap3A_27, %swap3A_28, %swap3A_29], %swap3A_32 {strides = array<i32>} : memref<8x576x128xf32, #tpu.memory_space<vmem>>, vector<1x512x128xf32>,
    %get3A_33 = arith.constant 0 : index
    %get3A_34 = arith.constant 1 : index
    %get3A_35 = arith.constant 0 : index
    %get3A_36 = vector.load %arg3[%get3A_33, %get3A_34, %get3A_35] : memref<128x8x128xf32, #tpu.memory_space<vmem>>, vector<128x1x64xf32>
    %get3A_37 = vector.shape_cast %get3A_36 : vector<128x1x64xf32> to vector<128x64xf32>
    %transpose3A_38 = tpu.transpose %get3A_37, [1, 0] : vector<128x64xf32> -> vector<64x128xf32>
    %swap3A_39 = arith.constant 1 : index
    %swap3A_40 = arith.constant 512 : index
    %swap3A_41 = arith.constant 0 : index
    %swap3A_42 = vector.load %arg5[%swap3A_39, %swap3A_40, %swap3A_41] : memref<8x576x128xf32, #tpu.memory_space<vmem>>, vector<1x64x128xf32>
    %swap3A_43 = vector.shape_cast %swap3A_42 : vector<1x64x128xf32> to vector<64x128xf32>
    %swap3A_44 = vector.shape_cast %transpose3A_38 : vector<64x128xf32> to vector<1x64x128xf32>
    tpu.vector_store %arg5[%swap3A_39, %swap3A_40, %swap3A_41], %swap3A_44 {strides = array<i32>} : memref<8x576x128xf32, #tpu.memory_space<vmem>>, vector<1x64x128xf32>,
    %get3A_45 = arith.constant 0 : index
    %get3A_46 = arith.constant 2 : index
    %get3A_47 = arith.constant 0 : index
    %get3A_48 = vector.load %arg2[%get3A_45, %get3A_46, %get3A_47] : memref<128x8x512xf32, #tpu.memory_space<vmem>>, vector<128x1x512xf32>
    %get3A_49 = vector.shape_cast %get3A_48 : vector<128x1x512xf32> to vector<128x512xf32>
    %transpose3A_50 = tpu.transpose %get3A_49, [1, 0] : vector<128x512xf32> -> vector<512x128xf32>
    %swap3A_51 = arith.constant 2 : index
    %swap3A_52 = arith.constant 0 : index
    %swap3A_53 = arith.constant 0 : index
    %swap3A_54 = vector.load %arg5[%swap3A_51, %swap3A_52, %swap3A_53] : memref<8x576x128xf32, #tpu.memory_space<vmem>>, vector<1x512x128xf32>
    %swap3A_55 = vector.shape_cast %swap3A_54 : vector<1x512x128xf32> to vector<512x128xf32>
    %swap3A_56 = vector.shape_cast %transpose3A_50 : vector<512x128xf32> to vector<1x512x128xf32>
    tpu.vector_store %arg5[%swap3A_51, %swap3A_52, %swap3A_53], %swap3A_56 {strides = array<i32>} : memref<8x576x128xf32, #tpu.memory_space<vmem>>, vector<1x512x128xf32>,
    %get3A_57 = arith.constant 0 : index
    %get3A_58 = arith.constant 2 : index
    %get3A_59 = arith.constant 0 : index
    %get3A_60 = vector.load %arg3[%get3A_57, %get3A_58, %get3A_59] : memref<128x8x128xf32, #tpu.memory_space<vmem>>, vector<128x1x64xf32>
    %get3A_61 = vector.shape_cast %get3A_60 : vector<128x1x64xf32> to vector<128x64xf32>
    %transpose3A_62 = tpu.transpose %get3A_61, [1, 0] : vector<128x64xf32> -> vector<64x128xf32>
    %swap3A_63 = arith.constant 2 : index
    %swap3A_64 = arith.constant 512 : index
    %swap3A_65 = arith.constant 0 : index
    %swap3A_66 = vector.load %arg5[%swap3A_63, %swap3A_64, %swap3A_65] : memref<8x576x128xf32, #tpu.memory_space<vmem>>, vector<1x64x128xf32>
    %swap3A_67 = vector.shape_cast %swap3A_66 : vector<1x64x128xf32> to vector<64x128xf32>
    %swap3A_68 = vector.shape_cast %transpose3A_62 : vector<64x128xf32> to vector<1x64x128xf32>
    tpu.vector_store %arg5[%swap3A_63, %swap3A_64, %swap3A_65], %swap3A_68 {strides = array<i32>} : memref<8x576x128xf32, #tpu.memory_space<vmem>>, vector<1x64x128xf32>,
    %get3A_69 = arith.constant 0 : index
    %get3A_70 = arith.constant 3 : index
    %get3A_71 = arith.constant 0 : index
    %get3A_72 = vector.load %arg2[%get3A_69, %get3A_70, %get3A_71] : memref<128x8x512xf32, #tpu.memory_space<vmem>>, vector<128x1x512xf32>
    %get3A_73 = vector.shape_cast %get3A_72 : vector<128x1x512xf32> to vector<128x512xf32>
    %transpose3A_74 = tpu.transpose %get3A_73, [1, 0] : vector<128x512xf32> -> vector<512x128xf32>
    %swap3A_75 = arith.constant 3 : index
    %swap3A_76 = arith.constant 0 : index
    %swap3A_77 = arith.constant 0 : index
    %swap3A_78 = vector.load %arg5[%swap3A_75, %swap3A_76, %swap3A_77] : memref<8x576x128xf32, #tpu.memory_space<vmem>>, vector<1x512x128xf32>
    %swap3A_79 = vector.shape_cast %swap3A_78 : vector<1x512x128xf32> to vector<512x128xf32>
    %swap3A_80 = vector.shape_cast %transpose3A_74 : vector<512x128xf32> to vector<1x512x128xf32>
    tpu.vector_store %arg5[%swap3A_75, %swap3A_76, %swap3A_77], %swap3A_80 {strides = array<i32>} : memref<8x576x128xf32, #tpu.memory_space<vmem>>, vector<1x512x128xf32>,
    %get3A_81 = arith.constant 0 : index
    %get3A_82 = arith.constant 3 : index
    %get3A_83 = arith.constant 0 : index
    %get3A_84 = vector.load %arg3[%get3A_81, %get3A_82, %get3A_83] : memref<128x8x128xf32, #tpu.memory_space<vmem>>, vector<128x1x64xf32>
    %get3A_85 = vector.shape_cast %get3A_84 : vector<128x1x64xf32> to vector<128x64xf32>
    %transpose3A_86 = tpu.transpose %get3A_85, [1, 0] : vector<128x64xf32> -> vector<64x128xf32>
    %swap3A_87 = arith.constant 3 : index
    %swap3A_88 = arith.constant 512 : index
    %swap3A_89 = arith.constant 0 : index
    %swap3A_90 = vector.load %arg5[%swap3A_87, %swap3A_88, %swap3A_89] : memref<8x576x128xf32, #tpu.memory_space<vmem>>, vector<1x64x128xf32>
    %swap3A_91 = vector.shape_cast %swap3A_90 : vector<1x64x128xf32> to vector<64x128xf32>
    %swap3A_92 = vector.shape_cast %transpose3A_86 : vector<64x128xf32> to vector<1x64x128xf32>
    tpu.vector_store %arg5[%swap3A_87, %swap3A_88, %swap3A_89], %swap3A_92 {strides = array<i32>} : memref<8x576x128xf32, #tpu.memory_space<vmem>>, vector<1x64x128xf32>,
    %get3A_93 = arith.constant 0 : index
    %get3A_94 = arith.constant 4 : index
    %get3A_95 = arith.constant 0 : index
    %get3A_96 = vector.load %arg2[%get3A_93, %get3A_94, %get3A_95] : memref<128x8x512xf32, #tpu.memory_space<vmem>>, vector<128x1x512xf32>
    %get3A_97 = vector.shape_cast %get3A_96 : vector<128x1x512xf32> to vector<128x512xf32>
    %transpose3A_98 = tpu.transpose %get3A_97, [1, 0] : vector<128x512xf32> -> vector<512x128xf32>
    %swap3A_99 = arith.constant 4 : index
    %swap3A_100 = arith.constant 0 : index
    %swap3A_101 = arith.constant 0 : index
    %swap3A_102 = vector.load %arg5[%swap3A_99, %swap3A_100, %swap3A_101] : memref<8x576x128xf32, #tpu.memory_space<vmem>>, vector<1x512x128xf32>
    %swap3A_103 = vector.shape_cast %swap3A_102 : vector<1x512x128xf32> to vector<512x128xf32>
    %swap3A_104 = vector.shape_cast %transpose3A_98 : vector<512x128xf32> to vector<1x512x128xf32>
    tpu.vector_store %arg5[%swap3A_99, %swap3A_100, %swap3A_101], %swap3A_104 {strides = array<i32>} : memref<8x576x128xf32, #tpu.memory_space<vmem>>, vector<1x512x128xf32>,
    %get3A_105 = arith.constant 0 : index
    %get3A_106 = arith.constant 4 : index
    %get3A_107 = arith.constant 0 : index
    %get3A_108 = vector.load %arg3[%get3A_105, %get3A_106, %get3A_107] : memref<128x8x128xf32, #tpu.memory_space<vmem>>, vector<128x1x64xf32>
    %get3A_109 = vector.shape_cast %get3A_108 : vector<128x1x64xf32> to vector<128x64xf32>
    %transpose3A_110 = tpu.transpose %get3A_109, [1, 0] : vector<128x64xf32> -> vector<64x128xf32>
    %swap3A_111 = arith.constant 4 : index
    %swap3A_112 = arith.constant 512 : index
    %swap3A_113 = arith.constant 0 : index
    %swap3A_114 = vector.load %arg5[%swap3A_111, %swap3A_112, %swap3A_113] : memref<8x576x128xf32, #tpu.memory_space<vmem>>, vector<1x64x128xf32>
    %swap3A_115 = vector.shape_cast %swap3A_114 : vector<1x64x128xf32> to vector<64x128xf32>
    %swap3A_116 = vector.shape_cast %transpose3A_110 : vector<64x128xf32> to vector<1x64x128xf32>
    tpu.vector_store %arg5[%swap3A_111, %swap3A_112, %swap3A_113], %swap3A_116 {strides = array<i32>} : memref<8x576x128xf32, #tpu.memory_space<vmem>>, vector<1x64x128xf32>,
    %get3A_117 = arith.constant 0 : index
    %get3A_118 = arith.constant 5 : index
    %get3A_119 = arith.constant 0 : index
    %get3A_120 = vector.load %arg2[%get3A_117, %get3A_118, %get3A_119] : memref<128x8x512xf32, #tpu.memory_space<vmem>>, vector<128x1x512xf32>
    %get3A_121 = vector.shape_cast %get3A_120 : vector<128x1x512xf32> to vector<128x512xf32>
    %transpose3A_122 = tpu.transpose %get3A_121, [1, 0] : vector<128x512xf32> -> vector<512x128xf32>
    %swap3A_123 = arith.constant 5 : index
    %swap3A_124 = arith.constant 0 : index
    %swap3A_125 = arith.constant 0 : index
    %swap3A_126 = vector.load %arg5[%swap3A_123, %swap3A_124, %swap3A_125] : memref<8x576x128xf32, #tpu.memory_space<vmem>>, vector<1x512x128xf32>
    %swap3A_127 = vector.shape_cast %swap3A_126 : vector<1x512x128xf32> to vector<512x128xf32>
    %swap3A_128 = vector.shape_cast %transpose3A_122 : vector<512x128xf32> to vector<1x512x128xf32>
    tpu.vector_store %arg5[%swap3A_123, %swap3A_124, %swap3A_125], %swap3A_128 {strides = array<i32>} : memref<8x576x128xf32, #tpu.memory_space<vmem>>, vector<1x512x128xf32>,
    %get3A_129 = arith.constant 0 : index
    %get3A_130 = arith.constant 5 : index
    %get3A_131 = arith.constant 0 : index
    %get3A_132 = vector.load %arg3[%get3A_129, %get3A_130, %get3A_131] : memref<128x8x128xf32, #tpu.memory_space<vmem>>, vector<128x1x64xf32>
    %get3A_133 = vector.shape_cast %get3A_132 : vector<128x1x64xf32> to vector<128x64xf32>
    %transpose3A_134 = tpu.transpose %get3A_133, [1, 0] : vector<128x64xf32> -> vector<64x128xf32>
    %swap3A_135 = arith.constant 5 : index
    %swap3A_136 = arith.constant 512 : index
    %swap3A_137 = arith.constant 0 : index
    %swap3A_138 = vector.load %arg5[%swap3A_135, %swap3A_136, %swap3A_137] : memref<8x576x128xf32, #tpu.memory_space<vmem>>, vector<1x64x128xf32>
    %swap3A_139 = vector.shape_cast %swap3A_138 : vector<1x64x128xf32> to vector<64x128xf32>
    %swap3A_140 = vector.shape_cast %transpose3A_134 : vector<64x128xf32> to vector<1x64x128xf32>
    tpu.vector_store %arg5[%swap3A_135, %swap3A_136, %swap3A_137], %swap3A_140 {strides = array<i32>} : memref<8x576x128xf32, #tpu.memory_space<vmem>>, vector<1x64x128xf32>,
    %get3A_141 = arith.constant 0 : index
    %get3A_142 = arith.constant 6 : index
    %get3A_143 = arith.constant 0 : index
    %get3A_144 = vector.load %arg2[%get3A_141, %get3A_142, %get3A_143] : memref<128x8x512xf32, #tpu.memory_space<vmem>>, vector<128x1x512xf32>
    %get3A_145 = vector.shape_cast %get3A_144 : vector<128x1x512xf32> to vector<128x512xf32>
    %transpose3A_146 = tpu.transpose %get3A_145, [1, 0] : vector<128x512xf32> -> vector<512x128xf32>
    %swap3A_147 = arith.constant 6 : index
    %swap3A_148 = arith.constant 0 : index
    %swap3A_149 = arith.constant 0 : index
    %swap3A_150 = vector.load %arg5[%swap3A_147, %swap3A_148, %swap3A_149] : memref<8x576x128xf32, #tpu.memory_space<vmem>>, vector<1x512x128xf32>
    %swap3A_151 = vector.shape_cast %swap3A_150 : vector<1x512x128xf32> to vector<512x128xf32>
    %swap3A_152 = vector.shape_cast %transpose3A_146 : vector<512x128xf32> to vector<1x512x128xf32>
    tpu.vector_store %arg5[%swap3A_147, %swap3A_148, %swap3A_149], %swap3A_152 {strides = array<i32>} : memref<8x576x128xf32, #tpu.memory_space<vmem>>, vector<1x512x128xf32>,
    %get3A_153 = arith.constant 0 : index
    %get3A_154 = arith.constant 6 : index
    %get3A_155 = arith.constant 0 : index
    %get3A_156 = vector.load %arg3[%get3A_153, %get3A_154, %get3A_155] : memref<128x8x128xf32, #tpu.memory_space<vmem>>, vector<128x1x64xf32>
    %get3A_157 = vector.shape_cast %get3A_156 : vector<128x1x64xf32> to vector<128x64xf32>
    %transpose3A_158 = tpu.transpose %get3A_157, [1, 0] : vector<128x64xf32> -> vector<64x128xf32>
    %swap3A_159 = arith.constant 6 : index
    %swap3A_160 = arith.constant 512 : index
    %swap3A_161 = arith.constant 0 : index
    %swap3A_162 = vector.load %arg5[%swap3A_159, %swap3A_160, %swap3A_161] : memref<8x576x128xf32, #tpu.memory_space<vmem>>, vector<1x64x128xf32>
    %swap3A_163 = vector.shape_cast %swap3A_162 : vector<1x64x128xf32> to vector<64x128xf32>
    %swap3A_164 = vector.shape_cast %transpose3A_158 : vector<64x128xf32> to vector<1x64x128xf32>
    tpu.vector_store %arg5[%swap3A_159, %swap3A_160, %swap3A_161], %swap3A_164 {strides = array<i32>} : memref<8x576x128xf32, #tpu.memory_space<vmem>>, vector<1x64x128xf32>,
    %get3A_165 = arith.constant 0 : index
    %get3A_166 = arith.constant 7 : index
    %get3A_167 = arith.constant 0 : index
    %get3A_168 = vector.load %arg2[%get3A_165, %get3A_166, %get3A_167] : memref<128x8x512xf32, #tpu.memory_space<vmem>>, vector<128x1x512xf32>
    %get3A_169 = vector.shape_cast %get3A_168 : vector<128x1x512xf32> to vector<128x512xf32>
    %transpose3A_170 = tpu.transpose %get3A_169, [1, 0] : vector<128x512xf32> -> vector<512x128xf32>
    %swap3A_171 = arith.constant 7 : index
    %swap3A_172 = arith.constant 0 : index
    %swap3A_173 = arith.constant 0 : index
    %swap3A_174 = vector.load %arg5[%swap3A_171, %swap3A_172, %swap3A_173] : memref<8x576x128xf32, #tpu.memory_space<vmem>>, vector<1x512x128xf32>
    %swap3A_175 = vector.shape_cast %swap3A_174 : vector<1x512x128xf32> to vector<512x128xf32>
    %swap3A_176 = vector.shape_cast %transpose3A_170 : vector<512x128xf32> to vector<1x512x128xf32>
    tpu.vector_store %arg5[%swap3A_171, %swap3A_172, %swap3A_173], %swap3A_176 {strides = array<i32>} : memref<8x576x128xf32, #tpu.memory_space<vmem>>, vector<1x512x128xf32>,
    %get3A_177 = arith.constant 0 : index
    %get3A_178 = arith.constant 7 : index
    %get3A_179 = arith.constant 0 : index
    %get3A_180 = vector.load %arg3[%get3A_177, %get3A_178, %get3A_179] : memref<128x8x128xf32, #tpu.memory_space<vmem>>, vector<128x1x64xf32>
    %get3A_181 = vector.shape_cast %get3A_180 : vector<128x1x64xf32> to vector<128x64xf32>
    %transpose3A_182 = tpu.transpose %get3A_181, [1, 0] : vector<128x64xf32> -> vector<64x128xf32>
    %swap3A_183 = arith.constant 7 : index
    %swap3A_184 = arith.constant 512 : index
    %swap3A_185 = arith.constant 0 : index
    %swap3A_186 = vector.load %arg5[%swap3A_183, %swap3A_184, %swap3A_185] : memref<8x576x128xf32, #tpu.memory_space<vmem>>, vector<1x64x128xf32>
    %swap3A_187 = vector.shape_cast %swap3A_186 : vector<1x64x128xf32> to vector<64x128xf32>
    %swap3A_188 = vector.shape_cast %transpose3A_182 : vector<64x128xf32> to vector<1x64x128xf32>
    tpu.vector_store %arg5[%swap3A_183, %swap3A_184, %swap3A_185], %swap3A_188 {strides = array<i32>} : memref<8x576x128xf32, #tpu.memory_space<vmem>>, vector<1x64x128xf32>,
    return
  }
  func.func @transform_0(%arg0: i32, %arg1: i32) -> (i32, i32, i32) {
    %c0_i32 = arith.constant 0 : i32
    %c0_i32_0 = arith.constant 0 : i32
    return %arg1, %arg0, %c0_i32 : i32, i32, i32
  }
  func.func @transform_1(%arg0: i32, %arg1: i32) -> (i32, i32, i32) {
    %c0_i32 = arith.constant 0 : i32
    %c0_i32_0 = arith.constant 0 : i32
    return %arg1, %arg0, %c0_i32 : i32, i32, i32
  }
  func.func @transform_3(%arg0: i32, %arg1: i32) -> (i32, i32, i32) {
    %add3A = arith.constant 12 : i32
    %add3A_0 = arith.addi %arg0, %add3A : i32
    %c0_i32 = arith.constant 0 : i32
    %c0_i32_1 = arith.constant 0 : i32
    return %add3A_0, %c0_i32, %arg1 : i32, i32, i32
  }
}

module attributes {stable_mosaic.version = 14 : i64} {
  func.func @_transpose_body2(%arg0: i32, %arg1: i32, %arg2: memref<128x8x512xf32, #tpu.memory_space<vmem>>, %arg3: memref<128x8x128xf32, #tpu.memory_space<vmem>>, %arg4: memref<200x576x1024xf32, #tpu.memory_space<any>>, %arg5: memref<8x576x128xf32, #tpu.memory_space<vmem>>) attributes {dimension_semantics = [#tpu.dimension_semantics<arbitrary>, #tpu.dimension_semantics<arbitrary>], iteration_bounds = array<i64: 7, 8>, scalar_prefetch = 0 : i64, scratch_operands = 0 : i64, tpu.core_type = #tpu.core_type<tc>, window_params = [{transform_indices = @transform_0, window_bounds = array<i64: 128, 8, 512>}, {transform_indices = @transform_1, window_bounds = array<i64: 128, 8, 128>}, {}, {transform_indices = @transform_3, window_bounds = array<i64: 8, 576, 128>}]} {
    %get3A = arith.constant 0 : index
    %get3A_0 = arith.constant 0 : index
    %get3A_1 = arith.constant 0 : index
    %get3A_2 = vector.load %arg2[%get3A, %get3A_0, %get3A_1] : memref<128x8x512xf32, #tpu.memory_space<vmem>>, vector<128x1x512xf32>
    %get3A_3 = vector.shape_cast %get3A_2 : vector<128x1x512xf32> to vector<128x512xf32>
    %transpose3A = tpu.transpose %get3A_3, [1, 0] : vector<128x512xf32> -> vector<512x128xf32>
    %swap3A = arith.constant 0 : index
    %swap3A_4 = arith.constant 0 : index
    %swap3A_5 = arith.constant 0 : index
    %swap3A_6 = vector.load %arg5[%swap3A, %swap3A_4, %swap3A_5] : memref<8x576x128xf32, #tpu.memory_space<vmem>>, vector<1x512x128xf32>
    %swap3A_7 = vector.shape_cast %swap3A_6 : vector<1x512x128xf32> to vector<512x128xf32>
    %swap3A_8 = vector.shape_cast %transpose3A : vector<512x128xf32> to vector<1x512x128xf32>
    tpu.vector_store %arg5[%swap3A, %swap3A_4, %swap3A_5], %swap3A_8 {strides = array<i32>} : memref<8x576x128xf32, #tpu.memory_space<vmem>>, vector<1x512x128xf32>,
    %get3A_9 = arith.constant 0 : index
    %get3A_10 = arith.constant 0 : index
    %get3A_11 = arith.constant 0 : index
    %get3A_12 = vector.load %arg3[%get3A_9, %get3A_10, %get3A_11] : memref<128x8x128xf32, #tpu.memory_space<vmem>>, vector<128x1x64xf32>
    %get3A_13 = vector.shape_cast %get3A_12 : vector<128x1x64xf32> to vector<128x64xf32>
    %transpose3A_14 = tpu.transpose %get3A_13, [1, 0] : vector<128x64xf32> -> vector<64x128xf32>
    %swap3A_15 = arith.constant 0 : index
    %swap3A_16 = arith.constant 512 : index
    %swap3A_17 = arith.constant 0 : index
    %swap3A_18 = vector.load %arg5[%swap3A_15, %swap3A_16, %swap3A_17] : memref<8x576x128xf32, #tpu.memory_space<vmem>>, vector<1x64x128xf32>
    %swap3A_19 = vector.shape_cast %swap3A_18 : vector<1x64x128xf32> to vector<64x128xf32>
    %swap3A_20 = vector.shape_cast %transpose3A_14 : vector<64x128xf32> to vector<1x64x128xf32>
    tpu.vector_store %arg5[%swap3A_15, %swap3A_16, %swap3A_17], %swap3A_20 {strides = array<i32>} : memref<8x576x128xf32, #tpu.memory_space<vmem>>, vector<1x64x128xf32>,
    %get3A_21 = arith.constant 0 : index
    %get3A_22 = arith.constant 1 : index
    %get3A_23 = arith.constant 0 : index
    %get3A_24 = vector.load %arg2[%get3A_21, %get3A_22, %get3A_23] : memref<128x8x512xf32, #tpu.memory_space<vmem>>, vector<128x1x512xf32>
    %get3A_25 = vector.shape_cast %get3A_24 : vector<128x1x512xf32> to vector<128x512xf32>
    %transpose3A_26 = tpu.transpose %get3A_25, [1, 0] : vector<128x512xf32> -> vector<512x128xf32>
    %swap3A_27 = arith.constant 1 : index
    %swap3A_28 = arith.constant 0 : index
    %swap3A_29 = arith.constant 0 : index
    %swap3A_30 = vector.load %arg5[%swap3A_27, %swap3A_28, %swap3A_29] : memref<8x576x128xf32, #tpu.memory_space<vmem>>, vector<1x512x128xf32>
    %swap3A_31 = vector.shape_cast %swap3A_30 : vector<1x512x128xf32> to vector<512x128xf32>
    %swap3A_32 = vector.shape_cast %transpose3A_26 : vector<512x128xf32> to vector<1x512x128xf32>
    tpu.vector_store %arg5[%swap3A_27, %swap3A_28, %swap3A_29], %swap3A_32 {strides = array<i32>} : memref<8x576x128xf32, #tpu.memory_space<vmem>>, vector<1x512x128xf32>,
    %get3A_33 = arith.constant 0 : index
    %get3A_34 = arith.constant 1 : index
    %get3A_35 = arith.constant 0 : index
    %get3A_36 = vector.load %arg3[%get3A_33, %get3A_34, %get3A_35] : memref<128x8x128xf32, #tpu.memory_space<vmem>>, vector<128x1x64xf32>
    %get3A_37 = vector.shape_cast %get3A_36 : vector<128x1x64xf32> to vector<128x64xf32>
    %transpose3A_38 = tpu.transpose %get3A_37, [1, 0] : vector<128x64xf32> -> vector<64x128xf32>
    %swap3A_39 = arith.constant 1 : index
    %swap3A_40 = arith.constant 512 : index
    %swap3A_41 = arith.constant 0 : index
    %swap3A_42 = vector.load %arg5[%swap3A_39, %swap3A_40, %swap3A_41] : memref<8x576x128xf32, #tpu.memory_space<vmem>>, vector<1x64x128xf32>
    %swap3A_43 = vector.shape_cast %swap3A_42 : vector<1x64x128xf32> to vector<64x128xf32>
    %swap3A_44 = vector.shape_cast %transpose3A_38 : vector<64x128xf32> to vector<1x64x128xf32>
    tpu.vector_store %arg5[%swap3A_39, %swap3A_40, %swap3A_41], %swap3A_44 {strides = array<i32>} : memref<8x576x128xf32, #tpu.memory_space<vmem>>, vector<1x64x128xf32>,
    %get3A_45 = arith.constant 0 : index
    %get3A_46 = arith.constant 2 : index
    %get3A_47 = arith.constant 0 : index
    %get3A_48 = vector.load %arg2[%get3A_45, %get3A_46, %get3A_47] : memref<128x8x512xf32, #tpu.memory_space<vmem>>, vector<128x1x512xf32>
    %get3A_49 = vector.shape_cast %get3A_48 : vector<128x1x512xf32> to vector<128x512xf32>
    %transpose3A_50 = tpu.transpose %get3A_49, [1, 0] : vector<128x512xf32> -> vector<512x128xf32>
    %swap3A_51 = arith.constant 2 : index
    %swap3A_52 = arith.constant 0 : index
    %swap3A_53 = arith.constant 0 : index
    %swap3A_54 = vector.load %arg5[%swap3A_51, %swap3A_52, %swap3A_53] : memref<8x576x128xf32, #tpu.memory_space<vmem>>, vector<1x512x128xf32>
    %swap3A_55 = vector.shape_cast %swap3A_54 : vector<1x512x128xf32> to vector<512x128xf32>
    %swap3A_56 = vector.shape_cast %transpose3A_50 : vector<512x128xf32> to vector<1x512x128xf32>
    tpu.vector_store %arg5[%swap3A_51, %swap3A_52, %swap3A_53], %swap3A_56 {strides = array<i32>} : memref<8x576x128xf32, #tpu.memory_space<vmem>>, vector<1x512x128xf32>,
    %get3A_57 = arith.constant 0 : index
    %get3A_58 = arith.constant 2 : index
    %get3A_59 = arith.constant 0 : index
    %get3A_60 = vector.load %arg3[%get3A_57, %get3A_58, %get3A_59] : memref<128x8x128xf32, #tpu.memory_space<vmem>>, vector<128x1x64xf32>
    %get3A_61 = vector.shape_cast %get3A_60 : vector<128x1x64xf32> to vector<128x64xf32>
    %transpose3A_62 = tpu.transpose %get3A_61, [1, 0] : vector<128x64xf32> -> vector<64x128xf32>
    %swap3A_63 = arith.constant 2 : index
    %swap3A_64 = arith.constant 512 : index
    %swap3A_65 = arith.constant 0 : index
    %swap3A_66 = vector.load %arg5[%swap3A_63, %swap3A_64, %swap3A_65] : memref<8x576x128xf32, #tpu.memory_space<vmem>>, vector<1x64x128xf32>
    %swap3A_67 = vector.shape_cast %swap3A_66 : vector<1x64x128xf32> to vector<64x128xf32>
    %swap3A_68 = vector.shape_cast %transpose3A_62 : vector<64x128xf32> to vector<1x64x128xf32>
    tpu.vector_store %arg5[%swap3A_63, %swap3A_64, %swap3A_65], %swap3A_68 {strides = array<i32>} : memref<8x576x128xf32, #tpu.memory_space<vmem>>, vector<1x64x128xf32>,
    %get3A_69 = arith.constant 0 : index
    %get3A_70 = arith.constant 3 : index
    %get3A_71 = arith.constant 0 : index
    %get3A_72 = vector.load %arg2[%get3A_69, %get3A_70, %get3A_71] : memref<128x8x512xf32, #tpu.memory_space<vmem>>, vector<128x1x512xf32>
    %get3A_73 = vector.shape_cast %get3A_72 : vector<128x1x512xf32> to vector<128x512xf32>
    %transpose3A_74 = tpu.transpose %get3A_73, [1, 0] : vector<128x512xf32> -> vector<512x128xf32>
    %swap3A_75 = arith.constant 3 : index
    %swap3A_76 = arith.constant 0 : index
    %swap3A_77 = arith.constant 0 : index
    %swap3A_78 = vector.load %arg5[%swap3A_75, %swap3A_76, %swap3A_77] : memref<8x576x128xf32, #tpu.memory_space<vmem>>, vector<1x512x128xf32>
    %swap3A_79 = vector.shape_cast %swap3A_78 : vector<1x512x128xf32> to vector<512x128xf32>
    %swap3A_80 = vector.shape_cast %transpose3A_74 : vector<512x128xf32> to vector<1x512x128xf32>
    tpu.vector_store %arg5[%swap3A_75, %swap3A_76, %swap3A_77], %swap3A_80 {strides = array<i32>} : memref<8x576x128xf32, #tpu.memory_space<vmem>>, vector<1x512x128xf32>,
    %get3A_81 = arith.constant 0 : index
    %get3A_82 = arith.constant 3 : index
    %get3A_83 = arith.constant 0 : index
    %get3A_84 = vector.load %arg3[%get3A_81, %get3A_82, %get3A_83] : memref<128x8x128xf32, #tpu.memory_space<vmem>>, vector<128x1x64xf32>
    %get3A_85 = vector.shape_cast %get3A_84 : vector<128x1x64xf32> to vector<128x64xf32>
    %transpose3A_86 = tpu.transpose %get3A_85, [1, 0] : vector<128x64xf32> -> vector<64x128xf32>
    %swap3A_87 = arith.constant 3 : index
    %swap3A_88 = arith.constant 512 : index
    %swap3A_89 = arith.constant 0 : index
    %swap3A_90 = vector.load %arg5[%swap3A_87, %swap3A_88, %swap3A_89] : memref<8x576x128xf32, #tpu.memory_space<vmem>>, vector<1x64x128xf32>
    %swap3A_91 = vector.shape_cast %swap3A_90 : vector<1x64x128xf32> to vector<64x128xf32>
    %swap3A_92 = vector.shape_cast %transpose3A_86 : vector<64x128xf32> to vector<1x64x128xf32>
    tpu.vector_store %arg5[%swap3A_87, %swap3A_88, %swap3A_89], %swap3A_92 {strides = array<i32>} : memref<8x576x128xf32, #tpu.memory_space<vmem>>, vector<1x64x128xf32>,
    %get3A_93 = arith.constant 0 : index
    %get3A_94 = arith.constant 4 : index
    %get3A_95 = arith.constant 0 : index
    %get3A_96 = vector.load %arg2[%get3A_93, %get3A_94, %get3A_95] : memref<128x8x512xf32, #tpu.memory_space<vmem>>, vector<128x1x512xf32>
    %get3A_97 = vector.shape_cast %get3A_96 : vector<128x1x512xf32> to vector<128x512xf32>
    %transpose3A_98 = tpu.transpose %get3A_97, [1, 0] : vector<128x512xf32> -> vector<512x128xf32>
    %swap3A_99 = arith.constant 4 : index
    %swap3A_100 = arith.constant 0 : index
    %swap3A_101 = arith.constant 0 : index
    %swap3A_102 = vector.load %arg5[%swap3A_99, %swap3A_100, %swap3A_101] : memref<8x576x128xf32, #tpu.memory_space<vmem>>, vector<1x512x128xf32>
    %swap3A_103 = vector.shape_cast %swap3A_102 : vector<1x512x128xf32> to vector<512x128xf32>
    %swap3A_104 = vector.shape_cast %transpose3A_98 : vector<512x128xf32> to vector<1x512x128xf32>
    tpu.vector_store %arg5[%swap3A_99, %swap3A_100, %swap3A_101], %swap3A_104 {strides = array<i32>} : memref<8x576x128xf32, #tpu.memory_space<vmem>>, vector<1x512x128xf32>,
    %get3A_105 = arith.constant 0 : index
    %get3A_106 = arith.constant 4 : index
    %get3A_107 = arith.constant 0 : index
    %get3A_108 = vector.load %arg3[%get3A_105, %get3A_106, %get3A_107] : memref<128x8x128xf32, #tpu.memory_space<vmem>>, vector<128x1x64xf32>
    %get3A_109 = vector.shape_cast %get3A_108 : vector<128x1x64xf32> to vector<128x64xf32>
    %transpose3A_110 = tpu.transpose %get3A_109, [1, 0] : vector<128x64xf32> -> vector<64x128xf32>
    %swap3A_111 = arith.constant 4 : index
    %swap3A_112 = arith.constant 512 : index
    %swap3A_113 = arith.constant 0 : index
    %swap3A_114 = vector.load %arg5[%swap3A_111, %swap3A_112, %swap3A_113] : memref<8x576x128xf32, #tpu.memory_space<vmem>>, vector<1x64x128xf32>
    %swap3A_115 = vector.shape_cast %swap3A_114 : vector<1x64x128xf32> to vector<64x128xf32>
    %swap3A_116 = vector.shape_cast %transpose3A_110 : vector<64x128xf32> to vector<1x64x128xf32>
    tpu.vector_store %arg5[%swap3A_111, %swap3A_112, %swap3A_113], %swap3A_116 {strides = array<i32>} : memref<8x576x128xf32, #tpu.memory_space<vmem>>, vector<1x64x128xf32>,
    %get3A_117 = arith.constant 0 : index
    %get3A_118 = arith.constant 5 : index
    %get3A_119 = arith.constant 0 : index
    %get3A_120 = vector.load %arg2[%get3A_117, %get3A_118, %get3A_119] : memref<128x8x512xf32, #tpu.memory_space<vmem>>, vector<128x1x512xf32>
    %get3A_121 = vector.shape_cast %get3A_120 : vector<128x1x512xf32> to vector<128x512xf32>
    %transpose3A_122 = tpu.transpose %get3A_121, [1, 0] : vector<128x512xf32> -> vector<512x128xf32>
    %swap3A_123 = arith.constant 5 : index
    %swap3A_124 = arith.constant 0 : index
    %swap3A_125 = arith.constant 0 : index
    %swap3A_126 = vector.load %arg5[%swap3A_123, %swap3A_124, %swap3A_125] : memref<8x576x128xf32, #tpu.memory_space<vmem>>, vector<1x512x128xf32>
    %swap3A_127 = vector.shape_cast %swap3A_126 : vector<1x512x128xf32> to vector<512x128xf32>
    %swap3A_128 = vector.shape_cast %transpose3A_122 : vector<512x128xf32> to vector<1x512x128xf32>
    tpu.vector_store %arg5[%swap3A_123, %swap3A_124, %swap3A_125], %swap3A_128 {strides = array<i32>} : memref<8x576x128xf32, #tpu.memory_space<vmem>>, vector<1x512x128xf32>,
    %get3A_129 = arith.constant 0 : index
    %get3A_130 = arith.constant 5 : index
    %get3A_131 = arith.constant 0 : index
    %get3A_132 = vector.load %arg3[%get3A_129, %get3A_130, %get3A_131] : memref<128x8x128xf32, #tpu.memory_space<vmem>>, vector<128x1x64xf32>
    %get3A_133 = vector.shape_cast %get3A_132 : vector<128x1x64xf32> to vector<128x64xf32>
    %transpose3A_134 = tpu.transpose %get3A_133, [1, 0] : vector<128x64xf32> -> vector<64x128xf32>
    %swap3A_135 = arith.constant 5 : index
    %swap3A_136 = arith.constant 512 : index
    %swap3A_137 = arith.constant 0 : index
    %swap3A_138 = vector.load %arg5[%swap3A_135, %swap3A_136, %swap3A_137] : memref<8x576x128xf32, #tpu.memory_space<vmem>>, vector<1x64x128xf32>
    %swap3A_139 = vector.shape_cast %swap3A_138 : vector<1x64x128xf32> to vector<64x128xf32>
    %swap3A_140 = vector.shape_cast %transpose3A_134 : vector<64x128xf32> to vector<1x64x128xf32>
    tpu.vector_store %arg5[%swap3A_135, %swap3A_136, %swap3A_137], %swap3A_140 {strides = array<i32>} : memref<8x576x128xf32, #tpu.memory_space<vmem>>, vector<1x64x128xf32>,
    %get3A_141 = arith.constant 0 : index
    %get3A_142 = arith.constant 6 : index
    %get3A_143 = arith.constant 0 : index
    %get3A_144 = vector.load %arg2[%get3A_141, %get3A_142, %get3A_143] : memref<128x8x512xf32, #tpu.memory_space<vmem>>, vector<128x1x512xf32>
    %get3A_145 = vector.shape_cast %get3A_144 : vector<128x1x512xf32> to vector<128x512xf32>
    %transpose3A_146 = tpu.transpose %get3A_145, [1, 0] : vector<128x512xf32> -> vector<512x128xf32>
    %swap3A_147 = arith.constant 6 : index
    %swap3A_148 = arith.constant 0 : index
    %swap3A_149 = arith.constant 0 : index
    %swap3A_150 = vector.load %arg5[%swap3A_147, %swap3A_148, %swap3A_149] : memref<8x576x128xf32, #tpu.memory_space<vmem>>, vector<1x512x128xf32>
    %swap3A_151 = vector.shape_cast %swap3A_150 : vector<1x512x128xf32> to vector<512x128xf32>
    %swap3A_152 = vector.shape_cast %transpose3A_146 : vector<512x128xf32> to vector<1x512x128xf32>
    tpu.vector_store %arg5[%swap3A_147, %swap3A_148, %swap3A_149], %swap3A_152 {strides = array<i32>} : memref<8x576x128xf32, #tpu.memory_space<vmem>>, vector<1x512x128xf32>,
    %get3A_153 = arith.constant 0 : index
    %get3A_154 = arith.constant 6 : index
    %get3A_155 = arith.constant 0 : index
    %get3A_156 = vector.load %arg3[%get3A_153, %get3A_154, %get3A_155] : memref<128x8x128xf32, #tpu.memory_space<vmem>>, vector<128x1x64xf32>
    %get3A_157 = vector.shape_cast %get3A_156 : vector<128x1x64xf32> to vector<128x64xf32>
    %transpose3A_158 = tpu.transpose %get3A_157, [1, 0] : vector<128x64xf32> -> vector<64x128xf32>
    %swap3A_159 = arith.constant 6 : index
    %swap3A_160 = arith.constant 512 : index
    %swap3A_161 = arith.constant 0 : index
    %swap3A_162 = vector.load %arg5[%swap3A_159, %swap3A_160, %swap3A_161] : memref<8x576x128xf32, #tpu.memory_space<vmem>>, vector<1x64x128xf32>
    %swap3A_163 = vector.shape_cast %swap3A_162 : vector<1x64x128xf32> to vector<64x128xf32>
    %swap3A_164 = vector.shape_cast %transpose3A_158 : vector<64x128xf32> to vector<1x64x128xf32>
    tpu.vector_store %arg5[%swap3A_159, %swap3A_160, %swap3A_161], %swap3A_164 {strides = array<i32>} : memref<8x576x128xf32, #tpu.memory_space<vmem>>, vector<1x64x128xf32>,
    %get3A_165 = arith.constant 0 : index
    %get3A_166 = arith.constant 7 : index
    %get3A_167 = arith.constant 0 : index
    %get3A_168 = vector.load %arg2[%get3A_165, %get3A_166, %get3A_167] : memref<128x8x512xf32, #tpu.memory_space<vmem>>, vector<128x1x512xf32>
    %get3A_169 = vector.shape_cast %get3A_168 : vector<128x1x512xf32> to vector<128x512xf32>
    %transpose3A_170 = tpu.transpose %get3A_169, [1, 0] : vector<128x512xf32> -> vector<512x128xf32>
    %swap3A_171 = arith.constant 7 : index
    %swap3A_172 = arith.constant 0 : index
    %swap3A_173 = arith.constant 0 : index
    %swap3A_174 = vector.load %arg5[%swap3A_171, %swap3A_172, %swap3A_173] : memref<8x576x128xf32, #tpu.memory_space<vmem>>, vector<1x512x128xf32>
    %swap3A_175 = vector.shape_cast %swap3A_174 : vector<1x512x128xf32> to vector<512x128xf32>
    %swap3A_176 = vector.shape_cast %transpose3A_170 : vector<512x128xf32> to vector<1x512x128xf32>
    tpu.vector_store %arg5[%swap3A_171, %swap3A_172, %swap3A_173], %swap3A_176 {strides = array<i32>} : memref<8x576x128xf32, #tpu.memory_space<vmem>>, vector<1x512x128xf32>,
    %get3A_177 = arith.constant 0 : index
    %get3A_178 = arith.constant 7 : index
    %get3A_179 = arith.constant 0 : index
    %get3A_180 = vector.load %arg3[%get3A_177, %get3A_178, %get3A_179] : memref<128x8x128xf32, #tpu.memory_space<vmem>>, vector<128x1x64xf32>
    %get3A_181 = vector.shape_cast %get3A_180 : vector<128x1x64xf32> to vector<128x64xf32>
    %transpose3A_182 = tpu.transpose %get3A_181, [1, 0] : vector<128x64xf32> -> vector<64x128xf32>
    %swap3A_183 = arith.constant 7 : index
    %swap3A_184 = arith.constant 512 : index
    %swap3A_185 = arith.constant 0 : index
    %swap3A_186 = vector.load %arg5[%swap3A_183, %swap3A_184, %swap3A_185] : memref<8x576x128xf32, #tpu.memory_space<vmem>>, vector<1x64x128xf32>
    %swap3A_187 = vector.shape_cast %swap3A_186 : vector<1x64x128xf32> to vector<64x128xf32>
    %swap3A_188 = vector.shape_cast %transpose3A_182 : vector<64x128xf32> to vector<1x64x128xf32>
    tpu.vector_store %arg5[%swap3A_183, %swap3A_184, %swap3A_185], %swap3A_188 {strides = array<i32>} : memref<8x576x128xf32, #tpu.memory_space<vmem>>, vector<1x64x128xf32>,
    return
  }
  func.func @transform_0(%arg0: i32, %arg1: i32) -> (i32, i32, i32) {
    %c0_i32 = arith.constant 0 : i32
    %c0_i32_0 = arith.constant 0 : i32
    return %arg1, %arg0, %c0_i32 : i32, i32, i32
  }
  func.func @transform_1(%arg0: i32, %arg1: i32) -> (i32, i32, i32) {
    %c0_i32 = arith.constant 0 : i32
    %c0_i32_0 = arith.constant 0 : i32
    return %arg1, %arg0, %c0_i32 : i32, i32, i32
  }
  func.func @transform_3(%arg0: i32, %arg1: i32) -> (i32, i32, i32) {
    %add3A = arith.constant 18 : i32
    %add3A_0 = arith.addi %arg0, %add3A : i32
    %c0_i32 = arith.constant 0 : i32
    %c0_i32_1 = arith.constant 0 : i32
    return %add3A_0, %c0_i32, %arg1 : i32, i32, i32
  }
}

</mosaic_0001>

<sc_bundles>
// kernel: kernel.15.cloned.1.call-start
scs
__scs_entry_jumppad:
0x0: {  	(pc) =	sbr.rel $0x88, $3  }
0x1: {  	(tag) =	ssettag $0x0;
	lr =	simm.s32 $0x1  }
0x2: {  	[smem:$0x3F9C] =	sst lr;
	_ =	strace $0xD0000000  }
0x3: {  	_ = 	snop  }
0x4: {  	_ = 	snop  }
0x5: {  	_ = 	snop  }
0x6: {  	_ = 	snop  }
0x7: {  	_ = 	snop  }
__scs_overlays_trampoline_lowered:
0x8: {  	[smem:$0x3FAB] =	sst s0  }
0x9: {  	[smem:$0x3FAC] =	sst s1  }
0xa: {  	[smem:$0x3FAD] =	sst s2  }
0xb: {  	[smem:$0x3FAE] =	sst s3  }
0xc: {  	[smem:$0x3FAF] =	sst s4  }
0xd: {  	[smem:$0x3FB0] =	sst s5  }
0xe: {  	[smem:$0x3FB1] =	sst s6  }
0xf: {  	[smem:$0x3FB2] =	sst s7  }
0x10: {  	[smem:$0x3FB3] =	sst s8  }
0x11: {  	[smem:$0x3FB4] =	sst s9;
	s0 =	simm.s32 @!p0 $0x0  }
0x12: {  	s1 =	sld [smem:$0x3F9A];
	s0 =	simm.s32 @p0 $0x1  }
0x13: {  	[smem:$0x3FB5] =	sst s0;
	s0 =	simm.s32 @!p1 $0x0  }
0x14: {  	s2 =	sld [smem:$0x3F99];
	s0 =	simm.s32 @p1 $0x1  }
0x15: {  	[smem:$0x3FB6] =	sst s0;
	s0 =	simm.s32 @!p2 $0x0  }
0x16: {  	s3 =	sld [smem:$0x3FDB];
	s0 =	simm.s32 @p2 $0x1  }
0x17: {  	s4 =	simm.s32 $0x1BF5;
	[smem:$0x3FB8] =	sst s0  }
0x18: {  	s0 =	sld [smem:$0x3F9B];
	_ =	swait.ge [sflag:s4], $0x0  }
0x19: {  	s7 =	sld [smem:$0x3F9C]  }
0x1a: {  	s8 =	sadd.s32 $0xFFFFE003, lr  }
0x1b: {  	s9 =	sadd.s32 $0xFFFFFEF7, lr;
	s5 =	simm.s32 $0xFFFFFFFF;
	p2 =	slt.u32 s8, $0xFFFFF086  }
0x1c: {  	p1 =	slt.u32 s9, $0xF7A;
	s5 =	simm.s32 @!p2 $0x0  }
0x1d: {  	s5 =	simm.s32 @p1 $0x1;
	p0 =	seq.s32 s7, s2  }
0x1e: {  	s7 =	smul.u32 @!p0 $0xF7A, s2;
	p2 =	seq.s32 @!p0 s5, $0x0  }
0x1f: {  	s9 =	smul.u32 $0xF7A, s1;
	s8 =	simm.s32 @!p0 $0x1BF5;
	p2 =	por !p2, p0  }
0x20: {  	[sflag:s8] =	ssyncset.s32 @!p0 $0xFFFFF086;
	s6 =	sadd.s32 @!p0 s3, s7;
	s7 =	simm.s32 @!p0 $0x108  }
0x21: {  	s3 =	sadd.s32 s3, s9;
	s6 =	sadd.s32 @!p0 $0x88, s6;
	s7 =	simm.s32 @p2 $0x1082  }
0x22: {  	[simem:s7], [sflag:s8] =	dma.local @!p0 [hbm:s6], $0xF7A  }
0x23: {  	s9 =	sor.u32 $0xD0000000, s2;
	s6 =	simm.s32 $0x108;
	_ =	swait.ge @!p0 [sflag:s8], $0x0  }
0x24: {  	s3 =	sadd.s32 $0x88, s3;
	s6 =	simm.s32 @!p1 $0x1082;
	[sflag:s4] =	ssyncset.s32 $0xFFFFF086  }
0x25: {  	[simem:s6], [sflag:s4] =	dma.local [hbm:s3], $0xF7A  }
0x26: {  	[smem:$0x3F9C] =	sst s1;
	(tag) =	ssettag s2;
	_ =	strace s9  }
0x27: {  	s1 =	sld [smem:$0x3FAC]  }
0x28: {  	s2 =	sld [smem:$0x3FAD]  }
0x29: {  	s4 =	sld [smem:$0x3FAF]  }
0x2a: {  	p0 =	seq.s32 s5, $0x0;
	s5 =	sld [smem:$0x3FB0]  }
0x2b: {  	s6 =	sld [smem:$0x3FB1]  }
0x2c: {  	s7 =	sld [smem:$0x3FB2]  }
0x2d: {  	s3 =	simm.s32 $0x108;
	s8 =	sld [smem:$0x3FB3]  }
0x2e: {  	s3 =	simm.s32 @!p0 $0x1082;
	s9 =	sld [smem:$0x3FB4]  }
0x2f: {  	lr =	sadd.s32 s0, s3;
	s0 =	sld [smem:$0x3FAB]  }
0x30: {  	s3 =	sld [smem:$0x3FAE]  }
0x31: {  	[smem:$0x3FB7] =	sst s10  }
0x32: {  	s10 =	sld [smem:$0x3FB5];
	_ =	sdelay $0x3  }
0x33: {  	p0 =	seq.s32 s10, $0x1;
	s10 =	sld [smem:$0x3FB7];
	_ =	sdelay $0x3  }
0x34: {  	[smem:$0x3FB7] =	sst s10  }
0x35: {  	s10 =	sld [smem:$0x3FB6];
	_ =	sdelay $0x3  }
0x36: {  	p1 =	seq.s32 s10, $0x1;
	s10 =	sld [smem:$0x3FB7];
	_ =	sdelay $0x3  }
0x37: {  	[smem:$0x3FB7] =	sst s10  }
0x38: {  	s10 =	sld [smem:$0x3FB8]  }
0x39: {  	_ = 	snop;
	(pc) =	sbr.ind lr, $3  }
0x3a: {  	_ = 	snop  }
0x3b: {  	_ = 	snop  }
0x3c: {  	p2 =	seq.s32 s10, $0x1;
	s10 =	sld [smem:$0x3FB7]  }
0x3d: {  	_ =	shalt  }
0x3e: {  	_ =	shalt  }
0x3f: {  	_ =	shalt  }
0x40: {  	_ =	shalt  }
0x41: {  	_ =	shalt  }
0x42: {  	_ =	shalt  }
0x43: {  	_ =	shalt  }
0x44: {  	_ =	shalt  }
0x45: {  	_ =	shalt  }
0x46: {  	_ =	shalt  }
0x47: {  	_ =	shalt  }
0x48: {  	_ =	shalt  }
0x49: {  	_ =	shalt  }
0x4a: {  	_ =	shalt  }
0x4b: {  	_ =	shalt  }
0x4c: {  	_ =	shalt  }
0x4d: {  	_ =	shalt  }
0x4e: {  	_ =	shalt  }
0x4f: {  	_ =	shalt  }
0x50: {  	_ =	shalt  }
0x51: {  	_ =	shalt  }
0x52: {  	_ =	shalt  }
0x53: {  	_ =	shalt  }
0x54: {  	_ =	shalt  }
0x55: {  	_ =	shalt  }
0x56: {  	_ =	shalt  }
0x57: {  	_ =	shalt  }
0x58: {  	_ =	shalt  }
0x59: {  	_ =	shalt  }
0x5a: {  	_ =	shalt  }
0x5b: {  	_ =	shalt  }
0x5c: {  	_ =	shalt  }
0x5d: {  	_ =	shalt  }
0x5e: {  	_ =	shalt  }
0x5f: {  	_ =	shalt  }
0x60: {  	_ =	shalt  }
0x61: {  	_ =	shalt  }
0x62: {  	_ =	shalt  }
0x63: {  	_ =	shalt  }
0x64: {  	_ =	shalt  }
0x65: {  	_ =	shalt  }
0x66: {  	_ =	shalt  }
0x67: {  	_ =	shalt  }
0x68: {  	_ =	shalt  }
0x69: {  	_ =	shalt  }
0x6a: {  	_ =	shalt  }
0x6b: {  	_ =	shalt  }
0x6c: {  	_ =	shalt  }
0x6d: {  	_ =	shalt  }
0x6e: {  	_ =	shalt  }
0x6f: {  	_ =	shalt  }
0x70: {  	_ =	shalt  }
0x71: {  	_ =	shalt  }
0x72: {  	_ =	shalt  }
0x73: {  	_ =	shalt  }
0x74: {  	_ =	shalt  }
0x75: {  	_ =	shalt  }
0x76: {  	_ =	shalt  }
0x77: {  	_ =	shalt  }
0x78: {  	_ =	shalt  }
0x79: {  	_ =	shalt  }
0x7a: {  	_ =	shalt  }
0x7b: {  	_ =	shalt  }
0x7c: {  	_ =	shalt  }
0x7d: {  	_ =	shalt  }
0x7e: {  	_ =	shalt  }
0x7f: {  	_ =	shalt  }
0x80: {  	_ =	shalt  }
0x81: {  	_ =	shalt  }
0x82: {  	_ =	shalt  }
0x83: {  	_ =	shalt  }
0x84: {  	_ =	shalt  }
0x85: {  	_ =	shalt  }
0x86: {  	_ =	shalt  }
0x87: {  	_ =	shalt  }
.Lfunc_end0:
.L_simem_size_0:
called_computation_lowered:
.L_overlay_start_0:
0x88: {  	s2 =	sld [smem:$0x3FD9]  }
0x89: {  	s3 =	sld [smem:$0x3FFE];
	_ =	sdelay $0x1  }
0x8a: {  	s1 =	srdreg.scid  }
0x8b: {  	s0 =	sand.u32 $0x1, s1  }
0x8c: {  	s17 =	sshll.u32 s0, $0xA;
	s2 =	sadd.s32 s3, s2  }
0x8d: {  	s2 =	sadd.s32 s2, s17  }
0x8e: {  	[smem:$0x3FC3] =	sst s2  }
0x8f: {  	_ = 	snop  }
0x90: {  	s18 =	sld [smem:$0x3FC8];
	(tm) =	ssettm $0x1  }
0x91: {  	s19 =	sld [smem:$0x3FFB];
	_ =	sdelay $0x3  }
0x92: {  	_ =	strace s19  }
0x93: {  	s2 =	sld [smem:$0x3FFC];
	_ =	sdelay $0x3  }
0x94: {  	_ =	strace s2  }
0x95: {  	s2 =	sld [smem:$0x3FFD];
	_ =	sdelay $0x3  }
0x96: {  	_ =	strace s2  }
0x97: {  	_ =	strace $0x8FFFFFFF  }
0x98: {  	s20 =	sld [smem:$0x3FDB];
	_ =	sdelay $0x1  }
0x99: {  	s4 =	simm.s32 $_scs_section_size  }
0x9a: {  	s5 =	simm.s32 $_size__tile_overlayer_lowered;
	s6 =	simm.s32 $_tile_overlayer_lowered  }
0x9b: {  	s7 =	simm.s32 $0x1BFF;
	s21 =	sshll.u32 s6, $0x1;
	s4 =	sadd.s32 s4, s20  }
0x9c: {  	s22 =	simm.s32 $0x0;
	s5 =	sshll.u32 s5, $0x1;
	s6 =	sadd.s32 s21, s4  }
0x9d: {  	[timem:s22], [sflag:s7] =	dma.local [hbm:s6], s5  }
0x9e: {  	_ =	swait.ge [sflag:s7], s5  }
0x9f: {  	s5 =	ssub.s32 $0x0, s5;
	[sflag:s7] =	ssyncset.done $0x0  }
0xa0: {  	[sflag:s7] =	ssyncadd.s32 s5;
	_ =	sdelay $0x1  }
0xa1: {  	s23 =	simm.s32 $0x1B8B  }
0xa2: {  	_ =	swait.ge [sflag:s23], $0x1  }
0xa3: {  	[sflag:s23] =	ssyncset.done $0x0  }
0xa4: {  	[sflag:s23] =	ssyncadd.s32 $0xFFFFFFFF  }
0xa5: {  	s5 =	sld [smem:$0x0]  }
0xa6: {  	s6 =	sand.u32 $0xFFFFFFFE, s1  }
0xa7: {  	p0 =	sne.s32 s1, s6  }
0xa8: {  	s6 =	sshll.u32 @p0 s6, $0xE  }
0xa9: {  	s6 =	sadd.s32 @p0 $0x11B8D, s6;
	s7 =	sshll.u32 @p0 s5, $0x11  }
0xaa: {  	s6 =	sor.u32 @p0 s7, s6  }
0xab: {  	[sflag:s6] =	ssyncadd.remote.s32 @p0 $0x1;
	_ =	sdelay $0x1  }
0xac: {  	s6 =	simm.s32 @p0 $0x1B8D  }
0xad: {  	_ =	swait.eq @p0 [sflag:s6], $0x1  }
0xae: {  	[sflag:s6] =	ssyncadd.s32 @p0 $0xFFFFFFFF  }
0xaf: {  	s7 =	sshll.u32 @!p0 s1, $0xE  }
0xb0: {  	s7 =	sor.u32 @!p0 $0x4000, s7;
	s6 =	simm.s32 @!p0 $0x1B8D  }
0xb1: {  	s5 =	sshll.u32 @!p0 s5, $0x11;
	s7 =	sadd.s32 @!p0 $0x11B8D, s7;
	_ =	swait.eq @!p0 [sflag:s6], $0x1  }
0xb2: {  	s5 =	sor.u32 @!p0 s5, s7;
	[sflag:s6] =	ssyncadd.s32 @!p0 $0xFFFFFFFF  }
0xb3: {  	s25 =	simm.s32 $0x1B8E;
	s24 =	sld [smem:$0x3FFE];
	[sflag:s5] =	ssyncadd.remote.s32 @!p0 $0x1  }
0xb4: {  	s26 =	simm.s32 $execute0_lowered;
	[smem:$0x3FD2] =	sst s25  }
0xb5: {  	s6 =	sshll.u32 s26, $0x1;
	_ =	strace $0x80000049;
	[dreg:$0x1] =	wrdreg $0xFFFFFFFF  }
0xb6: {  	s28 =	simm.s32 $_size_execute0_lowered;
	s4 =	sadd.s32 s4, s6;
	[dreg:$0x0] =	wrdreg $0x0  }
0xb7: {  	s6 =	sshll.u32 s28, $0x1;
	[dreg:$0x2] =	wrdreg s4  }
0xb8: {  	[dreg:$0x3] =	wrdreg s6  }
0xb9: {  	[dreg:$0x4] =	wrdreg $0xC0  }
0xba: {  	_ =	task [dreg:s22], $0x5FFFF  }
0xbb: {  	[dreg:$0x1] =	wrdreg $0xFFFFFFFF  }
0xbc: {  	[dreg:$0x0] =	wrdreg $0x60  }
0xbd: {  	[dreg:$0x2] =	wrdreg s24  }
0xbe: {  	[dreg:$0x3] =	wrdreg s18  }
0xbf: {  	[dreg:$0x4] =	wrdreg $0x9  }
0xc0: {  	_ =	task.clear_ibuf [dreg:s22], $0x5FFFF;
	_ =	strace $0x90000049  }
0xc1: {  	s29 =	simm.s32 $0x9;
	_ =	strace $0x8000004B  }
0xc2: {  	_ =	swait.ge [sflag:s29], $0x1  }
0xc3: {  	[sflag:s29] =	ssyncadd.s32 $0xFFFFFFFF  }
0xc4: {  	_ =	strace $0x9000004B  }
0xc5: {  	_ =	sfence  }
0xc6: {  	s30 =	sld [smem:$0x0];
	_ =	sdelay $0x2  }
0xc7: {  	s31 =	sshll.u32 s1, $0xD;
	s1 =	sshrl.u32 s1, $0x2  }
0xc8: {  	s4 =	sand.u32 $0x4000, s31;
	s1 =	sadd.s32 s1, s30  }
0xc9: {  	s0 =	sor.u32 s4, s0;
	s1 =	sshll.u32 s1, $0x11  }
0xca: {  	s0 =	sor.u32 s1, s0  }
0xcb: {  	s0 =	sadd.s32 $0x8F2B, s0  }
0xcc: {  	[sflag:s0] =	ssyncadd.remote.s32 $0x1  }
0xcd: {  	_ =	sfence.sel $0xFFFF  }
0xce: {  	[dreg:$0x0] =	wrdreg $0xFFFFFFFF;
	(pc) =	sbr.abs _section_cstart, $3  }
0xcf: {  	[dreg:$0x1] =	wrdreg $0xFFFFFFFF  }
0xd0: {  	_ =	task.clear_ibuf [dreg:s22], $0x2FFFF;
	_ =	strace $0x9FFFFFFF  }
0xd1: {  	(tm) =	ssettm $0x7FFFFFFF  }
tec
execute0_lowered:
.L_overlay_start_1:
0x0: {  	(tag) =	ssettag $0x1  }
0x1: {  	s0 =	srdreg.scid;
	s1 =	rddreg [dreg:$0x0]  }
0x2: {  	s10 =	stileid.u32;
	s2 =	rddreg [dreg:$0x1];
	s31 =	simm.s32 $0x600  }
0x3: {  	s20 =	simm.s32 $0x1600;
	s28 =	simm.s32 $0x3E00;
	s29 =	simm.s32 $0x4600  }
0x4: {  	s30 =	simm.s32 $0x4E00;
	s11 =	simm.s32 $0x9600;
	s12 =	simm.s32 $0x9E00  }
0x5: {  	s13 =	simm.s32 $0xA600;
	s14 =	simm.s32 $0xAE00;
	s8 =	smul.u32 $0x30000, s10  }
0x6: {  	s0 =	sand.u32 $0x1, s0;
	s3 =	sshll.u32 s10, $0x1;
	s10 =	smul.u32 $0x180000, s10  }
0x7: {  	s15 =	simm.s32 $0x1;
	s16 =	simm.s32 $0x3;
	s21 =	smul.u32 $0xC0000, s0  }
0x8: {  	s4 =	sor.u32 s0, s3;
	s7 =	ssub.s32 $0x2, s0;
	s0 =	smul.u32 $0x18000, s0  }
0x9: {  	s17 =	simm.s32 $0x2;
	s18 =	simm.s32 $0x4;
	s5 =	smul.u32 $0xC0, s4  }
0xa: {  	s19 =	simm.s32 $0x0;
	s3 =	simm.s32 $0x0;
	s6 =	smul.u32 $0xC0000, s4  }
0xb: {  	[smem:$0x7FF] =	sst s3;
	s4 =	smul.u32 $0x18000, s4;
	s9 =	sshrl.u32 s7, $0x1  }
0xc: {  	_ =	strace $0x8000004A;
	s7 =	ssub.s32 s7, s9;
	s23 =	sadd.s32 s21, s10  }
0xd: {  	s21 =	simm.s32 $0xE00;
	s9 =	simm.s32 $0x8E00;
	s10 =	simm.s32 $0xB600  }
0xe: {  	[dreg:$0x9] =	wrdreg s19;
	s5 =	sadd.s32 s5, s1;
	s1 =	sadd.s32 $0x257600, s1  }
0xf: {  	s7 =	smax.u32 s7, $0x1;
	s6 =	sshrl.u32 s6, $0x3;
	s24 =	sor.u32 $0x10000, s23  }
0x10: {  	s23 =	simm.s32 $0x8600;
	s5 =	sadd.s32 $0x5E00, s5;
	[dreg:$0x6] =	wrdreg s7  }
0x11: {  	s4 =	sadd.s32 s4, s1;
	s22 =	sadd.s32 s8, s1;
	s6 =	sadd.s32 s1, s6  }
0x12: {  	s25 =	sshrl.u32 s24, $0x3;
	s24 =	simm.s32 $0x2E00;
	s7 =	simm.s32 $0x7600  }
0x13: {  	s8 =	simm.s32 $0x7E00;
	[dreg:$0x5] =	wrdreg s5;
	s5 =	sadd.s32 $0x100, s2  }
0x14: {  	s0 =	sadd.s32 s0, s22;
	[dreg:$0x7] =	wrdreg s6;
	s4 =	sadd.s32 $0x17000, s4  }
0x15: {  	s26 =	sadd.s32 s25, s1;
	s22 =	simm.s32 $0x1E00;
	s25 =	simm.s32 $0x3600  }
0x16: {  	v2 =	vlaneseq.u32;
	s1 =	simm.s32 $0x5600;
	s6 =	simm.s32 $0x6E00;
	[dreg:$0x8] =	wrdreg s4  }
0x17: {  	vm0 =	vmmov $0xffff;
	v1 =	vshrl.u32 v2, $0x3;
	s0 =	sadd.s32 $0x1000, s0;
	[dreg:$0x4] =	wrdreg s26;
	s26 =	simm.s32 $0x2600  }
0x18: {  	v0 =	vand.u32 $0x7, v2;
	v2 =	vor.u32 $0x8, v2;
	v1 =	vmul.u32 $0x8, v1;
	s4 =	simm.s32 $0x6600;
	[dreg:$0x3] =	wrdreg s0;
	s0 =	simm.s32 $0x5E00  }
.LBB2_1:
0x19: {  	s19 =	rddreg [dreg:$0x5]  }
0x1a: {  	[tilespmem:s3], [sflag:$0x5] =	stream.linear.gather [hbm4b:s19+s3], $0x600, $0x38;
	[tilespmem:$0x10600] =	vst v63  }
0x1b: {  	s19 =	simm.s32 $0x5  }
0x1c: {  	_ =	swait.ge [sflag:s19], $0x600  }
0x1d: {  	[sflag:s19] =	ssyncset.done $0x0  }
0x1e: {  	[sflag:s19] =	ssyncadd.s32 $0xFFFFFA00  }
0x1f: {  	v3 =	vld [tilespmem:$0x0];
	_ =	sdelay $0x4  }
0x20: {  	v4 =	vshll.u32 v3, $0x2  }
0x21: {  	v3 =	vand.u32 $0x7, v3;
	v4 =	vand.u32 $0xFFFFFFE0, v4  }
0x22: {  	v3 =	vor.u32 v3, v4  }
0x23: {  	v4 =	vperm.xlane v3, v0;
	_ =	sdelay $0x1  }
0x24: {  	v4 =	vadd.s32 v1, v4;
	_ =	sdelay $0x1  }
0x25: {  	v3 =	vperm.xlane v3, v2;
	_ =	sdelay $0x1  }
0x26: {  	v3 =	vadd.s32 v1, v3  }
0x27: {  	[tilespmem:s31], [sflag:$0x1] =	stream.indirect_vreg.gather [hbm4b:s2+s3], $0x80, v4, vm0, $0xb8;
	[tilespmem:$0x10600] =	vst v63  }
0x28: {  	_ = 	snop  }
0x29: {  	[tilespmem:s21], [sflag:$0x1] =	stream.indirect_vreg.gather [hbm4b:s5+s3], $0x80, v4, vm0, $0xb8;
	[tilespmem:$0x10600] =	vst v63  }
0x2a: {  	_ = 	snop  }
0x2b: {  	[tilespmem:s20], [sflag:$0x1] =	stream.indirect_vreg.gather [hbm4b:s2+s3], $0x80, v3, vm0, $0xb8;
	[tilespmem:$0x10600] =	vst v63  }
0x2c: {  	_ = 	snop  }
0x2d: {  	[tilespmem:s22], [sflag:$0x1] =	stream.indirect_vreg.gather [hbm4b:s5+s3], $0x80, v3, vm0, $0xb8;
	[tilespmem:$0x10600] =	vst v63  }
0x2e: {  	v3 =	vld [tilespmem:$0x10];
	_ =	sdelay $0x4  }
0x2f: {  	v57 =	vshll.u32 v3, $0x2  }
0x30: {  	v3 =	vand.u32 $0x7, v3;
	v4 =	vand.u32 $0xFFFFFFE0, v57  }
0x31: {  	v3 =	vor.u32 v3, v4  }
0x32: {  	v4 =	vperm.xlane v3, v0;
	_ =	sdelay $0x1  }
0x33: {  	v4 =	vadd.s32 v1, v4;
	_ =	sdelay $0x1  }
0x34: {  	v3 =	vperm.xlane v3, v2;
	_ =	sdelay $0x1  }
0x35: {  	v3 =	vadd.s32 v1, v3  }
0x36: {  	[tilespmem:s26], [sflag:$0x1] =	stream.indirect_vreg.gather [hbm4b:s2+s3], $0x80, v4, vm0, $0xb8;
	[tilespmem:$0x10600] =	vst v63  }
0x37: {  	_ = 	snop  }
0x38: {  	[tilespmem:s24], [sflag:$0x1] =	stream.indirect_vreg.gather [hbm4b:s5+s3], $0x80, v4, vm0, $0xb8;
	[tilespmem:$0x10600] =	vst v63  }
0x39: {  	_ = 	snop  }
0x3a: {  	[tilespmem:s25], [sflag:$0x1] =	stream.indirect_vreg.gather [hbm4b:s2+s3], $0x80, v3, vm0, $0xb8;
	[tilespmem:$0x10600] =	vst v63  }
0x3b: {  	_ = 	snop  }
0x3c: {  	[tilespmem:s28], [sflag:$0x1] =	stream.indirect_vreg.gather [hbm4b:s5+s3], $0x80, v3, vm0, $0xb8;
	[tilespmem:$0x10600] =	vst v63  }
0x3d: {  	v3 =	vld [tilespmem:$0x20];
	_ =	sdelay $0x4  }
0x3e: {  	v58 =	vshll.u32 v3, $0x2  }
0x3f: {  	v3 =	vand.u32 $0x7, v3;
	v4 =	vand.u32 $0xFFFFFFE0, v58  }
0x40: {  	v3 =	vor.u32 v3, v4  }
0x41: {  	v4 =	vperm.xlane v3, v0;
	_ =	sdelay $0x1  }
0x42: {  	v4 =	vadd.s32 v1, v4;
	_ =	sdelay $0x1  }
0x43: {  	v3 =	vperm.xlane v3, v2;
	_ =	sdelay $0x1  }
0x44: {  	v3 =	vadd.s32 v1, v3  }
0x45: {  	[tilespmem:s29], [sflag:$0x1] =	stream.indirect_vreg.gather [hbm4b:s2+s3], $0x80, v4, vm0, $0xb8;
	[tilespmem:$0x10600] =	vst v63  }
0x46: {  	_ = 	snop  }
0x47: {  	[tilespmem:s30], [sflag:$0x1] =	stream.indirect_vreg.gather [hbm4b:s5+s3], $0x80, v4, vm0, $0xb8;
	[tilespmem:$0x10600] =	vst v63  }
0x48: {  	_ = 	snop  }
0x49: {  	[tilespmem:s1], [sflag:$0x1] =	stream.indirect_vreg.gather [hbm4b:s2+s3], $0x80, v3, vm0, $0xb8;
	[tilespmem:$0x10600] =	vst v63  }
0x4a: {  	_ = 	snop  }
0x4b: {  	[tilespmem:s0], [sflag:$0x1] =	stream.indirect_vreg.gather [hbm4b:s5+s3], $0x80, v3, vm0, $0xb8;
	[tilespmem:$0x10600] =	vst v63  }
0x4c: {  	v3 =	vld [tilespmem:$0x30];
	_ =	sdelay $0x4  }
0x4d: {  	v59 =	vshll.u32 v3, $0x2  }
0x4e: {  	v3 =	vand.u32 $0x7, v3;
	v4 =	vand.u32 $0xFFFFFFE0, v59  }
0x4f: {  	v3 =	vor.u32 v3, v4  }
0x50: {  	v4 =	vperm.xlane v3, v0;
	_ =	sdelay $0x1  }
0x51: {  	v4 =	vadd.s32 v1, v4;
	_ =	sdelay $0x1  }
0x52: {  	v3 =	vperm.xlane v3, v2;
	_ =	sdelay $0x1  }
0x53: {  	v3 =	vadd.s32 v1, v3  }
0x54: {  	[tilespmem:s4], [sflag:$0x1] =	stream.indirect_vreg.gather [hbm4b:s2+s3], $0x80, v4, vm0, $0xb8;
	[tilespmem:$0x10600] =	vst v63  }
0x55: {  	_ = 	snop  }
0x56: {  	[tilespmem:s6], [sflag:$0x1] =	stream.indirect_vreg.gather [hbm4b:s5+s3], $0x80, v4, vm0, $0xb8;
	[tilespmem:$0x10600] =	vst v63  }
0x57: {  	_ = 	snop  }
0x58: {  	[tilespmem:s7], [sflag:$0x1] =	stream.indirect_vreg.gather [hbm4b:s2+s3], $0x80, v3, vm0, $0xb8;
	[tilespmem:$0x10600] =	vst v63  }
0x59: {  	_ = 	snop  }
0x5a: {  	[tilespmem:s8], [sflag:$0x1] =	stream.indirect_vreg.gather [hbm4b:s5+s3], $0x80, v3, vm0, $0xb8;
	[tilespmem:$0x10600] =	vst v63  }
0x5b: {  	v3 =	vld [tilespmem:$0x40];
	_ =	sdelay $0x4  }
0x5c: {  	v60 =	vshll.u32 v3, $0x2  }
0x5d: {  	v3 =	vand.u32 $0x7, v3;
	v4 =	vand.u32 $0xFFFFFFE0, v60  }
0x5e: {  	v3 =	vor.u32 v3, v4  }
0x5f: {  	v4 =	vperm.xlane v3, v0;
	_ =	sdelay $0x1  }
0x60: {  	v4 =	vadd.s32 v1, v4;
	_ =	sdelay $0x1  }
0x61: {  	v3 =	vperm.xlane v3, v2;
	_ =	sdelay $0x1  }
0x62: {  	v3 =	vadd.s32 v1, v3  }
0x63: {  	[tilespmem:s23], [sflag:$0x2] =	stream.indirect_vreg.gather [hbm4b:s2+s3], $0x80, v4, vm0, $0xb8;
	[tilespmem:$0x10600] =	vst v63  }
0x64: {  	_ = 	snop  }
0x65: {  	[tilespmem:s9], [sflag:$0x2] =	stream.indirect_vreg.gather [hbm4b:s5+s3], $0x80, v4, vm0, $0xb8;
	[tilespmem:$0x10600] =	vst v63  }
0x66: {  	_ = 	snop  }
0x67: {  	[tilespmem:s11], [sflag:$0x2] =	stream.indirect_vreg.gather [hbm4b:s2+s3], $0x80, v3, vm0, $0xb8;
	[tilespmem:$0x10600] =	vst v63  }
0x68: {  	_ = 	snop  }
0x69: {  	[tilespmem:s12], [sflag:$0x2] =	stream.indirect_vreg.gather [hbm4b:s5+s3], $0x80, v3, vm0, $0xb8;
	[tilespmem:$0x10600] =	vst v63  }
0x6a: {  	v3 =	vld [tilespmem:$0x50];
	_ =	sdelay $0x4  }
0x6b: {  	v61 =	vshll.u32 v3, $0x2  }
0x6c: {  	v3 =	vand.u32 $0x7, v3;
	v4 =	vand.u32 $0xFFFFFFE0, v61  }
0x6d: {  	v3 =	vor.u32 v3, v4  }
0x6e: {  	v4 =	vperm.xlane v3, v0;
	_ =	sdelay $0x1  }
0x6f: {  	v4 =	vadd.s32 v1, v4;
	_ =	sdelay $0x1  }
0x70: {  	v3 =	vperm.xlane v3, v2;
	_ =	sdelay $0x1  }
0x71: {  	v3 =	vadd.s32 v1, v3  }
0x72: {  	[tilespmem:s13], [sflag:$0x2] =	stream.indirect_vreg.gather [hbm4b:s2+s3], $0x80, v4, vm0, $0xb8;
	[tilespmem:$0x10600] =	vst v63  }
0x73: {  	_ = 	snop  }
0x74: {  	[tilespmem:s14], [sflag:$0x2] =	stream.indirect_vreg.gather [hbm4b:s5+s3], $0x80, v4, vm0, $0xb8;
	[tilespmem:$0x10600] =	vst v63  }
0x75: {  	_ = 	snop  }
0x76: {  	[tilespmem:s10], [sflag:$0x2] =	stream.indirect_vreg.gather [hbm4b:s2+s3], $0x80, v3, vm0, $0xb8;
	[tilespmem:$0x10600] =	vst v63  }
0x77: {  	s12 =	simm.s32 $0xBE00  }
0x78: {  	[tilespmem:s12], [sflag:$0x2] =	stream.indirect_vreg.gather [hbm4b:s5+s3], $0x80, v3, vm0, $0xb8;
	[tilespmem:$0x10600] =	vst v63  }
0x79: {  	v3 =	vld [tilespmem:$0x60];
	_ =	sdelay $0x4  }
0x7a: {  	v62 =	vshll.u32 v3, $0x2  }
0x7b: {  	v3 =	vand.u32 $0x7, v3;
	v4 =	vand.u32 $0xFFFFFFE0, v62  }
0x7c: {  	v3 =	vor.u32 v3, v4  }
0x7d: {  	v4 =	vperm.xlane v3, v0;
	_ =	sdelay $0x1  }
0x7e: {  	v4 =	vadd.s32 v1, v4;
	_ =	sdelay $0x1  }
0x7f: {  	v3 =	vperm.xlane v3, v2;
	_ =	sdelay $0x1  }
0x80: {  	s13 =	simm.s32 $0xC600;
	v3 =	vadd.s32 v1, v3  }
0x81: {  	[tilespmem:s13], [sflag:$0x2] =	stream.indirect_vreg.gather [hbm4b:s2+s3], $0x80, v4, vm0, $0xb8;
	[tilespmem:$0x10600] =	vst v63  }
0x82: {  	s14 =	simm.s32 $0xCE00  }
0x83: {  	[tilespmem:s14], [sflag:$0x2] =	stream.indirect_vreg.gather [hbm4b:s5+s3], $0x80, v4, vm0, $0xb8;
	[tilespmem:$0x10600] =	vst v63  }
0x84: {  	s19 =	simm.s32 $0xD600  }
0x85: {  	[tilespmem:s19], [sflag:$0x2] =	stream.indirect_vreg.gather [hbm4b:s2+s3], $0x80, v3, vm0, $0xb8;
	[tilespmem:$0x10600] =	vst v63  }
0x86: {  	s20 =	simm.s32 $0xDE00  }
0x87: {  	[tilespmem:s20], [sflag:$0x2] =	stream.indirect_vreg.gather [hbm4b:s5+s3], $0x80, v3, vm0, $0xb8;
	[tilespmem:$0x10600] =	vst v63  }
0x88: {  	v3 =	vld [tilespmem:$0x70];
	_ =	sdelay $0x4  }
0x89: {  	v63 =	vshll.u32 v3, $0x2  }
0x8a: {  	v3 =	vand.u32 $0x7, v3;
	v4 =	vand.u32 $0xFFFFFFE0, v63  }
0x8b: {  	v3 =	vor.u32 v3, v4  }
0x8c: {  	v4 =	vperm.xlane v3, v0;
	_ =	sdelay $0x1  }
0x8d: {  	v4 =	vadd.s32 v1, v4;
	_ =	sdelay $0x1  }
0x8e: {  	s22 =	simm.s32 $0xE600;
	s24 =	simm.s32 $0xF600;
	v3 =	vperm.xlane v3, v2  }
0x8f: {  	s25 =	simm.s32 $0xFE00;
	s28 =	simm.s32 $0x3600;
	s29 =	simm.s32 $0x3E00  }
0x90: {  	s30 =	simm.s32 $0x4600;
	s1 =	simm.s32 $0x5600;
	s0 =	simm.s32 $0x5E00;
	v3 =	vadd.s32 v1, v3  }
0x91: {  	[tilespmem:s22], [sflag:$0x2] =	stream.indirect_vreg.gather [hbm4b:s2+s3], $0x80, v4, vm0, $0xb8;
	[tilespmem:$0x10600] =	vst v63  }
0x92: {  	s4 =	simm.s32 $0x6600;
	s6 =	simm.s32 $0x6E00;
	s23 =	simm.s32 $0xEE00  }
0x93: {  	[tilespmem:s23], [sflag:$0x2] =	stream.indirect_vreg.gather [hbm4b:s5+s3], $0x80, v4, vm0, $0xb8;
	[tilespmem:$0x10600] =	vst v63  }
0x94: {  	s7 =	simm.s32 $0x7600;
	s8 =	simm.s32 $0x7E00;
	s9 =	simm.s32 $0x8E00  }
0x95: {  	[tilespmem:s24], [sflag:$0x2] =	stream.indirect_vreg.gather [hbm4b:s2+s3], $0x80, v3, vm0, $0xb8;
	[tilespmem:$0x10600] =	vst v63  }
0x96: {  	s11 =	simm.s32 $0x9600;
	s10 =	simm.s32 $0xB600;
	s12 =	simm.s32 $0x9E00  }
0x97: {  	[tilespmem:s25], [sflag:$0x2] =	stream.indirect_vreg.gather [hbm4b:s5+s3], $0x80, v3, vm0, $0xb8;
	[tilespmem:$0x10600] =	vst v63  }
0x98: {  	s13 =	simm.s32 $0xA600;
	s14 =	simm.s32 $0xAE00;
	_ =	swait.ge [sflag:s15], $0x8000  }
0x99: {  	s19 =	simm.s32 $0xF0;
	s20 =	simm.s32 $0x0;
	[sflag:s15] =	ssyncset.done $0x0  }
0x9a: {  	s22 =	simm.s32 $0x1600;
	s26 =	rddreg [dreg:$0x7];
	[sflag:s15] =	ssyncadd.s32 $0xFFFF8000  }
0x9b: {  	[hbm4b:s26+s3] =	stream.linear.scatter [tilespmem:s31], [sflag:$0x3], $0x8000, $0x38;
	[tilespmem:$0x10600] =	vst v63  }
0x9c: {  	s24 =	simm.s32 $0x2600;
	s26 =	simm.s32 $0x600;
	s31 =	simm.s32 $0x4E00  }
.LBB2_2:
0x9d: {  	_ =	swait.ge [sflag:s16], $0x8000  }
0x9e: {  	[sflag:s16] =	ssyncset.done $0x0  }
0x9f: {  	[sflag:s16] =	ssyncadd.s32 $0xFFFF8000  }
0xa0: {  	v3 =	vld [tilespmem:s19+$0xFFFFFF90];
	_ =	sdelay $0x4  }
0xa1: {  	v4 =	vshll.u32 v3, $0x2  }
0xa2: {  	v3 =	vand.u32 $0x7, v3;
	v4 =	vand.u32 $0xFFFFFFE0, v4  }
0xa3: {  	v3 =	vor.u32 v3, v4  }
0xa4: {  	v4 =	vperm.xlane v3, v0;
	_ =	sdelay $0x1  }
0xa5: {  	v4 =	vadd.s32 v1, v4;
	_ =	sdelay $0x1  }
0xa6: {  	v3 =	vperm.xlane v3, v2;
	_ =	sdelay $0x1  }
0xa7: {  	v3 =	vadd.s32 v1, v3  }
0xa8: {  	[tilespmem:s26], [sflag:$0x1] =	stream.indirect_vreg.gather [hbm4b:s2+s3], $0x80, v4, vm0, $0xb8;
	[tilespmem:$0x10600] =	vst v63  }
0xa9: {  	_ = 	snop  }
0xaa: {  	[tilespmem:s21], [sflag:$0x1] =	stream.indirect_vreg.gather [hbm4b:s5+s3], $0x80, v4, vm0, $0xb8;
	[tilespmem:$0x10600] =	vst v63  }
0xab: {  	_ = 	snop  }
0xac: {  	[tilespmem:s22], [sflag:$0x1] =	stream.indirect_vreg.gather [hbm4b:s2+s3], $0x80, v3, vm0, $0xb8;
	[tilespmem:$0x10600] =	vst v63  }
0xad: {  	s23 =	simm.s32 $0x1E00  }
0xae: {  	[tilespmem:s23], [sflag:$0x1] =	stream.indirect_vreg.gather [hbm4b:s5+s3], $0x80, v3, vm0, $0xb8;
	[tilespmem:$0x10600] =	vst v63  }
0xaf: {  	v3 =	vld [tilespmem:s19+$0xFFFFFFA0];
	_ =	sdelay $0x4  }
0xb0: {  	v57 =	vshll.u32 v3, $0x2  }
0xb1: {  	v3 =	vand.u32 $0x7, v3;
	v4 =	vand.u32 $0xFFFFFFE0, v57  }
0xb2: {  	v3 =	vor.u32 v3, v4  }
0xb3: {  	v4 =	vperm.xlane v3, v0;
	_ =	sdelay $0x1  }
0xb4: {  	v4 =	vadd.s32 v1, v4;
	_ =	sdelay $0x1  }
0xb5: {  	v3 =	vperm.xlane v3, v2;
	_ =	sdelay $0x1  }
0xb6: {  	v3 =	vadd.s32 v1, v3  }
0xb7: {  	[tilespmem:s24], [sflag:$0x1] =	stream.indirect_vreg.gather [hbm4b:s2+s3], $0x80, v4, vm0, $0xb8;
	[tilespmem:$0x10600] =	vst v63  }
0xb8: {  	s25 =	simm.s32 $0x2E00  }
0xb9: {  	[tilespmem:s25], [sflag:$0x1] =	stream.indirect_vreg.gather [hbm4b:s5+s3], $0x80, v4, vm0, $0xb8;
	[tilespmem:$0x10600] =	vst v63  }
0xba: {  	_ = 	snop  }
0xbb: {  	[tilespmem:s28], [sflag:$0x1] =	stream.indirect_vreg.gather [hbm4b:s2+s3], $0x80, v3, vm0, $0xb8;
	[tilespmem:$0x10600] =	vst v63  }
0xbc: {  	_ = 	snop  }
0xbd: {  	[tilespmem:s29], [sflag:$0x1] =	stream.indirect_vreg.gather [hbm4b:s5+s3], $0x80, v3, vm0, $0xb8;
	[tilespmem:$0x10600] =	vst v63  }
0xbe: {  	v3 =	vld [tilespmem:s19+$0xFFFFFFB0];
	_ =	sdelay $0x4  }
0xbf: {  	v58 =	vshll.u32 v3, $0x2  }
0xc0: {  	v3 =	vand.u32 $0x7, v3;
	v4 =	vand.u32 $0xFFFFFFE0, v58  }
0xc1: {  	v3 =	vor.u32 v3, v4  }
0xc2: {  	v4 =	vperm.xlane v3, v0;
	_ =	sdelay $0x1  }
0xc3: {  	v4 =	vadd.s32 v1, v4;
	_ =	sdelay $0x1  }
0xc4: {  	v3 =	vperm.xlane v3, v2;
	_ =	sdelay $0x1  }
0xc5: {  	v3 =	vadd.s32 v1, v3  }
0xc6: {  	[tilespmem:s30], [sflag:$0x1] =	stream.indirect_vreg.gather [hbm4b:s2+s3], $0x80, v4, vm0, $0xb8;
	[tilespmem:$0x10600] =	vst v63  }
0xc7: {  	_ = 	snop  }
0xc8: {  	[tilespmem:s31], [sflag:$0x1] =	stream.indirect_vreg.gather [hbm4b:s5+s3], $0x80, v4, vm0, $0xb8;
	[tilespmem:$0x10600] =	vst v63  }
0xc9: {  	_ = 	snop  }
0xca: {  	[tilespmem:s1], [sflag:$0x1] =	stream.indirect_vreg.gather [hbm4b:s2+s3], $0x80, v3, vm0, $0xb8;
	[tilespmem:$0x10600] =	vst v63  }
0xcb: {  	_ = 	snop  }
0xcc: {  	[tilespmem:s0], [sflag:$0x1] =	stream.indirect_vreg.gather [hbm4b:s5+s3], $0x80, v3, vm0, $0xb8;
	[tilespmem:$0x10600] =	vst v63  }
0xcd: {  	v3 =	vld [tilespmem:s19+$0xFFFFFFC0];
	_ =	sdelay $0x4  }
0xce: {  	v59 =	vshll.u32 v3, $0x2  }
0xcf: {  	v3 =	vand.u32 $0x7, v3;
	v4 =	vand.u32 $0xFFFFFFE0, v59  }
0xd0: {  	v3 =	vor.u32 v3, v4  }
0xd1: {  	v4 =	vperm.xlane v3, v0;
	_ =	sdelay $0x1  }
0xd2: {  	v4 =	vadd.s32 v1, v4;
	_ =	sdelay $0x1  }
0xd3: {  	v3 =	vperm.xlane v3, v2;
	_ =	sdelay $0x1  }
0xd4: {  	v3 =	vadd.s32 v1, v3  }
0xd5: {  	[tilespmem:s4], [sflag:$0x1] =	stream.indirect_vreg.gather [hbm4b:s2+s3], $0x80, v4, vm0, $0xb8;
	[tilespmem:$0x10600] =	vst v63  }
0xd6: {  	_ = 	snop  }
0xd7: {  	[tilespmem:s6], [sflag:$0x1] =	stream.indirect_vreg.gather [hbm4b:s5+s3], $0x80, v4, vm0, $0xb8;
	[tilespmem:$0x10600] =	vst v63  }
0xd8: {  	_ = 	snop  }
0xd9: {  	[tilespmem:s7], [sflag:$0x1] =	stream.indirect_vreg.gather [hbm4b:s2+s3], $0x80, v3, vm0, $0xb8;
	[tilespmem:$0x10600] =	vst v63  }
0xda: {  	_ = 	snop  }
0xdb: {  	[tilespmem:s8], [sflag:$0x1] =	stream.indirect_vreg.gather [hbm4b:s5+s3], $0x80, v3, vm0, $0xb8;
	[tilespmem:$0x10600] =	vst v63  }
0xdc: {  	_ =	swait.ge [sflag:s17], $0x8000  }
0xdd: {  	s23 =	rddreg [dreg:$0x3];
	[sflag:s17] =	ssyncset.done $0x0  }
0xde: {  	s25 =	simm.s32 $0x8600;
	[sflag:s17] =	ssyncadd.s32 $0xFFFF8000;
	s21 =	sadd.s32 s20, s23  }
0xdf: {  	[hbm4b:s21+s3] =	stream.linear.scatter [tilespmem:s25], [sflag:$0x4], $0x8000, $0x38;
	[tilespmem:$0x10600] =	vst v63  }
0xe0: {  	_ =	swait.ge [sflag:s18], $0x8000  }
0xe1: {  	[sflag:s18] =	ssyncset.done $0x0  }
0xe2: {  	[sflag:s18] =	ssyncadd.s32 $0xFFFF8000  }
0xe3: {  	v3 =	vld [tilespmem:s19+$0xFFFFFFD0];
	_ =	sdelay $0x4  }
0xe4: {  	v60 =	vshll.u32 v3, $0x2  }
0xe5: {  	v3 =	vand.u32 $0x7, v3;
	v4 =	vand.u32 $0xFFFFFFE0, v60  }
0xe6: {  	v3 =	vor.u32 v3, v4  }
0xe7: {  	v4 =	vperm.xlane v3, v0;
	_ =	sdelay $0x1  }
0xe8: {  	v4 =	vadd.s32 v1, v4;
	_ =	sdelay $0x1  }
0xe9: {  	v3 =	vperm.xlane v3, v2;
	_ =	sdelay $0x1  }
0xea: {  	v3 =	vadd.s32 v1, v3  }
0xeb: {  	[tilespmem:s25], [sflag:$0x2] =	stream.indirect_vreg.gather [hbm4b:s2+s3], $0x80, v4, vm0, $0xb8;
	[tilespmem:$0x10600] =	vst v63  }
0xec: {  	_ = 	snop  }
0xed: {  	[tilespmem:s9], [sflag:$0x2] =	stream.indirect_vreg.gather [hbm4b:s5+s3], $0x80, v4, vm0, $0xb8;
	[tilespmem:$0x10600] =	vst v63  }
0xee: {  	_ = 	snop  }
0xef: {  	[tilespmem:s11], [sflag:$0x2] =	stream.indirect_vreg.gather [hbm4b:s2+s3], $0x80, v3, vm0, $0xb8;
	[tilespmem:$0x10600] =	vst v63  }
0xf0: {  	_ = 	snop  }
0xf1: {  	[tilespmem:s12], [sflag:$0x2] =	stream.indirect_vreg.gather [hbm4b:s5+s3], $0x80, v3, vm0, $0xb8;
	[tilespmem:$0x10600] =	vst v63  }
0xf2: {  	v3 =	vld [tilespmem:s19+$0xFFFFFFE0];
	_ =	sdelay $0x4  }
0xf3: {  	v61 =	vshll.u32 v3, $0x2  }
0xf4: {  	v3 =	vand.u32 $0x7, v3;
	v4 =	vand.u32 $0xFFFFFFE0, v61  }
0xf5: {  	v3 =	vor.u32 v3, v4  }
0xf6: {  	v4 =	vperm.xlane v3, v0;
	_ =	sdelay $0x1  }
0xf7: {  	v4 =	vadd.s32 v1, v4;
	_ =	sdelay $0x1  }
0xf8: {  	v3 =	vperm.xlane v3, v2;
	_ =	sdelay $0x1  }
0xf9: {  	v3 =	vadd.s32 v1, v3  }
0xfa: {  	[tilespmem:s13], [sflag:$0x2] =	stream.indirect_vreg.gather [hbm4b:s2+s3], $0x80, v4, vm0, $0xb8;
	[tilespmem:$0x10600] =	vst v63  }
0xfb: {  	_ = 	snop  }
0xfc: {  	[tilespmem:s14], [sflag:$0x2] =	stream.indirect_vreg.gather [hbm4b:s5+s3], $0x80, v4, vm0, $0xb8;
	[tilespmem:$0x10600] =	vst v63  }
0xfd: {  	_ = 	snop  }
0xfe: {  	[tilespmem:s10], [sflag:$0x2] =	stream.indirect_vreg.gather [hbm4b:s2+s3], $0x80, v3, vm0, $0xb8;
	[tilespmem:$0x10600] =	vst v63  }
0xff: {  	s25 =	simm.s32 $0xBE00  }
0x100: {  	[tilespmem:s25], [sflag:$0x2] =	stream.indirect_vreg.gather [hbm4b:s5+s3], $0x80, v3, vm0, $0xb8;
	[tilespmem:$0x10600] =	vst v63  }
0x101: {  	v3 =	vld [tilespmem:s19+$0xFFFFFFF0];
	_ =	sdelay $0x4  }
0x102: {  	v62 =	vshll.u32 v3, $0x2  }
0x103: {  	v3 =	vand.u32 $0x7, v3;
	v4 =	vand.u32 $0xFFFFFFE0, v62  }
0x104: {  	v3 =	vor.u32 v3, v4  }
0x105: {  	v4 =	vperm.xlane v3, v0;
	_ =	sdelay $0x1  }
0x106: {  	v4 =	vadd.s32 v1, v4;
	_ =	sdelay $0x1  }
0x107: {  	v3 =	vperm.xlane v3, v2;
	_ =	sdelay $0x1  }
0x108: {  	s25 =	simm.s32 $0xC600;
	v3 =	vadd.s32 v1, v3  }
0x109: {  	[tilespmem:s25], [sflag:$0x2] =	stream.indirect_vreg.gather [hbm4b:s2+s3], $0x80, v4, vm0, $0xb8;
	[tilespmem:$0x10600] =	vst v63  }
0x10a: {  	s25 =	simm.s32 $0xCE00  }
0x10b: {  	[tilespmem:s25], [sflag:$0x2] =	stream.indirect_vreg.gather [hbm4b:s5+s3], $0x80, v4, vm0, $0xb8;
	[tilespmem:$0x10600] =	vst v63  }
0x10c: {  	s25 =	simm.s32 $0xD600  }
0x10d: {  	[tilespmem:s25], [sflag:$0x2] =	stream.indirect_vreg.gather [hbm4b:s2+s3], $0x80, v3, vm0, $0xb8;
	[tilespmem:$0x10600] =	vst v63  }
0x10e: {  	s25 =	simm.s32 $0xDE00  }
0x10f: {  	[tilespmem:s25], [sflag:$0x2] =	stream.indirect_vreg.gather [hbm4b:s5+s3], $0x80, v3, vm0, $0xb8;
	[tilespmem:$0x10600] =	vst v63  }
0x110: {  	v3 =	vld [tilespmem:s19+$0x0];
	_ =	sdelay $0x4  }
0x111: {  	v63 =	vshll.u32 v3, $0x2  }
0x112: {  	v3 =	vand.u32 $0x7, v3;
	v4 =	vand.u32 $0xFFFFFFE0, v63  }
0x113: {  	v3 =	vor.u32 v3, v4  }
0x114: {  	v4 =	vperm.xlane v3, v0;
	_ =	sdelay $0x1  }
0x115: {  	v4 =	vadd.s32 v1, v4;
	_ =	sdelay $0x1  }
0x116: {  	v3 =	vperm.xlane v3, v2;
	_ =	sdelay $0x1  }
0x117: {  	s25 =	simm.s32 $0xE600;
	v3 =	vadd.s32 v1, v3  }
0x118: {  	[tilespmem:s25], [sflag:$0x2] =	stream.indirect_vreg.gather [hbm4b:s2+s3], $0x80, v4, vm0, $0xb8;
	[tilespmem:$0x10600] =	vst v63  }
0x119: {  	s25 =	simm.s32 $0xEE00  }
0x11a: {  	[tilespmem:s25], [sflag:$0x2] =	stream.indirect_vreg.gather [hbm4b:s5+s3], $0x80, v4, vm0, $0xb8;
	[tilespmem:$0x10600] =	vst v63  }
0x11b: {  	s25 =	simm.s32 $0xF600  }
0x11c: {  	[tilespmem:s25], [sflag:$0x2] =	stream.indirect_vreg.gather [hbm4b:s2+s3], $0x80, v3, vm0, $0xb8;
	[tilespmem:$0x10600] =	vst v63  }
0x11d: {  	p0 =	sne.s32 s20, $0x14000;
	s25 =	simm.s32 $0xFE00  }
0x11e: {  	[tilespmem:s25], [sflag:$0x2] =	stream.indirect_vreg.gather [hbm4b:s5+s3], $0x80, v3, vm0, $0xb8;
	[tilespmem:$0x10600] =	vst v63  }
.Ltmp0:
0x11f: {  	_ =	swait.ge [sflag:s15], $0x8000;
	(pc) =	sbr.rel @p0 .LBB2_2-.Ltmp0, $4  }
0x120: {  	s25 =	rddreg [dreg:$0x4];
	[sflag:s15] =	ssyncset.done $0x0  }
0x121: {  	s23 =	simm.s32 $0x8600;
	[sflag:s15] =	ssyncadd.s32 $0xFFFF8000;
	s21 =	sadd.s32 s20, s25  }
0x122: {  	[hbm4b:s21+s3] =	stream.linear.scatter [tilespmem:s26], [sflag:$0x3], $0x8000, $0x38;
	[tilespmem:$0x10600] =	vst v63  }
0x123: {  	s19 =	sadd.s32 $0x80, s19;
	s20 =	sadd.s32 $0x2000, s20;
	s21 =	simm.s32 $0xE00  }
0x124: {  	_ =	swait.ge [sflag:s17], $0x8000  }
0x125: {  	[sflag:s17] =	ssyncset.done $0x0  }
0x126: {  	s19 =	rddreg [dreg:$0x8];
	[sflag:s17] =	ssyncadd.s32 $0xFFFF8000  }
0x127: {  	[hbm4b:s19+s3] =	stream.linear.scatter [tilespmem:s23], [sflag:$0x4], $0x8000, $0x38;
	[tilespmem:$0x10600] =	vst v63  }
0x128: {  	_ =	swait.ge [sflag:s16], $0x8000  }
0x129: {  	s20 =	simm.s32 $0x1600;
	[sflag:s16] =	ssyncset.done $0x0  }
0x12a: {  	s22 =	simm.s32 $0x1E00;
	s24 =	simm.s32 $0x2E00;
	[sflag:s16] =	ssyncadd.s32 $0xFFFF8000  }
0x12b: {  	s25 =	simm.s32 $0x3600;
	s28 =	simm.s32 $0x3E00;
	_ =	swait.ge [sflag:s18], $0x8000  }
0x12c: {  	s29 =	simm.s32 $0x4600;
	s30 =	simm.s32 $0x4E00;
	s0 =	rddreg [dreg:$0x9]  }
0x12d: {  	s1 =	simm.s32 $0x5600;
	s26 =	rddreg [dreg:$0x6];
	s0 =	sadd.s32 $0x1, s0  }
0x12e: {  	s4 =	simm.s32 $0x6600;
	s6 =	simm.s32 $0x6E00;
	p0 =	sne.s32 s0, s26  }
.Ltmp1:
0x12f: {  	s7 =	simm.s32 $0x7600;
	s8 =	simm.s32 $0x7E00;
	(pc) =	sbr.rel @p0 .LBB2_1-.Ltmp1, $4  }
0x130: {  	s9 =	simm.s32 $0x8E00;
	s11 =	simm.s32 $0x9600;
	s12 =	simm.s32 $0x9E00  }
0x131: {  	s13 =	simm.s32 $0xA600;
	s14 =	simm.s32 $0xAE00;
	[sflag:s18] =	ssyncset.done $0x0  }
0x132: {  	s10 =	simm.s32 $0xB600;
	s31 =	simm.s32 $0x600;
	[sflag:s18] =	ssyncadd.s32 $0xFFFF8000  }
0x133: {  	[dreg:$0x9] =	wrdreg s0;
	s26 =	simm.s32 $0x2600;
	s0 =	simm.s32 $0x5E00  }
0x134: {  	_ =	sfence.sel $0x180000  }
0x135: {  	[bflag:$0x0] =	sbarrier.arrive $0xFFFF  }
0x136: {  	_ =	strace $0x9000004A  }
0x137: {  	s0 =	stileid.u32;
	[bflag:$0x2] =	sbarrier.arrive $0xFFFF  }
0x138: {  	p0 =	sne.s32 s0, $0x0;
	s0 =	rddreg [dreg:$0x2]  }
0x139: {  	s0 =	sadd.s32 @!p0 $0x100000, s0  }
0x13a: {  	[sflag:s0] =	ssyncadd.tile.s32 @!p0 $0x1;
	_ =	shalt  }
.Lfunc_end2:
_tile_overlayer_lowered:
.L_overlay_start_2:
0x13b: {  	(tag) =	ssettag $0x2  }
0x13c: {  	s0 =	rddreg [dreg:$0x0];
	s2 =	stileid.u32  }
0x13d: {  	s1 =	rddreg [dreg:$0x1];
	p0 =	sne.s32 s2, $0x0  }
0x13e: {  	s3 =	rddreg [dreg:$0x2];
	[bflag:$0x3] =	sbarrier.arrive $0xFFFF;
	s2 =	simm.s32 @!p0 $0x1C05  }
0x13f: {  	[timem:s3], [sflag:s2] =	dma.local @!p0 [hbm:s0], s1  }
0x140: {  	s0 =	simm.s32 @!p0 $0x5  }
0x141: {  	_ =	swait.ge @!p0 [sflag:s0], s1  }
0x142: {  	s1 =	ssub.s32 @!p0 $0x0, s1;
	[sflag:s0] =	ssyncset.done @!p0 $0x0  }
0x143: {  	[sflag:s0] =	ssyncadd.s32 @!p0 s1  }
0x144: {  	[bflag:$0x3] =	sbarrier.arrive $0xFFFF  }
0x145: {  	_ =	shalt  }

// kernel: kernel.18.cloned.1.call-start
scs
__scs_entry_jumppad:
0x0: {  	(pc) =	sbr.rel $0x88, $3  }
0x1: {  	(tag) =	ssettag $0x0;
	lr =	simm.s32 $0x1  }
0x2: {  	[smem:$0x3F9C] =	sst lr;
	_ =	strace $0xD0000000  }
0x3: {  	_ = 	snop  }
0x4: {  	_ = 	snop  }
0x5: {  	_ = 	snop  }
0x6: {  	_ = 	snop  }
0x7: {  	_ = 	snop  }
__scs_overlays_trampoline_lowered:
0x8: {  	[smem:$0x3FAB] =	sst s0  }
0x9: {  	[smem:$0x3FAC] =	sst s1  }
0xa: {  	[smem:$0x3FAD] =	sst s2  }
0xb: {  	[smem:$0x3FAE] =	sst s3  }
0xc: {  	[smem:$0x3FAF] =	sst s4  }
0xd: {  	[smem:$0x3FB0] =	sst s5  }
0xe: {  	[smem:$0x3FB1] =	sst s6  }
0xf: {  	[smem:$0x3FB2] =	sst s7  }
0x10: {  	[smem:$0x3FB3] =	sst s8  }
0x11: {  	[smem:$0x3FB4] =	sst s9;
	s0 =	simm.s32 @!p0 $0x0  }
0x12: {  	s1 =	sld [smem:$0x3F9A];
	s0 =	simm.s32 @p0 $0x1  }
0x13: {  	[smem:$0x3FB5] =	sst s0;
	s0 =	simm.s32 @!p1 $0x0  }
0x14: {  	s2 =	sld [smem:$0x3F99];
	s0 =	simm.s32 @p1 $0x1  }
0x15: {  	[smem:$0x3FB6] =	sst s0;
	s0 =	simm.s32 @!p2 $0x0  }
0x16: {  	s3 =	sld [smem:$0x3FDB];
	s0 =	simm.s32 @p2 $0x1  }
0x17: {  	s4 =	simm.s32 $0x1BF5;
	[smem:$0x3FB8] =	sst s0  }
0x18: {  	s0 =	sld [smem:$0x3F9B];
	_ =	swait.ge [sflag:s4], $0x0  }
0x19: {  	s7 =	sld [smem:$0x3F9C]  }
0x1a: {  	s8 =	sadd.s32 $0xFFFFE003, lr  }
0x1b: {  	s9 =	sadd.s32 $0xFFFFFEF7, lr;
	s5 =	simm.s32 $0xFFFFFFFF;
	p2 =	slt.u32 s8, $0xFFFFF086  }
0x1c: {  	p1 =	slt.u32 s9, $0xF7A;
	s5 =	simm.s32 @!p2 $0x0  }
0x1d: {  	s5 =	simm.s32 @p1 $0x1;
	p0 =	seq.s32 s7, s2  }
0x1e: {  	s7 =	smul.u32 @!p0 $0xF7A, s2;
	p2 =	seq.s32 @!p0 s5, $0x0  }
0x1f: {  	s9 =	smul.u32 $0xF7A, s1;
	s8 =	simm.s32 @!p0 $0x1BF5;
	p2 =	por !p2, p0  }
0x20: {  	[sflag:s8] =	ssyncset.s32 @!p0 $0xFFFFF086;
	s6 =	sadd.s32 @!p0 s3, s7;
	s7 =	simm.s32 @!p0 $0x108  }
0x21: {  	s3 =	sadd.s32 s3, s9;
	s6 =	sadd.s32 @!p0 $0x88, s6;
	s7 =	simm.s32 @p2 $0x1082  }
0x22: {  	[simem:s7], [sflag:s8] =	dma.local @!p0 [hbm:s6], $0xF7A  }
0x23: {  	s9 =	sor.u32 $0xD0000000, s2;
	s6 =	simm.s32 $0x108;
	_ =	swait.ge @!p0 [sflag:s8], $0x0  }
0x24: {  	s3 =	sadd.s32 $0x88, s3;
	s6 =	simm.s32 @!p1 $0x1082;
	[sflag:s4] =	ssyncset.s32 $0xFFFFF086  }
0x25: {  	[simem:s6], [sflag:s4] =	dma.local [hbm:s3], $0xF7A  }
0x26: {  	[smem:$0x3F9C] =	sst s1;
	(tag) =	ssettag s2;
	_ =	strace s9  }
0x27: {  	s1 =	sld [smem:$0x3FAC]  }
0x28: {  	s2 =	sld [smem:$0x3FAD]  }
0x29: {  	s4 =	sld [smem:$0x3FAF]  }
0x2a: {  	p0 =	seq.s32 s5, $0x0;
	s5 =	sld [smem:$0x3FB0]  }
0x2b: {  	s6 =	sld [smem:$0x3FB1]  }
0x2c: {  	s7 =	sld [smem:$0x3FB2]  }
0x2d: {  	s3 =	simm.s32 $0x108;
	s8 =	sld [smem:$0x3FB3]  }
0x2e: {  	s3 =	simm.s32 @!p0 $0x1082;
	s9 =	sld [smem:$0x3FB4]  }
0x2f: {  	lr =	sadd.s32 s0, s3;
	s0 =	sld [smem:$0x3FAB]  }
0x30: {  	s3 =	sld [smem:$0x3FAE]  }
0x31: {  	[smem:$0x3FB7] =	sst s10  }
0x32: {  	s10 =	sld [smem:$0x3FB5];
	_ =	sdelay $0x3  }
0x33: {  	p0 =	seq.s32 s10, $0x1;
	s10 =	sld [smem:$0x3FB7];
	_ =	sdelay $0x3  }
0x34: {  	[smem:$0x3FB7] =	sst s10  }
0x35: {  	s10 =	sld [smem:$0x3FB6];
	_ =	sdelay $0x3  }
0x36: {  	p1 =	seq.s32 s10, $0x1;
	s10 =	sld [smem:$0x3FB7];
	_ =	sdelay $0x3  }
0x37: {  	[smem:$0x3FB7] =	sst s10  }
0x38: {  	s10 =	sld [smem:$0x3FB8]  }
0x39: {  	_ = 	snop;
	(pc) =	sbr.ind lr, $3  }
0x3a: {  	_ = 	snop  }
0x3b: {  	_ = 	snop  }
0x3c: {  	p2 =	seq.s32 s10, $0x1;
	s10 =	sld [smem:$0x3FB7]  }
0x3d: {  	_ =	shalt  }
0x3e: {  	_ =	shalt  }
0x3f: {  	_ =	shalt  }
0x40: {  	_ =	shalt  }
0x41: {  	_ =	shalt  }
0x42: {  	_ =	shalt  }
0x43: {  	_ =	shalt  }
0x44: {  	_ =	shalt  }
0x45: {  	_ =	shalt  }
0x46: {  	_ =	shalt  }
0x47: {  	_ =	shalt  }
0x48: {  	_ =	shalt  }
0x49: {  	_ =	shalt  }
0x4a: {  	_ =	shalt  }
0x4b: {  	_ =	shalt  }
0x4c: {  	_ =	shalt  }
0x4d: {  	_ =	shalt  }
0x4e: {  	_ =	shalt  }
0x4f: {  	_ =	shalt  }
0x50: {  	_ =	shalt  }
0x51: {  	_ =	shalt  }
0x52: {  	_ =	shalt  }
0x53: {  	_ =	shalt  }
0x54: {  	_ =	shalt  }
0x55: {  	_ =	shalt  }
0x56: {  	_ =	shalt  }
0x57: {  	_ =	shalt  }
0x58: {  	_ =	shalt  }
0x59: {  	_ =	shalt  }
0x5a: {  	_ =	shalt  }
0x5b: {  	_ =	shalt  }
0x5c: {  	_ =	shalt  }
0x5d: {  	_ =	shalt  }
0x5e: {  	_ =	shalt  }
0x5f: {  	_ =	shalt  }
0x60: {  	_ =	shalt  }
0x61: {  	_ =	shalt  }
0x62: {  	_ =	shalt  }
0x63: {  	_ =	shalt  }
0x64: {  	_ =	shalt  }
0x65: {  	_ =	shalt  }
0x66: {  	_ =	shalt  }
0x67: {  	_ =	shalt  }
0x68: {  	_ =	shalt  }
0x69: {  	_ =	shalt  }
0x6a: {  	_ =	shalt  }
0x6b: {  	_ =	shalt  }
0x6c: {  	_ =	shalt  }
0x6d: {  	_ =	shalt  }
0x6e: {  	_ =	shalt  }
0x6f: {  	_ =	shalt  }
0x70: {  	_ =	shalt  }
0x71: {  	_ =	shalt  }
0x72: {  	_ =	shalt  }
0x73: {  	_ =	shalt  }
0x74: {  	_ =	shalt  }
0x75: {  	_ =	shalt  }
0x76: {  	_ =	shalt  }
0x77: {  	_ =	shalt  }
0x78: {  	_ =	shalt  }
0x79: {  	_ =	shalt  }
0x7a: {  	_ =	shalt  }
0x7b: {  	_ =	shalt  }
0x7c: {  	_ =	shalt  }
0x7d: {  	_ =	shalt  }
0x7e: {  	_ =	shalt  }
0x7f: {  	_ =	shalt  }
0x80: {  	_ =	shalt  }
0x81: {  	_ =	shalt  }
0x82: {  	_ =	shalt  }
0x83: {  	_ =	shalt  }
0x84: {  	_ =	shalt  }
0x85: {  	_ =	shalt  }
0x86: {  	_ =	shalt  }
0x87: {  	_ =	shalt  }
.Lfunc_end0:
.L_simem_size_0:
called_computation.1_lowered:
.L_overlay_start_0:
0x88: {  	s2 =	sld [smem:$0x3FD9]  }
0x89: {  	s3 =	sld [smem:$0x3FFE];
	_ =	sdelay $0x1  }
0x8a: {  	s1 =	srdreg.scid  }
0x8b: {  	s0 =	sand.u32 $0x1, s1  }
0x8c: {  	s16 =	sshll.u32 s0, $0xA;
	s2 =	sadd.s32 s3, s2  }
0x8d: {  	s2 =	sadd.s32 s2, s16  }
0x8e: {  	[smem:$0x3FC3] =	sst s2  }
0x8f: {  	_ = 	snop  }
0x90: {  	(tm) =	ssettm $0x1  }
0x91: {  	s17 =	sld [smem:$0x3FFB];
	_ =	sdelay $0x3  }
0x92: {  	_ =	strace s17  }
0x93: {  	s2 =	sld [smem:$0x3FFC];
	_ =	sdelay $0x3  }
0x94: {  	_ =	strace s2  }
0x95: {  	s2 =	sld [smem:$0x3FFD];
	_ =	sdelay $0x3  }
0x96: {  	_ =	strace s2  }
0x97: {  	_ =	strace $0x8FFFFFFF  }
0x98: {  	s18 =	sld [smem:$0x3FDB];
	_ =	sdelay $0x1  }
0x99: {  	s19 =	simm.s32 $_scs_section_size  }
0x9a: {  	s4 =	simm.s32 $_size__tile_overlayer_lowered;
	s5 =	simm.s32 $_tile_overlayer_lowered  }
0x9b: {  	s22 =	simm.s32 $0x1BFF;
	s21 =	sshll.u32 s5, $0x1;
	s2 =	sadd.s32 s19, s18  }
0x9c: {  	s6 =	simm.s32 $0x0;
	s20 =	sshll.u32 s4, $0x1;
	s4 =	sadd.s32 s21, s2  }
0x9d: {  	[timem:s6], [sflag:s22] =	dma.local [hbm:s4], s20  }
0x9e: {  	_ =	swait.ge [sflag:s22], s20  }
0x9f: {  	s3 =	ssub.s32 $0x0, s20;
	[sflag:s22] =	ssyncset.done $0x0  }
0xa0: {  	[sflag:s22] =	ssyncadd.s32 s3;
	_ =	sdelay $0x1  }
0xa1: {  	s23 =	simm.s32 $0x1B8B  }
0xa2: {  	_ =	swait.ge [sflag:s23], $0x1  }
0xa3: {  	[sflag:s23] =	ssyncset.done $0x0  }
0xa4: {  	s25 =	simm.s32 $0x1B8E;
	s24 =	sld [smem:$0x3FFE];
	[sflag:s23] =	ssyncadd.s32 $0xFFFFFFFF  }
0xa5: {  	s26 =	simm.s32 $execute0_lowered;
	[smem:$0x3FD2] =	sst s25  }
0xa6: {  	s4 =	sshll.u32 s26, $0x1;
	_ =	strace $0x80000046;
	[dreg:$0x1] =	wrdreg $0xFFFFFFFF  }
0xa7: {  	s28 =	simm.s32 $_size_execute0_lowered;
	s2 =	sadd.s32 s2, s4;
	[dreg:$0x0] =	wrdreg $0x0  }
0xa8: {  	s4 =	sshll.u32 s28, $0x1;
	[dreg:$0x2] =	wrdreg s2  }
0xa9: {  	[dreg:$0x3] =	wrdreg s4  }
0xaa: {  	[dreg:$0x4] =	wrdreg $0xC0  }
0xab: {  	_ =	task [dreg:s6], $0x5FFFF  }
0xac: {  	[dreg:$0x1] =	wrdreg $0xFFFFFFFF  }
0xad: {  	[dreg:$0x0] =	wrdreg $0x60  }
0xae: {  	[dreg:$0x2] =	wrdreg s24  }
0xaf: {  	[dreg:$0x3] =	wrdreg $0xA  }
0xb0: {  	_ =	task.clear_ibuf [dreg:s6], $0x4FFFF;
	_ =	strace $0x90000046  }
0xb1: {  	s29 =	simm.s32 $0xA;
	_ =	strace $0x80000048  }
0xb2: {  	_ =	swait.ge [sflag:s29], $0x1  }
0xb3: {  	[sflag:s29] =	ssyncadd.s32 $0xFFFFFFFF  }
0xb4: {  	_ =	strace $0x90000048  }
0xb5: {  	_ =	sfence  }
0xb6: {  	s30 =	sld [smem:$0x0];
	_ =	sdelay $0x2  }
0xb7: {  	s31 =	sshll.u32 s1, $0xD;
	s1 =	sshrl.u32 s1, $0x2  }
0xb8: {  	s3 =	sand.u32 $0x4000, s31;
	s1 =	sadd.s32 s1, s30  }
0xb9: {  	s0 =	sor.u32 s3, s0;
	s1 =	sshll.u32 s1, $0x11  }
0xba: {  	s0 =	sor.u32 s1, s0  }
0xbb: {  	s0 =	sadd.s32 $0x8F2B, s0  }
0xbc: {  	[sflag:s0] =	ssyncadd.remote.s32 $0x1  }
0xbd: {  	_ =	sfence.sel $0xFFFF  }
0xbe: {  	[dreg:$0x0] =	wrdreg $0xFFFFFFFF;
	(pc) =	sbr.abs _section_cstart, $3  }
0xbf: {  	[dreg:$0x1] =	wrdreg $0xFFFFFFFF  }
0xc0: {  	_ =	task.clear_ibuf [dreg:s6], $0x2FFFF;
	_ =	strace $0x9FFFFFFF  }
0xc1: {  	(tm) =	ssettm $0x7FFFFFFF  }
tec
execute0_lowered:
.L_overlay_start_1:
0x0: {  	(tag) =	ssettag $0x1  }
0x1: {  	s1 =	srdreg.scid;
	s0 =	stileid.u32  }
0x2: {  	s1 =	sand.u32 $0x1, s1;
	s2 =	sshll.u32 s0, $0x1  }
0x3: {  	s3 =	sor.u32 s1, s2  }
0x4: {  	s4 =	smul.u32 $0xC0, s3  }
0x5: {  	s5 =	rddreg [dreg:$0x0];
	s2 =	simm.s32 $0x0;
	s6 =	smul.u32 $0x6000, s3  }
0x6: {  	s7 =	sadd.s32 $0x197600, s5;
	[smem:$0x7FF] =	sst s2;
	s4 =	sadd.s32 s4, s5  }
0x7: {  	s3 =	smul.u32 $0x30000, s3;
	s31 =	sadd.s32 s7, s6;
	s4 =	sadd.s32 $0x5E00, s4  }
0x8: {  	_ =	strace $0x80000047;
	s23 =	sadd.s32 $0x800, s31;
	[dreg:$0x2] =	wrdreg s4  }
0x9: {  	s3 =	sshrl.u32 s3, $0x3;
	s26 =	sadd.s32 $0x1800, s31;
	[dreg:$0x3] =	wrdreg s23  }
0xa: {  	s3 =	sadd.s32 s7, s3;
	[dreg:$0x5] =	wrdreg s26  }
0xb: {  	s24 =	sadd.s32 $0x1000, s3;
	s25 =	rddreg [dreg:$0x2]  }
0xc: {  	s4 =	simm.s32 $0x5;
	[dreg:$0x4] =	wrdreg s24  }
0xd: {  	[tilespmem:s2], [sflag:$0x5] =	stream.linear.gather [hbm4b:s25+s2], $0x600, $0x38;
	[tilespmem:$0x8600] =	vst v63  }
0xe: {  	_ =	swait.ge [sflag:s4], $0x600  }
0xf: {  	s5 =	sadd.s32 $0x7600, s5;
	[sflag:s4] =	ssyncset.done $0x0  }
0x10: {  	s6 =	simm.s32 $0x80;
	s7 =	simm.s32 $0x600;
	[sflag:s4] =	ssyncadd.s32 $0xFFFFFA00  }
0x11: {  	[tilespmem:s7], [sflag:$0x1] =	stream.indirect.gather [hbm4b:s5+s6], $0x80, s2, s6, $0xb8;
	[tilespmem:$0x8600] =	vst v63  }
0x12: {  	s8 =	simm.s32 $0x4600;
	s9 =	simm.s32 $0x1  }
0x13: {  	[tilespmem:s8], [sflag:$0x2] =	stream.indirect.gather [hbm4b:s5+s6], $0x80, s6, s6, $0xb8;
	[tilespmem:$0x8600] =	vst v63  }
0x14: {  	_ =	swait.ge [sflag:s9], $0x4000  }
0x15: {  	[sflag:s9] =	ssyncset.done $0x0  }
0x16: {  	s10 =	simm.s32 $0x3;
	[sflag:s9] =	ssyncadd.s32 $0xFFFFC000  }
0x17: {  	[hbm4b:s3+s2] =	stream.linear.scatter [tilespmem:s7], [sflag:$0x3], $0x4000, $0x38;
	[tilespmem:$0x8600] =	vst v63  }
0x18: {  	_ =	swait.ge [sflag:s10], $0x4000  }
0x19: {  	[sflag:s10] =	ssyncset.done $0x0  }
0x1a: {  	s11 =	simm.s32 $0x100;
	s12 =	simm.s32 $0x2;
	[sflag:s10] =	ssyncadd.s32 $0xFFFFC000  }
0x1b: {  	[tilespmem:s7], [sflag:$0x1] =	stream.indirect.gather [hbm4b:s5+s6], $0x80, s11, s6, $0xb8;
	[tilespmem:$0x8600] =	vst v63  }
0x1c: {  	_ =	swait.ge [sflag:s12], $0x4000  }
0x1d: {  	[sflag:s12] =	ssyncset.done $0x0  }
0x1e: {  	s13 =	simm.s32 $0x4;
	s14 =	rddreg [dreg:$0x3];
	[sflag:s12] =	ssyncadd.s32 $0xFFFFC000  }
0x1f: {  	[hbm4b:s14+s2] =	stream.linear.scatter [tilespmem:s8], [sflag:$0x4], $0x4000, $0x38;
	[tilespmem:$0x8600] =	vst v63  }
0x20: {  	_ =	swait.ge [sflag:s13], $0x4000  }
0x21: {  	[sflag:s13] =	ssyncset.done $0x0  }
0x22: {  	s14 =	simm.s32 $0x180;
	[sflag:s13] =	ssyncadd.s32 $0xFFFFC000  }
0x23: {  	[tilespmem:s8], [sflag:$0x2] =	stream.indirect.gather [hbm4b:s5+s6], $0x80, s14, s6, $0xb8;
	[tilespmem:$0x8600] =	vst v63  }
0x24: {  	_ =	swait.ge [sflag:s9], $0x4000  }
0x25: {  	[sflag:s9] =	ssyncset.done $0x0  }
0x26: {  	s15 =	rddreg [dreg:$0x4];
	[sflag:s9] =	ssyncadd.s32 $0xFFFFC000  }
0x27: {  	[hbm4b:s15+s2] =	stream.linear.scatter [tilespmem:s7], [sflag:$0x3], $0x4000, $0x38;
	[tilespmem:$0x8600] =	vst v63  }
0x28: {  	_ =	swait.ge [sflag:s10], $0x4000  }
0x29: {  	[sflag:s10] =	ssyncset.done $0x0  }
0x2a: {  	s15 =	simm.s32 $0x200;
	[sflag:s10] =	ssyncadd.s32 $0xFFFFC000  }
0x2b: {  	[tilespmem:s7], [sflag:$0x1] =	stream.indirect.gather [hbm4b:s5+s6], $0x80, s15, s6, $0xb8;
	[tilespmem:$0x8600] =	vst v63  }
0x2c: {  	_ =	swait.ge [sflag:s12], $0x4000  }
0x2d: {  	[sflag:s12] =	ssyncset.done $0x0  }
0x2e: {  	s16 =	rddreg [dreg:$0x5];
	[sflag:s12] =	ssyncadd.s32 $0xFFFFC000  }
0x2f: {  	[hbm4b:s16+s2] =	stream.linear.scatter [tilespmem:s8], [sflag:$0x4], $0x4000, $0x38;
	[tilespmem:$0x8600] =	vst v63  }
0x30: {  	_ =	swait.ge [sflag:s13], $0x4000  }
0x31: {  	[sflag:s13] =	ssyncset.done $0x0  }
0x32: {  	s16 =	simm.s32 $0x280;
	[sflag:s13] =	ssyncadd.s32 $0xFFFFC000  }
0x33: {  	[tilespmem:s8], [sflag:$0x2] =	stream.indirect.gather [hbm4b:s5+s6], $0x80, s16, s6, $0xb8;
	[tilespmem:$0x8600] =	vst v63  }
0x34: {  	_ =	swait.ge [sflag:s9], $0x4000  }
0x35: {  	[sflag:s9] =	ssyncset.done $0x0  }
0x36: {  	s17 =	sadd.s32 $0x2000, s3;
	[sflag:s9] =	ssyncadd.s32 $0xFFFFC000  }
0x37: {  	[hbm4b:s17+s2] =	stream.linear.scatter [tilespmem:s7], [sflag:$0x3], $0x4000, $0x38;
	[tilespmem:$0x8600] =	vst v63  }
0x38: {  	_ =	swait.ge [sflag:s10], $0x4000  }
0x39: {  	[sflag:s10] =	ssyncset.done $0x0  }
0x3a: {  	s18 =	simm.s32 $0x300;
	[sflag:s10] =	ssyncadd.s32 $0xFFFFC000  }
0x3b: {  	[tilespmem:s7], [sflag:$0x1] =	stream.indirect.gather [hbm4b:s5+s6], $0x80, s18, s6, $0xb8;
	[tilespmem:$0x8600] =	vst v63  }
0x3c: {  	_ =	swait.ge [sflag:s12], $0x4000  }
0x3d: {  	[sflag:s12] =	ssyncset.done $0x0  }
0x3e: {  	s19 =	sadd.s32 $0x2800, s31;
	[sflag:s12] =	ssyncadd.s32 $0xFFFFC000  }
0x3f: {  	[hbm4b:s19+s2] =	stream.linear.scatter [tilespmem:s8], [sflag:$0x4], $0x4000, $0x38;
	[tilespmem:$0x8600] =	vst v63  }
0x40: {  	_ =	swait.ge [sflag:s13], $0x4000  }
0x41: {  	[sflag:s13] =	ssyncset.done $0x0  }
0x42: {  	s20 =	simm.s32 $0x380;
	[sflag:s13] =	ssyncadd.s32 $0xFFFFC000  }
0x43: {  	[tilespmem:s8], [sflag:$0x2] =	stream.indirect.gather [hbm4b:s5+s6], $0x80, s20, s6, $0xb8;
	[tilespmem:$0x8600] =	vst v63  }
0x44: {  	_ =	swait.ge [sflag:s9], $0x4000  }
0x45: {  	[sflag:s9] =	ssyncset.done $0x0  }
0x46: {  	s21 =	sadd.s32 $0x3000, s3;
	[sflag:s9] =	ssyncadd.s32 $0xFFFFC000  }
0x47: {  	[hbm4b:s21+s2] =	stream.linear.scatter [tilespmem:s7], [sflag:$0x3], $0x4000, $0x38;
	[tilespmem:$0x8600] =	vst v63  }
0x48: {  	_ =	swait.ge [sflag:s10], $0x4000  }
0x49: {  	[sflag:s10] =	ssyncset.done $0x0  }
0x4a: {  	s22 =	simm.s32 $0x400;
	[sflag:s10] =	ssyncadd.s32 $0xFFFFC000  }
0x4b: {  	[tilespmem:s7], [sflag:$0x1] =	stream.indirect.gather [hbm4b:s5+s6], $0x80, s22, s6, $0xb8;
	[tilespmem:$0x8600] =	vst v63  }
0x4c: {  	_ =	swait.ge [sflag:s12], $0x4000  }
0x4d: {  	[sflag:s12] =	ssyncset.done $0x0  }
0x4e: {  	s23 =	sadd.s32 $0x3800, s31;
	[sflag:s12] =	ssyncadd.s32 $0xFFFFC000  }
0x4f: {  	[hbm4b:s23+s2] =	stream.linear.scatter [tilespmem:s8], [sflag:$0x4], $0x4000, $0x38;
	[tilespmem:$0x8600] =	vst v63  }
0x50: {  	_ =	swait.ge [sflag:s13], $0x4000  }
0x51: {  	[sflag:s13] =	ssyncset.done $0x0  }
0x52: {  	s24 =	simm.s32 $0x480;
	[sflag:s13] =	ssyncadd.s32 $0xFFFFC000  }
0x53: {  	[tilespmem:s8], [sflag:$0x2] =	stream.indirect.gather [hbm4b:s5+s6], $0x80, s24, s6, $0xb8;
	[tilespmem:$0x8600] =	vst v63  }
0x54: {  	_ =	swait.ge [sflag:s9], $0x4000  }
0x55: {  	[sflag:s9] =	ssyncset.done $0x0  }
0x56: {  	s25 =	sadd.s32 $0x4000, s3;
	[sflag:s9] =	ssyncadd.s32 $0xFFFFC000  }
0x57: {  	[hbm4b:s25+s2] =	stream.linear.scatter [tilespmem:s7], [sflag:$0x3], $0x4000, $0x38;
	[tilespmem:$0x8600] =	vst v63  }
0x58: {  	_ =	swait.ge [sflag:s10], $0x4000  }
0x59: {  	[sflag:s10] =	ssyncset.done $0x0  }
0x5a: {  	s26 =	simm.s32 $0x500;
	[sflag:s10] =	ssyncadd.s32 $0xFFFFC000  }
0x5b: {  	[tilespmem:s7], [sflag:$0x1] =	stream.indirect.gather [hbm4b:s5+s6], $0x80, s26, s6, $0xb8;
	[tilespmem:$0x8600] =	vst v63  }
0x5c: {  	_ =	swait.ge [sflag:s12], $0x4000  }
0x5d: {  	[sflag:s12] =	ssyncset.done $0x0  }
0x5e: {  	s28 =	sadd.s32 $0x4800, s31;
	[sflag:s12] =	ssyncadd.s32 $0xFFFFC000  }
0x5f: {  	[hbm4b:s28+s2] =	stream.linear.scatter [tilespmem:s8], [sflag:$0x4], $0x4000, $0x38;
	[tilespmem:$0x8600] =	vst v63  }
0x60: {  	_ =	swait.ge [sflag:s13], $0x4000  }
0x61: {  	[sflag:s13] =	ssyncset.done $0x0  }
0x62: {  	s29 =	simm.s32 $0x580;
	[sflag:s13] =	ssyncadd.s32 $0xFFFFC000  }
0x63: {  	[tilespmem:s8], [sflag:$0x2] =	stream.indirect.gather [hbm4b:s5+s6], $0x80, s29, s6, $0xb8;
	[tilespmem:$0x8600] =	vst v63  }
0x64: {  	_ =	swait.ge [sflag:s9], $0x4000  }
0x65: {  	s1 =	ssub.s32 $0x2, s1;
	[sflag:s9] =	ssyncset.done $0x0  }
0x66: {  	s0 =	sshrl.u32 s1, $0x1;
	s30 =	sadd.s32 $0x5000, s3;
	[sflag:s9] =	ssyncadd.s32 $0xFFFFC000  }
0x67: {  	[hbm4b:s30+s2] =	stream.linear.scatter [tilespmem:s7], [sflag:$0x3], $0x4000, $0x38;
	[tilespmem:$0x8600] =	vst v63  }
0x68: {  	s0 =	ssub.s32 s1, s0;
	_ =	swait.ge [sflag:s12], $0x4000  }
0x69: {  	s0 =	smax.u32 s0, $0x1;
	[sflag:s12] =	ssyncset.done $0x0  }
0x6a: {  	p0 =	sne.s32 s0, $0x1;
	s31 =	sadd.s32 $0x5800, s31;
	[sflag:s12] =	ssyncadd.s32 $0xFFFFC000  }
0x6b: {  	[hbm4b:s31+s2] =	stream.linear.scatter [tilespmem:s8], [sflag:$0x4], $0x4000, $0x38;
	[tilespmem:$0x8600] =	vst v63  }
.Ltmp0:
0x6c: {  	_ =	swait.ge [sflag:s10], $0x4000;
	(pc) =	sbr.rel @!p0 .LBB2_2-.Ltmp0, $4  }
0x6d: {  	[sflag:s10] =	ssyncset.done $0x0  }
0x6e: {  	[sflag:s10] =	ssyncadd.s32 $0xFFFFC000  }
0x6f: {  	_ =	swait.ge [sflag:s13], $0x4000  }
0x70: {  	s1 =	sadd.s32 $0xFFFFFFFF, s0;
	[sflag:s13] =	ssyncset.done $0x0  }
.LBB2_1:
0x71: {  	s0 =	rddreg [dreg:$0x2];
	[sflag:s13] =	ssyncadd.s32 $0xFFFFC000  }
0x72: {  	[tilespmem:s2], [sflag:$0x5] =	stream.linear.gather [hbm4b:s0+s2], $0x600, $0x38;
	[tilespmem:$0x8600] =	vst v63  }
0x73: {  	_ =	swait.ge [sflag:s4], $0x600  }
0x74: {  	[sflag:s4] =	ssyncset.done $0x0  }
0x75: {  	[sflag:s4] =	ssyncadd.s32 $0xFFFFFA00  }
0x76: {  	[tilespmem:s7], [sflag:$0x1] =	stream.indirect.gather [hbm4b:s5+s6], $0x80, s2, s6, $0xb8;
	[tilespmem:$0x8600] =	vst v63  }
0x77: {  	_ = 	snop  }
0x78: {  	[tilespmem:s8], [sflag:$0x2] =	stream.indirect.gather [hbm4b:s5+s6], $0x80, s6, s6, $0xb8;
	[tilespmem:$0x8600] =	vst v63  }
0x79: {  	_ =	swait.ge [sflag:s9], $0x4000  }
0x7a: {  	[sflag:s9] =	ssyncset.done $0x0  }
0x7b: {  	[sflag:s9] =	ssyncadd.s32 $0xFFFFC000  }
0x7c: {  	[hbm4b:s3+s2] =	stream.linear.scatter [tilespmem:s7], [sflag:$0x3], $0x4000, $0x38;
	[tilespmem:$0x8600] =	vst v63  }
0x7d: {  	_ =	swait.ge [sflag:s10], $0x4000  }
0x7e: {  	[sflag:s10] =	ssyncset.done $0x0  }
0x7f: {  	[sflag:s10] =	ssyncadd.s32 $0xFFFFC000  }
0x80: {  	[tilespmem:s7], [sflag:$0x1] =	stream.indirect.gather [hbm4b:s5+s6], $0x80, s11, s6, $0xb8;
	[tilespmem:$0x8600] =	vst v63  }
0x81: {  	_ =	swait.ge [sflag:s12], $0x4000  }
0x82: {  	[sflag:s12] =	ssyncset.done $0x0  }
0x83: {  	s0 =	rddreg [dreg:$0x3];
	[sflag:s12] =	ssyncadd.s32 $0xFFFFC000  }
0x84: {  	[hbm4b:s0+s2] =	stream.linear.scatter [tilespmem:s8], [sflag:$0x4], $0x4000, $0x38;
	[tilespmem:$0x8600] =	vst v63  }
0x85: {  	_ =	swait.ge [sflag:s13], $0x4000  }
0x86: {  	[sflag:s13] =	ssyncset.done $0x0  }
0x87: {  	[sflag:s13] =	ssyncadd.s32 $0xFFFFC000  }
0x88: {  	[tilespmem:s8], [sflag:$0x2] =	stream.indirect.gather [hbm4b:s5+s6], $0x80, s14, s6, $0xb8;
	[tilespmem:$0x8600] =	vst v63  }
0x89: {  	_ =	swait.ge [sflag:s9], $0x4000  }
0x8a: {  	[sflag:s9] =	ssyncset.done $0x0  }
0x8b: {  	s0 =	rddreg [dreg:$0x4];
	[sflag:s9] =	ssyncadd.s32 $0xFFFFC000  }
0x8c: {  	[hbm4b:s0+s2] =	stream.linear.scatter [tilespmem:s7], [sflag:$0x3], $0x4000, $0x38;
	[tilespmem:$0x8600] =	vst v63  }
0x8d: {  	_ =	swait.ge [sflag:s10], $0x4000  }
0x8e: {  	[sflag:s10] =	ssyncset.done $0x0  }
0x8f: {  	[sflag:s10] =	ssyncadd.s32 $0xFFFFC000  }
0x90: {  	[tilespmem:s7], [sflag:$0x1] =	stream.indirect.gather [hbm4b:s5+s6], $0x80, s15, s6, $0xb8;
	[tilespmem:$0x8600] =	vst v63  }
0x91: {  	_ =	swait.ge [sflag:s12], $0x4000  }
0x92: {  	[sflag:s12] =	ssyncset.done $0x0  }
0x93: {  	s0 =	rddreg [dreg:$0x5];
	[sflag:s12] =	ssyncadd.s32 $0xFFFFC000  }
0x94: {  	[hbm4b:s0+s2] =	stream.linear.scatter [tilespmem:s8], [sflag:$0x4], $0x4000, $0x38;
	[tilespmem:$0x8600] =	vst v63  }
0x95: {  	_ =	swait.ge [sflag:s13], $0x4000  }
0x96: {  	[sflag:s13] =	ssyncset.done $0x0  }
0x97: {  	[sflag:s13] =	ssyncadd.s32 $0xFFFFC000  }
0x98: {  	[tilespmem:s8], [sflag:$0x2] =	stream.indirect.gather [hbm4b:s5+s6], $0x80, s16, s6, $0xb8;
	[tilespmem:$0x8600] =	vst v63  }
0x99: {  	_ =	swait.ge [sflag:s9], $0x4000  }
0x9a: {  	[sflag:s9] =	ssyncset.done $0x0  }
0x9b: {  	[sflag:s9] =	ssyncadd.s32 $0xFFFFC000  }
0x9c: {  	[hbm4b:s17+s2] =	stream.linear.scatter [tilespmem:s7], [sflag:$0x3], $0x4000, $0x38;
	[tilespmem:$0x8600] =	vst v63  }
0x9d: {  	_ =	swait.ge [sflag:s10], $0x4000  }
0x9e: {  	[sflag:s10] =	ssyncset.done $0x0  }
0x9f: {  	[sflag:s10] =	ssyncadd.s32 $0xFFFFC000  }
0xa0: {  	[tilespmem:s7], [sflag:$0x1] =	stream.indirect.gather [hbm4b:s5+s6], $0x80, s18, s6, $0xb8;
	[tilespmem:$0x8600] =	vst v63  }
0xa1: {  	_ =	swait.ge [sflag:s12], $0x4000  }
0xa2: {  	[sflag:s12] =	ssyncset.done $0x0  }
0xa3: {  	[sflag:s12] =	ssyncadd.s32 $0xFFFFC000  }
0xa4: {  	[hbm4b:s19+s2] =	stream.linear.scatter [tilespmem:s8], [sflag:$0x4], $0x4000, $0x38;
	[tilespmem:$0x8600] =	vst v63  }
0xa5: {  	_ =	swait.ge [sflag:s13], $0x4000  }
0xa6: {  	[sflag:s13] =	ssyncset.done $0x0  }
0xa7: {  	[sflag:s13] =	ssyncadd.s32 $0xFFFFC000  }
0xa8: {  	[tilespmem:s8], [sflag:$0x2] =	stream.indirect.gather [hbm4b:s5+s6], $0x80, s20, s6, $0xb8;
	[tilespmem:$0x8600] =	vst v63  }
0xa9: {  	_ =	swait.ge [sflag:s9], $0x4000  }
0xaa: {  	[sflag:s9] =	ssyncset.done $0x0  }
0xab: {  	[sflag:s9] =	ssyncadd.s32 $0xFFFFC000  }
0xac: {  	[hbm4b:s21+s2] =	stream.linear.scatter [tilespmem:s7], [sflag:$0x3], $0x4000, $0x38;
	[tilespmem:$0x8600] =	vst v63  }
0xad: {  	_ =	swait.ge [sflag:s10], $0x4000  }
0xae: {  	[sflag:s10] =	ssyncset.done $0x0  }
0xaf: {  	[sflag:s10] =	ssyncadd.s32 $0xFFFFC000  }
0xb0: {  	[tilespmem:s7], [sflag:$0x1] =	stream.indirect.gather [hbm4b:s5+s6], $0x80, s22, s6, $0xb8;
	[tilespmem:$0x8600] =	vst v63  }
0xb1: {  	_ =	swait.ge [sflag:s12], $0x4000  }
0xb2: {  	[sflag:s12] =	ssyncset.done $0x0  }
0xb3: {  	[sflag:s12] =	ssyncadd.s32 $0xFFFFC000  }
0xb4: {  	[hbm4b:s23+s2] =	stream.linear.scatter [tilespmem:s8], [sflag:$0x4], $0x4000, $0x38;
	[tilespmem:$0x8600] =	vst v63  }
0xb5: {  	_ =	swait.ge [sflag:s13], $0x4000  }
0xb6: {  	[sflag:s13] =	ssyncset.done $0x0  }
0xb7: {  	[sflag:s13] =	ssyncadd.s32 $0xFFFFC000  }
0xb8: {  	[tilespmem:s8], [sflag:$0x2] =	stream.indirect.gather [hbm4b:s5+s6], $0x80, s24, s6, $0xb8;
	[tilespmem:$0x8600] =	vst v63  }
0xb9: {  	_ =	swait.ge [sflag:s9], $0x4000  }
0xba: {  	[sflag:s9] =	ssyncset.done $0x0  }
0xbb: {  	[sflag:s9] =	ssyncadd.s32 $0xFFFFC000  }
0xbc: {  	[hbm4b:s25+s2] =	stream.linear.scatter [tilespmem:s7], [sflag:$0x3], $0x4000, $0x38;
	[tilespmem:$0x8600] =	vst v63  }
0xbd: {  	_ =	swait.ge [sflag:s10], $0x4000  }
0xbe: {  	[sflag:s10] =	ssyncset.done $0x0  }
0xbf: {  	[sflag:s10] =	ssyncadd.s32 $0xFFFFC000  }
0xc0: {  	[tilespmem:s7], [sflag:$0x1] =	stream.indirect.gather [hbm4b:s5+s6], $0x80, s26, s6, $0xb8;
	[tilespmem:$0x8600] =	vst v63  }
0xc1: {  	_ =	swait.ge [sflag:s12], $0x4000  }
0xc2: {  	[sflag:s12] =	ssyncset.done $0x0  }
0xc3: {  	[sflag:s12] =	ssyncadd.s32 $0xFFFFC000  }
0xc4: {  	[hbm4b:s28+s2] =	stream.linear.scatter [tilespmem:s8], [sflag:$0x4], $0x4000, $0x38;
	[tilespmem:$0x8600] =	vst v63  }
0xc5: {  	_ =	swait.ge [sflag:s13], $0x4000  }
0xc6: {  	[sflag:s13] =	ssyncset.done $0x0  }
0xc7: {  	[sflag:s13] =	ssyncadd.s32 $0xFFFFC000  }
0xc8: {  	[tilespmem:s8], [sflag:$0x2] =	stream.indirect.gather [hbm4b:s5+s6], $0x80, s29, s6, $0xb8;
	[tilespmem:$0x8600] =	vst v63  }
0xc9: {  	_ =	swait.ge [sflag:s9], $0x4000  }
0xca: {  	[sflag:s9] =	ssyncset.done $0x0  }
0xcb: {  	[sflag:s9] =	ssyncadd.s32 $0xFFFFC000  }
0xcc: {  	[hbm4b:s30+s2] =	stream.linear.scatter [tilespmem:s7], [sflag:$0x3], $0x4000, $0x38;
	[tilespmem:$0x8600] =	vst v63  }
0xcd: {  	_ =	swait.ge [sflag:s12], $0x4000  }
0xce: {  	[sflag:s12] =	ssyncset.done $0x0  }
0xcf: {  	p0 =	sne.s32 s1, $0x1;
	[sflag:s12] =	ssyncadd.s32 $0xFFFFC000  }
0xd0: {  	[hbm4b:s31+s2] =	stream.linear.scatter [tilespmem:s8], [sflag:$0x4], $0x4000, $0x38;
	[tilespmem:$0x8600] =	vst v63  }
.Ltmp1:
0xd1: {  	_ =	swait.ge [sflag:s10], $0x4000;
	(pc) =	sbr.rel @p0 .LBB2_1-.Ltmp1, $4  }
0xd2: {  	[sflag:s10] =	ssyncset.done $0x0  }
0xd3: {  	[sflag:s10] =	ssyncadd.s32 $0xFFFFC000  }
0xd4: {  	_ =	swait.ge [sflag:s13], $0x4000  }
0xd5: {  	s1 =	sadd.s32 $0xFFFFFFFF, s1;
	[sflag:s13] =	ssyncset.done $0x0  }
.LBB2_2:
0xd6: {  	[sflag:s13] =	ssyncadd.s32 $0xFFFFC000  }
0xd7: {  	_ =	sfence.sel $0x180000  }
0xd8: {  	[bflag:$0x0] =	sbarrier.arrive $0xFFFF  }
0xd9: {  	_ =	strace $0x90000047  }
0xda: {  	s0 =	stileid.u32;
	[bflag:$0x2] =	sbarrier.arrive $0xFFFF  }
0xdb: {  	p0 =	sne.s32 s0, $0x0;
	s0 =	rddreg [dreg:$0x1]  }
0xdc: {  	s0 =	sadd.s32 @!p0 $0x100000, s0  }
0xdd: {  	[sflag:s0] =	ssyncadd.tile.s32 @!p0 $0x1;
	_ =	shalt  }
.Lfunc_end2:
_tile_overlayer_lowered:
.L_overlay_start_2:
0xde: {  	(tag) =	ssettag $0x2  }
0xdf: {  	s0 =	rddreg [dreg:$0x0];
	s2 =	stileid.u32  }
0xe0: {  	s1 =	rddreg [dreg:$0x1];
	p0 =	sne.s32 s2, $0x0  }
0xe1: {  	s3 =	rddreg [dreg:$0x2];
	[bflag:$0x3] =	sbarrier.arrive $0xFFFF;
	s2 =	simm.s32 @!p0 $0x1C05  }
0xe2: {  	[timem:s3], [sflag:s2] =	dma.local @!p0 [hbm:s0], s1  }
0xe3: {  	s0 =	simm.s32 @!p0 $0x5  }
0xe4: {  	_ =	swait.ge @!p0 [sflag:s0], s1  }
0xe5: {  	s1 =	ssub.s32 @!p0 $0x0, s1;
	[sflag:s0] =	ssyncset.done @!p0 $0x0  }
0xe6: {  	[sflag:s0] =	ssyncadd.s32 @!p0 s1  }
0xe7: {  	[bflag:$0x3] =	sbarrier.arrive $0xFFFF  }
0xe8: {  	_ =	shalt  }

// kernel: kernel.21.cloned.1.call-start
scs
__scs_entry_jumppad:
0x0: {  	(pc) =	sbr.rel $0x88, $3  }
0x1: {  	(tag) =	ssettag $0x0;
	lr =	simm.s32 $0x1  }
0x2: {  	[smem:$0x3F9C] =	sst lr;
	_ =	strace $0xD0000000  }
0x3: {  	_ = 	snop  }
0x4: {  	_ = 	snop  }
0x5: {  	_ = 	snop  }
0x6: {  	_ = 	snop  }
0x7: {  	_ = 	snop  }
__scs_overlays_trampoline_lowered:
0x8: {  	[smem:$0x3FAB] =	sst s0  }
0x9: {  	[smem:$0x3FAC] =	sst s1  }
0xa: {  	[smem:$0x3FAD] =	sst s2  }
0xb: {  	[smem:$0x3FAE] =	sst s3  }
0xc: {  	[smem:$0x3FAF] =	sst s4  }
0xd: {  	[smem:$0x3FB0] =	sst s5  }
0xe: {  	[smem:$0x3FB1] =	sst s6  }
0xf: {  	[smem:$0x3FB2] =	sst s7  }
0x10: {  	[smem:$0x3FB3] =	sst s8  }
0x11: {  	[smem:$0x3FB4] =	sst s9;
	s0 =	simm.s32 @!p0 $0x0  }
0x12: {  	s1 =	sld [smem:$0x3F9A];
	s0 =	simm.s32 @p0 $0x1  }
0x13: {  	[smem:$0x3FB5] =	sst s0;
	s0 =	simm.s32 @!p1 $0x0  }
0x14: {  	s2 =	sld [smem:$0x3F99];
	s0 =	simm.s32 @p1 $0x1  }
0x15: {  	[smem:$0x3FB6] =	sst s0;
	s0 =	simm.s32 @!p2 $0x0  }
0x16: {  	s3 =	sld [smem:$0x3FDB];
	s0 =	simm.s32 @p2 $0x1  }
0x17: {  	s4 =	simm.s32 $0x1BF5;
	[smem:$0x3FB8] =	sst s0  }
0x18: {  	s0 =	sld [smem:$0x3F9B];
	_ =	swait.ge [sflag:s4], $0x0  }
0x19: {  	s7 =	sld [smem:$0x3F9C]  }
0x1a: {  	s8 =	sadd.s32 $0xFFFFE003, lr  }
0x1b: {  	s9 =	sadd.s32 $0xFFFFFEF7, lr;
	s5 =	simm.s32 $0xFFFFFFFF;
	p2 =	slt.u32 s8, $0xFFFFF086  }
0x1c: {  	p1 =	slt.u32 s9, $0xF7A;
	s5 =	simm.s32 @!p2 $0x0  }
0x1d: {  	s5 =	simm.s32 @p1 $0x1;
	p0 =	seq.s32 s7, s2  }
0x1e: {  	s7 =	smul.u32 @!p0 $0xF7A, s2;
	p2 =	seq.s32 @!p0 s5, $0x0  }
0x1f: {  	s9 =	smul.u32 $0xF7A, s1;
	s8 =	simm.s32 @!p0 $0x1BF5;
	p2 =	por !p2, p0  }
0x20: {  	[sflag:s8] =	ssyncset.s32 @!p0 $0xFFFFF086;
	s6 =	sadd.s32 @!p0 s3, s7;
	s7 =	simm.s32 @!p0 $0x108  }
0x21: {  	s3 =	sadd.s32 s3, s9;
	s6 =	sadd.s32 @!p0 $0x88, s6;
	s7 =	simm.s32 @p2 $0x1082  }
0x22: {  	[simem:s7], [sflag:s8] =	dma.local @!p0 [hbm:s6], $0xF7A  }
0x23: {  	s9 =	sor.u32 $0xD0000000, s2;
	s6 =	simm.s32 $0x108;
	_ =	swait.ge @!p0 [sflag:s8], $0x0  }
0x24: {  	s3 =	sadd.s32 $0x88, s3;
	s6 =	simm.s32 @!p1 $0x1082;
	[sflag:s4] =	ssyncset.s32 $0xFFFFF086  }
0x25: {  	[simem:s6], [sflag:s4] =	dma.local [hbm:s3], $0xF7A  }
0x26: {  	[smem:$0x3F9C] =	sst s1;
	(tag) =	ssettag s2;
	_ =	strace s9  }
0x27: {  	s1 =	sld [smem:$0x3FAC]  }
0x28: {  	s2 =	sld [smem:$0x3FAD]  }
0x29: {  	s4 =	sld [smem:$0x3FAF]  }
0x2a: {  	p0 =	seq.s32 s5, $0x0;
	s5 =	sld [smem:$0x3FB0]  }
0x2b: {  	s6 =	sld [smem:$0x3FB1]  }
0x2c: {  	s7 =	sld [smem:$0x3FB2]  }
0x2d: {  	s3 =	simm.s32 $0x108;
	s8 =	sld [smem:$0x3FB3]  }
0x2e: {  	s3 =	simm.s32 @!p0 $0x1082;
	s9 =	sld [smem:$0x3FB4]  }
0x2f: {  	lr =	sadd.s32 s0, s3;
	s0 =	sld [smem:$0x3FAB]  }
0x30: {  	s3 =	sld [smem:$0x3FAE]  }
0x31: {  	[smem:$0x3FB7] =	sst s10  }
0x32: {  	s10 =	sld [smem:$0x3FB5];
	_ =	sdelay $0x3  }
0x33: {  	p0 =	seq.s32 s10, $0x1;
	s10 =	sld [smem:$0x3FB7];
	_ =	sdelay $0x3  }
0x34: {  	[smem:$0x3FB7] =	sst s10  }
0x35: {  	s10 =	sld [smem:$0x3FB6];
	_ =	sdelay $0x3  }
0x36: {  	p1 =	seq.s32 s10, $0x1;
	s10 =	sld [smem:$0x3FB7];
	_ =	sdelay $0x3  }
0x37: {  	[smem:$0x3FB7] =	sst s10  }
0x38: {  	s10 =	sld [smem:$0x3FB8]  }
0x39: {  	_ = 	snop;
	(pc) =	sbr.ind lr, $3  }
0x3a: {  	_ = 	snop  }
0x3b: {  	_ = 	snop  }
0x3c: {  	p2 =	seq.s32 s10, $0x1;
	s10 =	sld [smem:$0x3FB7]  }
0x3d: {  	_ =	shalt  }
0x3e: {  	_ =	shalt  }
0x3f: {  	_ =	shalt  }
0x40: {  	_ =	shalt  }
0x41: {  	_ =	shalt  }
0x42: {  	_ =	shalt  }
0x43: {  	_ =	shalt  }
0x44: {  	_ =	shalt  }
0x45: {  	_ =	shalt  }
0x46: {  	_ =	shalt  }
0x47: {  	_ =	shalt  }
0x48: {  	_ =	shalt  }
0x49: {  	_ =	shalt  }
0x4a: {  	_ =	shalt  }
0x4b: {  	_ =	shalt  }
0x4c: {  	_ =	shalt  }
0x4d: {  	_ =	shalt  }
0x4e: {  	_ =	shalt  }
0x4f: {  	_ =	shalt  }
0x50: {  	_ =	shalt  }
0x51: {  	_ =	shalt  }
0x52: {  	_ =	shalt  }
0x53: {  	_ =	shalt  }
0x54: {  	_ =	shalt  }
0x55: {  	_ =	shalt  }
0x56: {  	_ =	shalt  }
0x57: {  	_ =	shalt  }
0x58: {  	_ =	shalt  }
0x59: {  	_ =	shalt  }
0x5a: {  	_ =	shalt  }
0x5b: {  	_ =	shalt  }
0x5c: {  	_ =	shalt  }
0x5d: {  	_ =	shalt  }
0x5e: {  	_ =	shalt  }
0x5f: {  	_ =	shalt  }
0x60: {  	_ =	shalt  }
0x61: {  	_ =	shalt  }
0x62: {  	_ =	shalt  }
0x63: {  	_ =	shalt  }
0x64: {  	_ =	shalt  }
0x65: {  	_ =	shalt  }
0x66: {  	_ =	shalt  }
0x67: {  	_ =	shalt  }
0x68: {  	_ =	shalt  }
0x69: {  	_ =	shalt  }
0x6a: {  	_ =	shalt  }
0x6b: {  	_ =	shalt  }
0x6c: {  	_ =	shalt  }
0x6d: {  	_ =	shalt  }
0x6e: {  	_ =	shalt  }
0x6f: {  	_ =	shalt  }
0x70: {  	_ =	shalt  }
0x71: {  	_ =	shalt  }
0x72: {  	_ =	shalt  }
0x73: {  	_ =	shalt  }
0x74: {  	_ =	shalt  }
0x75: {  	_ =	shalt  }
0x76: {  	_ =	shalt  }
0x77: {  	_ =	shalt  }
0x78: {  	_ =	shalt  }
0x79: {  	_ =	shalt  }
0x7a: {  	_ =	shalt  }
0x7b: {  	_ =	shalt  }
0x7c: {  	_ =	shalt  }
0x7d: {  	_ =	shalt  }
0x7e: {  	_ =	shalt  }
0x7f: {  	_ =	shalt  }
0x80: {  	_ =	shalt  }
0x81: {  	_ =	shalt  }
0x82: {  	_ =	shalt  }
0x83: {  	_ =	shalt  }
0x84: {  	_ =	shalt  }
0x85: {  	_ =	shalt  }
0x86: {  	_ =	shalt  }
0x87: {  	_ =	shalt  }
.Lfunc_end0:
.L_simem_size_0:
called_computation.2_lowered:
.L_overlay_start_0:
0x88: {  	s2 =	sld [smem:$0x3FD9]  }
0x89: {  	s3 =	sld [smem:$0x3FFE];
	_ =	sdelay $0x1  }
0x8a: {  	s1 =	srdreg.scid  }
0x8b: {  	s0 =	sand.u32 $0x1, s1  }
0x8c: {  	s17 =	sshll.u32 s0, $0xA;
	s2 =	sadd.s32 s3, s2  }
0x8d: {  	s2 =	sadd.s32 s2, s17  }
0x8e: {  	[smem:$0x3FC3] =	sst s2  }
0x8f: {  	_ = 	snop  }
0x90: {  	s18 =	sld [smem:$0x3FC8];
	(tm) =	ssettm $0x1  }
0x91: {  	s19 =	sld [smem:$0x3FFB];
	_ =	sdelay $0x3  }
0x92: {  	_ =	strace s19  }
0x93: {  	s2 =	sld [smem:$0x3FFC];
	_ =	sdelay $0x3  }
0x94: {  	_ =	strace s2  }
0x95: {  	s2 =	sld [smem:$0x3FFD];
	_ =	sdelay $0x3  }
0x96: {  	_ =	strace s2  }
0x97: {  	_ =	strace $0x8FFFFFFF  }
0x98: {  	s20 =	sld [smem:$0x3FDB];
	_ =	sdelay $0x1  }
0x99: {  	s4 =	simm.s32 $_scs_section_size  }
0x9a: {  	s5 =	simm.s32 $_size__tile_overlayer_lowered;
	s6 =	simm.s32 $_tile_overlayer_lowered  }
0x9b: {  	s7 =	simm.s32 $0x1BFF;
	s21 =	sshll.u32 s6, $0x1;
	s4 =	sadd.s32 s4, s20  }
0x9c: {  	s22 =	simm.s32 $0x0;
	s5 =	sshll.u32 s5, $0x1;
	s6 =	sadd.s32 s21, s4  }
0x9d: {  	[timem:s22], [sflag:s7] =	dma.local [hbm:s6], s5  }
0x9e: {  	_ =	swait.ge [sflag:s7], s5  }
0x9f: {  	s5 =	ssub.s32 $0x0, s5;
	[sflag:s7] =	ssyncset.done $0x0  }
0xa0: {  	[sflag:s7] =	ssyncadd.s32 s5;
	_ =	sdelay $0x1  }
0xa1: {  	s23 =	simm.s32 $0x1B8B  }
0xa2: {  	_ =	swait.ge [sflag:s23], $0x1  }
0xa3: {  	[sflag:s23] =	ssyncset.done $0x0  }
0xa4: {  	[sflag:s23] =	ssyncadd.s32 $0xFFFFFFFF  }
0xa5: {  	s5 =	sld [smem:$0x0]  }
0xa6: {  	s6 =	sand.u32 $0xFFFFFFFE, s1  }
0xa7: {  	p0 =	sne.s32 s1, s6  }
0xa8: {  	s6 =	sshll.u32 @p0 s6, $0xE  }
0xa9: {  	s6 =	sadd.s32 @p0 $0x11B8D, s6;
	s7 =	sshll.u32 @p0 s5, $0x11  }
0xaa: {  	s6 =	sor.u32 @p0 s7, s6  }
0xab: {  	[sflag:s6] =	ssyncadd.remote.s32 @p0 $0x1;
	_ =	sdelay $0x1  }
0xac: {  	s6 =	simm.s32 @p0 $0x1B8D  }
0xad: {  	_ =	swait.eq @p0 [sflag:s6], $0x1  }
0xae: {  	[sflag:s6] =	ssyncadd.s32 @p0 $0xFFFFFFFF  }
0xaf: {  	s7 =	sshll.u32 @!p0 s1, $0xE  }
0xb0: {  	s7 =	sor.u32 @!p0 $0x4000, s7;
	s6 =	simm.s32 @!p0 $0x1B8D  }
0xb1: {  	s5 =	sshll.u32 @!p0 s5, $0x11;
	s7 =	sadd.s32 @!p0 $0x11B8D, s7;
	_ =	swait.eq @!p0 [sflag:s6], $0x1  }
0xb2: {  	s5 =	sor.u32 @!p0 s5, s7;
	[sflag:s6] =	ssyncadd.s32 @!p0 $0xFFFFFFFF  }
0xb3: {  	s25 =	simm.s32 $0x1B8E;
	s24 =	sld [smem:$0x3FFE];
	[sflag:s5] =	ssyncadd.remote.s32 @!p0 $0x1  }
0xb4: {  	s26 =	simm.s32 $execute0_lowered;
	[smem:$0x3FD2] =	sst s25  }
0xb5: {  	s6 =	sshll.u32 s26, $0x1;
	_ =	strace $0x8000004F;
	[dreg:$0x1] =	wrdreg $0xFFFFFFFF  }
0xb6: {  	s28 =	simm.s32 $_size_execute0_lowered;
	s4 =	sadd.s32 s4, s6;
	[dreg:$0x0] =	wrdreg $0x0  }
0xb7: {  	s6 =	sshll.u32 s28, $0x1;
	[dreg:$0x2] =	wrdreg s4  }
0xb8: {  	[dreg:$0x3] =	wrdreg s6  }
0xb9: {  	[dreg:$0x4] =	wrdreg $0xC0  }
0xba: {  	_ =	task [dreg:s22], $0x5FFFF  }
0xbb: {  	[dreg:$0x1] =	wrdreg $0xFFFFFFFF  }
0xbc: {  	[dreg:$0x0] =	wrdreg $0x60  }
0xbd: {  	[dreg:$0x2] =	wrdreg s24  }
0xbe: {  	[dreg:$0x3] =	wrdreg s18  }
0xbf: {  	[dreg:$0x4] =	wrdreg $0xB  }
0xc0: {  	_ =	task.clear_ibuf [dreg:s22], $0x5FFFF;
	_ =	strace $0x9000004F  }
0xc1: {  	s29 =	simm.s32 $0xB;
	_ =	strace $0x80000051  }
0xc2: {  	_ =	swait.ge [sflag:s29], $0x1  }
0xc3: {  	[sflag:s29] =	ssyncadd.s32 $0xFFFFFFFF  }
0xc4: {  	_ =	strace $0x90000051  }
0xc5: {  	_ =	sfence  }
0xc6: {  	s30 =	sld [smem:$0x0];
	_ =	sdelay $0x2  }
0xc7: {  	s31 =	sshll.u32 s1, $0xD;
	s1 =	sshrl.u32 s1, $0x2  }
0xc8: {  	s4 =	sand.u32 $0x4000, s31;
	s1 =	sadd.s32 s1, s30  }
0xc9: {  	s0 =	sor.u32 s4, s0;
	s1 =	sshll.u32 s1, $0x11  }
0xca: {  	s0 =	sor.u32 s1, s0  }
0xcb: {  	s0 =	sadd.s32 $0x8F2B, s0  }
0xcc: {  	[sflag:s0] =	ssyncadd.remote.s32 $0x1  }
0xcd: {  	_ =	sfence.sel $0xFFFF  }
0xce: {  	[dreg:$0x0] =	wrdreg $0xFFFFFFFF;
	(pc) =	sbr.abs _section_cstart, $3  }
0xcf: {  	[dreg:$0x1] =	wrdreg $0xFFFFFFFF  }
0xd0: {  	_ =	task.clear_ibuf [dreg:s22], $0x2FFFF;
	_ =	strace $0x9FFFFFFF  }
0xd1: {  	(tm) =	ssettm $0x7FFFFFFF  }
tec
execute0_lowered:
.L_overlay_start_1:
0x0: {  	(tag) =	ssettag $0x1  }
0x1: {  	s0 =	srdreg.scid;
	s1 =	rddreg [dreg:$0x0]  }
0x2: {  	s10 =	stileid.u32;
	s2 =	rddreg [dreg:$0x1];
	s31 =	simm.s32 $0x600  }
0x3: {  	s20 =	simm.s32 $0x1600;
	s28 =	simm.s32 $0x3E00;
	s29 =	simm.s32 $0x4600  }
0x4: {  	s30 =	simm.s32 $0x4E00;
	s11 =	simm.s32 $0x9600;
	s12 =	simm.s32 $0x9E00  }
0x5: {  	s13 =	simm.s32 $0xA600;
	s14 =	simm.s32 $0xAE00;
	s8 =	smul.u32 $0x30000, s10  }
0x6: {  	s0 =	sand.u32 $0x1, s0;
	s3 =	sshll.u32 s10, $0x1;
	s10 =	smul.u32 $0x180000, s10  }
0x7: {  	s15 =	simm.s32 $0x1;
	s16 =	simm.s32 $0x3;
	s21 =	smul.u32 $0xC0000, s0  }
0x8: {  	s4 =	sor.u32 s0, s3;
	s7 =	ssub.s32 $0x2, s0;
	s0 =	smul.u32 $0x18000, s0  }
0x9: {  	s17 =	simm.s32 $0x2;
	s18 =	simm.s32 $0x4;
	s5 =	smul.u32 $0xC0, s4  }
0xa: {  	s19 =	simm.s32 $0x0;
	s3 =	simm.s32 $0x0;
	s6 =	smul.u32 $0xC0000, s4  }
0xb: {  	[smem:$0x7FF] =	sst s3;
	s4 =	smul.u32 $0x18000, s4;
	s9 =	sshrl.u32 s7, $0x1  }
0xc: {  	_ =	strace $0x80000050;
	s7 =	ssub.s32 s7, s9;
	s23 =	sadd.s32 s21, s10  }
0xd: {  	s21 =	simm.s32 $0xE00;
	s9 =	simm.s32 $0x8E00;
	s10 =	simm.s32 $0xB600  }
0xe: {  	[dreg:$0x9] =	wrdreg s19;
	s5 =	sadd.s32 s5, s1;
	s1 =	sadd.s32 $0x617600, s1  }
0xf: {  	s7 =	smax.u32 s7, $0x1;
	s6 =	sshrl.u32 s6, $0x3;
	s24 =	sor.u32 $0x10000, s23  }
0x10: {  	s23 =	simm.s32 $0x8600;
	s5 =	sadd.s32 $0x2E00, s5;
	[dreg:$0x6] =	wrdreg s7  }
0x11: {  	s4 =	sadd.s32 s4, s1;
	s22 =	sadd.s32 s8, s1;
	s6 =	sadd.s32 s1, s6  }
0x12: {  	s25 =	sshrl.u32 s24, $0x3;
	s24 =	simm.s32 $0x2E00;
	s7 =	simm.s32 $0x7600  }
0x13: {  	s8 =	simm.s32 $0x7E00;
	[dreg:$0x5] =	wrdreg s5;
	s5 =	sadd.s32 $0x100, s2  }
0x14: {  	s0 =	sadd.s32 s0, s22;
	[dreg:$0x7] =	wrdreg s6;
	s4 =	sadd.s32 $0x17000, s4  }
0x15: {  	s26 =	sadd.s32 s25, s1;
	s22 =	simm.s32 $0x1E00;
	s25 =	simm.s32 $0x3600  }
0x16: {  	v2 =	vlaneseq.u32;
	s1 =	simm.s32 $0x5600;
	s6 =	simm.s32 $0x6E00;
	[dreg:$0x8] =	wrdreg s4  }
0x17: {  	vm0 =	vmmov $0xffff;
	v1 =	vshrl.u32 v2, $0x3;
	s0 =	sadd.s32 $0x1000, s0;
	[dreg:$0x4] =	wrdreg s26;
	s26 =	simm.s32 $0x2600  }
0x18: {  	v0 =	vand.u32 $0x7, v2;
	v2 =	vor.u32 $0x8, v2;
	v1 =	vmul.u32 $0x8, v1;
	s4 =	simm.s32 $0x6600;
	[dreg:$0x3] =	wrdreg s0;
	s0 =	simm.s32 $0x5E00  }
.LBB2_1:
0x19: {  	s19 =	rddreg [dreg:$0x5]  }
0x1a: {  	[tilespmem:s3], [sflag:$0x5] =	stream.linear.gather [hbm4b:s19+s3], $0x600, $0x38;
	[tilespmem:$0x10600] =	vst v63  }
0x1b: {  	s19 =	simm.s32 $0x5  }
0x1c: {  	_ =	swait.ge [sflag:s19], $0x600  }
0x1d: {  	[sflag:s19] =	ssyncset.done $0x0  }
0x1e: {  	[sflag:s19] =	ssyncadd.s32 $0xFFFFFA00  }
0x1f: {  	v3 =	vld [tilespmem:$0x0];
	_ =	sdelay $0x4  }
0x20: {  	v4 =	vshll.u32 v3, $0x2  }
0x21: {  	v3 =	vand.u32 $0x7, v3;
	v4 =	vand.u32 $0xFFFFFFE0, v4  }
0x22: {  	v3 =	vor.u32 v3, v4  }
0x23: {  	v4 =	vperm.xlane v3, v0;
	_ =	sdelay $0x1  }
0x24: {  	v4 =	vadd.s32 v1, v4;
	_ =	sdelay $0x1  }
0x25: {  	v3 =	vperm.xlane v3, v2;
	_ =	sdelay $0x1  }
0x26: {  	v3 =	vadd.s32 v1, v3  }
0x27: {  	[tilespmem:s31], [sflag:$0x1] =	stream.indirect_vreg.gather [hbm4b:s2+s3], $0x80, v4, vm0, $0xb8;
	[tilespmem:$0x10600] =	vst v63  }
0x28: {  	_ = 	snop  }
0x29: {  	[tilespmem:s21], [sflag:$0x1] =	stream.indirect_vreg.gather [hbm4b:s5+s3], $0x80, v4, vm0, $0xb8;
	[tilespmem:$0x10600] =	vst v63  }
0x2a: {  	_ = 	snop  }
0x2b: {  	[tilespmem:s20], [sflag:$0x1] =	stream.indirect_vreg.gather [hbm4b:s2+s3], $0x80, v3, vm0, $0xb8;
	[tilespmem:$0x10600] =	vst v63  }
0x2c: {  	_ = 	snop  }
0x2d: {  	[tilespmem:s22], [sflag:$0x1] =	stream.indirect_vreg.gather [hbm4b:s5+s3], $0x80, v3, vm0, $0xb8;
	[tilespmem:$0x10600] =	vst v63  }
0x2e: {  	v3 =	vld [tilespmem:$0x10];
	_ =	sdelay $0x4  }
0x2f: {  	v57 =	vshll.u32 v3, $0x2  }
0x30: {  	v3 =	vand.u32 $0x7, v3;
	v4 =	vand.u32 $0xFFFFFFE0, v57  }
0x31: {  	v3 =	vor.u32 v3, v4  }
0x32: {  	v4 =	vperm.xlane v3, v0;
	_ =	sdelay $0x1  }
0x33: {  	v4 =	vadd.s32 v1, v4;
	_ =	sdelay $0x1  }
0x34: {  	v3 =	vperm.xlane v3, v2;
	_ =	sdelay $0x1  }
0x35: {  	v3 =	vadd.s32 v1, v3  }
0x36: {  	[tilespmem:s26], [sflag:$0x1] =	stream.indirect_vreg.gather [hbm4b:s2+s3], $0x80, v4, vm0, $0xb8;
	[tilespmem:$0x10600] =	vst v63  }
0x37: {  	_ = 	snop  }
0x38: {  	[tilespmem:s24], [sflag:$0x1] =	stream.indirect_vreg.gather [hbm4b:s5+s3], $0x80, v4, vm0, $0xb8;
	[tilespmem:$0x10600] =	vst v63  }
0x39: {  	_ = 	snop  }
0x3a: {  	[tilespmem:s25], [sflag:$0x1] =	stream.indirect_vreg.gather [hbm4b:s2+s3], $0x80, v3, vm0, $0xb8;
	[tilespmem:$0x10600] =	vst v63  }
0x3b: {  	_ = 	snop  }
0x3c: {  	[tilespmem:s28], [sflag:$0x1] =	stream.indirect_vreg.gather [hbm4b:s5+s3], $0x80, v3, vm0, $0xb8;
	[tilespmem:$0x10600] =	vst v63  }
0x3d: {  	v3 =	vld [tilespmem:$0x20];
	_ =	sdelay $0x4  }
0x3e: {  	v58 =	vshll.u32 v3, $0x2  }
0x3f: {  	v3 =	vand.u32 $0x7, v3;
	v4 =	vand.u32 $0xFFFFFFE0, v58  }
0x40: {  	v3 =	vor.u32 v3, v4  }
0x41: {  	v4 =	vperm.xlane v3, v0;
	_ =	sdelay $0x1  }
0x42: {  	v4 =	vadd.s32 v1, v4;
	_ =	sdelay $0x1  }
0x43: {  	v3 =	vperm.xlane v3, v2;
	_ =	sdelay $0x1  }
0x44: {  	v3 =	vadd.s32 v1, v3  }
0x45: {  	[tilespmem:s29], [sflag:$0x1] =	stream.indirect_vreg.gather [hbm4b:s2+s3], $0x80, v4, vm0, $0xb8;
	[tilespmem:$0x10600] =	vst v63  }
0x46: {  	_ = 	snop  }
0x47: {  	[tilespmem:s30], [sflag:$0x1] =	stream.indirect_vreg.gather [hbm4b:s5+s3], $0x80, v4, vm0, $0xb8;
	[tilespmem:$0x10600] =	vst v63  }
0x48: {  	_ = 	snop  }
0x49: {  	[tilespmem:s1], [sflag:$0x1] =	stream.indirect_vreg.gather [hbm4b:s2+s3], $0x80, v3, vm0, $0xb8;
	[tilespmem:$0x10600] =	vst v63  }
0x4a: {  	_ = 	snop  }
0x4b: {  	[tilespmem:s0], [sflag:$0x1] =	stream.indirect_vreg.gather [hbm4b:s5+s3], $0x80, v3, vm0, $0xb8;
	[tilespmem:$0x10600] =	vst v63  }
0x4c: {  	v3 =	vld [tilespmem:$0x30];
	_ =	sdelay $0x4  }
0x4d: {  	v59 =	vshll.u32 v3, $0x2  }
0x4e: {  	v3 =	vand.u32 $0x7, v3;
	v4 =	vand.u32 $0xFFFFFFE0, v59  }
0x4f: {  	v3 =	vor.u32 v3, v4  }
0x50: {  	v4 =	vperm.xlane v3, v0;
	_ =	sdelay $0x1  }
0x51: {  	v4 =	vadd.s32 v1, v4;
	_ =	sdelay $0x1  }
0x52: {  	v3 =	vperm.xlane v3, v2;
	_ =	sdelay $0x1  }
0x53: {  	v3 =	vadd.s32 v1, v3  }
0x54: {  	[tilespmem:s4], [sflag:$0x1] =	stream.indirect_vreg.gather [hbm4b:s2+s3], $0x80, v4, vm0, $0xb8;
	[tilespmem:$0x10600] =	vst v63  }
0x55: {  	_ = 	snop  }
0x56: {  	[tilespmem:s6], [sflag:$0x1] =	stream.indirect_vreg.gather [hbm4b:s5+s3], $0x80, v4, vm0, $0xb8;
	[tilespmem:$0x10600] =	vst v63  }
0x57: {  	_ = 	snop  }
0x58: {  	[tilespmem:s7], [sflag:$0x1] =	stream.indirect_vreg.gather [hbm4b:s2+s3], $0x80, v3, vm0, $0xb8;
	[tilespmem:$0x10600] =	vst v63  }
0x59: {  	_ = 	snop  }
0x5a: {  	[tilespmem:s8], [sflag:$0x1] =	stream.indirect_vreg.gather [hbm4b:s5+s3], $0x80, v3, vm0, $0xb8;
	[tilespmem:$0x10600] =	vst v63  }
0x5b: {  	v3 =	vld [tilespmem:$0x40];
	_ =	sdelay $0x4  }
0x5c: {  	v60 =	vshll.u32 v3, $0x2  }
0x5d: {  	v3 =	vand.u32 $0x7, v3;
	v4 =	vand.u32 $0xFFFFFFE0, v60  }
0x5e: {  	v3 =	vor.u32 v3, v4  }
0x5f: {  	v4 =	vperm.xlane v3, v0;
	_ =	sdelay $0x1  }
0x60: {  	v4 =	vadd.s32 v1, v4;
	_ =	sdelay $0x1  }
0x61: {  	v3 =	vperm.xlane v3, v2;
	_ =	sdelay $0x1  }
0x62: {  	v3 =	vadd.s32 v1, v3  }
0x63: {  	[tilespmem:s23], [sflag:$0x2] =	stream.indirect_vreg.gather [hbm4b:s2+s3], $0x80, v4, vm0, $0xb8;
	[tilespmem:$0x10600] =	vst v63  }
0x64: {  	_ = 	snop  }
0x65: {  	[tilespmem:s9], [sflag:$0x2] =	stream.indirect_vreg.gather [hbm4b:s5+s3], $0x80, v4, vm0, $0xb8;
	[tilespmem:$0x10600] =	vst v63  }
0x66: {  	_ = 	snop  }
0x67: {  	[tilespmem:s11], [sflag:$0x2] =	stream.indirect_vreg.gather [hbm4b:s2+s3], $0x80, v3, vm0, $0xb8;
	[tilespmem:$0x10600] =	vst v63  }
0x68: {  	_ = 	snop  }
0x69: {  	[tilespmem:s12], [sflag:$0x2] =	stream.indirect_vreg.gather [hbm4b:s5+s3], $0x80, v3, vm0, $0xb8;
	[tilespmem:$0x10600] =	vst v63  }
0x6a: {  	v3 =	vld [tilespmem:$0x50];
	_ =	sdelay $0x4  }
0x6b: {  	v61 =	vshll.u32 v3, $0x2  }
0x6c: {  	v3 =	vand.u32 $0x7, v3;
	v4 =	vand.u32 $0xFFFFFFE0, v61  }
0x6d: {  	v3 =	vor.u32 v3, v4  }
0x6e: {  	v4 =	vperm.xlane v3, v0;
	_ =	sdelay $0x1  }
0x6f: {  	v4 =	vadd.s32 v1, v4;
	_ =	sdelay $0x1  }
0x70: {  	v3 =	vperm.xlane v3, v2;
	_ =	sdelay $0x1  }
0x71: {  	v3 =	vadd.s32 v1, v3  }
0x72: {  	[tilespmem:s13], [sflag:$0x2] =	stream.indirect_vreg.gather [hbm4b:s2+s3], $0x80, v4, vm0, $0xb8;
	[tilespmem:$0x10600] =	vst v63  }
0x73: {  	_ = 	snop  }
0x74: {  	[tilespmem:s14], [sflag:$0x2] =	stream.indirect_vreg.gather [hbm4b:s5+s3], $0x80, v4, vm0, $0xb8;
	[tilespmem:$0x10600] =	vst v63  }
0x75: {  	_ = 	snop  }
0x76: {  	[tilespmem:s10], [sflag:$0x2] =	stream.indirect_vreg.gather [hbm4b:s2+s3], $0x80, v3, vm0, $0xb8;
	[tilespmem:$0x10600] =	vst v63  }
0x77: {  	s12 =	simm.s32 $0xBE00  }
0x78: {  	[tilespmem:s12], [sflag:$0x2] =	stream.indirect_vreg.gather [hbm4b:s5+s3], $0x80, v3, vm0, $0xb8;
	[tilespmem:$0x10600] =	vst v63  }
0x79: {  	v3 =	vld [tilespmem:$0x60];
	_ =	sdelay $0x4  }
0x7a: {  	v62 =	vshll.u32 v3, $0x2  }
0x7b: {  	v3 =	vand.u32 $0x7, v3;
	v4 =	vand.u32 $0xFFFFFFE0, v62  }
0x7c: {  	v3 =	vor.u32 v3, v4  }
0x7d: {  	v4 =	vperm.xlane v3, v0;
	_ =	sdelay $0x1  }
0x7e: {  	v4 =	vadd.s32 v1, v4;
	_ =	sdelay $0x1  }
0x7f: {  	v3 =	vperm.xlane v3, v2;
	_ =	sdelay $0x1  }
0x80: {  	s13 =	simm.s32 $0xC600;
	v3 =	vadd.s32 v1, v3  }
0x81: {  	[tilespmem:s13], [sflag:$0x2] =	stream.indirect_vreg.gather [hbm4b:s2+s3], $0x80, v4, vm0, $0xb8;
	[tilespmem:$0x10600] =	vst v63  }
0x82: {  	s14 =	simm.s32 $0xCE00  }
0x83: {  	[tilespmem:s14], [sflag:$0x2] =	stream.indirect_vreg.gather [hbm4b:s5+s3], $0x80, v4, vm0, $0xb8;
	[tilespmem:$0x10600] =	vst v63  }
0x84: {  	s19 =	simm.s32 $0xD600  }
0x85: {  	[tilespmem:s19], [sflag:$0x2] =	stream.indirect_vreg.gather [hbm4b:s2+s3], $0x80, v3, vm0, $0xb8;
	[tilespmem:$0x10600] =	vst v63  }
0x86: {  	s20 =	simm.s32 $0xDE00  }
0x87: {  	[tilespmem:s20], [sflag:$0x2] =	stream.indirect_vreg.gather [hbm4b:s5+s3], $0x80, v3, vm0, $0xb8;
	[tilespmem:$0x10600] =	vst v63  }
0x88: {  	v3 =	vld [tilespmem:$0x70];
	_ =	sdelay $0x4  }
0x89: {  	v63 =	vshll.u32 v3, $0x2  }
0x8a: {  	v3 =	vand.u32 $0x7, v3;
	v4 =	vand.u32 $0xFFFFFFE0, v63  }
0x8b: {  	v3 =	vor.u32 v3, v4  }
0x8c: {  	v4 =	vperm.xlane v3, v0;
	_ =	sdelay $0x1  }
0x8d: {  	v4 =	vadd.s32 v1, v4;
	_ =	sdelay $0x1  }
0x8e: {  	s22 =	simm.s32 $0xE600;
	s24 =	simm.s32 $0xF600;
	v3 =	vperm.xlane v3, v2  }
0x8f: {  	s25 =	simm.s32 $0xFE00;
	s28 =	simm.s32 $0x3600;
	s29 =	simm.s32 $0x3E00  }
0x90: {  	s30 =	simm.s32 $0x4600;
	s1 =	simm.s32 $0x5600;
	s0 =	simm.s32 $0x5E00;
	v3 =	vadd.s32 v1, v3  }
0x91: {  	[tilespmem:s22], [sflag:$0x2] =	stream.indirect_vreg.gather [hbm4b:s2+s3], $0x80, v4, vm0, $0xb8;
	[tilespmem:$0x10600] =	vst v63  }
0x92: {  	s4 =	simm.s32 $0x6600;
	s6 =	simm.s32 $0x6E00;
	s23 =	simm.s32 $0xEE00  }
0x93: {  	[tilespmem:s23], [sflag:$0x2] =	stream.indirect_vreg.gather [hbm4b:s5+s3], $0x80, v4, vm0, $0xb8;
	[tilespmem:$0x10600] =	vst v63  }
0x94: {  	s7 =	simm.s32 $0x7600;
	s8 =	simm.s32 $0x7E00;
	s9 =	simm.s32 $0x8E00  }
0x95: {  	[tilespmem:s24], [sflag:$0x2] =	stream.indirect_vreg.gather [hbm4b:s2+s3], $0x80, v3, vm0, $0xb8;
	[tilespmem:$0x10600] =	vst v63  }
0x96: {  	s11 =	simm.s32 $0x9600;
	s10 =	simm.s32 $0xB600;
	s12 =	simm.s32 $0x9E00  }
0x97: {  	[tilespmem:s25], [sflag:$0x2] =	stream.indirect_vreg.gather [hbm4b:s5+s3], $0x80, v3, vm0, $0xb8;
	[tilespmem:$0x10600] =	vst v63  }
0x98: {  	s13 =	simm.s32 $0xA600;
	s14 =	simm.s32 $0xAE00;
	_ =	swait.ge [sflag:s15], $0x8000  }
0x99: {  	s19 =	simm.s32 $0xF0;
	s20 =	simm.s32 $0x0;
	[sflag:s15] =	ssyncset.done $0x0  }
0x9a: {  	s22 =	simm.s32 $0x1600;
	s26 =	rddreg [dreg:$0x7];
	[sflag:s15] =	ssyncadd.s32 $0xFFFF8000  }
0x9b: {  	[hbm4b:s26+s3] =	stream.linear.scatter [tilespmem:s31], [sflag:$0x3], $0x8000, $0x38;
	[tilespmem:$0x10600] =	vst v63  }
0x9c: {  	s24 =	simm.s32 $0x2600;
	s26 =	simm.s32 $0x600;
	s31 =	simm.s32 $0x4E00  }
.LBB2_2:
0x9d: {  	_ =	swait.ge [sflag:s16], $0x8000  }
0x9e: {  	[sflag:s16] =	ssyncset.done $0x0  }
0x9f: {  	[sflag:s16] =	ssyncadd.s32 $0xFFFF8000  }
0xa0: {  	v3 =	vld [tilespmem:s19+$0xFFFFFF90];
	_ =	sdelay $0x4  }
0xa1: {  	v4 =	vshll.u32 v3, $0x2  }
0xa2: {  	v3 =	vand.u32 $0x7, v3;
	v4 =	vand.u32 $0xFFFFFFE0, v4  }
0xa3: {  	v3 =	vor.u32 v3, v4  }
0xa4: {  	v4 =	vperm.xlane v3, v0;
	_ =	sdelay $0x1  }
0xa5: {  	v4 =	vadd.s32 v1, v4;
	_ =	sdelay $0x1  }
0xa6: {  	v3 =	vperm.xlane v3, v2;
	_ =	sdelay $0x1  }
0xa7: {  	v3 =	vadd.s32 v1, v3  }
0xa8: {  	[tilespmem:s26], [sflag:$0x1] =	stream.indirect_vreg.gather [hbm4b:s2+s3], $0x80, v4, vm0, $0xb8;
	[tilespmem:$0x10600] =	vst v63  }
0xa9: {  	_ = 	snop  }
0xaa: {  	[tilespmem:s21], [sflag:$0x1] =	stream.indirect_vreg.gather [hbm4b:s5+s3], $0x80, v4, vm0, $0xb8;
	[tilespmem:$0x10600] =	vst v63  }
0xab: {  	_ = 	snop  }
0xac: {  	[tilespmem:s22], [sflag:$0x1] =	stream.indirect_vreg.gather [hbm4b:s2+s3], $0x80, v3, vm0, $0xb8;
	[tilespmem:$0x10600] =	vst v63  }
0xad: {  	s23 =	simm.s32 $0x1E00  }
0xae: {  	[tilespmem:s23], [sflag:$0x1] =	stream.indirect_vreg.gather [hbm4b:s5+s3], $0x80, v3, vm0, $0xb8;
	[tilespmem:$0x10600] =	vst v63  }
0xaf: {  	v3 =	vld [tilespmem:s19+$0xFFFFFFA0];
	_ =	sdelay $0x4  }
0xb0: {  	v57 =	vshll.u32 v3, $0x2  }
0xb1: {  	v3 =	vand.u32 $0x7, v3;
	v4 =	vand.u32 $0xFFFFFFE0, v57  }
0xb2: {  	v3 =	vor.u32 v3, v4  }
0xb3: {  	v4 =	vperm.xlane v3, v0;
	_ =	sdelay $0x1  }
0xb4: {  	v4 =	vadd.s32 v1, v4;
	_ =	sdelay $0x1  }
0xb5: {  	v3 =	vperm.xlane v3, v2;
	_ =	sdelay $0x1  }
0xb6: {  	v3 =	vadd.s32 v1, v3  }
0xb7: {  	[tilespmem:s24], [sflag:$0x1] =	stream.indirect_vreg.gather [hbm4b:s2+s3], $0x80, v4, vm0, $0xb8;
	[tilespmem:$0x10600] =	vst v63  }
0xb8: {  	s25 =	simm.s32 $0x2E00  }
0xb9: {  	[tilespmem:s25], [sflag:$0x1] =	stream.indirect_vreg.gather [hbm4b:s5+s3], $0x80, v4, vm0, $0xb8;
	[tilespmem:$0x10600] =	vst v63  }
0xba: {  	_ = 	snop  }
0xbb: {  	[tilespmem:s28], [sflag:$0x1] =	stream.indirect_vreg.gather [hbm4b:s2+s3], $0x80, v3, vm0, $0xb8;
	[tilespmem:$0x10600] =	vst v63  }
0xbc: {  	_ = 	snop  }
0xbd: {  	[tilespmem:s29], [sflag:$0x1] =	stream.indirect_vreg.gather [hbm4b:s5+s3], $0x80, v3, vm0, $0xb8;
	[tilespmem:$0x10600] =	vst v63  }
0xbe: {  	v3 =	vld [tilespmem:s19+$0xFFFFFFB0];
	_ =	sdelay $0x4  }
0xbf: {  	v58 =	vshll.u32 v3, $0x2  }
0xc0: {  	v3 =	vand.u32 $0x7, v3;
	v4 =	vand.u32 $0xFFFFFFE0, v58  }
0xc1: {  	v3 =	vor.u32 v3, v4  }
0xc2: {  	v4 =	vperm.xlane v3, v0;
	_ =	sdelay $0x1  }
0xc3: {  	v4 =	vadd.s32 v1, v4;
	_ =	sdelay $0x1  }
0xc4: {  	v3 =	vperm.xlane v3, v2;
	_ =	sdelay $0x1  }
0xc5: {  	v3 =	vadd.s32 v1, v3  }
0xc6: {  	[tilespmem:s30], [sflag:$0x1] =	stream.indirect_vreg.gather [hbm4b:s2+s3], $0x80, v4, vm0, $0xb8;
	[tilespmem:$0x10600] =	vst v63  }
0xc7: {  	_ = 	snop  }
0xc8: {  	[tilespmem:s31], [sflag:$0x1] =	stream.indirect_vreg.gather [hbm4b:s5+s3], $0x80, v4, vm0, $0xb8;
	[tilespmem:$0x10600] =	vst v63  }
0xc9: {  	_ = 	snop  }
0xca: {  	[tilespmem:s1], [sflag:$0x1] =	stream.indirect_vreg.gather [hbm4b:s2+s3], $0x80, v3, vm0, $0xb8;
	[tilespmem:$0x10600] =	vst v63  }
0xcb: {  	_ = 	snop  }
0xcc: {  	[tilespmem:s0], [sflag:$0x1] =	stream.indirect_vreg.gather [hbm4b:s5+s3], $0x80, v3, vm0, $0xb8;
	[tilespmem:$0x10600] =	vst v63  }
0xcd: {  	v3 =	vld [tilespmem:s19+$0xFFFFFFC0];
	_ =	sdelay $0x4  }
0xce: {  	v59 =	vshll.u32 v3, $0x2  }
0xcf: {  	v3 =	vand.u32 $0x7, v3;
	v4 =	vand.u32 $0xFFFFFFE0, v59  }
0xd0: {  	v3 =	vor.u32 v3, v4  }
0xd1: {  	v4 =	vperm.xlane v3, v0;
	_ =	sdelay $0x1  }
0xd2: {  	v4 =	vadd.s32 v1, v4;
	_ =	sdelay $0x1  }
0xd3: {  	v3 =	vperm.xlane v3, v2;
	_ =	sdelay $0x1  }
0xd4: {  	v3 =	vadd.s32 v1, v3  }
0xd5: {  	[tilespmem:s4], [sflag:$0x1] =	stream.indirect_vreg.gather [hbm4b:s2+s3], $0x80, v4, vm0, $0xb8;
	[tilespmem:$0x10600] =	vst v63  }
0xd6: {  	_ = 	snop  }
0xd7: {  	[tilespmem:s6], [sflag:$0x1] =	stream.indirect_vreg.gather [hbm4b:s5+s3], $0x80, v4, vm0, $0xb8;
	[tilespmem:$0x10600] =	vst v63  }
0xd8: {  	_ = 	snop  }
0xd9: {  	[tilespmem:s7], [sflag:$0x1] =	stream.indirect_vreg.gather [hbm4b:s2+s3], $0x80, v3, vm0, $0xb8;
	[tilespmem:$0x10600] =	vst v63  }
0xda: {  	_ = 	snop  }
0xdb: {  	[tilespmem:s8], [sflag:$0x1] =	stream.indirect_vreg.gather [hbm4b:s5+s3], $0x80, v3, vm0, $0xb8;
	[tilespmem:$0x10600] =	vst v63  }
0xdc: {  	_ =	swait.ge [sflag:s17], $0x8000  }
0xdd: {  	s23 =	rddreg [dreg:$0x3];
	[sflag:s17] =	ssyncset.done $0x0  }
0xde: {  	s25 =	simm.s32 $0x8600;
	[sflag:s17] =	ssyncadd.s32 $0xFFFF8000;
	s21 =	sadd.s32 s20, s23  }
0xdf: {  	[hbm4b:s21+s3] =	stream.linear.scatter [tilespmem:s25], [sflag:$0x4], $0x8000, $0x38;
	[tilespmem:$0x10600] =	vst v63  }
0xe0: {  	_ =	swait.ge [sflag:s18], $0x8000  }
0xe1: {  	[sflag:s18] =	ssyncset.done $0x0  }
0xe2: {  	[sflag:s18] =	ssyncadd.s32 $0xFFFF8000  }
0xe3: {  	v3 =	vld [tilespmem:s19+$0xFFFFFFD0];
	_ =	sdelay $0x4  }
0xe4: {  	v60 =	vshll.u32 v3, $0x2  }
0xe5: {  	v3 =	vand.u32 $0x7, v3;
	v4 =	vand.u32 $0xFFFFFFE0, v60  }
0xe6: {  	v3 =	vor.u32 v3, v4  }
0xe7: {  	v4 =	vperm.xlane v3, v0;
	_ =	sdelay $0x1  }
0xe8: {  	v4 =	vadd.s32 v1, v4;
	_ =	sdelay $0x1  }
0xe9: {  	v3 =	vperm.xlane v3, v2;
	_ =	sdelay $0x1  }
0xea: {  	v3 =	vadd.s32 v1, v3  }
0xeb: {  	[tilespmem:s25], [sflag:$0x2] =	stream.indirect_vreg.gather [hbm4b:s2+s3], $0x80, v4, vm0, $0xb8;
	[tilespmem:$0x10600] =	vst v63  }
0xec: {  	_ = 	snop  }
0xed: {  	[tilespmem:s9], [sflag:$0x2] =	stream.indirect_vreg.gather [hbm4b:s5+s3], $0x80, v4, vm0, $0xb8;
	[tilespmem:$0x10600] =	vst v63  }
0xee: {  	_ = 	snop  }
0xef: {  	[tilespmem:s11], [sflag:$0x2] =	stream.indirect_vreg.gather [hbm4b:s2+s3], $0x80, v3, vm0, $0xb8;
	[tilespmem:$0x10600] =	vst v63  }
0xf0: {  	_ = 	snop  }
0xf1: {  	[tilespmem:s12], [sflag:$0x2] =	stream.indirect_vreg.gather [hbm4b:s5+s3], $0x80, v3, vm0, $0xb8;
	[tilespmem:$0x10600] =	vst v63  }
0xf2: {  	v3 =	vld [tilespmem:s19+$0xFFFFFFE0];
	_ =	sdelay $0x4  }
0xf3: {  	v61 =	vshll.u32 v3, $0x2  }
0xf4: {  	v3 =	vand.u32 $0x7, v3;
	v4 =	vand.u32 $0xFFFFFFE0, v61  }
0xf5: {  	v3 =	vor.u32 v3, v4  }
0xf6: {  	v4 =	vperm.xlane v3, v0;
	_ =	sdelay $0x1  }
0xf7: {  	v4 =	vadd.s32 v1, v4;
	_ =	sdelay $0x1  }
0xf8: {  	v3 =	vperm.xlane v3, v2;
	_ =	sdelay $0x1  }
0xf9: {  	v3 =	vadd.s32 v1, v3  }
0xfa: {  	[tilespmem:s13], [sflag:$0x2] =	stream.indirect_vreg.gather [hbm4b:s2+s3], $0x80, v4, vm0, $0xb8;
	[tilespmem:$0x10600] =	vst v63  }
0xfb: {  	_ = 	snop  }
0xfc: {  	[tilespmem:s14], [sflag:$0x2] =	stream.indirect_vreg.gather [hbm4b:s5+s3], $0x80, v4, vm0, $0xb8;
	[tilespmem:$0x10600] =	vst v63  }
0xfd: {  	_ = 	snop  }
0xfe: {  	[tilespmem:s10], [sflag:$0x2] =	stream.indirect_vreg.gather [hbm4b:s2+s3], $0x80, v3, vm0, $0xb8;
	[tilespmem:$0x10600] =	vst v63  }
0xff: {  	s25 =	simm.s32 $0xBE00  }
0x100: {  	[tilespmem:s25], [sflag:$0x2] =	stream.indirect_vreg.gather [hbm4b:s5+s3], $0x80, v3, vm0, $0xb8;
	[tilespmem:$0x10600] =	vst v63  }
0x101: {  	v3 =	vld [tilespmem:s19+$0xFFFFFFF0];
	_ =	sdelay $0x4  }
0x102: {  	v62 =	vshll.u32 v3, $0x2  }
0x103: {  	v3 =	vand.u32 $0x7, v3;
	v4 =	vand.u32 $0xFFFFFFE0, v62  }
0x104: {  	v3 =	vor.u32 v3, v4  }
0x105: {  	v4 =	vperm.xlane v3, v0;
	_ =	sdelay $0x1  }
0x106: {  	v4 =	vadd.s32 v1, v4;
	_ =	sdelay $0x1  }
0x107: {  	v3 =	vperm.xlane v3, v2;
	_ =	sdelay $0x1  }
0x108: {  	s25 =	simm.s32 $0xC600;
	v3 =	vadd.s32 v1, v3  }
0x109: {  	[tilespmem:s25], [sflag:$0x2] =	stream.indirect_vreg.gather [hbm4b:s2+s3], $0x80, v4, vm0, $0xb8;
	[tilespmem:$0x10600] =	vst v63  }
0x10a: {  	s25 =	simm.s32 $0xCE00  }
0x10b: {  	[tilespmem:s25], [sflag:$0x2] =	stream.indirect_vreg.gather [hbm4b:s5+s3], $0x80, v4, vm0, $0xb8;
	[tilespmem:$0x10600] =	vst v63  }
0x10c: {  	s25 =	simm.s32 $0xD600  }
0x10d: {  	[tilespmem:s25], [sflag:$0x2] =	stream.indirect_vreg.gather [hbm4b:s2+s3], $0x80, v3, vm0, $0xb8;
	[tilespmem:$0x10600] =	vst v63  }
0x10e: {  	s25 =	simm.s32 $0xDE00  }
0x10f: {  	[tilespmem:s25], [sflag:$0x2] =	stream.indirect_vreg.gather [hbm4b:s5+s3], $0x80, v3, vm0, $0xb8;
	[tilespmem:$0x10600] =	vst v63  }
0x110: {  	v3 =	vld [tilespmem:s19+$0x0];
	_ =	sdelay $0x4  }
0x111: {  	v63 =	vshll.u32 v3, $0x2  }
0x112: {  	v3 =	vand.u32 $0x7, v3;
	v4 =	vand.u32 $0xFFFFFFE0, v63  }
0x113: {  	v3 =	vor.u32 v3, v4  }
0x114: {  	v4 =	vperm.xlane v3, v0;
	_ =	sdelay $0x1  }
0x115: {  	v4 =	vadd.s32 v1, v4;
	_ =	sdelay $0x1  }
0x116: {  	v3 =	vperm.xlane v3, v2;
	_ =	sdelay $0x1  }
0x117: {  	s25 =	simm.s32 $0xE600;
	v3 =	vadd.s32 v1, v3  }
0x118: {  	[tilespmem:s25], [sflag:$0x2] =	stream.indirect_vreg.gather [hbm4b:s2+s3], $0x80, v4, vm0, $0xb8;
	[tilespmem:$0x10600] =	vst v63  }
0x119: {  	s25 =	simm.s32 $0xEE00  }
0x11a: {  	[tilespmem:s25], [sflag:$0x2] =	stream.indirect_vreg.gather [hbm4b:s5+s3], $0x80, v4, vm0, $0xb8;
	[tilespmem:$0x10600] =	vst v63  }
0x11b: {  	s25 =	simm.s32 $0xF600  }
0x11c: {  	[tilespmem:s25], [sflag:$0x2] =	stream.indirect_vreg.gather [hbm4b:s2+s3], $0x80, v3, vm0, $0xb8;
	[tilespmem:$0x10600] =	vst v63  }
0x11d: {  	p0 =	sne.s32 s20, $0x14000;
	s25 =	simm.s32 $0xFE00  }
0x11e: {  	[tilespmem:s25], [sflag:$0x2] =	stream.indirect_vreg.gather [hbm4b:s5+s3], $0x80, v3, vm0, $0xb8;
	[tilespmem:$0x10600] =	vst v63  }
.Ltmp0:
0x11f: {  	_ =	swait.ge [sflag:s15], $0x8000;
	(pc) =	sbr.rel @p0 .LBB2_2-.Ltmp0, $4  }
0x120: {  	s25 =	rddreg [dreg:$0x4];
	[sflag:s15] =	ssyncset.done $0x0  }
0x121: {  	s23 =	simm.s32 $0x8600;
	[sflag:s15] =	ssyncadd.s32 $0xFFFF8000;
	s21 =	sadd.s32 s20, s25  }
0x122: {  	[hbm4b:s21+s3] =	stream.linear.scatter [tilespmem:s26], [sflag:$0x3], $0x8000, $0x38;
	[tilespmem:$0x10600] =	vst v63  }
0x123: {  	s19 =	sadd.s32 $0x80, s19;
	s20 =	sadd.s32 $0x2000, s20;
	s21 =	simm.s32 $0xE00  }
0x124: {  	_ =	swait.ge [sflag:s17], $0x8000  }
0x125: {  	[sflag:s17] =	ssyncset.done $0x0  }
0x126: {  	s19 =	rddreg [dreg:$0x8];
	[sflag:s17] =	ssyncadd.s32 $0xFFFF8000  }
0x127: {  	[hbm4b:s19+s3] =	stream.linear.scatter [tilespmem:s23], [sflag:$0x4], $0x8000, $0x38;
	[tilespmem:$0x10600] =	vst v63  }
0x128: {  	_ =	swait.ge [sflag:s16], $0x8000  }
0x129: {  	s20 =	simm.s32 $0x1600;
	[sflag:s16] =	ssyncset.done $0x0  }
0x12a: {  	s22 =	simm.s32 $0x1E00;
	s24 =	simm.s32 $0x2E00;
	[sflag:s16] =	ssyncadd.s32 $0xFFFF8000  }
0x12b: {  	s25 =	simm.s32 $0x3600;
	s28 =	simm.s32 $0x3E00;
	_ =	swait.ge [sflag:s18], $0x8000  }
0x12c: {  	s29 =	simm.s32 $0x4600;
	s30 =	simm.s32 $0x4E00;
	s0 =	rddreg [dreg:$0x9]  }
0x12d: {  	s1 =	simm.s32 $0x5600;
	s26 =	rddreg [dreg:$0x6];
	s0 =	sadd.s32 $0x1, s0  }
0x12e: {  	s4 =	simm.s32 $0x6600;
	s6 =	simm.s32 $0x6E00;
	p0 =	sne.s32 s0, s26  }
.Ltmp1:
0x12f: {  	s7 =	simm.s32 $0x7600;
	s8 =	simm.s32 $0x7E00;
	(pc) =	sbr.rel @p0 .LBB2_1-.Ltmp1, $4  }
0x130: {  	s9 =	simm.s32 $0x8E00;
	s11 =	simm.s32 $0x9600;
	s12 =	simm.s32 $0x9E00  }
0x131: {  	s13 =	simm.s32 $0xA600;
	s14 =	simm.s32 $0xAE00;
	[sflag:s18] =	ssyncset.done $0x0  }
0x132: {  	s10 =	simm.s32 $0xB600;
	s31 =	simm.s32 $0x600;
	[sflag:s18] =	ssyncadd.s32 $0xFFFF8000  }
0x133: {  	[dreg:$0x9] =	wrdreg s0;
	s26 =	simm.s32 $0x2600;
	s0 =	simm.s32 $0x5E00  }
0x134: {  	_ =	sfence.sel $0x180000  }
0x135: {  	[bflag:$0x0] =	sbarrier.arrive $0xFFFF  }
0x136: {  	_ =	strace $0x90000050  }
0x137: {  	s0 =	stileid.u32;
	[bflag:$0x2] =	sbarrier.arrive $0xFFFF  }
0x138: {  	p0 =	sne.s32 s0, $0x0;
	s0 =	rddreg [dreg:$0x2]  }
0x139: {  	s0 =	sadd.s32 @!p0 $0x100000, s0  }
0x13a: {  	[sflag:s0] =	ssyncadd.tile.s32 @!p0 $0x1;
	_ =	shalt  }
.Lfunc_end2:
_tile_overlayer_lowered:
.L_overlay_start_2:
0x13b: {  	(tag) =	ssettag $0x2  }
0x13c: {  	s0 =	rddreg [dreg:$0x0];
	s2 =	stileid.u32  }
0x13d: {  	s1 =	rddreg [dreg:$0x1];
	p0 =	sne.s32 s2, $0x0  }
0x13e: {  	s3 =	rddreg [dreg:$0x2];
	[bflag:$0x3] =	sbarrier.arrive $0xFFFF;
	s2 =	simm.s32 @!p0 $0x1C05  }
0x13f: {  	[timem:s3], [sflag:s2] =	dma.local @!p0 [hbm:s0], s1  }
0x140: {  	s0 =	simm.s32 @!p0 $0x5  }
0x141: {  	_ =	swait.ge @!p0 [sflag:s0], s1  }
0x142: {  	s1 =	ssub.s32 @!p0 $0x0, s1;
	[sflag:s0] =	ssyncset.done @!p0 $0x0  }
0x143: {  	[sflag:s0] =	ssyncadd.s32 @!p0 s1  }
0x144: {  	[bflag:$0x3] =	sbarrier.arrive $0xFFFF  }
0x145: {  	_ =	shalt  }

// kernel: kernel.24.cloned.1.call-start
scs
__scs_entry_jumppad:
0x0: {  	(pc) =	sbr.rel $0x88, $3  }
0x1: {  	(tag) =	ssettag $0x0;
	lr =	simm.s32 $0x1  }
0x2: {  	[smem:$0x3F9C] =	sst lr;
	_ =	strace $0xD0000000  }
0x3: {  	_ = 	snop  }
0x4: {  	_ = 	snop  }
0x5: {  	_ = 	snop  }
0x6: {  	_ = 	snop  }
0x7: {  	_ = 	snop  }
__scs_overlays_trampoline_lowered:
0x8: {  	[smem:$0x3FAB] =	sst s0  }
0x9: {  	[smem:$0x3FAC] =	sst s1  }
0xa: {  	[smem:$0x3FAD] =	sst s2  }
0xb: {  	[smem:$0x3FAE] =	sst s3  }
0xc: {  	[smem:$0x3FAF] =	sst s4  }
0xd: {  	[smem:$0x3FB0] =	sst s5  }
0xe: {  	[smem:$0x3FB1] =	sst s6  }
0xf: {  	[smem:$0x3FB2] =	sst s7  }
0x10: {  	[smem:$0x3FB3] =	sst s8  }
0x11: {  	[smem:$0x3FB4] =	sst s9;
	s0 =	simm.s32 @!p0 $0x0  }
0x12: {  	s1 =	sld [smem:$0x3F9A];
	s0 =	simm.s32 @p0 $0x1  }
0x13: {  	[smem:$0x3FB5] =	sst s0;
	s0 =	simm.s32 @!p1 $0x0  }
0x14: {  	s2 =	sld [smem:$0x3F99];
	s0 =	simm.s32 @p1 $0x1  }
0x15: {  	[smem:$0x3FB6] =	sst s0;
	s0 =	simm.s32 @!p2 $0x0  }
0x16: {  	s3 =	sld [smem:$0x3FDB];
	s0 =	simm.s32 @p2 $0x1  }
0x17: {  	s4 =	simm.s32 $0x1BF5;
	[smem:$0x3FB8] =	sst s0  }
0x18: {  	s0 =	sld [smem:$0x3F9B];
	_ =	swait.ge [sflag:s4], $0x0  }
0x19: {  	s7 =	sld [smem:$0x3F9C]  }
0x1a: {  	s8 =	sadd.s32 $0xFFFFE003, lr  }
0x1b: {  	s9 =	sadd.s32 $0xFFFFFEF7, lr;
	s5 =	simm.s32 $0xFFFFFFFF;
	p2 =	slt.u32 s8, $0xFFFFF086  }
0x1c: {  	p1 =	slt.u32 s9, $0xF7A;
	s5 =	simm.s32 @!p2 $0x0  }
0x1d: {  	s5 =	simm.s32 @p1 $0x1;
	p0 =	seq.s32 s7, s2  }
0x1e: {  	s7 =	smul.u32 @!p0 $0xF7A, s2;
	p2 =	seq.s32 @!p0 s5, $0x0  }
0x1f: {  	s9 =	smul.u32 $0xF7A, s1;
	s8 =	simm.s32 @!p0 $0x1BF5;
	p2 =	por !p2, p0  }
0x20: {  	[sflag:s8] =	ssyncset.s32 @!p0 $0xFFFFF086;
	s6 =	sadd.s32 @!p0 s3, s7;
	s7 =	simm.s32 @!p0 $0x108  }
0x21: {  	s3 =	sadd.s32 s3, s9;
	s6 =	sadd.s32 @!p0 $0x88, s6;
	s7 =	simm.s32 @p2 $0x1082  }
0x22: {  	[simem:s7], [sflag:s8] =	dma.local @!p0 [hbm:s6], $0xF7A  }
0x23: {  	s9 =	sor.u32 $0xD0000000, s2;
	s6 =	simm.s32 $0x108;
	_ =	swait.ge @!p0 [sflag:s8], $0x0  }
0x24: {  	s3 =	sadd.s32 $0x88, s3;
	s6 =	simm.s32 @!p1 $0x1082;
	[sflag:s4] =	ssyncset.s32 $0xFFFFF086  }
0x25: {  	[simem:s6], [sflag:s4] =	dma.local [hbm:s3], $0xF7A  }
0x26: {  	[smem:$0x3F9C] =	sst s1;
	(tag) =	ssettag s2;
	_ =	strace s9  }
0x27: {  	s1 =	sld [smem:$0x3FAC]  }
0x28: {  	s2 =	sld [smem:$0x3FAD]  }
0x29: {  	s4 =	sld [smem:$0x3FAF]  }
0x2a: {  	p0 =	seq.s32 s5, $0x0;
	s5 =	sld [smem:$0x3FB0]  }
0x2b: {  	s6 =	sld [smem:$0x3FB1]  }
0x2c: {  	s7 =	sld [smem:$0x3FB2]  }
0x2d: {  	s3 =	simm.s32 $0x108;
	s8 =	sld [smem:$0x3FB3]  }
0x2e: {  	s3 =	simm.s32 @!p0 $0x1082;
	s9 =	sld [smem:$0x3FB4]  }
0x2f: {  	lr =	sadd.s32 s0, s3;
	s0 =	sld [smem:$0x3FAB]  }
0x30: {  	s3 =	sld [smem:$0x3FAE]  }
0x31: {  	[smem:$0x3FB7] =	sst s10  }
0x32: {  	s10 =	sld [smem:$0x3FB5];
	_ =	sdelay $0x3  }
0x33: {  	p0 =	seq.s32 s10, $0x1;
	s10 =	sld [smem:$0x3FB7];
	_ =	sdelay $0x3  }
0x34: {  	[smem:$0x3FB7] =	sst s10  }
0x35: {  	s10 =	sld [smem:$0x3FB6];
	_ =	sdelay $0x3  }
0x36: {  	p1 =	seq.s32 s10, $0x1;
	s10 =	sld [smem:$0x3FB7];
	_ =	sdelay $0x3  }
0x37: {  	[smem:$0x3FB7] =	sst s10  }
0x38: {  	s10 =	sld [smem:$0x3FB8]  }
0x39: {  	_ = 	snop;
	(pc) =	sbr.ind lr, $3  }
0x3a: {  	_ = 	snop  }
0x3b: {  	_ = 	snop  }
0x3c: {  	p2 =	seq.s32 s10, $0x1;
	s10 =	sld [smem:$0x3FB7]  }
0x3d: {  	_ =	shalt  }
0x3e: {  	_ =	shalt  }
0x3f: {  	_ =	shalt  }
0x40: {  	_ =	shalt  }
0x41: {  	_ =	shalt  }
0x42: {  	_ =	shalt  }
0x43: {  	_ =	shalt  }
0x44: {  	_ =	shalt  }
0x45: {  	_ =	shalt  }
0x46: {  	_ =	shalt  }
0x47: {  	_ =	shalt  }
0x48: {  	_ =	shalt  }
0x49: {  	_ =	shalt  }
0x4a: {  	_ =	shalt  }
0x4b: {  	_ =	shalt  }
0x4c: {  	_ =	shalt  }
0x4d: {  	_ =	shalt  }
0x4e: {  	_ =	shalt  }
0x4f: {  	_ =	shalt  }
0x50: {  	_ =	shalt  }
0x51: {  	_ =	shalt  }
0x52: {  	_ =	shalt  }
0x53: {  	_ =	shalt  }
0x54: {  	_ =	shalt  }
0x55: {  	_ =	shalt  }
0x56: {  	_ =	shalt  }
0x57: {  	_ =	shalt  }
0x58: {  	_ =	shalt  }
0x59: {  	_ =	shalt  }
0x5a: {  	_ =	shalt  }
0x5b: {  	_ =	shalt  }
0x5c: {  	_ =	shalt  }
0x5d: {  	_ =	shalt  }
0x5e: {  	_ =	shalt  }
0x5f: {  	_ =	shalt  }
0x60: {  	_ =	shalt  }
0x61: {  	_ =	shalt  }
0x62: {  	_ =	shalt  }
0x63: {  	_ =	shalt  }
0x64: {  	_ =	shalt  }
0x65: {  	_ =	shalt  }
0x66: {  	_ =	shalt  }
0x67: {  	_ =	shalt  }
0x68: {  	_ =	shalt  }
0x69: {  	_ =	shalt  }
0x6a: {  	_ =	shalt  }
0x6b: {  	_ =	shalt  }
0x6c: {  	_ =	shalt  }
0x6d: {  	_ =	shalt  }
0x6e: {  	_ =	shalt  }
0x6f: {  	_ =	shalt  }
0x70: {  	_ =	shalt  }
0x71: {  	_ =	shalt  }
0x72: {  	_ =	shalt  }
0x73: {  	_ =	shalt  }
0x74: {  	_ =	shalt  }
0x75: {  	_ =	shalt  }
0x76: {  	_ =	shalt  }
0x77: {  	_ =	shalt  }
0x78: {  	_ =	shalt  }
0x79: {  	_ =	shalt  }
0x7a: {  	_ =	shalt  }
0x7b: {  	_ =	shalt  }
0x7c: {  	_ =	shalt  }
0x7d: {  	_ =	shalt  }
0x7e: {  	_ =	shalt  }
0x7f: {  	_ =	shalt  }
0x80: {  	_ =	shalt  }
0x81: {  	_ =	shalt  }
0x82: {  	_ =	shalt  }
0x83: {  	_ =	shalt  }
0x84: {  	_ =	shalt  }
0x85: {  	_ =	shalt  }
0x86: {  	_ =	shalt  }
0x87: {  	_ =	shalt  }
.Lfunc_end0:
.L_simem_size_0:
called_computation.3_lowered:
.L_overlay_start_0:
0x88: {  	s2 =	sld [smem:$0x3FD9]  }
0x89: {  	s3 =	sld [smem:$0x3FFE];
	_ =	sdelay $0x1  }
0x8a: {  	s1 =	srdreg.scid  }
0x8b: {  	s0 =	sand.u32 $0x1, s1  }
0x8c: {  	s17 =	sshll.u32 s0, $0xA;
	s2 =	sadd.s32 s3, s2  }
0x8d: {  	s2 =	sadd.s32 s2, s17  }
0x8e: {  	[smem:$0x3FC3] =	sst s2  }
0x8f: {  	_ = 	snop  }
0x90: {  	(tm) =	ssettm $0x1  }
0x91: {  	s18 =	sld [smem:$0x3FFB];
	_ =	sdelay $0x3  }
0x92: {  	_ =	strace s18  }
0x93: {  	s2 =	sld [smem:$0x3FFC];
	_ =	sdelay $0x3  }
0x94: {  	_ =	strace s2  }
0x95: {  	s2 =	sld [smem:$0x3FFD];
	_ =	sdelay $0x3  }
0x96: {  	_ =	strace s2  }
0x97: {  	_ =	strace $0x8FFFFFFF  }
0x98: {  	s19 =	sld [smem:$0x3FDB];
	_ =	sdelay $0x1  }
0x99: {  	s20 =	simm.s32 $_scs_section_size  }
0x9a: {  	s4 =	simm.s32 $_size__tile_overlayer_lowered;
	s5 =	simm.s32 $_tile_overlayer_lowered  }
0x9b: {  	s6 =	simm.s32 $0x1BFF;
	s21 =	sshll.u32 s5, $0x1;
	s3 =	sadd.s32 s20, s19  }
0x9c: {  	s22 =	simm.s32 $0x0;
	s4 =	sshll.u32 s4, $0x1;
	s5 =	sadd.s32 s21, s3  }
0x9d: {  	[timem:s22], [sflag:s6] =	dma.local [hbm:s5], s4  }
0x9e: {  	_ =	swait.ge [sflag:s6], s4  }
0x9f: {  	s4 =	ssub.s32 $0x0, s4;
	[sflag:s6] =	ssyncset.done $0x0  }
0xa0: {  	[sflag:s6] =	ssyncadd.s32 s4;
	_ =	sdelay $0x1  }
0xa1: {  	s23 =	simm.s32 $0x1B8B  }
0xa2: {  	_ =	swait.ge [sflag:s23], $0x1  }
0xa3: {  	[sflag:s23] =	ssyncset.done $0x0  }
0xa4: {  	[sflag:s23] =	ssyncadd.s32 $0xFFFFFFFF  }
0xa5: {  	s4 =	sld [smem:$0x0]  }
0xa6: {  	s5 =	sand.u32 $0xFFFFFFFE, s1  }
0xa7: {  	p0 =	sne.s32 s1, s5  }
0xa8: {  	s5 =	sshll.u32 @p0 s5, $0xE  }
0xa9: {  	s5 =	sadd.s32 @p0 $0x11B8D, s5;
	s6 =	sshll.u32 @p0 s4, $0x11  }
0xaa: {  	s5 =	sor.u32 @p0 s6, s5  }
0xab: {  	[sflag:s5] =	ssyncadd.remote.s32 @p0 $0x1;
	_ =	sdelay $0x1  }
0xac: {  	s5 =	simm.s32 @p0 $0x1B8D  }
0xad: {  	_ =	swait.eq @p0 [sflag:s5], $0x1  }
0xae: {  	[sflag:s5] =	ssyncadd.s32 @p0 $0xFFFFFFFF  }
0xaf: {  	s6 =	sshll.u32 @!p0 s1, $0xE  }
0xb0: {  	s6 =	sor.u32 @!p0 $0x4000, s6;
	s5 =	simm.s32 @!p0 $0x1B8D  }
0xb1: {  	s4 =	sshll.u32 @!p0 s4, $0x11;
	s6 =	sadd.s32 @!p0 $0x11B8D, s6;
	_ =	swait.eq @!p0 [sflag:s5], $0x1  }
0xb2: {  	s4 =	sor.u32 @!p0 s4, s6;
	[sflag:s5] =	ssyncadd.s32 @!p0 $0xFFFFFFFF  }
0xb3: {  	s25 =	simm.s32 $0x1B8E;
	s24 =	sld [smem:$0x3FFE];
	[sflag:s4] =	ssyncadd.remote.s32 @!p0 $0x1  }
0xb4: {  	s26 =	simm.s32 $execute0_lowered;
	[smem:$0x3FD2] =	sst s25  }
0xb5: {  	s5 =	sshll.u32 s26, $0x1;
	_ =	strace $0x8000004C;
	[dreg:$0x1] =	wrdreg $0xFFFFFFFF  }
0xb6: {  	s28 =	simm.s32 $_size_execute0_lowered;
	s3 =	sadd.s32 s3, s5;
	[dreg:$0x0] =	wrdreg $0x0  }
0xb7: {  	s5 =	sshll.u32 s28, $0x1;
	[dreg:$0x2] =	wrdreg s3  }
0xb8: {  	[dreg:$0x3] =	wrdreg s5  }
0xb9: {  	[dreg:$0x4] =	wrdreg $0xC0  }
0xba: {  	_ =	task [dreg:s22], $0x5FFFF  }
0xbb: {  	[dreg:$0x1] =	wrdreg $0xFFFFFFFF  }
0xbc: {  	[dreg:$0x0] =	wrdreg $0x60  }
0xbd: {  	[dreg:$0x2] =	wrdreg s24  }
0xbe: {  	[dreg:$0x3] =	wrdreg $0xC  }
0xbf: {  	_ =	task.clear_ibuf [dreg:s22], $0x4FFFF;
	_ =	strace $0x9000004C  }
0xc0: {  	s29 =	simm.s32 $0xC;
	_ =	strace $0x8000004E  }
0xc1: {  	_ =	swait.ge [sflag:s29], $0x1  }
0xc2: {  	[sflag:s29] =	ssyncadd.s32 $0xFFFFFFFF  }
0xc3: {  	_ =	strace $0x9000004E  }
0xc4: {  	_ =	sfence  }
0xc5: {  	s30 =	sld [smem:$0x0];
	_ =	sdelay $0x2  }
0xc6: {  	s31 =	sshll.u32 s1, $0xD;
	s1 =	sshrl.u32 s1, $0x2  }
0xc7: {  	s4 =	sand.u32 $0x4000, s31;
	s1 =	sadd.s32 s1, s30  }
0xc8: {  	s0 =	sor.u32 s4, s0;
	s1 =	sshll.u32 s1, $0x11  }
0xc9: {  	s0 =	sor.u32 s1, s0  }
0xca: {  	s0 =	sadd.s32 $0x8F2B, s0  }
0xcb: {  	[sflag:s0] =	ssyncadd.remote.s32 $0x1  }
0xcc: {  	_ =	sfence.sel $0xFFFF  }
0xcd: {  	[dreg:$0x0] =	wrdreg $0xFFFFFFFF;
	(pc) =	sbr.abs _section_cstart, $3  }
0xce: {  	[dreg:$0x1] =	wrdreg $0xFFFFFFFF  }
0xcf: {  	_ =	task.clear_ibuf [dreg:s22], $0x2FFFF;
	_ =	strace $0x9FFFFFFF  }
0xd0: {  	(tm) =	ssettm $0x7FFFFFFF  }
0xd1: {  	_ =	shalt  }
tec
execute0_lowered:
.L_overlay_start_1:
0x0: {  	(tag) =	ssettag $0x1  }
0x1: {  	s1 =	srdreg.scid;
	s0 =	stileid.u32  }
0x2: {  	s1 =	sand.u32 $0x1, s1;
	s2 =	sshll.u32 s0, $0x1  }
0x3: {  	s3 =	sor.u32 s1, s2  }
0x4: {  	s4 =	smul.u32 $0xC0, s3  }
0x5: {  	s5 =	rddreg [dreg:$0x0];
	s2 =	simm.s32 $0x0;
	s6 =	smul.u32 $0x6000, s3  }
0x6: {  	s7 =	sadd.s32 $0x557600, s5;
	[smem:$0x7FF] =	sst s2;
	s4 =	sadd.s32 s4, s5  }
0x7: {  	s3 =	smul.u32 $0x30000, s3;
	s31 =	sadd.s32 s7, s6;
	s4 =	sadd.s32 $0x2E00, s4  }
0x8: {  	_ =	strace $0x8000004D;
	s23 =	sadd.s32 $0x800, s31;
	[dreg:$0x2] =	wrdreg s4  }
0x9: {  	s3 =	sshrl.u32 s3, $0x3;
	s26 =	sadd.s32 $0x1800, s31;
	[dreg:$0x3] =	wrdreg s23  }
0xa: {  	s3 =	sadd.s32 s7, s3;
	[dreg:$0x5] =	wrdreg s26  }
0xb: {  	s24 =	sadd.s32 $0x1000, s3;
	s25 =	rddreg [dreg:$0x2]  }
0xc: {  	s4 =	simm.s32 $0x5;
	[dreg:$0x4] =	wrdreg s24  }
0xd: {  	[tilespmem:s2], [sflag:$0x5] =	stream.linear.gather [hbm4b:s25+s2], $0x600, $0x38;
	[tilespmem:$0x8600] =	vst v63  }
0xe: {  	_ =	swait.ge [sflag:s4], $0x600  }
0xf: {  	s5 =	sadd.s32 $0x7600, s5;
	[sflag:s4] =	ssyncset.done $0x0  }
0x10: {  	s6 =	simm.s32 $0x80;
	s7 =	simm.s32 $0x600;
	[sflag:s4] =	ssyncadd.s32 $0xFFFFFA00  }
0x11: {  	[tilespmem:s7], [sflag:$0x1] =	stream.indirect.gather [hbm4b:s5+s6], $0x80, s2, s6, $0xb8;
	[tilespmem:$0x8600] =	vst v63  }
0x12: {  	s8 =	simm.s32 $0x4600;
	s9 =	simm.s32 $0x1  }
0x13: {  	[tilespmem:s8], [sflag:$0x2] =	stream.indirect.gather [hbm4b:s5+s6], $0x80, s6, s6, $0xb8;
	[tilespmem:$0x8600] =	vst v63  }
0x14: {  	_ =	swait.ge [sflag:s9], $0x4000  }
0x15: {  	[sflag:s9] =	ssyncset.done $0x0  }
0x16: {  	s10 =	simm.s32 $0x3;
	[sflag:s9] =	ssyncadd.s32 $0xFFFFC000  }
0x17: {  	[hbm4b:s3+s2] =	stream.linear.scatter [tilespmem:s7], [sflag:$0x3], $0x4000, $0x38;
	[tilespmem:$0x8600] =	vst v63  }
0x18: {  	_ =	swait.ge [sflag:s10], $0x4000  }
0x19: {  	[sflag:s10] =	ssyncset.done $0x0  }
0x1a: {  	s11 =	simm.s32 $0x100;
	s12 =	simm.s32 $0x2;
	[sflag:s10] =	ssyncadd.s32 $0xFFFFC000  }
0x1b: {  	[tilespmem:s7], [sflag:$0x1] =	stream.indirect.gather [hbm4b:s5+s6], $0x80, s11, s6, $0xb8;
	[tilespmem:$0x8600] =	vst v63  }
0x1c: {  	_ =	swait.ge [sflag:s12], $0x4000  }
0x1d: {  	[sflag:s12] =	ssyncset.done $0x0  }
0x1e: {  	s13 =	simm.s32 $0x4;
	s14 =	rddreg [dreg:$0x3];
	[sflag:s12] =	ssyncadd.s32 $0xFFFFC000  }
0x1f: {  	[hbm4b:s14+s2] =	stream.linear.scatter [tilespmem:s8], [sflag:$0x4], $0x4000, $0x38;
	[tilespmem:$0x8600] =	vst v63  }
0x20: {  	_ =	swait.ge [sflag:s13], $0x4000  }
0x21: {  	[sflag:s13] =	ssyncset.done $0x0  }
0x22: {  	s14 =	simm.s32 $0x180;
	[sflag:s13] =	ssyncadd.s32 $0xFFFFC000  }
0x23: {  	[tilespmem:s8], [sflag:$0x2] =	stream.indirect.gather [hbm4b:s5+s6], $0x80, s14, s6, $0xb8;
	[tilespmem:$0x8600] =	vst v63  }
0x24: {  	_ =	swait.ge [sflag:s9], $0x4000  }
0x25: {  	[sflag:s9] =	ssyncset.done $0x0  }
0x26: {  	s15 =	rddreg [dreg:$0x4];
	[sflag:s9] =	ssyncadd.s32 $0xFFFFC000  }
0x27: {  	[hbm4b:s15+s2] =	stream.linear.scatter [tilespmem:s7], [sflag:$0x3], $0x4000, $0x38;
	[tilespmem:$0x8600] =	vst v63  }
0x28: {  	_ =	swait.ge [sflag:s10], $0x4000  }
0x29: {  	[sflag:s10] =	ssyncset.done $0x0  }
0x2a: {  	s15 =	simm.s32 $0x200;
	[sflag:s10] =	ssyncadd.s32 $0xFFFFC000  }
0x2b: {  	[tilespmem:s7], [sflag:$0x1] =	stream.indirect.gather [hbm4b:s5+s6], $0x80, s15, s6, $0xb8;
	[tilespmem:$0x8600] =	vst v63  }
0x2c: {  	_ =	swait.ge [sflag:s12], $0x4000  }
0x2d: {  	[sflag:s12] =	ssyncset.done $0x0  }
0x2e: {  	s16 =	rddreg [dreg:$0x5];
	[sflag:s12] =	ssyncadd.s32 $0xFFFFC000  }
0x2f: {  	[hbm4b:s16+s2] =	stream.linear.scatter [tilespmem:s8], [sflag:$0x4], $0x4000, $0x38;
	[tilespmem:$0x8600] =	vst v63  }
0x30: {  	_ =	swait.ge [sflag:s13], $0x4000  }
0x31: {  	[sflag:s13] =	ssyncset.done $0x0  }
0x32: {  	s16 =	simm.s32 $0x280;
	[sflag:s13] =	ssyncadd.s32 $0xFFFFC000  }
0x33: {  	[tilespmem:s8], [sflag:$0x2] =	stream.indirect.gather [hbm4b:s5+s6], $0x80, s16, s6, $0xb8;
	[tilespmem:$0x8600] =	vst v63  }
0x34: {  	_ =	swait.ge [sflag:s9], $0x4000  }
0x35: {  	[sflag:s9] =	ssyncset.done $0x0  }
0x36: {  	s17 =	sadd.s32 $0x2000, s3;
	[sflag:s9] =	ssyncadd.s32 $0xFFFFC000  }
0x37: {  	[hbm4b:s17+s2] =	stream.linear.scatter [tilespmem:s7], [sflag:$0x3], $0x4000, $0x38;
	[tilespmem:$0x8600] =	vst v63  }
0x38: {  	_ =	swait.ge [sflag:s10], $0x4000  }
0x39: {  	[sflag:s10] =	ssyncset.done $0x0  }
0x3a: {  	s18 =	simm.s32 $0x300;
	[sflag:s10] =	ssyncadd.s32 $0xFFFFC000  }
0x3b: {  	[tilespmem:s7], [sflag:$0x1] =	stream.indirect.gather [hbm4b:s5+s6], $0x80, s18, s6, $0xb8;
	[tilespmem:$0x8600] =	vst v63  }
0x3c: {  	_ =	swait.ge [sflag:s12], $0x4000  }
0x3d: {  	[sflag:s12] =	ssyncset.done $0x0  }
0x3e: {  	s19 =	sadd.s32 $0x2800, s31;
	[sflag:s12] =	ssyncadd.s32 $0xFFFFC000  }
0x3f: {  	[hbm4b:s19+s2] =	stream.linear.scatter [tilespmem:s8], [sflag:$0x4], $0x4000, $0x38;
	[tilespmem:$0x8600] =	vst v63  }
0x40: {  	_ =	swait.ge [sflag:s13], $0x4000  }
0x41: {  	[sflag:s13] =	ssyncset.done $0x0  }
0x42: {  	s20 =	simm.s32 $0x380;
	[sflag:s13] =	ssyncadd.s32 $0xFFFFC000  }
0x43: {  	[tilespmem:s8], [sflag:$0x2] =	stream.indirect.gather [hbm4b:s5+s6], $0x80, s20, s6, $0xb8;
	[tilespmem:$0x8600] =	vst v63  }
0x44: {  	_ =	swait.ge [sflag:s9], $0x4000  }
0x45: {  	[sflag:s9] =	ssyncset.done $0x0  }
0x46: {  	s21 =	sadd.s32 $0x3000, s3;
	[sflag:s9] =	ssyncadd.s32 $0xFFFFC000  }
0x47: {  	[hbm4b:s21+s2] =	stream.linear.scatter [tilespmem:s7], [sflag:$0x3], $0x4000, $0x38;
	[tilespmem:$0x8600] =	vst v63  }
0x48: {  	_ =	swait.ge [sflag:s10], $0x4000  }
0x49: {  	[sflag:s10] =	ssyncset.done $0x0  }
0x4a: {  	s22 =	simm.s32 $0x400;
	[sflag:s10] =	ssyncadd.s32 $0xFFFFC000  }
0x4b: {  	[tilespmem:s7], [sflag:$0x1] =	stream.indirect.gather [hbm4b:s5+s6], $0x80, s22, s6, $0xb8;
	[tilespmem:$0x8600] =	vst v63  }
0x4c: {  	_ =	swait.ge [sflag:s12], $0x4000  }
0x4d: {  	[sflag:s12] =	ssyncset.done $0x0  }
0x4e: {  	s23 =	sadd.s32 $0x3800, s31;
	[sflag:s12] =	ssyncadd.s32 $0xFFFFC000  }
0x4f: {  	[hbm4b:s23+s2] =	stream.linear.scatter [tilespmem:s8], [sflag:$0x4], $0x4000, $0x38;
	[tilespmem:$0x8600] =	vst v63  }
0x50: {  	_ =	swait.ge [sflag:s13], $0x4000  }
0x51: {  	[sflag:s13] =	ssyncset.done $0x0  }
0x52: {  	s24 =	simm.s32 $0x480;
	[sflag:s13] =	ssyncadd.s32 $0xFFFFC000  }
0x53: {  	[tilespmem:s8], [sflag:$0x2] =	stream.indirect.gather [hbm4b:s5+s6], $0x80, s24, s6, $0xb8;
	[tilespmem:$0x8600] =	vst v63  }
0x54: {  	_ =	swait.ge [sflag:s9], $0x4000  }
0x55: {  	[sflag:s9] =	ssyncset.done $0x0  }
0x56: {  	s25 =	sadd.s32 $0x4000, s3;
	[sflag:s9] =	ssyncadd.s32 $0xFFFFC000  }
0x57: {  	[hbm4b:s25+s2] =	stream.linear.scatter [tilespmem:s7], [sflag:$0x3], $0x4000, $0x38;
	[tilespmem:$0x8600] =	vst v63  }
0x58: {  	_ =	swait.ge [sflag:s10], $0x4000  }
0x59: {  	[sflag:s10] =	ssyncset.done $0x0  }
0x5a: {  	s26 =	simm.s32 $0x500;
	[sflag:s10] =	ssyncadd.s32 $0xFFFFC000  }
0x5b: {  	[tilespmem:s7], [sflag:$0x1] =	stream.indirect.gather [hbm4b:s5+s6], $0x80, s26, s6, $0xb8;
	[tilespmem:$0x8600] =	vst v63  }
0x5c: {  	_ =	swait.ge [sflag:s12], $0x4000  }
0x5d: {  	[sflag:s12] =	ssyncset.done $0x0  }
0x5e: {  	s28 =	sadd.s32 $0x4800, s31;
	[sflag:s12] =	ssyncadd.s32 $0xFFFFC000  }
0x5f: {  	[hbm4b:s28+s2] =	stream.linear.scatter [tilespmem:s8], [sflag:$0x4], $0x4000, $0x38;
	[tilespmem:$0x8600] =	vst v63  }
0x60: {  	_ =	swait.ge [sflag:s13], $0x4000  }
0x61: {  	[sflag:s13] =	ssyncset.done $0x0  }
0x62: {  	s29 =	simm.s32 $0x580;
	[sflag:s13] =	ssyncadd.s32 $0xFFFFC000  }
0x63: {  	[tilespmem:s8], [sflag:$0x2] =	stream.indirect.gather [hbm4b:s5+s6], $0x80, s29, s6, $0xb8;
	[tilespmem:$0x8600] =	vst v63  }
0x64: {  	_ =	swait.ge [sflag:s9], $0x4000  }
0x65: {  	s1 =	ssub.s32 $0x2, s1;
	[sflag:s9] =	ssyncset.done $0x0  }
0x66: {  	s0 =	sshrl.u32 s1, $0x1;
	s30 =	sadd.s32 $0x5000, s3;
	[sflag:s9] =	ssyncadd.s32 $0xFFFFC000  }
0x67: {  	[hbm4b:s30+s2] =	stream.linear.scatter [tilespmem:s7], [sflag:$0x3], $0x4000, $0x38;
	[tilespmem:$0x8600] =	vst v63  }
0x68: {  	s0 =	ssub.s32 s1, s0;
	_ =	swait.ge [sflag:s12], $0x4000  }
0x69: {  	s0 =	smax.u32 s0, $0x1;
	[sflag:s12] =	ssyncset.done $0x0  }
0x6a: {  	p0 =	sne.s32 s0, $0x1;
	s31 =	sadd.s32 $0x5800, s31;
	[sflag:s12] =	ssyncadd.s32 $0xFFFFC000  }
0x6b: {  	[hbm4b:s31+s2] =	stream.linear.scatter [tilespmem:s8], [sflag:$0x4], $0x4000, $0x38;
	[tilespmem:$0x8600] =	vst v63  }
.Ltmp0:
0x6c: {  	_ =	swait.ge [sflag:s10], $0x4000;
	(pc) =	sbr.rel @!p0 .LBB2_2-.Ltmp0, $4  }
0x6d: {  	[sflag:s10] =	ssyncset.done $0x0  }
0x6e: {  	[sflag:s10] =	ssyncadd.s32 $0xFFFFC000  }
0x6f: {  	_ =	swait.ge [sflag:s13], $0x4000  }
0x70: {  	s1 =	sadd.s32 $0xFFFFFFFF, s0;
	[sflag:s13] =	ssyncset.done $0x0  }
.LBB2_1:
0x71: {  	s0 =	rddreg [dreg:$0x2];
	[sflag:s13] =	ssyncadd.s32 $0xFFFFC000  }
0x72: {  	[tilespmem:s2], [sflag:$0x5] =	stream.linear.gather [hbm4b:s0+s2], $0x600, $0x38;
	[tilespmem:$0x8600] =	vst v63  }
0x73: {  	_ =	swait.ge [sflag:s4], $0x600  }
0x74: {  	[sflag:s4] =	ssyncset.done $0x0  }
0x75: {  	[sflag:s4] =	ssyncadd.s32 $0xFFFFFA00  }
0x76: {  	[tilespmem:s7], [sflag:$0x1] =	stream.indirect.gather [hbm4b:s5+s6], $0x80, s2, s6, $0xb8;
	[tilespmem:$0x8600] =	vst v63  }
0x77: {  	_ = 	snop  }
0x78: {  	[tilespmem:s8], [sflag:$0x2] =	stream.indirect.gather [hbm4b:s5+s6], $0x80, s6, s6, $0xb8;
	[tilespmem:$0x8600] =	vst v63  }
0x79: {  	_ =	swait.ge [sflag:s9], $0x4000  }
0x7a: {  	[sflag:s9] =	ssyncset.done $0x0  }
0x7b: {  	[sflag:s9] =	ssyncadd.s32 $0xFFFFC000  }
0x7c: {  	[hbm4b:s3+s2] =	stream.linear.scatter [tilespmem:s7], [sflag:$0x3], $0x4000, $0x38;
	[tilespmem:$0x8600] =	vst v63  }
0x7d: {  	_ =	swait.ge [sflag:s10], $0x4000  }
0x7e: {  	[sflag:s10] =	ssyncset.done $0x0  }
0x7f: {  	[sflag:s10] =	ssyncadd.s32 $0xFFFFC000  }
0x80: {  	[tilespmem:s7], [sflag:$0x1] =	stream.indirect.gather [hbm4b:s5+s6], $0x80, s11, s6, $0xb8;
	[tilespmem:$0x8600] =	vst v63  }
0x81: {  	_ =	swait.ge [sflag:s12], $0x4000  }
0x82: {  	[sflag:s12] =	ssyncset.done $0x0  }
0x83: {  	s0 =	rddreg [dreg:$0x3];
	[sflag:s12] =	ssyncadd.s32 $0xFFFFC000  }
0x84: {  	[hbm4b:s0+s2] =	stream.linear.scatter [tilespmem:s8], [sflag:$0x4], $0x4000, $0x38;
	[tilespmem:$0x8600] =	vst v63  }
0x85: {  	_ =	swait.ge [sflag:s13], $0x4000  }
0x86: {  	[sflag:s13] =	ssyncset.done $0x0  }
0x87: {  	[sflag:s13] =	ssyncadd.s32 $0xFFFFC000  }
0x88: {  	[tilespmem:s8], [sflag:$0x2] =	stream.indirect.gather [hbm4b:s5+s6], $0x80, s14, s6, $0xb8;
	[tilespmem:$0x8600] =	vst v63  }
0x89: {  	_ =	swait.ge [sflag:s9], $0x4000  }
0x8a: {  	[sflag:s9] =	ssyncset.done $0x0  }
0x8b: {  	s0 =	rddreg [dreg:$0x4];
	[sflag:s9] =	ssyncadd.s32 $0xFFFFC000  }
0x8c: {  	[hbm4b:s0+s2] =	stream.linear.scatter [tilespmem:s7], [sflag:$0x3], $0x4000, $0x38;
	[tilespmem:$0x8600] =	vst v63  }
0x8d: {  	_ =	swait.ge [sflag:s10], $0x4000  }
0x8e: {  	[sflag:s10] =	ssyncset.done $0x0  }
0x8f: {  	[sflag:s10] =	ssyncadd.s32 $0xFFFFC000  }
0x90: {  	[tilespmem:s7], [sflag:$0x1] =	stream.indirect.gather [hbm4b:s5+s6], $0x80, s15, s6, $0xb8;
	[tilespmem:$0x8600] =	vst v63  }
0x91: {  	_ =	swait.ge [sflag:s12], $0x4000  }
0x92: {  	[sflag:s12] =	ssyncset.done $0x0  }
0x93: {  	s0 =	rddreg [dreg:$0x5];
	[sflag:s12] =	ssyncadd.s32 $0xFFFFC000  }
0x94: {  	[hbm4b:s0+s2] =	stream.linear.scatter [tilespmem:s8], [sflag:$0x4], $0x4000, $0x38;
	[tilespmem:$0x8600] =	vst v63  }
0x95: {  	_ =	swait.ge [sflag:s13], $0x4000  }
0x96: {  	[sflag:s13] =	ssyncset.done $0x0  }
0x97: {  	[sflag:s13] =	ssyncadd.s32 $0xFFFFC000  }
0x98: {  	[tilespmem:s8], [sflag:$0x2] =	stream.indirect.gather [hbm4b:s5+s6], $0x80, s16, s6, $0xb8;
	[tilespmem:$0x8600] =	vst v63  }
0x99: {  	_ =	swait.ge [sflag:s9], $0x4000  }
0x9a: {  	[sflag:s9] =	ssyncset.done $0x0  }
0x9b: {  	[sflag:s9] =	ssyncadd.s32 $0xFFFFC000  }
0x9c: {  	[hbm4b:s17+s2] =	stream.linear.scatter [tilespmem:s7], [sflag:$0x3], $0x4000, $0x38;
	[tilespmem:$0x8600] =	vst v63  }
0x9d: {  	_ =	swait.ge [sflag:s10], $0x4000  }
0x9e: {  	[sflag:s10] =	ssyncset.done $0x0  }
0x9f: {  	[sflag:s10] =	ssyncadd.s32 $0xFFFFC000  }
0xa0: {  	[tilespmem:s7], [sflag:$0x1] =	stream.indirect.gather [hbm4b:s5+s6], $0x80, s18, s6, $0xb8;
	[tilespmem:$0x8600] =	vst v63  }
0xa1: {  	_ =	swait.ge [sflag:s12], $0x4000  }
0xa2: {  	[sflag:s12] =	ssyncset.done $0x0  }
0xa3: {  	[sflag:s12] =	ssyncadd.s32 $0xFFFFC000  }
0xa4: {  	[hbm4b:s19+s2] =	stream.linear.scatter [tilespmem:s8], [sflag:$0x4], $0x4000, $0x38;
	[tilespmem:$0x8600] =	vst v63  }
0xa5: {  	_ =	swait.ge [sflag:s13], $0x4000  }
0xa6: {  	[sflag:s13] =	ssyncset.done $0x0  }
0xa7: {  	[sflag:s13] =	ssyncadd.s32 $0xFFFFC000  }
0xa8: {  	[tilespmem:s8], [sflag:$0x2] =	stream.indirect.gather [hbm4b:s5+s6], $0x80, s20, s6, $0xb8;
	[tilespmem:$0x8600] =	vst v63  }
0xa9: {  	_ =	swait.ge [sflag:s9], $0x4000  }
0xaa: {  	[sflag:s9] =	ssyncset.done $0x0  }
0xab: {  	[sflag:s9] =	ssyncadd.s32 $0xFFFFC000  }
0xac: {  	[hbm4b:s21+s2] =	stream.linear.scatter [tilespmem:s7], [sflag:$0x3], $0x4000, $0x38;
	[tilespmem:$0x8600] =	vst v63  }
0xad: {  	_ =	swait.ge [sflag:s10], $0x4000  }
0xae: {  	[sflag:s10] =	ssyncset.done $0x0  }
0xaf: {  	[sflag:s10] =	ssyncadd.s32 $0xFFFFC000  }
0xb0: {  	[tilespmem:s7], [sflag:$0x1] =	stream.indirect.gather [hbm4b:s5+s6], $0x80, s22, s6, $0xb8;
	[tilespmem:$0x8600] =	vst v63  }
0xb1: {  	_ =	swait.ge [sflag:s12], $0x4000  }
0xb2: {  	[sflag:s12] =	ssyncset.done $0x0  }
0xb3: {  	[sflag:s12] =	ssyncadd.s32 $0xFFFFC000  }
0xb4: {  	[hbm4b:s23+s2] =	stream.linear.scatter [tilespmem:s8], [sflag:$0x4], $0x4000, $0x38;
	[tilespmem:$0x8600] =	vst v63  }
0xb5: {  	_ =	swait.ge [sflag:s13], $0x4000  }
0xb6: {  	[sflag:s13] =	ssyncset.done $0x0  }
0xb7: {  	[sflag:s13] =	ssyncadd.s32 $0xFFFFC000  }
0xb8: {  	[tilespmem:s8], [sflag:$0x2] =	stream.indirect.gather [hbm4b:s5+s6], $0x80, s24, s6, $0xb8;
	[tilespmem:$0x8600] =	vst v63  }
0xb9: {  	_ =	swait.ge [sflag:s9], $0x4000  }
0xba: {  	[sflag:s9] =	ssyncset.done $0x0  }
0xbb: {  	[sflag:s9] =	ssyncadd.s32 $0xFFFFC000  }
0xbc: {  	[hbm4b:s25+s2] =	stream.linear.scatter [tilespmem:s7], [sflag:$0x3], $0x4000, $0x38;
	[tilespmem:$0x8600] =	vst v63  }
0xbd: {  	_ =	swait.ge [sflag:s10], $0x4000  }
0xbe: {  	[sflag:s10] =	ssyncset.done $0x0  }
0xbf: {  	[sflag:s10] =	ssyncadd.s32 $0xFFFFC000  }
0xc0: {  	[tilespmem:s7], [sflag:$0x1] =	stream.indirect.gather [hbm4b:s5+s6], $0x80, s26, s6, $0xb8;
	[tilespmem:$0x8600] =	vst v63  }
0xc1: {  	_ =	swait.ge [sflag:s12], $0x4000  }
0xc2: {  	[sflag:s12] =	ssyncset.done $0x0  }
0xc3: {  	[sflag:s12] =	ssyncadd.s32 $0xFFFFC000  }
0xc4: {  	[hbm4b:s28+s2] =	stream.linear.scatter [tilespmem:s8], [sflag:$0x4], $0x4000, $0x38;
	[tilespmem:$0x8600] =	vst v63  }
0xc5: {  	_ =	swait.ge [sflag:s13], $0x4000  }
0xc6: {  	[sflag:s13] =	ssyncset.done $0x0  }
0xc7: {  	[sflag:s13] =	ssyncadd.s32 $0xFFFFC000  }
0xc8: {  	[tilespmem:s8], [sflag:$0x2] =	stream.indirect.gather [hbm4b:s5+s6], $0x80, s29, s6, $0xb8;
	[tilespmem:$0x8600] =	vst v63  }
0xc9: {  	_ =	swait.ge [sflag:s9], $0x4000  }
0xca: {  	[sflag:s9] =	ssyncset.done $0x0  }
0xcb: {  	[sflag:s9] =	ssyncadd.s32 $0xFFFFC000  }
0xcc: {  	[hbm4b:s30+s2] =	stream.linear.scatter [tilespmem:s7], [sflag:$0x3], $0x4000, $0x38;
	[tilespmem:$0x8600] =	vst v63  }
0xcd: {  	_ =	swait.ge [sflag:s12], $0x4000  }
0xce: {  	[sflag:s12] =	ssyncset.done $0x0  }
0xcf: {  	p0 =	sne.s32 s1, $0x1;
	[sflag:s12] =	ssyncadd.s32 $0xFFFFC000  }
0xd0: {  	[hbm4b:s31+s2] =	stream.linear.scatter [tilespmem:s8], [sflag:$0x4], $0x4000, $0x38;
	[tilespmem:$0x8600] =	vst v63  }
.Ltmp1:
0xd1: {  	_ =	swait.ge [sflag:s10], $0x4000;
	(pc) =	sbr.rel @p0 .LBB2_1-.Ltmp1, $4  }
0xd2: {  	[sflag:s10] =	ssyncset.done $0x0  }
0xd3: {  	[sflag:s10] =	ssyncadd.s32 $0xFFFFC000  }
0xd4: {  	_ =	swait.ge [sflag:s13], $0x4000  }
0xd5: {  	s1 =	sadd.s32 $0xFFFFFFFF, s1;
	[sflag:s13] =	ssyncset.done $0x0  }
.LBB2_2:
0xd6: {  	[sflag:s13] =	ssyncadd.s32 $0xFFFFC000  }
0xd7: {  	_ =	sfence.sel $0x180000  }
0xd8: {  	[bflag:$0x0] =	sbarrier.arrive $0xFFFF  }
0xd9: {  	_ =	strace $0x9000004D  }
0xda: {  	s0 =	stileid.u32;
	[bflag:$0x2] =	sbarrier.arrive $0xFFFF  }
0xdb: {  	p0 =	sne.s32 s0, $0x0;
	s0 =	rddreg [dreg:$0x1]  }
0xdc: {  	s0 =	sadd.s32 @!p0 $0x100000, s0  }
0xdd: {  	[sflag:s0] =	ssyncadd.tile.s32 @!p0 $0x1;
	_ =	shalt  }
.Lfunc_end2:
_tile_overlayer_lowered:
.L_overlay_start_2:
0xde: {  	(tag) =	ssettag $0x2  }
0xdf: {  	s0 =	rddreg [dreg:$0x0];
	s2 =	stileid.u32  }
0xe0: {  	s1 =	rddreg [dreg:$0x1];
	p0 =	sne.s32 s2, $0x0  }
0xe1: {  	s3 =	rddreg [dreg:$0x2];
	[bflag:$0x3] =	sbarrier.arrive $0xFFFF;
	s2 =	simm.s32 @!p0 $0x1C05  }
0xe2: {  	[timem:s3], [sflag:s2] =	dma.local @!p0 [hbm:s0], s1  }
0xe3: {  	s0 =	simm.s32 @!p0 $0x5  }
0xe4: {  	_ =	swait.ge @!p0 [sflag:s0], s1  }
0xe5: {  	s1 =	ssub.s32 @!p0 $0x0, s1;
	[sflag:s0] =	ssyncset.done @!p0 $0x0  }
0xe6: {  	[sflag:s0] =	ssyncadd.s32 @!p0 s1  }
0xe7: {  	[bflag:$0x3] =	sbarrier.arrive $0xFFFF  }
0xe8: {  	_ =	shalt  }

// kernel: kernel.27.cloned.1.call-start
scs
__scs_entry_jumppad:
0x0: {  	(pc) =	sbr.rel $0x88, $3  }
0x1: {  	(tag) =	ssettag $0x0;
	lr =	simm.s32 $0x1  }
0x2: {  	[smem:$0x3F9C] =	sst lr;
	_ =	strace $0xD0000000  }
0x3: {  	_ = 	snop  }
0x4: {  	_ = 	snop  }
0x5: {  	_ = 	snop  }
0x6: {  	_ = 	snop  }
0x7: {  	_ = 	snop  }
__scs_overlays_trampoline_lowered:
0x8: {  	[smem:$0x3FAB] =	sst s0  }
0x9: {  	[smem:$0x3FAC] =	sst s1  }
0xa: {  	[smem:$0x3FAD] =	sst s2  }
0xb: {  	[smem:$0x3FAE] =	sst s3  }
0xc: {  	[smem:$0x3FAF] =	sst s4  }
0xd: {  	[smem:$0x3FB0] =	sst s5  }
0xe: {  	[smem:$0x3FB1] =	sst s6  }
0xf: {  	[smem:$0x3FB2] =	sst s7  }
0x10: {  	[smem:$0x3FB3] =	sst s8  }
0x11: {  	[smem:$0x3FB4] =	sst s9;
	s0 =	simm.s32 @!p0 $0x0  }
0x12: {  	s1 =	sld [smem:$0x3F9A];
	s0 =	simm.s32 @p0 $0x1  }
0x13: {  	[smem:$0x3FB5] =	sst s0;
	s0 =	simm.s32 @!p1 $0x0  }
0x14: {  	s2 =	sld [smem:$0x3F99];
	s0 =	simm.s32 @p1 $0x1  }
0x15: {  	[smem:$0x3FB6] =	sst s0;
	s0 =	simm.s32 @!p2 $0x0  }
0x16: {  	s3 =	sld [smem:$0x3FDB];
	s0 =	simm.s32 @p2 $0x1  }
0x17: {  	s4 =	simm.s32 $0x1BF5;
	[smem:$0x3FB8] =	sst s0  }
0x18: {  	s0 =	sld [smem:$0x3F9B];
	_ =	swait.ge [sflag:s4], $0x0  }
0x19: {  	s7 =	sld [smem:$0x3F9C]  }
0x1a: {  	s8 =	sadd.s32 $0xFFFFE003, lr  }
0x1b: {  	s9 =	sadd.s32 $0xFFFFFEF7, lr;
	s5 =	simm.s32 $0xFFFFFFFF;
	p2 =	slt.u32 s8, $0xFFFFF086  }
0x1c: {  	p1 =	slt.u32 s9, $0xF7A;
	s5 =	simm.s32 @!p2 $0x0  }
0x1d: {  	s5 =	simm.s32 @p1 $0x1;
	p0 =	seq.s32 s7, s2  }
0x1e: {  	s7 =	smul.u32 @!p0 $0xF7A, s2;
	p2 =	seq.s32 @!p0 s5, $0x0  }
0x1f: {  	s9 =	smul.u32 $0xF7A, s1;
	s8 =	simm.s32 @!p0 $0x1BF5;
	p2 =	por !p2, p0  }
0x20: {  	[sflag:s8] =	ssyncset.s32 @!p0 $0xFFFFF086;
	s6 =	sadd.s32 @!p0 s3, s7;
	s7 =	simm.s32 @!p0 $0x108  }
0x21: {  	s3 =	sadd.s32 s3, s9;
	s6 =	sadd.s32 @!p0 $0x88, s6;
	s7 =	simm.s32 @p2 $0x1082  }
0x22: {  	[simem:s7], [sflag:s8] =	dma.local @!p0 [hbm:s6], $0xF7A  }
0x23: {  	s9 =	sor.u32 $0xD0000000, s2;
	s6 =	simm.s32 $0x108;
	_ =	swait.ge @!p0 [sflag:s8], $0x0  }
0x24: {  	s3 =	sadd.s32 $0x88, s3;
	s6 =	simm.s32 @!p1 $0x1082;
	[sflag:s4] =	ssyncset.s32 $0xFFFFF086  }
0x25: {  	[simem:s6], [sflag:s4] =	dma.local [hbm:s3], $0xF7A  }
0x26: {  	[smem:$0x3F9C] =	sst s1;
	(tag) =	ssettag s2;
	_ =	strace s9  }
0x27: {  	s1 =	sld [smem:$0x3FAC]  }
0x28: {  	s2 =	sld [smem:$0x3FAD]  }
0x29: {  	s4 =	sld [smem:$0x3FAF]  }
0x2a: {  	p0 =	seq.s32 s5, $0x0;
	s5 =	sld [smem:$0x3FB0]  }
0x2b: {  	s6 =	sld [smem:$0x3FB1]  }
0x2c: {  	s7 =	sld [smem:$0x3FB2]  }
0x2d: {  	s3 =	simm.s32 $0x108;
	s8 =	sld [smem:$0x3FB3]  }
0x2e: {  	s3 =	simm.s32 @!p0 $0x1082;
	s9 =	sld [smem:$0x3FB4]  }
0x2f: {  	lr =	sadd.s32 s0, s3;
	s0 =	sld [smem:$0x3FAB]  }
0x30: {  	s3 =	sld [smem:$0x3FAE]  }
0x31: {  	[smem:$0x3FB7] =	sst s10  }
0x32: {  	s10 =	sld [smem:$0x3FB5];
	_ =	sdelay $0x3  }
0x33: {  	p0 =	seq.s32 s10, $0x1;
	s10 =	sld [smem:$0x3FB7];
	_ =	sdelay $0x3  }
0x34: {  	[smem:$0x3FB7] =	sst s10  }
0x35: {  	s10 =	sld [smem:$0x3FB6];
	_ =	sdelay $0x3  }
0x36: {  	p1 =	seq.s32 s10, $0x1;
	s10 =	sld [smem:$0x3FB7];
	_ =	sdelay $0x3  }
0x37: {  	[smem:$0x3FB7] =	sst s10  }
0x38: {  	s10 =	sld [smem:$0x3FB8]  }
0x39: {  	_ = 	snop;
	(pc) =	sbr.ind lr, $3  }
0x3a: {  	_ = 	snop  }
0x3b: {  	_ = 	snop  }
0x3c: {  	p2 =	seq.s32 s10, $0x1;
	s10 =	sld [smem:$0x3FB7]  }
0x3d: {  	_ =	shalt  }
0x3e: {  	_ =	shalt  }
0x3f: {  	_ =	shalt  }
0x40: {  	_ =	shalt  }
0x41: {  	_ =	shalt  }
0x42: {  	_ =	shalt  }
0x43: {  	_ =	shalt  }
0x44: {  	_ =	shalt  }
0x45: {  	_ =	shalt  }
0x46: {  	_ =	shalt  }
0x47: {  	_ =	shalt  }
0x48: {  	_ =	shalt  }
0x49: {  	_ =	shalt  }
0x4a: {  	_ =	shalt  }
0x4b: {  	_ =	shalt  }
0x4c: {  	_ =	shalt  }
0x4d: {  	_ =	shalt  }
0x4e: {  	_ =	shalt  }
0x4f: {  	_ =	shalt  }
0x50: {  	_ =	shalt  }
0x51: {  	_ =	shalt  }
0x52: {  	_ =	shalt  }
0x53: {  	_ =	shalt  }
0x54: {  	_ =	shalt  }
0x55: {  	_ =	shalt  }
0x56: {  	_ =	shalt  }
0x57: {  	_ =	shalt  }
0x58: {  	_ =	shalt  }
0x59: {  	_ =	shalt  }
0x5a: {  	_ =	shalt  }
0x5b: {  	_ =	shalt  }
0x5c: {  	_ =	shalt  }
0x5d: {  	_ =	shalt  }
0x5e: {  	_ =	shalt  }
0x5f: {  	_ =	shalt  }
0x60: {  	_ =	shalt  }
0x61: {  	_ =	shalt  }
0x62: {  	_ =	shalt  }
0x63: {  	_ =	shalt  }
0x64: {  	_ =	shalt  }
0x65: {  	_ =	shalt  }
0x66: {  	_ =	shalt  }
0x67: {  	_ =	shalt  }
0x68: {  	_ =	shalt  }
0x69: {  	_ =	shalt  }
0x6a: {  	_ =	shalt  }
0x6b: {  	_ =	shalt  }
0x6c: {  	_ =	shalt  }
0x6d: {  	_ =	shalt  }
0x6e: {  	_ =	shalt  }
0x6f: {  	_ =	shalt  }
0x70: {  	_ =	shalt  }
0x71: {  	_ =	shalt  }
0x72: {  	_ =	shalt  }
0x73: {  	_ =	shalt  }
0x74: {  	_ =	shalt  }
0x75: {  	_ =	shalt  }
0x76: {  	_ =	shalt  }
0x77: {  	_ =	shalt  }
0x78: {  	_ =	shalt  }
0x79: {  	_ =	shalt  }
0x7a: {  	_ =	shalt  }
0x7b: {  	_ =	shalt  }
0x7c: {  	_ =	shalt  }
0x7d: {  	_ =	shalt  }
0x7e: {  	_ =	shalt  }
0x7f: {  	_ =	shalt  }
0x80: {  	_ =	shalt  }
0x81: {  	_ =	shalt  }
0x82: {  	_ =	shalt  }
0x83: {  	_ =	shalt  }
0x84: {  	_ =	shalt  }
0x85: {  	_ =	shalt  }
0x86: {  	_ =	shalt  }
0x87: {  	_ =	shalt  }
.Lfunc_end0:
.L_simem_size_0:
called_computation.4_lowered:
.L_overlay_start_0:
0x88: {  	s2 =	sld [smem:$0x3FD9]  }
0x89: {  	s3 =	sld [smem:$0x3FFE];
	_ =	sdelay $0x1  }
0x8a: {  	s1 =	srdreg.scid  }
0x8b: {  	s0 =	sand.u32 $0x1, s1  }
0x8c: {  	s17 =	sshll.u32 s0, $0xA;
	s2 =	sadd.s32 s3, s2  }
0x8d: {  	s2 =	sadd.s32 s2, s17  }
0x8e: {  	[smem:$0x3FC3] =	sst s2  }
0x8f: {  	_ = 	snop  }
0x90: {  	s18 =	sld [smem:$0x3FC8];
	(tm) =	ssettm $0x1  }
0x91: {  	s19 =	sld [smem:$0x3FFB];
	_ =	sdelay $0x3  }
0x92: {  	_ =	strace s19  }
0x93: {  	s2 =	sld [smem:$0x3FFC];
	_ =	sdelay $0x3  }
0x94: {  	_ =	strace s2  }
0x95: {  	s2 =	sld [smem:$0x3FFD];
	_ =	sdelay $0x3  }
0x96: {  	_ =	strace s2  }
0x97: {  	_ =	strace $0x8FFFFFFF  }
0x98: {  	s20 =	sld [smem:$0x3FDB];
	_ =	sdelay $0x1  }
0x99: {  	s4 =	simm.s32 $_scs_section_size  }
0x9a: {  	s5 =	simm.s32 $_size__tile_overlayer_lowered;
	s6 =	simm.s32 $_tile_overlayer_lowered  }
0x9b: {  	s7 =	simm.s32 $0x1BFF;
	s21 =	sshll.u32 s6, $0x1;
	s4 =	sadd.s32 s4, s20  }
0x9c: {  	s22 =	simm.s32 $0x0;
	s5 =	sshll.u32 s5, $0x1;
	s6 =	sadd.s32 s21, s4  }
0x9d: {  	[timem:s22], [sflag:s7] =	dma.local [hbm:s6], s5  }
0x9e: {  	_ =	swait.ge [sflag:s7], s5  }
0x9f: {  	s5 =	ssub.s32 $0x0, s5;
	[sflag:s7] =	ssyncset.done $0x0  }
0xa0: {  	[sflag:s7] =	ssyncadd.s32 s5;
	_ =	sdelay $0x1  }
0xa1: {  	s23 =	simm.s32 $0x1B8B  }
0xa2: {  	_ =	swait.ge [sflag:s23], $0x1  }
0xa3: {  	[sflag:s23] =	ssyncset.done $0x0  }
0xa4: {  	[sflag:s23] =	ssyncadd.s32 $0xFFFFFFFF  }
0xa5: {  	s5 =	sld [smem:$0x0]  }
0xa6: {  	s6 =	sand.u32 $0xFFFFFFFE, s1  }
0xa7: {  	p0 =	sne.s32 s1, s6  }
0xa8: {  	s6 =	sshll.u32 @p0 s6, $0xE  }
0xa9: {  	s6 =	sadd.s32 @p0 $0x11B8D, s6;
	s7 =	sshll.u32 @p0 s5, $0x11  }
0xaa: {  	s6 =	sor.u32 @p0 s7, s6  }
0xab: {  	[sflag:s6] =	ssyncadd.remote.s32 @p0 $0x1;
	_ =	sdelay $0x1  }
0xac: {  	s6 =	simm.s32 @p0 $0x1B8D  }
0xad: {  	_ =	swait.eq @p0 [sflag:s6], $0x1  }
0xae: {  	[sflag:s6] =	ssyncadd.s32 @p0 $0xFFFFFFFF  }
0xaf: {  	s7 =	sshll.u32 @!p0 s1, $0xE  }
0xb0: {  	s7 =	sor.u32 @!p0 $0x4000, s7;
	s6 =	simm.s32 @!p0 $0x1B8D  }
0xb1: {  	s5 =	sshll.u32 @!p0 s5, $0x11;
	s7 =	sadd.s32 @!p0 $0x11B8D, s7;
	_ =	swait.eq @!p0 [sflag:s6], $0x1  }
0xb2: {  	s5 =	sor.u32 @!p0 s5, s7;
	[sflag:s6] =	ssyncadd.s32 @!p0 $0xFFFFFFFF  }
0xb3: {  	s25 =	simm.s32 $0x1B8E;
	s24 =	sld [smem:$0x3FFE];
	[sflag:s5] =	ssyncadd.remote.s32 @!p0 $0x1  }
0xb4: {  	s26 =	simm.s32 $execute0_lowered;
	[smem:$0x3FD2] =	sst s25  }
0xb5: {  	s6 =	sshll.u32 s26, $0x1;
	_ =	strace $0x80000055;
	[dreg:$0x1] =	wrdreg $0xFFFFFFFF  }
0xb6: {  	s28 =	simm.s32 $_size_execute0_lowered;
	s4 =	sadd.s32 s4, s6;
	[dreg:$0x0] =	wrdreg $0x0  }
0xb7: {  	s6 =	sshll.u32 s28, $0x1;
	[dreg:$0x2] =	wrdreg s4  }
0xb8: {  	[dreg:$0x3] =	wrdreg s6  }
0xb9: {  	[dreg:$0x4] =	wrdreg $0xC0  }
0xba: {  	_ =	task [dreg:s22], $0x5FFFF  }
0xbb: {  	[dreg:$0x1] =	wrdreg $0xFFFFFFFF  }
0xbc: {  	[dreg:$0x0] =	wrdreg $0x60  }
0xbd: {  	[dreg:$0x2] =	wrdreg s24  }
0xbe: {  	[dreg:$0x3] =	wrdreg s18  }
0xbf: {  	[dreg:$0x4] =	wrdreg $0xD  }
0xc0: {  	_ =	task.clear_ibuf [dreg:s22], $0x5FFFF;
	_ =	strace $0x90000055  }
0xc1: {  	s29 =	simm.s32 $0xD;
	_ =	strace $0x80000057  }
0xc2: {  	_ =	swait.ge [sflag:s29], $0x1  }
0xc3: {  	[sflag:s29] =	ssyncadd.s32 $0xFFFFFFFF  }
0xc4: {  	_ =	strace $0x90000057  }
0xc5: {  	_ =	sfence  }
0xc6: {  	s30 =	sld [smem:$0x0];
	_ =	sdelay $0x2  }
0xc7: {  	s31 =	sshll.u32 s1, $0xD;
	s1 =	sshrl.u32 s1, $0x2  }
0xc8: {  	s4 =	sand.u32 $0x4000, s31;
	s1 =	sadd.s32 s1, s30  }
0xc9: {  	s0 =	sor.u32 s4, s0;
	s1 =	sshll.u32 s1, $0x11  }
0xca: {  	s0 =	sor.u32 s1, s0  }
0xcb: {  	s0 =	sadd.s32 $0x8F2B, s0  }
0xcc: {  	[sflag:s0] =	ssyncadd.remote.s32 $0x1  }
0xcd: {  	_ =	sfence.sel $0xFFFF  }
0xce: {  	[dreg:$0x0] =	wrdreg $0xFFFFFFFF;
	(pc) =	sbr.abs _section_cstart, $3  }
0xcf: {  	[dreg:$0x1] =	wrdreg $0xFFFFFFFF  }
0xd0: {  	_ =	task.clear_ibuf [dreg:s22], $0x2FFFF;
	_ =	strace $0x9FFFFFFF  }
0xd1: {  	(tm) =	ssettm $0x7FFFFFFF  }
tec
execute0_lowered:
.L_overlay_start_1:
0x0: {  	(tag) =	ssettag $0x1  }
0x1: {  	s0 =	srdreg.scid;
	s1 =	rddreg [dreg:$0x0]  }
0x2: {  	s10 =	stileid.u32;
	s2 =	rddreg [dreg:$0x1];
	s31 =	simm.s32 $0x600  }
0x3: {  	s20 =	simm.s32 $0x1600;
	s28 =	simm.s32 $0x3E00;
	s29 =	simm.s32 $0x4600  }
0x4: {  	s30 =	simm.s32 $0x4E00;
	s11 =	simm.s32 $0x9600;
	s12 =	simm.s32 $0x9E00  }
0x5: {  	s13 =	simm.s32 $0xA600;
	s14 =	simm.s32 $0xAE00;
	s8 =	smul.u32 $0x30000, s10  }
0x6: {  	s0 =	sand.u32 $0x1, s0;
	s3 =	sshll.u32 s10, $0x1;
	s10 =	smul.u32 $0x180000, s10  }
0x7: {  	s15 =	simm.s32 $0x1;
	s16 =	simm.s32 $0x3;
	s21 =	smul.u32 $0xC0000, s0  }
0x8: {  	s4 =	sor.u32 s0, s3;
	s7 =	ssub.s32 $0x2, s0;
	s0 =	smul.u32 $0x18000, s0  }
0x9: {  	s17 =	simm.s32 $0x2;
	s18 =	simm.s32 $0x4;
	s5 =	smul.u32 $0xC0, s4  }
0xa: {  	s19 =	simm.s32 $0x0;
	s3 =	simm.s32 $0x0;
	s6 =	smul.u32 $0xC0000, s4  }
0xb: {  	[smem:$0x7FF] =	sst s3;
	s4 =	smul.u32 $0x18000, s4;
	s9 =	sshrl.u32 s7, $0x1  }
0xc: {  	_ =	strace $0x80000056;
	s7 =	ssub.s32 s7, s9;
	s23 =	sadd.s32 s21, s10  }
0xd: {  	s21 =	simm.s32 $0xE00;
	s9 =	simm.s32 $0x8E00;
	s10 =	simm.s32 $0xB600  }
0xe: {  	[dreg:$0x9] =	wrdreg s19;
	s5 =	sadd.s32 s5, s1;
	s1 =	sadd.s32 $0x9D7600, s1  }
0xf: {  	s7 =	smax.u32 s7, $0x1;
	s6 =	sshrl.u32 s6, $0x3;
	s24 =	sor.u32 $0x10000, s23  }
0x10: {  	s23 =	simm.s32 $0x8600;
	s5 =	sadd.s32 $0x4600, s5;
	[dreg:$0x6] =	wrdreg s7  }
0x11: {  	s4 =	sadd.s32 s4, s1;
	s22 =	sadd.s32 s8, s1;
	s6 =	sadd.s32 s1, s6  }
0x12: {  	s25 =	sshrl.u32 s24, $0x3;
	s24 =	simm.s32 $0x2E00;
	s7 =	simm.s32 $0x7600  }
0x13: {  	s8 =	simm.s32 $0x7E00;
	[dreg:$0x5] =	wrdreg s5;
	s5 =	sadd.s32 $0x100, s2  }
0x14: {  	s0 =	sadd.s32 s0, s22;
	[dreg:$0x7] =	wrdreg s6;
	s4 =	sadd.s32 $0x17000, s4  }
0x15: {  	s26 =	sadd.s32 s25, s1;
	s22 =	simm.s32 $0x1E00;
	s25 =	simm.s32 $0x3600  }
0x16: {  	v2 =	vlaneseq.u32;
	s1 =	simm.s32 $0x5600;
	s6 =	simm.s32 $0x6E00;
	[dreg:$0x8] =	wrdreg s4  }
0x17: {  	vm0 =	vmmov $0xffff;
	v1 =	vshrl.u32 v2, $0x3;
	s0 =	sadd.s32 $0x1000, s0;
	[dreg:$0x4] =	wrdreg s26;
	s26 =	simm.s32 $0x2600  }
0x18: {  	v0 =	vand.u32 $0x7, v2;
	v2 =	vor.u32 $0x8, v2;
	v1 =	vmul.u32 $0x8, v1;
	s4 =	simm.s32 $0x6600;
	[dreg:$0x3] =	wrdreg s0;
	s0 =	simm.s32 $0x5E00  }
.LBB2_1:
0x19: {  	s19 =	rddreg [dreg:$0x5]  }
0x1a: {  	[tilespmem:s3], [sflag:$0x5] =	stream.linear.gather [hbm4b:s19+s3], $0x600, $0x38;
	[tilespmem:$0x10600] =	vst v63  }
0x1b: {  	s19 =	simm.s32 $0x5  }
0x1c: {  	_ =	swait.ge [sflag:s19], $0x600  }
0x1d: {  	[sflag:s19] =	ssyncset.done $0x0  }
0x1e: {  	[sflag:s19] =	ssyncadd.s32 $0xFFFFFA00  }
0x1f: {  	v3 =	vld [tilespmem:$0x0];
	_ =	sdelay $0x4  }
0x20: {  	v4 =	vshll.u32 v3, $0x2  }
0x21: {  	v3 =	vand.u32 $0x7, v3;
	v4 =	vand.u32 $0xFFFFFFE0, v4  }
0x22: {  	v3 =	vor.u32 v3, v4  }
0x23: {  	v4 =	vperm.xlane v3, v0;
	_ =	sdelay $0x1  }
0x24: {  	v4 =	vadd.s32 v1, v4;
	_ =	sdelay $0x1  }
0x25: {  	v3 =	vperm.xlane v3, v2;
	_ =	sdelay $0x1  }
0x26: {  	v3 =	vadd.s32 v1, v3  }
0x27: {  	[tilespmem:s31], [sflag:$0x1] =	stream.indirect_vreg.gather [hbm4b:s2+s3], $0x80, v4, vm0, $0xb8;
	[tilespmem:$0x10600] =	vst v63  }
0x28: {  	_ = 	snop  }
0x29: {  	[tilespmem:s21], [sflag:$0x1] =	stream.indirect_vreg.gather [hbm4b:s5+s3], $0x80, v4, vm0, $0xb8;
	[tilespmem:$0x10600] =	vst v63  }
0x2a: {  	_ = 	snop  }
0x2b: {  	[tilespmem:s20], [sflag:$0x1] =	stream.indirect_vreg.gather [hbm4b:s2+s3], $0x80, v3, vm0, $0xb8;
	[tilespmem:$0x10600] =	vst v63  }
0x2c: {  	_ = 	snop  }
0x2d: {  	[tilespmem:s22], [sflag:$0x1] =	stream.indirect_vreg.gather [hbm4b:s5+s3], $0x80, v3, vm0, $0xb8;
	[tilespmem:$0x10600] =	vst v63  }
0x2e: {  	v3 =	vld [tilespmem:$0x10];
	_ =	sdelay $0x4  }
0x2f: {  	v57 =	vshll.u32 v3, $0x2  }
0x30: {  	v3 =	vand.u32 $0x7, v3;
	v4 =	vand.u32 $0xFFFFFFE0, v57  }
0x31: {  	v3 =	vor.u32 v3, v4  }
0x32: {  	v4 =	vperm.xlane v3, v0;
	_ =	sdelay $0x1  }
0x33: {  	v4 =	vadd.s32 v1, v4;
	_ =	sdelay $0x1  }
0x34: {  	v3 =	vperm.xlane v3, v2;
	_ =	sdelay $0x1  }
0x35: {  	v3 =	vadd.s32 v1, v3  }
0x36: {  	[tilespmem:s26], [sflag:$0x1] =	stream.indirect_vreg.gather [hbm4b:s2+s3], $0x80, v4, vm0, $0xb8;
	[tilespmem:$0x10600] =	vst v63  }
0x37: {  	_ = 	snop  }
0x38: {  	[tilespmem:s24], [sflag:$0x1] =	stream.indirect_vreg.gather [hbm4b:s5+s3], $0x80, v4, vm0, $0xb8;
	[tilespmem:$0x10600] =	vst v63  }
0x39: {  	_ = 	snop  }
0x3a: {  	[tilespmem:s25], [sflag:$0x1] =	stream.indirect_vreg.gather [hbm4b:s2+s3], $0x80, v3, vm0, $0xb8;
	[tilespmem:$0x10600] =	vst v63  }
0x3b: {  	_ = 	snop  }
0x3c: {  	[tilespmem:s28], [sflag:$0x1] =	stream.indirect_vreg.gather [hbm4b:s5+s3], $0x80, v3, vm0, $0xb8;
	[tilespmem:$0x10600] =	vst v63  }
0x3d: {  	v3 =	vld [tilespmem:$0x20];
	_ =	sdelay $0x4  }
0x3e: {  	v58 =	vshll.u32 v3, $0x2  }
0x3f: {  	v3 =	vand.u32 $0x7, v3;
	v4 =	vand.u32 $0xFFFFFFE0, v58  }
0x40: {  	v3 =	vor.u32 v3, v4  }
0x41: {  	v4 =	vperm.xlane v3, v0;
	_ =	sdelay $0x1  }
0x42: {  	v4 =	vadd.s32 v1, v4;
	_ =	sdelay $0x1  }
0x43: {  	v3 =	vperm.xlane v3, v2;
	_ =	sdelay $0x1  }
0x44: {  	v3 =	vadd.s32 v1, v3  }
0x45: {  	[tilespmem:s29], [sflag:$0x1] =	stream.indirect_vreg.gather [hbm4b:s2+s3], $0x80, v4, vm0, $0xb8;
	[tilespmem:$0x10600] =	vst v63  }
0x46: {  	_ = 	snop  }
0x47: {  	[tilespmem:s30], [sflag:$0x1] =	stream.indirect_vreg.gather [hbm4b:s5+s3], $0x80, v4, vm0, $0xb8;
	[tilespmem:$0x10600] =	vst v63  }
0x48: {  	_ = 	snop  }
0x49: {  	[tilespmem:s1], [sflag:$0x1] =	stream.indirect_vreg.gather [hbm4b:s2+s3], $0x80, v3, vm0, $0xb8;
	[tilespmem:$0x10600] =	vst v63  }
0x4a: {  	_ = 	snop  }
0x4b: {  	[tilespmem:s0], [sflag:$0x1] =	stream.indirect_vreg.gather [hbm4b:s5+s3], $0x80, v3, vm0, $0xb8;
	[tilespmem:$0x10600] =	vst v63  }
0x4c: {  	v3 =	vld [tilespmem:$0x30];
	_ =	sdelay $0x4  }
0x4d: {  	v59 =	vshll.u32 v3, $0x2  }
0x4e: {  	v3 =	vand.u32 $0x7, v3;
	v4 =	vand.u32 $0xFFFFFFE0, v59  }
0x4f: {  	v3 =	vor.u32 v3, v4  }
0x50: {  	v4 =	vperm.xlane v3, v0;
	_ =	sdelay $0x1  }
0x51: {  	v4 =	vadd.s32 v1, v4;
	_ =	sdelay $0x1  }
0x52: {  	v3 =	vperm.xlane v3, v2;
	_ =	sdelay $0x1  }
0x53: {  	v3 =	vadd.s32 v1, v3  }
0x54: {  	[tilespmem:s4], [sflag:$0x1] =	stream.indirect_vreg.gather [hbm4b:s2+s3], $0x80, v4, vm0, $0xb8;
	[tilespmem:$0x10600] =	vst v63  }
0x55: {  	_ = 	snop  }
0x56: {  	[tilespmem:s6], [sflag:$0x1] =	stream.indirect_vreg.gather [hbm4b:s5+s3], $0x80, v4, vm0, $0xb8;
	[tilespmem:$0x10600] =	vst v63  }
0x57: {  	_ = 	snop  }
0x58: {  	[tilespmem:s7], [sflag:$0x1] =	stream.indirect_vreg.gather [hbm4b:s2+s3], $0x80, v3, vm0, $0xb8;
	[tilespmem:$0x10600] =	vst v63  }
0x59: {  	_ = 	snop  }
0x5a: {  	[tilespmem:s8], [sflag:$0x1] =	stream.indirect_vreg.gather [hbm4b:s5+s3], $0x80, v3, vm0, $0xb8;
	[tilespmem:$0x10600] =	vst v63  }
0x5b: {  	v3 =	vld [tilespmem:$0x40];
	_ =	sdelay $0x4  }
0x5c: {  	v60 =	vshll.u32 v3, $0x2  }
0x5d: {  	v3 =	vand.u32 $0x7, v3;
	v4 =	vand.u32 $0xFFFFFFE0, v60  }
0x5e: {  	v3 =	vor.u32 v3, v4  }
0x5f: {  	v4 =	vperm.xlane v3, v0;
	_ =	sdelay $0x1  }
0x60: {  	v4 =	vadd.s32 v1, v4;
	_ =	sdelay $0x1  }
0x61: {  	v3 =	vperm.xlane v3, v2;
	_ =	sdelay $0x1  }
0x62: {  	v3 =	vadd.s32 v1, v3  }
0x63: {  	[tilespmem:s23], [sflag:$0x2] =	stream.indirect_vreg.gather [hbm4b:s2+s3], $0x80, v4, vm0, $0xb8;
	[tilespmem:$0x10600] =	vst v63  }
0x64: {  	_ = 	snop  }
0x65: {  	[tilespmem:s9], [sflag:$0x2] =	stream.indirect_vreg.gather [hbm4b:s5+s3], $0x80, v4, vm0, $0xb8;
	[tilespmem:$0x10600] =	vst v63  }
0x66: {  	_ = 	snop  }
0x67: {  	[tilespmem:s11], [sflag:$0x2] =	stream.indirect_vreg.gather [hbm4b:s2+s3], $0x80, v3, vm0, $0xb8;
	[tilespmem:$0x10600] =	vst v63  }
0x68: {  	_ = 	snop  }
0x69: {  	[tilespmem:s12], [sflag:$0x2] =	stream.indirect_vreg.gather [hbm4b:s5+s3], $0x80, v3, vm0, $0xb8;
	[tilespmem:$0x10600] =	vst v63  }
0x6a: {  	v3 =	vld [tilespmem:$0x50];
	_ =	sdelay $0x4  }
0x6b: {  	v61 =	vshll.u32 v3, $0x2  }
0x6c: {  	v3 =	vand.u32 $0x7, v3;
	v4 =	vand.u32 $0xFFFFFFE0, v61  }
0x6d: {  	v3 =	vor.u32 v3, v4  }
0x6e: {  	v4 =	vperm.xlane v3, v0;
	_ =	sdelay $0x1  }
0x6f: {  	v4 =	vadd.s32 v1, v4;
	_ =	sdelay $0x1  }
0x70: {  	v3 =	vperm.xlane v3, v2;
	_ =	sdelay $0x1  }
0x71: {  	v3 =	vadd.s32 v1, v3  }
0x72: {  	[tilespmem:s13], [sflag:$0x2] =	stream.indirect_vreg.gather [hbm4b:s2+s3], $0x80, v4, vm0, $0xb8;
	[tilespmem:$0x10600] =	vst v63  }
0x73: {  	_ = 	snop  }
0x74: {  	[tilespmem:s14], [sflag:$0x2] =	stream.indirect_vreg.gather [hbm4b:s5+s3], $0x80, v4, vm0, $0xb8;
	[tilespmem:$0x10600] =	vst v63  }
0x75: {  	_ = 	snop  }
0x76: {  	[tilespmem:s10], [sflag:$0x2] =	stream.indirect_vreg.gather [hbm4b:s2+s3], $0x80, v3, vm0, $0xb8;
	[tilespmem:$0x10600] =	vst v63  }
0x77: {  	s12 =	simm.s32 $0xBE00  }
0x78: {  	[tilespmem:s12], [sflag:$0x2] =	stream.indirect_vreg.gather [hbm4b:s5+s3], $0x80, v3, vm0, $0xb8;
	[tilespmem:$0x10600] =	vst v63  }
0x79: {  	v3 =	vld [tilespmem:$0x60];
	_ =	sdelay $0x4  }
0x7a: {  	v62 =	vshll.u32 v3, $0x2  }
0x7b: {  	v3 =	vand.u32 $0x7, v3;
	v4 =	vand.u32 $0xFFFFFFE0, v62  }
0x7c: {  	v3 =	vor.u32 v3, v4  }
0x7d: {  	v4 =	vperm.xlane v3, v0;
	_ =	sdelay $0x1  }
0x7e: {  	v4 =	vadd.s32 v1, v4;
	_ =	sdelay $0x1  }
0x7f: {  	v3 =	vperm.xlane v3, v2;
	_ =	sdelay $0x1  }
0x80: {  	s13 =	simm.s32 $0xC600;
	v3 =	vadd.s32 v1, v3  }
0x81: {  	[tilespmem:s13], [sflag:$0x2] =	stream.indirect_vreg.gather [hbm4b:s2+s3], $0x80, v4, vm0, $0xb8;
	[tilespmem:$0x10600] =	vst v63  }
0x82: {  	s14 =	simm.s32 $0xCE00  }
0x83: {  	[tilespmem:s14], [sflag:$0x2] =	stream.indirect_vreg.gather [hbm4b:s5+s3], $0x80, v4, vm0, $0xb8;
	[tilespmem:$0x10600] =	vst v63  }
0x84: {  	s19 =	simm.s32 $0xD600  }
0x85: {  	[tilespmem:s19], [sflag:$0x2] =	stream.indirect_vreg.gather [hbm4b:s2+s3], $0x80, v3, vm0, $0xb8;
	[tilespmem:$0x10600] =	vst v63  }
0x86: {  	s20 =	simm.s32 $0xDE00  }
0x87: {  	[tilespmem:s20], [sflag:$0x2] =	stream.indirect_vreg.gather [hbm4b:s5+s3], $0x80, v3, vm0, $0xb8;
	[tilespmem:$0x10600] =	vst v63  }
0x88: {  	v3 =	vld [tilespmem:$0x70];
	_ =	sdelay $0x4  }
0x89: {  	v63 =	vshll.u32 v3, $0x2  }
0x8a: {  	v3 =	vand.u32 $0x7, v3;
	v4 =	vand.u32 $0xFFFFFFE0, v63  }
0x8b: {  	v3 =	vor.u32 v3, v4  }
0x8c: {  	v4 =	vperm.xlane v3, v0;
	_ =	sdelay $0x1  }
0x8d: {  	v4 =	vadd.s32 v1, v4;
	_ =	sdelay $0x1  }
0x8e: {  	s22 =	simm.s32 $0xE600;
	s24 =	simm.s32 $0xF600;
	v3 =	vperm.xlane v3, v2  }
0x8f: {  	s25 =	simm.s32 $0xFE00;
	s28 =	simm.s32 $0x3600;
	s29 =	simm.s32 $0x3E00  }
0x90: {  	s30 =	simm.s32 $0x4600;
	s1 =	simm.s32 $0x5600;
	s0 =	simm.s32 $0x5E00;
	v3 =	vadd.s32 v1, v3  }
0x91: {  	[tilespmem:s22], [sflag:$0x2] =	stream.indirect_vreg.gather [hbm4b:s2+s3], $0x80, v4, vm0, $0xb8;
	[tilespmem:$0x10600] =	vst v63  }
0x92: {  	s4 =	simm.s32 $0x6600;
	s6 =	simm.s32 $0x6E00;
	s23 =	simm.s32 $0xEE00  }
0x93: {  	[tilespmem:s23], [sflag:$0x2] =	stream.indirect_vreg.gather [hbm4b:s5+s3], $0x80, v4, vm0, $0xb8;
	[tilespmem:$0x10600] =	vst v63  }
0x94: {  	s7 =	simm.s32 $0x7600;
	s8 =	simm.s32 $0x7E00;
	s9 =	simm.s32 $0x8E00  }
0x95: {  	[tilespmem:s24], [sflag:$0x2] =	stream.indirect_vreg.gather [hbm4b:s2+s3], $0x80, v3, vm0, $0xb8;
	[tilespmem:$0x10600] =	vst v63  }
0x96: {  	s11 =	simm.s32 $0x9600;
	s10 =	simm.s32 $0xB600;
	s12 =	simm.s32 $0x9E00  }
0x97: {  	[tilespmem:s25], [sflag:$0x2] =	stream.indirect_vreg.gather [hbm4b:s5+s3], $0x80, v3, vm0, $0xb8;
	[tilespmem:$0x10600] =	vst v63  }
0x98: {  	s13 =	simm.s32 $0xA600;
	s14 =	simm.s32 $0xAE00;
	_ =	swait.ge [sflag:s15], $0x8000  }
0x99: {  	s19 =	simm.s32 $0xF0;
	s20 =	simm.s32 $0x0;
	[sflag:s15] =	ssyncset.done $0x0  }
0x9a: {  	s22 =	simm.s32 $0x1600;
	s26 =	rddreg [dreg:$0x7];
	[sflag:s15] =	ssyncadd.s32 $0xFFFF8000  }
0x9b: {  	[hbm4b:s26+s3] =	stream.linear.scatter [tilespmem:s31], [sflag:$0x3], $0x8000, $0x38;
	[tilespmem:$0x10600] =	vst v63  }
0x9c: {  	s24 =	simm.s32 $0x2600;
	s26 =	simm.s32 $0x600;
	s31 =	simm.s32 $0x4E00  }
.LBB2_2:
0x9d: {  	_ =	swait.ge [sflag:s16], $0x8000  }
0x9e: {  	[sflag:s16] =	ssyncset.done $0x0  }
0x9f: {  	[sflag:s16] =	ssyncadd.s32 $0xFFFF8000  }
0xa0: {  	v3 =	vld [tilespmem:s19+$0xFFFFFF90];
	_ =	sdelay $0x4  }
0xa1: {  	v4 =	vshll.u32 v3, $0x2  }
0xa2: {  	v3 =	vand.u32 $0x7, v3;
	v4 =	vand.u32 $0xFFFFFFE0, v4  }
0xa3: {  	v3 =	vor.u32 v3, v4  }
0xa4: {  	v4 =	vperm.xlane v3, v0;
	_ =	sdelay $0x1  }
0xa5: {  	v4 =	vadd.s32 v1, v4;
	_ =	sdelay $0x1  }
0xa6: {  	v3 =	vperm.xlane v3, v2;
	_ =	sdelay $0x1  }
0xa7: {  	v3 =	vadd.s32 v1, v3  }
0xa8: {  	[tilespmem:s26], [sflag:$0x1] =	stream.indirect_vreg.gather [hbm4b:s2+s3], $0x80, v4, vm0, $0xb8;
	[tilespmem:$0x10600] =	vst v63  }
0xa9: {  	_ = 	snop  }
0xaa: {  	[tilespmem:s21], [sflag:$0x1] =	stream.indirect_vreg.gather [hbm4b:s5+s3], $0x80, v4, vm0, $0xb8;
	[tilespmem:$0x10600] =	vst v63  }
0xab: {  	_ = 	snop  }
0xac: {  	[tilespmem:s22], [sflag:$0x1] =	stream.indirect_vreg.gather [hbm4b:s2+s3], $0x80, v3, vm0, $0xb8;
	[tilespmem:$0x10600] =	vst v63  }
0xad: {  	s23 =	simm.s32 $0x1E00  }
0xae: {  	[tilespmem:s23], [sflag:$0x1] =	stream.indirect_vreg.gather [hbm4b:s5+s3], $0x80, v3, vm0, $0xb8;
	[tilespmem:$0x10600] =	vst v63  }
0xaf: {  	v3 =	vld [tilespmem:s19+$0xFFFFFFA0];
	_ =	sdelay $0x4  }
0xb0: {  	v57 =	vshll.u32 v3, $0x2  }
0xb1: {  	v3 =	vand.u32 $0x7, v3;
	v4 =	vand.u32 $0xFFFFFFE0, v57  }
0xb2: {  	v3 =	vor.u32 v3, v4  }
0xb3: {  	v4 =	vperm.xlane v3, v0;
	_ =	sdelay $0x1  }
0xb4: {  	v4 =	vadd.s32 v1, v4;
	_ =	sdelay $0x1  }
0xb5: {  	v3 =	vperm.xlane v3, v2;
	_ =	sdelay $0x1  }
0xb6: {  	v3 =	vadd.s32 v1, v3  }
0xb7: {  	[tilespmem:s24], [sflag:$0x1] =	stream.indirect_vreg.gather [hbm4b:s2+s3], $0x80, v4, vm0, $0xb8;
	[tilespmem:$0x10600] =	vst v63  }
0xb8: {  	s25 =	simm.s32 $0x2E00  }
0xb9: {  	[tilespmem:s25], [sflag:$0x1] =	stream.indirect_vreg.gather [hbm4b:s5+s3], $0x80, v4, vm0, $0xb8;
	[tilespmem:$0x10600] =	vst v63  }
0xba: {  	_ = 	snop  }
0xbb: {  	[tilespmem:s28], [sflag:$0x1] =	stream.indirect_vreg.gather [hbm4b:s2+s3], $0x80, v3, vm0, $0xb8;
	[tilespmem:$0x10600] =	vst v63  }
0xbc: {  	_ = 	snop  }
0xbd: {  	[tilespmem:s29], [sflag:$0x1] =	stream.indirect_vreg.gather [hbm4b:s5+s3], $0x80, v3, vm0, $0xb8;
	[tilespmem:$0x10600] =	vst v63  }
0xbe: {  	v3 =	vld [tilespmem:s19+$0xFFFFFFB0];
	_ =	sdelay $0x4  }
0xbf: {  	v58 =	vshll.u32 v3, $0x2  }
0xc0: {  	v3 =	vand.u32 $0x7, v3;
	v4 =	vand.u32 $0xFFFFFFE0, v58  }
0xc1: {  	v3 =	vor.u32 v3, v4  }
0xc2: {  	v4 =	vperm.xlane v3, v0;
	_ =	sdelay $0x1  }
0xc3: {  	v4 =	vadd.s32 v1, v4;
	_ =	sdelay $0x1  }
0xc4: {  	v3 =	vperm.xlane v3, v2;
	_ =	sdelay $0x1  }
0xc5: {  	v3 =	vadd.s32 v1, v3  }
0xc6: {  	[tilespmem:s30], [sflag:$0x1] =	stream.indirect_vreg.gather [hbm4b:s2+s3], $0x80, v4, vm0, $0xb8;
	[tilespmem:$0x10600] =	vst v63  }
0xc7: {  	_ = 	snop  }
0xc8: {  	[tilespmem:s31], [sflag:$0x1] =	stream.indirect_vreg.gather [hbm4b:s5+s3], $0x80, v4, vm0, $0xb8;
	[tilespmem:$0x10600] =	vst v63  }
0xc9: {  	_ = 	snop  }
0xca: {  	[tilespmem:s1], [sflag:$0x1] =	stream.indirect_vreg.gather [hbm4b:s2+s3], $0x80, v3, vm0, $0xb8;
	[tilespmem:$0x10600] =	vst v63  }
0xcb: {  	_ = 	snop  }
0xcc: {  	[tilespmem:s0], [sflag:$0x1] =	stream.indirect_vreg.gather [hbm4b:s5+s3], $0x80, v3, vm0, $0xb8;
	[tilespmem:$0x10600] =	vst v63  }
0xcd: {  	v3 =	vld [tilespmem:s19+$0xFFFFFFC0];
	_ =	sdelay $0x4  }
0xce: {  	v59 =	vshll.u32 v3, $0x2  }
0xcf: {  	v3 =	vand.u32 $0x7, v3;
	v4 =	vand.u32 $0xFFFFFFE0, v59  }
0xd0: {  	v3 =	vor.u32 v3, v4  }
0xd1: {  	v4 =	vperm.xlane v3, v0;
	_ =	sdelay $0x1  }
0xd2: {  	v4 =	vadd.s32 v1, v4;
	_ =	sdelay $0x1  }
0xd3: {  	v3 =	vperm.xlane v3, v2;
	_ =	sdelay $0x1  }
0xd4: {  	v3 =	vadd.s32 v1, v3  }
0xd5: {  	[tilespmem:s4], [sflag:$0x1] =	stream.indirect_vreg.gather [hbm4b:s2+s3], $0x80, v4, vm0, $0xb8;
	[tilespmem:$0x10600] =	vst v63  }
0xd6: {  	_ = 	snop  }
0xd7: {  	[tilespmem:s6], [sflag:$0x1] =	stream.indirect_vreg.gather [hbm4b:s5+s3], $0x80, v4, vm0, $0xb8;
	[tilespmem:$0x10600] =	vst v63  }
0xd8: {  	_ = 	snop  }
0xd9: {  	[tilespmem:s7], [sflag:$0x1] =	stream.indirect_vreg.gather [hbm4b:s2+s3], $0x80, v3, vm0, $0xb8;
	[tilespmem:$0x10600] =	vst v63  }
0xda: {  	_ = 	snop  }
0xdb: {  	[tilespmem:s8], [sflag:$0x1] =	stream.indirect_vreg.gather [hbm4b:s5+s3], $0x80, v3, vm0, $0xb8;
	[tilespmem:$0x10600] =	vst v63  }
0xdc: {  	_ =	swait.ge [sflag:s17], $0x8000  }
0xdd: {  	s23 =	rddreg [dreg:$0x3];
	[sflag:s17] =	ssyncset.done $0x0  }
0xde: {  	s25 =	simm.s32 $0x8600;
	[sflag:s17] =	ssyncadd.s32 $0xFFFF8000;
	s21 =	sadd.s32 s20, s23  }
0xdf: {  	[hbm4b:s21+s3] =	stream.linear.scatter [tilespmem:s25], [sflag:$0x4], $0x8000, $0x38;
	[tilespmem:$0x10600] =	vst v63  }
0xe0: {  	_ =	swait.ge [sflag:s18], $0x8000  }
0xe1: {  	[sflag:s18] =	ssyncset.done $0x0  }
0xe2: {  	[sflag:s18] =	ssyncadd.s32 $0xFFFF8000  }
0xe3: {  	v3 =	vld [tilespmem:s19+$0xFFFFFFD0];
	_ =	sdelay $0x4  }
0xe4: {  	v60 =	vshll.u32 v3, $0x2  }
0xe5: {  	v3 =	vand.u32 $0x7, v3;
	v4 =	vand.u32 $0xFFFFFFE0, v60  }
0xe6: {  	v3 =	vor.u32 v3, v4  }
0xe7: {  	v4 =	vperm.xlane v3, v0;
	_ =	sdelay $0x1  }
0xe8: {  	v4 =	vadd.s32 v1, v4;
	_ =	sdelay $0x1  }
0xe9: {  	v3 =	vperm.xlane v3, v2;
	_ =	sdelay $0x1  }
0xea: {  	v3 =	vadd.s32 v1, v3  }
0xeb: {  	[tilespmem:s25], [sflag:$0x2] =	stream.indirect_vreg.gather [hbm4b:s2+s3], $0x80, v4, vm0, $0xb8;
	[tilespmem:$0x10600] =	vst v63  }
0xec: {  	_ = 	snop  }
0xed: {  	[tilespmem:s9], [sflag:$0x2] =	stream.indirect_vreg.gather [hbm4b:s5+s3], $0x80, v4, vm0, $0xb8;
	[tilespmem:$0x10600] =	vst v63  }
0xee: {  	_ = 	snop  }
0xef: {  	[tilespmem:s11], [sflag:$0x2] =	stream.indirect_vreg.gather [hbm4b:s2+s3], $0x80, v3, vm0, $0xb8;
	[tilespmem:$0x10600] =	vst v63  }
0xf0: {  	_ = 	snop  }
0xf1: {  	[tilespmem:s12], [sflag:$0x2] =	stream.indirect_vreg.gather [hbm4b:s5+s3], $0x80, v3, vm0, $0xb8;
	[tilespmem:$0x10600] =	vst v63  }
0xf2: {  	v3 =	vld [tilespmem:s19+$0xFFFFFFE0];
	_ =	sdelay $0x4  }
0xf3: {  	v61 =	vshll.u32 v3, $0x2  }
0xf4: {  	v3 =	vand.u32 $0x7, v3;
	v4 =	vand.u32 $0xFFFFFFE0, v61  }
0xf5: {  	v3 =	vor.u32 v3, v4  }
0xf6: {  	v4 =	vperm.xlane v3, v0;
	_ =	sdelay $0x1  }
0xf7: {  	v4 =	vadd.s32 v1, v4;
	_ =	sdelay $0x1  }
0xf8: {  	v3 =	vperm.xlane v3, v2;
	_ =	sdelay $0x1  }
0xf9: {  	v3 =	vadd.s32 v1, v3  }
0xfa: {  	[tilespmem:s13], [sflag:$0x2] =	stream.indirect_vreg.gather [hbm4b:s2+s3], $0x80, v4, vm0, $0xb8;
	[tilespmem:$0x10600] =	vst v63  }
0xfb: {  	_ = 	snop  }
0xfc: {  	[tilespmem:s14], [sflag:$0x2] =	stream.indirect_vreg.gather [hbm4b:s5+s3], $0x80, v4, vm0, $0xb8;
	[tilespmem:$0x10600] =	vst v63  }
0xfd: {  	_ = 	snop  }
0xfe: {  	[tilespmem:s10], [sflag:$0x2] =	stream.indirect_vreg.gather [hbm4b:s2+s3], $0x80, v3, vm0, $0xb8;
	[tilespmem:$0x10600] =	vst v63  }
0xff: {  	s25 =	simm.s32 $0xBE00  }
0x100: {  	[tilespmem:s25], [sflag:$0x2] =	stream.indirect_vreg.gather [hbm4b:s5+s3], $0x80, v3, vm0, $0xb8;
	[tilespmem:$0x10600] =	vst v63  }
0x101: {  	v3 =	vld [tilespmem:s19+$0xFFFFFFF0];
	_ =	sdelay $0x4  }
0x102: {  	v62 =	vshll.u32 v3, $0x2  }
0x103: {  	v3 =	vand.u32 $0x7, v3;
	v4 =	vand.u32 $0xFFFFFFE0, v62  }
0x104: {  	v3 =	vor.u32 v3, v4  }
0x105: {  	v4 =	vperm.xlane v3, v0;
	_ =	sdelay $0x1  }
0x106: {  	v4 =	vadd.s32 v1, v4;
	_ =	sdelay $0x1  }
0x107: {  	v3 =	vperm.xlane v3, v2;
	_ =	sdelay $0x1  }
0x108: {  	s25 =	simm.s32 $0xC600;
	v3 =	vadd.s32 v1, v3  }
0x109: {  	[tilespmem:s25], [sflag:$0x2] =	stream.indirect_vreg.gather [hbm4b:s2+s3], $0x80, v4, vm0, $0xb8;
	[tilespmem:$0x10600] =	vst v63  }
0x10a: {  	s25 =	simm.s32 $0xCE00  }
0x10b: {  	[tilespmem:s25], [sflag:$0x2] =	stream.indirect_vreg.gather [hbm4b:s5+s3], $0x80, v4, vm0, $0xb8;
	[tilespmem:$0x10600] =	vst v63  }
0x10c: {  	s25 =	simm.s32 $0xD600  }
0x10d: {  	[tilespmem:s25], [sflag:$0x2] =	stream.indirect_vreg.gather [hbm4b:s2+s3], $0x80, v3, vm0, $0xb8;
	[tilespmem:$0x10600] =	vst v63  }
0x10e: {  	s25 =	simm.s32 $0xDE00  }
0x10f: {  	[tilespmem:s25], [sflag:$0x2] =	stream.indirect_vreg.gather [hbm4b:s5+s3], $0x80, v3, vm0, $0xb8;
	[tilespmem:$0x10600] =	vst v63  }
0x110: {  	v3 =	vld [tilespmem:s19+$0x0];
	_ =	sdelay $0x4  }
0x111: {  	v63 =	vshll.u32 v3, $0x2  }
0x112: {  	v3 =	vand.u32 $0x7, v3;
	v4 =	vand.u32 $0xFFFFFFE0, v63  }
0x113: {  	v3 =	vor.u32 v3, v4  }
0x114: {  	v4 =	vperm.xlane v3, v0;
	_ =	sdelay $0x1  }
0x115: {  	v4 =	vadd.s32 v1, v4;
	_ =	sdelay $0x1  }
0x116: {  	v3 =	vperm.xlane v3, v2;
	_ =	sdelay $0x1  }
0x117: {  	s25 =	simm.s32 $0xE600;
	v3 =	vadd.s32 v1, v3  }
0x118: {  	[tilespmem:s25], [sflag:$0x2] =	stream.indirect_vreg.gather [hbm4b:s2+s3], $0x80, v4, vm0, $0xb8;
	[tilespmem:$0x10600] =	vst v63  }
0x119: {  	s25 =	simm.s32 $0xEE00  }
0x11a: {  	[tilespmem:s25], [sflag:$0x2] =	stream.indirect_vreg.gather [hbm4b:s5+s3], $0x80, v4, vm0, $0xb8;
	[tilespmem:$0x10600] =	vst v63  }
0x11b: {  	s25 =	simm.s32 $0xF600  }
0x11c: {  	[tilespmem:s25], [sflag:$0x2] =	stream.indirect_vreg.gather [hbm4b:s2+s3], $0x80, v3, vm0, $0xb8;
	[tilespmem:$0x10600] =	vst v63  }
0x11d: {  	p0 =	sne.s32 s20, $0x14000;
	s25 =	simm.s32 $0xFE00  }
0x11e: {  	[tilespmem:s25], [sflag:$0x2] =	stream.indirect_vreg.gather [hbm4b:s5+s3], $0x80, v3, vm0, $0xb8;
	[tilespmem:$0x10600] =	vst v63  }
.Ltmp0:
0x11f: {  	_ =	swait.ge [sflag:s15], $0x8000;
	(pc) =	sbr.rel @p0 .LBB2_2-.Ltmp0, $4  }
0x120: {  	s25 =	rddreg [dreg:$0x4];
	[sflag:s15] =	ssyncset.done $0x0  }
0x121: {  	s23 =	simm.s32 $0x8600;
	[sflag:s15] =	ssyncadd.s32 $0xFFFF8000;
	s21 =	sadd.s32 s20, s25  }
0x122: {  	[hbm4b:s21+s3] =	stream.linear.scatter [tilespmem:s26], [sflag:$0x3], $0x8000, $0x38;
	[tilespmem:$0x10600] =	vst v63  }
0x123: {  	s19 =	sadd.s32 $0x80, s19;
	s20 =	sadd.s32 $0x2000, s20;
	s21 =	simm.s32 $0xE00  }
0x124: {  	_ =	swait.ge [sflag:s17], $0x8000  }
0x125: {  	[sflag:s17] =	ssyncset.done $0x0  }
0x126: {  	s19 =	rddreg [dreg:$0x8];
	[sflag:s17] =	ssyncadd.s32 $0xFFFF8000  }
0x127: {  	[hbm4b:s19+s3] =	stream.linear.scatter [tilespmem:s23], [sflag:$0x4], $0x8000, $0x38;
	[tilespmem:$0x10600] =	vst v63  }
0x128: {  	_ =	swait.ge [sflag:s16], $0x8000  }
0x129: {  	s20 =	simm.s32 $0x1600;
	[sflag:s16] =	ssyncset.done $0x0  }
0x12a: {  	s22 =	simm.s32 $0x1E00;
	s24 =	simm.s32 $0x2E00;
	[sflag:s16] =	ssyncadd.s32 $0xFFFF8000  }
0x12b: {  	s25 =	simm.s32 $0x3600;
	s28 =	simm.s32 $0x3E00;
	_ =	swait.ge [sflag:s18], $0x8000  }
0x12c: {  	s29 =	simm.s32 $0x4600;
	s30 =	simm.s32 $0x4E00;
	s0 =	rddreg [dreg:$0x9]  }
0x12d: {  	s1 =	simm.s32 $0x5600;
	s26 =	rddreg [dreg:$0x6];
	s0 =	sadd.s32 $0x1, s0  }
0x12e: {  	s4 =	simm.s32 $0x6600;
	s6 =	simm.s32 $0x6E00;
	p0 =	sne.s32 s0, s26  }
.Ltmp1:
0x12f: {  	s7 =	simm.s32 $0x7600;
	s8 =	simm.s32 $0x7E00;
	(pc) =	sbr.rel @p0 .LBB2_1-.Ltmp1, $4  }
0x130: {  	s9 =	simm.s32 $0x8E00;
	s11 =	simm.s32 $0x9600;
	s12 =	simm.s32 $0x9E00  }
0x131: {  	s13 =	simm.s32 $0xA600;
	s14 =	simm.s32 $0xAE00;
	[sflag:s18] =	ssyncset.done $0x0  }
0x132: {  	s10 =	simm.s32 $0xB600;
	s31 =	simm.s32 $0x600;
	[sflag:s18] =	ssyncadd.s32 $0xFFFF8000  }
0x133: {  	[dreg:$0x9] =	wrdreg s0;
	s26 =	simm.s32 $0x2600;
	s0 =	simm.s32 $0x5E00  }
0x134: {  	_ =	sfence.sel $0x180000  }
0x135: {  	[bflag:$0x0] =	sbarrier.arrive $0xFFFF  }
0x136: {  	_ =	strace $0x90000056  }
0x137: {  	s0 =	stileid.u32;
	[bflag:$0x2] =	sbarrier.arrive $0xFFFF  }
0x138: {  	p0 =	sne.s32 s0, $0x0;
	s0 =	rddreg [dreg:$0x2]  }
0x139: {  	s0 =	sadd.s32 @!p0 $0x100000, s0  }
0x13a: {  	[sflag:s0] =	ssyncadd.tile.s32 @!p0 $0x1;
	_ =	shalt  }
.Lfunc_end2:
_tile_overlayer_lowered:
.L_overlay_start_2:
0x13b: {  	(tag) =	ssettag $0x2  }
0x13c: {  	s0 =	rddreg [dreg:$0x0];
	s2 =	stileid.u32  }
0x13d: {  	s1 =	rddreg [dreg:$0x1];
	p0 =	sne.s32 s2, $0x0  }
0x13e: {  	s3 =	rddreg [dreg:$0x2];
	[bflag:$0x3] =	sbarrier.arrive $0xFFFF;
	s2 =	simm.s32 @!p0 $0x1C05  }
0x13f: {  	[timem:s3], [sflag:s2] =	dma.local @!p0 [hbm:s0], s1  }
0x140: {  	s0 =	simm.s32 @!p0 $0x5  }
0x141: {  	_ =	swait.ge @!p0 [sflag:s0], s1  }
0x142: {  	s1 =	ssub.s32 @!p0 $0x0, s1;
	[sflag:s0] =	ssyncset.done @!p0 $0x0  }
0x143: {  	[sflag:s0] =	ssyncadd.s32 @!p0 s1  }
0x144: {  	[bflag:$0x3] =	sbarrier.arrive $0xFFFF  }
0x145: {  	_ =	shalt  }

// kernel: kernel.30.cloned.1.call-start
scs
__scs_entry_jumppad:
0x0: {  	(pc) =	sbr.rel $0x88, $3  }
0x1: {  	(tag) =	ssettag $0x0;
	lr =	simm.s32 $0x1  }
0x2: {  	[smem:$0x3F9C] =	sst lr;
	_ =	strace $0xD0000000  }
0x3: {  	_ = 	snop  }
0x4: {  	_ = 	snop  }
0x5: {  	_ = 	snop  }
0x6: {  	_ = 	snop  }
0x7: {  	_ = 	snop  }
__scs_overlays_trampoline_lowered:
0x8: {  	[smem:$0x3FAB] =	sst s0  }
0x9: {  	[smem:$0x3FAC] =	sst s1  }
0xa: {  	[smem:$0x3FAD] =	sst s2  }
0xb: {  	[smem:$0x3FAE] =	sst s3  }
0xc: {  	[smem:$0x3FAF] =	sst s4  }
0xd: {  	[smem:$0x3FB0] =	sst s5  }
0xe: {  	[smem:$0x3FB1] =	sst s6  }
0xf: {  	[smem:$0x3FB2] =	sst s7  }
0x10: {  	[smem:$0x3FB3] =	sst s8  }
0x11: {  	[smem:$0x3FB4] =	sst s9;
	s0 =	simm.s32 @!p0 $0x0  }
0x12: {  	s1 =	sld [smem:$0x3F9A];
	s0 =	simm.s32 @p0 $0x1  }
0x13: {  	[smem:$0x3FB5] =	sst s0;
	s0 =	simm.s32 @!p1 $0x0  }
0x14: {  	s2 =	sld [smem:$0x3F99];
	s0 =	simm.s32 @p1 $0x1  }
0x15: {  	[smem:$0x3FB6] =	sst s0;
	s0 =	simm.s32 @!p2 $0x0  }
0x16: {  	s3 =	sld [smem:$0x3FDB];
	s0 =	simm.s32 @p2 $0x1  }
0x17: {  	s4 =	simm.s32 $0x1BF5;
	[smem:$0x3FB8] =	sst s0  }
0x18: {  	s0 =	sld [smem:$0x3F9B];
	_ =	swait.ge [sflag:s4], $0x0  }
0x19: {  	s7 =	sld [smem:$0x3F9C]  }
0x1a: {  	s8 =	sadd.s32 $0xFFFFE003, lr  }
0x1b: {  	s9 =	sadd.s32 $0xFFFFFEF7, lr;
	s5 =	simm.s32 $0xFFFFFFFF;
	p2 =	slt.u32 s8, $0xFFFFF086  }
0x1c: {  	p1 =	slt.u32 s9, $0xF7A;
	s5 =	simm.s32 @!p2 $0x0  }
0x1d: {  	s5 =	simm.s32 @p1 $0x1;
	p0 =	seq.s32 s7, s2  }
0x1e: {  	s7 =	smul.u32 @!p0 $0xF7A, s2;
	p2 =	seq.s32 @!p0 s5, $0x0  }
0x1f: {  	s9 =	smul.u32 $0xF7A, s1;
	s8 =	simm.s32 @!p0 $0x1BF5;
	p2 =	por !p2, p0  }
0x20: {  	[sflag:s8] =	ssyncset.s32 @!p0 $0xFFFFF086;
	s6 =	sadd.s32 @!p0 s3, s7;
	s7 =	simm.s32 @!p0 $0x108  }
0x21: {  	s3 =	sadd.s32 s3, s9;
	s6 =	sadd.s32 @!p0 $0x88, s6;
	s7 =	simm.s32 @p2 $0x1082  }
0x22: {  	[simem:s7], [sflag:s8] =	dma.local @!p0 [hbm:s6], $0xF7A  }
0x23: {  	s9 =	sor.u32 $0xD0000000, s2;
	s6 =	simm.s32 $0x108;
	_ =	swait.ge @!p0 [sflag:s8], $0x0  }
0x24: {  	s3 =	sadd.s32 $0x88, s3;
	s6 =	simm.s32 @!p1 $0x1082;
	[sflag:s4] =	ssyncset.s32 $0xFFFFF086  }
0x25: {  	[simem:s6], [sflag:s4] =	dma.local [hbm:s3], $0xF7A  }
0x26: {  	[smem:$0x3F9C] =	sst s1;
	(tag) =	ssettag s2;
	_ =	strace s9  }
0x27: {  	s1 =	sld [smem:$0x3FAC]  }
0x28: {  	s2 =	sld [smem:$0x3FAD]  }
0x29: {  	s4 =	sld [smem:$0x3FAF]  }
0x2a: {  	p0 =	seq.s32 s5, $0x0;
	s5 =	sld [smem:$0x3FB0]  }
0x2b: {  	s6 =	sld [smem:$0x3FB1]  }
0x2c: {  	s7 =	sld [smem:$0x3FB2]  }
0x2d: {  	s3 =	simm.s32 $0x108;
	s8 =	sld [smem:$0x3FB3]  }
0x2e: {  	s3 =	simm.s32 @!p0 $0x1082;
	s9 =	sld [smem:$0x3FB4]  }
0x2f: {  	lr =	sadd.s32 s0, s3;
	s0 =	sld [smem:$0x3FAB]  }
0x30: {  	s3 =	sld [smem:$0x3FAE]  }
0x31: {  	[smem:$0x3FB7] =	sst s10  }
0x32: {  	s10 =	sld [smem:$0x3FB5];
	_ =	sdelay $0x3  }
0x33: {  	p0 =	seq.s32 s10, $0x1;
	s10 =	sld [smem:$0x3FB7];
	_ =	sdelay $0x3  }
0x34: {  	[smem:$0x3FB7] =	sst s10  }
0x35: {  	s10 =	sld [smem:$0x3FB6];
	_ =	sdelay $0x3  }
0x36: {  	p1 =	seq.s32 s10, $0x1;
	s10 =	sld [smem:$0x3FB7];
	_ =	sdelay $0x3  }
0x37: {  	[smem:$0x3FB7] =	sst s10  }
0x38: {  	s10 =	sld [smem:$0x3FB8]  }
0x39: {  	_ = 	snop;
	(pc) =	sbr.ind lr, $3  }
0x3a: {  	_ = 	snop  }
0x3b: {  	_ = 	snop  }
0x3c: {  	p2 =	seq.s32 s10, $0x1;
	s10 =	sld [smem:$0x3FB7]  }
0x3d: {  	_ =	shalt  }
0x3e: {  	_ =	shalt  }
0x3f: {  	_ =	shalt  }
0x40: {  	_ =	shalt  }
0x41: {  	_ =	shalt  }
0x42: {  	_ =	shalt  }
0x43: {  	_ =	shalt  }
0x44: {  	_ =	shalt  }
0x45: {  	_ =	shalt  }
0x46: {  	_ =	shalt  }
0x47: {  	_ =	shalt  }
0x48: {  	_ =	shalt  }
0x49: {  	_ =	shalt  }
0x4a: {  	_ =	shalt  }
0x4b: {  	_ =	shalt  }
0x4c: {  	_ =	shalt  }
0x4d: {  	_ =	shalt  }
0x4e: {  	_ =	shalt  }
0x4f: {  	_ =	shalt  }
0x50: {  	_ =	shalt  }
0x51: {  	_ =	shalt  }
0x52: {  	_ =	shalt  }
0x53: {  	_ =	shalt  }
0x54: {  	_ =	shalt  }
0x55: {  	_ =	shalt  }
0x56: {  	_ =	shalt  }
0x57: {  	_ =	shalt  }
0x58: {  	_ =	shalt  }
0x59: {  	_ =	shalt  }
0x5a: {  	_ =	shalt  }
0x5b: {  	_ =	shalt  }
0x5c: {  	_ =	shalt  }
0x5d: {  	_ =	shalt  }
0x5e: {  	_ =	shalt  }
0x5f: {  	_ =	shalt  }
0x60: {  	_ =	shalt  }
0x61: {  	_ =	shalt  }
0x62: {  	_ =	shalt  }
0x63: {  	_ =	shalt  }
0x64: {  	_ =	shalt  }
0x65: {  	_ =	shalt  }
0x66: {  	_ =	shalt  }
0x67: {  	_ =	shalt  }
0x68: {  	_ =	shalt  }
0x69: {  	_ =	shalt  }
0x6a: {  	_ =	shalt  }
0x6b: {  	_ =	shalt  }
0x6c: {  	_ =	shalt  }
0x6d: {  	_ =	shalt  }
0x6e: {  	_ =	shalt  }
0x6f: {  	_ =	shalt  }
0x70: {  	_ =	shalt  }
0x71: {  	_ =	shalt  }
0x72: {  	_ =	shalt  }
0x73: {  	_ =	shalt  }
0x74: {  	_ =	shalt  }
0x75: {  	_ =	shalt  }
0x76: {  	_ =	shalt  }
0x77: {  	_ =	shalt  }
0x78: {  	_ =	shalt  }
0x79: {  	_ =	shalt  }
0x7a: {  	_ =	shalt  }
0x7b: {  	_ =	shalt  }
0x7c: {  	_ =	shalt  }
0x7d: {  	_ =	shalt  }
0x7e: {  	_ =	shalt  }
0x7f: {  	_ =	shalt  }
0x80: {  	_ =	shalt  }
0x81: {  	_ =	shalt  }
0x82: {  	_ =	shalt  }
0x83: {  	_ =	shalt  }
0x84: {  	_ =	shalt  }
0x85: {  	_ =	shalt  }
0x86: {  	_ =	shalt  }
0x87: {  	_ =	shalt  }
.Lfunc_end0:
.L_simem_size_0:
called_computation.5_lowered:
.L_overlay_start_0:
0x88: {  	s2 =	sld [smem:$0x3FD9]  }
0x89: {  	s3 =	sld [smem:$0x3FFE];
	_ =	sdelay $0x1  }
0x8a: {  	s1 =	srdreg.scid  }
0x8b: {  	s0 =	sand.u32 $0x1, s1  }
0x8c: {  	s17 =	sshll.u32 s0, $0xA;
	s2 =	sadd.s32 s3, s2  }
0x8d: {  	s2 =	sadd.s32 s2, s17  }
0x8e: {  	[smem:$0x3FC3] =	sst s2  }
0x8f: {  	_ = 	snop  }
0x90: {  	(tm) =	ssettm $0x1  }
0x91: {  	s18 =	sld [smem:$0x3FFB];
	_ =	sdelay $0x3  }
0x92: {  	_ =	strace s18  }
0x93: {  	s2 =	sld [smem:$0x3FFC];
	_ =	sdelay $0x3  }
0x94: {  	_ =	strace s2  }
0x95: {  	s2 =	sld [smem:$0x3FFD];
	_ =	sdelay $0x3  }
0x96: {  	_ =	strace s2  }
0x97: {  	_ =	strace $0x8FFFFFFF  }
0x98: {  	s19 =	sld [smem:$0x3FDB];
	_ =	sdelay $0x1  }
0x99: {  	s20 =	simm.s32 $_scs_section_size  }
0x9a: {  	s4 =	simm.s32 $_size__tile_overlayer_lowered;
	s5 =	simm.s32 $_tile_overlayer_lowered  }
0x9b: {  	s6 =	simm.s32 $0x1BFF;
	s21 =	sshll.u32 s5, $0x1;
	s3 =	sadd.s32 s20, s19  }
0x9c: {  	s22 =	simm.s32 $0x0;
	s4 =	sshll.u32 s4, $0x1;
	s5 =	sadd.s32 s21, s3  }
0x9d: {  	[timem:s22], [sflag:s6] =	dma.local [hbm:s5], s4  }
0x9e: {  	_ =	swait.ge [sflag:s6], s4  }
0x9f: {  	s4 =	ssub.s32 $0x0, s4;
	[sflag:s6] =	ssyncset.done $0x0  }
0xa0: {  	[sflag:s6] =	ssyncadd.s32 s4;
	_ =	sdelay $0x1  }
0xa1: {  	s23 =	simm.s32 $0x1B8B  }
0xa2: {  	_ =	swait.ge [sflag:s23], $0x1  }
0xa3: {  	[sflag:s23] =	ssyncset.done $0x0  }
0xa4: {  	[sflag:s23] =	ssyncadd.s32 $0xFFFFFFFF  }
0xa5: {  	s4 =	sld [smem:$0x0]  }
0xa6: {  	s5 =	sand.u32 $0xFFFFFFFE, s1  }
0xa7: {  	p0 =	sne.s32 s1, s5  }
0xa8: {  	s5 =	sshll.u32 @p0 s5, $0xE  }
0xa9: {  	s5 =	sadd.s32 @p0 $0x11B8D, s5;
	s6 =	sshll.u32 @p0 s4, $0x11  }
0xaa: {  	s5 =	sor.u32 @p0 s6, s5  }
0xab: {  	[sflag:s5] =	ssyncadd.remote.s32 @p0 $0x1;
	_ =	sdelay $0x1  }
0xac: {  	s5 =	simm.s32 @p0 $0x1B8D  }
0xad: {  	_ =	swait.eq @p0 [sflag:s5], $0x1  }
0xae: {  	[sflag:s5] =	ssyncadd.s32 @p0 $0xFFFFFFFF  }
0xaf: {  	s6 =	sshll.u32 @!p0 s1, $0xE  }
0xb0: {  	s6 =	sor.u32 @!p0 $0x4000, s6;
	s5 =	simm.s32 @!p0 $0x1B8D  }
0xb1: {  	s4 =	sshll.u32 @!p0 s4, $0x11;
	s6 =	sadd.s32 @!p0 $0x11B8D, s6;
	_ =	swait.eq @!p0 [sflag:s5], $0x1  }
0xb2: {  	s4 =	sor.u32 @!p0 s4, s6;
	[sflag:s5] =	ssyncadd.s32 @!p0 $0xFFFFFFFF  }
0xb3: {  	s25 =	simm.s32 $0x1B8E;
	s24 =	sld [smem:$0x3FFE];
	[sflag:s4] =	ssyncadd.remote.s32 @!p0 $0x1  }
0xb4: {  	s26 =	simm.s32 $execute0_lowered;
	[smem:$0x3FD2] =	sst s25  }
0xb5: {  	s5 =	sshll.u32 s26, $0x1;
	_ =	strace $0x80000052;
	[dreg:$0x1] =	wrdreg $0xFFFFFFFF  }
0xb6: {  	s28 =	simm.s32 $_size_execute0_lowered;
	s3 =	sadd.s32 s3, s5;
	[dreg:$0x0] =	wrdreg $0x0  }
0xb7: {  	s5 =	sshll.u32 s28, $0x1;
	[dreg:$0x2] =	wrdreg s3  }
0xb8: {  	[dreg:$0x3] =	wrdreg s5  }
0xb9: {  	[dreg:$0x4] =	wrdreg $0xC0  }
0xba: {  	_ =	task [dreg:s22], $0x5FFFF  }
0xbb: {  	[dreg:$0x1] =	wrdreg $0xFFFFFFFF  }
0xbc: {  	[dreg:$0x0] =	wrdreg $0x60  }
0xbd: {  	[dreg:$0x2] =	wrdreg s24  }
0xbe: {  	[dreg:$0x3] =	wrdreg $0xE  }
0xbf: {  	_ =	task.clear_ibuf [dreg:s22], $0x4FFFF;
	_ =	strace $0x90000052  }
0xc0: {  	s29 =	simm.s32 $0xE;
	_ =	strace $0x80000054  }
0xc1: {  	_ =	swait.ge [sflag:s29], $0x1  }
0xc2: {  	[sflag:s29] =	ssyncadd.s32 $0xFFFFFFFF  }
0xc3: {  	_ =	strace $0x90000054  }
0xc4: {  	_ =	sfence  }
0xc5: {  	s30 =	sld [smem:$0x0];
	_ =	sdelay $0x2  }
0xc6: {  	s31 =	sshll.u32 s1, $0xD;
	s1 =	sshrl.u32 s1, $0x2  }
0xc7: {  	s4 =	sand.u32 $0x4000, s31;
	s1 =	sadd.s32 s1, s30  }
0xc8: {  	s0 =	sor.u32 s4, s0;
	s1 =	sshll.u32 s1, $0x11  }
0xc9: {  	s0 =	sor.u32 s1, s0  }
0xca: {  	s0 =	sadd.s32 $0x8F2B, s0  }
0xcb: {  	[sflag:s0] =	ssyncadd.remote.s32 $0x1  }
0xcc: {  	_ =	sfence.sel $0xFFFF  }
0xcd: {  	[dreg:$0x0] =	wrdreg $0xFFFFFFFF;
	(pc) =	sbr.abs _section_cstart, $3  }
0xce: {  	[dreg:$0x1] =	wrdreg $0xFFFFFFFF  }
0xcf: {  	_ =	task.clear_ibuf [dreg:s22], $0x2FFFF;
	_ =	strace $0x9FFFFFFF  }
0xd0: {  	(tm) =	ssettm $0x7FFFFFFF  }
0xd1: {  	_ =	shalt  }
tec
execute0_lowered:
.L_overlay_start_1:
0x0: {  	(tag) =	ssettag $0x1  }
0x1: {  	s1 =	srdreg.scid;
	s0 =	stileid.u32  }
0x2: {  	s1 =	sand.u32 $0x1, s1;
	s2 =	sshll.u32 s0, $0x1  }
0x3: {  	s3 =	sor.u32 s1, s2  }
0x4: {  	s4 =	smul.u32 $0xC0, s3  }
0x5: {  	s5 =	rddreg [dreg:$0x0];
	s2 =	simm.s32 $0x0;
	s6 =	smul.u32 $0x6000, s3  }
0x6: {  	s7 =	sadd.s32 $0x917600, s5;
	[smem:$0x7FF] =	sst s2;
	s4 =	sadd.s32 s4, s5  }
0x7: {  	s3 =	smul.u32 $0x30000, s3;
	s31 =	sadd.s32 s7, s6;
	s4 =	sadd.s32 $0x4600, s4  }
0x8: {  	_ =	strace $0x80000053;
	s23 =	sadd.s32 $0x800, s31;
	[dreg:$0x2] =	wrdreg s4  }
0x9: {  	s3 =	sshrl.u32 s3, $0x3;
	s26 =	sadd.s32 $0x1800, s31;
	[dreg:$0x3] =	wrdreg s23  }
0xa: {  	s3 =	sadd.s32 s7, s3;
	[dreg:$0x5] =	wrdreg s26  }
0xb: {  	s24 =	sadd.s32 $0x1000, s3;
	s25 =	rddreg [dreg:$0x2]  }
0xc: {  	s4 =	simm.s32 $0x5;
	[dreg:$0x4] =	wrdreg s24  }
0xd: {  	[tilespmem:s2], [sflag:$0x5] =	stream.linear.gather [hbm4b:s25+s2], $0x600, $0x38;
	[tilespmem:$0x8600] =	vst v63  }
0xe: {  	_ =	swait.ge [sflag:s4], $0x600  }
0xf: {  	s5 =	sadd.s32 $0x7600, s5;
	[sflag:s4] =	ssyncset.done $0x0  }
0x10: {  	s6 =	simm.s32 $0x80;
	s7 =	simm.s32 $0x600;
	[sflag:s4] =	ssyncadd.s32 $0xFFFFFA00  }
0x11: {  	[tilespmem:s7], [sflag:$0x1] =	stream.indirect.gather [hbm4b:s5+s6], $0x80, s2, s6, $0xb8;
	[tilespmem:$0x8600] =	vst v63  }
0x12: {  	s8 =	simm.s32 $0x4600;
	s9 =	simm.s32 $0x1  }
0x13: {  	[tilespmem:s8], [sflag:$0x2] =	stream.indirect.gather [hbm4b:s5+s6], $0x80, s6, s6, $0xb8;
	[tilespmem:$0x8600] =	vst v63  }
0x14: {  	_ =	swait.ge [sflag:s9], $0x4000  }
0x15: {  	[sflag:s9] =	ssyncset.done $0x0  }
0x16: {  	s10 =	simm.s32 $0x3;
	[sflag:s9] =	ssyncadd.s32 $0xFFFFC000  }
0x17: {  	[hbm4b:s3+s2] =	stream.linear.scatter [tilespmem:s7], [sflag:$0x3], $0x4000, $0x38;
	[tilespmem:$0x8600] =	vst v63  }
0x18: {  	_ =	swait.ge [sflag:s10], $0x4000  }
0x19: {  	[sflag:s10] =	ssyncset.done $0x0  }
0x1a: {  	s11 =	simm.s32 $0x100;
	s12 =	simm.s32 $0x2;
	[sflag:s10] =	ssyncadd.s32 $0xFFFFC000  }
0x1b: {  	[tilespmem:s7], [sflag:$0x1] =	stream.indirect.gather [hbm4b:s5+s6], $0x80, s11, s6, $0xb8;
	[tilespmem:$0x8600] =	vst v63  }
0x1c: {  	_ =	swait.ge [sflag:s12], $0x4000  }
0x1d: {  	[sflag:s12] =	ssyncset.done $0x0  }
0x1e: {  	s13 =	simm.s32 $0x4;
	s14 =	rddreg [dreg:$0x3];
	[sflag:s12] =	ssyncadd.s32 $0xFFFFC000  }
0x1f: {  	[hbm4b:s14+s2] =	stream.linear.scatter [tilespmem:s8], [sflag:$0x4], $0x4000, $0x38;
	[tilespmem:$0x8600] =	vst v63  }
0x20: {  	_ =	swait.ge [sflag:s13], $0x4000  }
0x21: {  	[sflag:s13] =	ssyncset.done $0x0  }
0x22: {  	s14 =	simm.s32 $0x180;
	[sflag:s13] =	ssyncadd.s32 $0xFFFFC000  }
0x23: {  	[tilespmem:s8], [sflag:$0x2] =	stream.indirect.gather [hbm4b:s5+s6], $0x80, s14, s6, $0xb8;
	[tilespmem:$0x8600] =	vst v63  }
0x24: {  	_ =	swait.ge [sflag:s9], $0x4000  }
0x25: {  	[sflag:s9] =	ssyncset.done $0x0  }
0x26: {  	s15 =	rddreg [dreg:$0x4];
	[sflag:s9] =	ssyncadd.s32 $0xFFFFC000  }
0x27: {  	[hbm4b:s15+s2] =	stream.linear.scatter [tilespmem:s7], [sflag:$0x3], $0x4000, $0x38;
	[tilespmem:$0x8600] =	vst v63  }
0x28: {  	_ =	swait.ge [sflag:s10], $0x4000  }
0x29: {  	[sflag:s10] =	ssyncset.done $0x0  }
0x2a: {  	s15 =	simm.s32 $0x200;
	[sflag:s10] =	ssyncadd.s32 $0xFFFFC000  }
0x2b: {  	[tilespmem:s7], [sflag:$0x1] =	stream.indirect.gather [hbm4b:s5+s6], $0x80, s15, s6, $0xb8;
	[tilespmem:$0x8600] =	vst v63  }
0x2c: {  	_ =	swait.ge [sflag:s12], $0x4000  }
0x2d: {  	[sflag:s12] =	ssyncset.done $0x0  }
0x2e: {  	s16 =	rddreg [dreg:$0x5];
	[sflag:s12] =	ssyncadd.s32 $0xFFFFC000  }
0x2f: {  	[hbm4b:s16+s2] =	stream.linear.scatter [tilespmem:s8], [sflag:$0x4], $0x4000, $0x38;
	[tilespmem:$0x8600] =	vst v63  }
0x30: {  	_ =	swait.ge [sflag:s13], $0x4000  }
0x31: {  	[sflag:s13] =	ssyncset.done $0x0  }
0x32: {  	s16 =	simm.s32 $0x280;
	[sflag:s13] =	ssyncadd.s32 $0xFFFFC000  }
0x33: {  	[tilespmem:s8], [sflag:$0x2] =	stream.indirect.gather [hbm4b:s5+s6], $0x80, s16, s6, $0xb8;
	[tilespmem:$0x8600] =	vst v63  }
0x34: {  	_ =	swait.ge [sflag:s9], $0x4000  }
0x35: {  	[sflag:s9] =	ssyncset.done $0x0  }
0x36: {  	s17 =	sadd.s32 $0x2000, s3;
	[sflag:s9] =	ssyncadd.s32 $0xFFFFC000  }
0x37: {  	[hbm4b:s17+s2] =	stream.linear.scatter [tilespmem:s7], [sflag:$0x3], $0x4000, $0x38;
	[tilespmem:$0x8600] =	vst v63  }
0x38: {  	_ =	swait.ge [sflag:s10], $0x4000  }
0x39: {  	[sflag:s10] =	ssyncset.done $0x0  }
0x3a: {  	s18 =	simm.s32 $0x300;
	[sflag:s10] =	ssyncadd.s32 $0xFFFFC000  }
0x3b: {  	[tilespmem:s7], [sflag:$0x1] =	stream.indirect.gather [hbm4b:s5+s6], $0x80, s18, s6, $0xb8;
	[tilespmem:$0x8600] =	vst v63  }
0x3c: {  	_ =	swait.ge [sflag:s12], $0x4000  }
0x3d: {  	[sflag:s12] =	ssyncset.done $0x0  }
0x3e: {  	s19 =	sadd.s32 $0x2800, s31;
	[sflag:s12] =	ssyncadd.s32 $0xFFFFC000  }
0x3f: {  	[hbm4b:s19+s2] =	stream.linear.scatter [tilespmem:s8], [sflag:$0x4], $0x4000, $0x38;
	[tilespmem:$0x8600] =	vst v63  }
0x40: {  	_ =	swait.ge [sflag:s13], $0x4000  }
0x41: {  	[sflag:s13] =	ssyncset.done $0x0  }
0x42: {  	s20 =	simm.s32 $0x380;
	[sflag:s13] =	ssyncadd.s32 $0xFFFFC000  }
0x43: {  	[tilespmem:s8], [sflag:$0x2] =	stream.indirect.gather [hbm4b:s5+s6], $0x80, s20, s6, $0xb8;
	[tilespmem:$0x8600] =	vst v63  }
0x44: {  	_ =	swait.ge [sflag:s9], $0x4000  }
0x45: {  	[sflag:s9] =	ssyncset.done $0x0  }
0x46: {  	s21 =	sadd.s32 $0x3000, s3;
	[sflag:s9] =	ssyncadd.s32 $0xFFFFC000  }
0x47: {  	[hbm4b:s21+s2] =	stream.linear.scatter [tilespmem:s7], [sflag:$0x3], $0x4000, $0x38;
	[tilespmem:$0x8600] =	vst v63  }
0x48: {  	_ =	swait.ge [sflag:s10], $0x4000  }
0x49: {  	[sflag:s10] =	ssyncset.done $0x0  }
0x4a: {  	s22 =	simm.s32 $0x400;
	[sflag:s10] =	ssyncadd.s32 $0xFFFFC000  }
0x4b: {  	[tilespmem:s7], [sflag:$0x1] =	stream.indirect.gather [hbm4b:s5+s6], $0x80, s22, s6, $0xb8;
	[tilespmem:$0x8600] =	vst v63  }
0x4c: {  	_ =	swait.ge [sflag:s12], $0x4000  }
0x4d: {  	[sflag:s12] =	ssyncset.done $0x0  }
0x4e: {  	s23 =	sadd.s32 $0x3800, s31;
	[sflag:s12] =	ssyncadd.s32 $0xFFFFC000  }
0x4f: {  	[hbm4b:s23+s2] =	stream.linear.scatter [tilespmem:s8], [sflag:$0x4], $0x4000, $0x38;
	[tilespmem:$0x8600] =	vst v63  }
0x50: {  	_ =	swait.ge [sflag:s13], $0x4000  }
0x51: {  	[sflag:s13] =	ssyncset.done $0x0  }
0x52: {  	s24 =	simm.s32 $0x480;
	[sflag:s13] =	ssyncadd.s32 $0xFFFFC000  }
0x53: {  	[tilespmem:s8], [sflag:$0x2] =	stream.indirect.gather [hbm4b:s5+s6], $0x80, s24, s6, $0xb8;
	[tilespmem:$0x8600] =	vst v63  }
0x54: {  	_ =	swait.ge [sflag:s9], $0x4000  }
0x55: {  	[sflag:s9] =	ssyncset.done $0x0  }
0x56: {  	s25 =	sadd.s32 $0x4000, s3;
	[sflag:s9] =	ssyncadd.s32 $0xFFFFC000  }
0x57: {  	[hbm4b:s25+s2] =	stream.linear.scatter [tilespmem:s7], [sflag:$0x3], $0x4000, $0x38;
	[tilespmem:$0x8600] =	vst v63  }
0x58: {  	_ =	swait.ge [sflag:s10], $0x4000  }
0x59: {  	[sflag:s10] =	ssyncset.done $0x0  }
0x5a: {  	s26 =	simm.s32 $0x500;
	[sflag:s10] =	ssyncadd.s32 $0xFFFFC000  }
0x5b: {  	[tilespmem:s7], [sflag:$0x1] =	stream.indirect.gather [hbm4b:s5+s6], $0x80, s26, s6, $0xb8;
	[tilespmem:$0x8600] =	vst v63  }
0x5c: {  	_ =	swait.ge [sflag:s12], $0x4000  }
0x5d: {  	[sflag:s12] =	ssyncset.done $0x0  }
0x5e: {  	s28 =	sadd.s32 $0x4800, s31;
	[sflag:s12] =	ssyncadd.s32 $0xFFFFC000  }
0x5f: {  	[hbm4b:s28+s2] =	stream.linear.scatter [tilespmem:s8], [sflag:$0x4], $0x4000, $0x38;
	[tilespmem:$0x8600] =	vst v63  }
0x60: {  	_ =	swait.ge [sflag:s13], $0x4000  }
0x61: {  	[sflag:s13] =	ssyncset.done $0x0  }
0x62: {  	s29 =	simm.s32 $0x580;
	[sflag:s13] =	ssyncadd.s32 $0xFFFFC000  }
0x63: {  	[tilespmem:s8], [sflag:$0x2] =	stream.indirect.gather [hbm4b:s5+s6], $0x80, s29, s6, $0xb8;
	[tilespmem:$0x8600] =	vst v63  }
0x64: {  	_ =	swait.ge [sflag:s9], $0x4000  }
0x65: {  	s1 =	ssub.s32 $0x2, s1;
	[sflag:s9] =	ssyncset.done $0x0  }
0x66: {  	s0 =	sshrl.u32 s1, $0x1;
	s30 =	sadd.s32 $0x5000, s3;
	[sflag:s9] =	ssyncadd.s32 $0xFFFFC000  }
0x67: {  	[hbm4b:s30+s2] =	stream.linear.scatter [tilespmem:s7], [sflag:$0x3], $0x4000, $0x38;
	[tilespmem:$0x8600] =	vst v63  }
0x68: {  	s0 =	ssub.s32 s1, s0;
	_ =	swait.ge [sflag:s12], $0x4000  }
0x69: {  	s0 =	smax.u32 s0, $0x1;
	[sflag:s12] =	ssyncset.done $0x0  }
0x6a: {  	p0 =	sne.s32 s0, $0x1;
	s31 =	sadd.s32 $0x5800, s31;
	[sflag:s12] =	ssyncadd.s32 $0xFFFFC000  }
0x6b: {  	[hbm4b:s31+s2] =	stream.linear.scatter [tilespmem:s8], [sflag:$0x4], $0x4000, $0x38;
	[tilespmem:$0x8600] =	vst v63  }
.Ltmp0:
0x6c: {  	_ =	swait.ge [sflag:s10], $0x4000;
	(pc) =	sbr.rel @!p0 .LBB2_2-.Ltmp0, $4  }
0x6d: {  	[sflag:s10] =	ssyncset.done $0x0  }
0x6e: {  	[sflag:s10] =	ssyncadd.s32 $0xFFFFC000  }
0x6f: {  	_ =	swait.ge [sflag:s13], $0x4000  }
0x70: {  	s1 =	sadd.s32 $0xFFFFFFFF, s0;
	[sflag:s13] =	ssyncset.done $0x0  }
.LBB2_1:
0x71: {  	s0 =	rddreg [dreg:$0x2];
	[sflag:s13] =	ssyncadd.s32 $0xFFFFC000  }
0x72: {  	[tilespmem:s2], [sflag:$0x5] =	stream.linear.gather [hbm4b:s0+s2], $0x600, $0x38;
	[tilespmem:$0x8600] =	vst v63  }
0x73: {  	_ =	swait.ge [sflag:s4], $0x600  }
0x74: {  	[sflag:s4] =	ssyncset.done $0x0  }
0x75: {  	[sflag:s4] =	ssyncadd.s32 $0xFFFFFA00  }
0x76: {  	[tilespmem:s7], [sflag:$0x1] =	stream.indirect.gather [hbm4b:s5+s6], $0x80, s2, s6, $0xb8;
	[tilespmem:$0x8600] =	vst v63  }
0x77: {  	_ = 	snop  }
0x78: {  	[tilespmem:s8], [sflag:$0x2] =	stream.indirect.gather [hbm4b:s5+s6], $0x80, s6, s6, $0xb8;
	[tilespmem:$0x8600] =	vst v63  }
0x79: {  	_ =	swait.ge [sflag:s9], $0x4000  }
0x7a: {  	[sflag:s9] =	ssyncset.done $0x0  }
0x7b: {  	[sflag:s9] =	ssyncadd.s32 $0xFFFFC000  }
0x7c: {  	[hbm4b:s3+s2] =	stream.linear.scatter [tilespmem:s7], [sflag:$0x3], $0x4000, $0x38;
	[tilespmem:$0x8600] =	vst v63  }
0x7d: {  	_ =	swait.ge [sflag:s10], $0x4000  }
0x7e: {  	[sflag:s10] =	ssyncset.done $0x0  }
0x7f: {  	[sflag:s10] =	ssyncadd.s32 $0xFFFFC000  }
0x80: {  	[tilespmem:s7], [sflag:$0x1] =	stream.indirect.gather [hbm4b:s5+s6], $0x80, s11, s6, $0xb8;
	[tilespmem:$0x8600] =	vst v63  }
0x81: {  	_ =	swait.ge [sflag:s12], $0x4000  }
0x82: {  	[sflag:s12] =	ssyncset.done $0x0  }
0x83: {  	s0 =	rddreg [dreg:$0x3];
	[sflag:s12] =	ssyncadd.s32 $0xFFFFC000  }
0x84: {  	[hbm4b:s0+s2] =	stream.linear.scatter [tilespmem:s8], [sflag:$0x4], $0x4000, $0x38;
	[tilespmem:$0x8600] =	vst v63  }
0x85: {  	_ =	swait.ge [sflag:s13], $0x4000  }
0x86: {  	[sflag:s13] =	ssyncset.done $0x0  }
0x87: {  	[sflag:s13] =	ssyncadd.s32 $0xFFFFC000  }
0x88: {  	[tilespmem:s8], [sflag:$0x2] =	stream.indirect.gather [hbm4b:s5+s6], $0x80, s14, s6, $0xb8;
	[tilespmem:$0x8600] =	vst v63  }
0x89: {  	_ =	swait.ge [sflag:s9], $0x4000  }
0x8a: {  	[sflag:s9] =	ssyncset.done $0x0  }
0x8b: {  	s0 =	rddreg [dreg:$0x4];
	[sflag:s9] =	ssyncadd.s32 $0xFFFFC000  }
0x8c: {  	[hbm4b:s0+s2] =	stream.linear.scatter [tilespmem:s7], [sflag:$0x3], $0x4000, $0x38;
	[tilespmem:$0x8600] =	vst v63  }
0x8d: {  	_ =	swait.ge [sflag:s10], $0x4000  }
0x8e: {  	[sflag:s10] =	ssyncset.done $0x0  }
0x8f: {  	[sflag:s10] =	ssyncadd.s32 $0xFFFFC000  }
0x90: {  	[tilespmem:s7], [sflag:$0x1] =	stream.indirect.gather [hbm4b:s5+s6], $0x80, s15, s6, $0xb8;
	[tilespmem:$0x8600] =	vst v63  }
0x91: {  	_ =	swait.ge [sflag:s12], $0x4000  }
0x92: {  	[sflag:s12] =	ssyncset.done $0x0  }
0x93: {  	s0 =	rddreg [dreg:$0x5];
	[sflag:s12] =	ssyncadd.s32 $0xFFFFC000  }
0x94: {  	[hbm4b:s0+s2] =	stream.linear.scatter [tilespmem:s8], [sflag:$0x4], $0x4000, $0x38;
	[tilespmem:$0x8600] =	vst v63  }
0x95: {  	_ =	swait.ge [sflag:s13], $0x4000  }
0x96: {  	[sflag:s13] =	ssyncset.done $0x0  }
0x97: {  	[sflag:s13] =	ssyncadd.s32 $0xFFFFC000  }
0x98: {  	[tilespmem:s8], [sflag:$0x2] =	stream.indirect.gather [hbm4b:s5+s6], $0x80, s16, s6, $0xb8;
	[tilespmem:$0x8600] =	vst v63  }
0x99: {  	_ =	swait.ge [sflag:s9], $0x4000  }
0x9a: {  	[sflag:s9] =	ssyncset.done $0x0  }
0x9b: {  	[sflag:s9] =	ssyncadd.s32 $0xFFFFC000  }
0x9c: {  	[hbm4b:s17+s2] =	stream.linear.scatter [tilespmem:s7], [sflag:$0x3], $0x4000, $0x38;
	[tilespmem:$0x8600] =	vst v63  }
0x9d: {  	_ =	swait.ge [sflag:s10], $0x4000  }
0x9e: {  	[sflag:s10] =	ssyncset.done $0x0  }
0x9f: {  	[sflag:s10] =	ssyncadd.s32 $0xFFFFC000  }
0xa0: {  	[tilespmem:s7], [sflag:$0x1] =	stream.indirect.gather [hbm4b:s5+s6], $0x80, s18, s6, $0xb8;
	[tilespmem:$0x8600] =	vst v63  }
0xa1: {  	_ =	swait.ge [sflag:s12], $0x4000  }
0xa2: {  	[sflag:s12] =	ssyncset.done $0x0  }
0xa3: {  	[sflag:s12] =	ssyncadd.s32 $0xFFFFC000  }
0xa4: {  	[hbm4b:s19+s2] =	stream.linear.scatter [tilespmem:s8], [sflag:$0x4], $0x4000, $0x38;
	[tilespmem:$0x8600] =	vst v63  }
0xa5: {  	_ =	swait.ge [sflag:s13], $0x4000  }
0xa6: {  	[sflag:s13] =	ssyncset.done $0x0  }
0xa7: {  	[sflag:s13] =	ssyncadd.s32 $0xFFFFC000  }
0xa8: {  	[tilespmem:s8], [sflag:$0x2] =	stream.indirect.gather [hbm4b:s5+s6], $0x80, s20, s6, $0xb8;
	[tilespmem:$0x8600] =	vst v63  }
0xa9: {  	_ =	swait.ge [sflag:s9], $0x4000  }
0xaa: {  	[sflag:s9] =	ssyncset.done $0x0  }
0xab: {  	[sflag:s9] =	ssyncadd.s32 $0xFFFFC000  }
0xac: {  	[hbm4b:s21+s2] =	stream.linear.scatter [tilespmem:s7], [sflag:$0x3], $0x4000, $0x38;
	[tilespmem:$0x8600] =	vst v63  }
0xad: {  	_ =	swait.ge [sflag:s10], $0x4000  }
0xae: {  	[sflag:s10] =	ssyncset.done $0x0  }
0xaf: {  	[sflag:s10] =	ssyncadd.s32 $0xFFFFC000  }
0xb0: {  	[tilespmem:s7], [sflag:$0x1] =	stream.indirect.gather [hbm4b:s5+s6], $0x80, s22, s6, $0xb8;
	[tilespmem:$0x8600] =	vst v63  }
0xb1: {  	_ =	swait.ge [sflag:s12], $0x4000  }
0xb2: {  	[sflag:s12] =	ssyncset.done $0x0  }
0xb3: {  	[sflag:s12] =	ssyncadd.s32 $0xFFFFC000  }
0xb4: {  	[hbm4b:s23+s2] =	stream.linear.scatter [tilespmem:s8], [sflag:$0x4], $0x4000, $0x38;
	[tilespmem:$0x8600] =	vst v63  }
0xb5: {  	_ =	swait.ge [sflag:s13], $0x4000  }
0xb6: {  	[sflag:s13] =	ssyncset.done $0x0  }
0xb7: {  	[sflag:s13] =	ssyncadd.s32 $0xFFFFC000  }
0xb8: {  	[tilespmem:s8], [sflag:$0x2] =	stream.indirect.gather [hbm4b:s5+s6], $0x80, s24, s6, $0xb8;
	[tilespmem:$0x8600] =	vst v63  }
0xb9: {  	_ =	swait.ge [sflag:s9], $0x4000  }
0xba: {  	[sflag:s9] =	ssyncset.done $0x0  }
0xbb: {  	[sflag:s9] =	ssyncadd.s32 $0xFFFFC000  }
0xbc: {  	[hbm4b:s25+s2] =	stream.linear.scatter [tilespmem:s7], [sflag:$0x3], $0x4000, $0x38;
	[tilespmem:$0x8600] =	vst v63  }
0xbd: {  	_ =	swait.ge [sflag:s10], $0x4000  }
0xbe: {  	[sflag:s10] =	ssyncset.done $0x0  }
0xbf: {  	[sflag:s10] =	ssyncadd.s32 $0xFFFFC000  }
0xc0: {  	[tilespmem:s7], [sflag:$0x1] =	stream.indirect.gather [hbm4b:s5+s6], $0x80, s26, s6, $0xb8;
	[tilespmem:$0x8600] =	vst v63  }
0xc1: {  	_ =	swait.ge [sflag:s12], $0x4000  }
0xc2: {  	[sflag:s12] =	ssyncset.done $0x0  }
0xc3: {  	[sflag:s12] =	ssyncadd.s32 $0xFFFFC000  }
0xc4: {  	[hbm4b:s28+s2] =	stream.linear.scatter [tilespmem:s8], [sflag:$0x4], $0x4000, $0x38;
	[tilespmem:$0x8600] =	vst v63  }
0xc5: {  	_ =	swait.ge [sflag:s13], $0x4000  }
0xc6: {  	[sflag:s13] =	ssyncset.done $0x0  }
0xc7: {  	[sflag:s13] =	ssyncadd.s32 $0xFFFFC000  }
0xc8: {  	[tilespmem:s8], [sflag:$0x2] =	stream.indirect.gather [hbm4b:s5+s6], $0x80, s29, s6, $0xb8;
	[tilespmem:$0x8600] =	vst v63  }
0xc9: {  	_ =	swait.ge [sflag:s9], $0x4000  }
0xca: {  	[sflag:s9] =	ssyncset.done $0x0  }
0xcb: {  	[sflag:s9] =	ssyncadd.s32 $0xFFFFC000  }
0xcc: {  	[hbm4b:s30+s2] =	stream.linear.scatter [tilespmem:s7], [sflag:$0x3], $0x4000, $0x38;
	[tilespmem:$0x8600] =	vst v63  }
0xcd: {  	_ =	swait.ge [sflag:s12], $0x4000  }
0xce: {  	[sflag:s12] =	ssyncset.done $0x0  }
0xcf: {  	p0 =	sne.s32 s1, $0x1;
	[sflag:s12] =	ssyncadd.s32 $0xFFFFC000  }
0xd0: {  	[hbm4b:s31+s2] =	stream.linear.scatter [tilespmem:s8], [sflag:$0x4], $0x4000, $0x38;
	[tilespmem:$0x8600] =	vst v63  }
.Ltmp1:
0xd1: {  	_ =	swait.ge [sflag:s10], $0x4000;
	(pc) =	sbr.rel @p0 .LBB2_1-.Ltmp1, $4  }
0xd2: {  	[sflag:s10] =	ssyncset.done $0x0  }
0xd3: {  	[sflag:s10] =	ssyncadd.s32 $0xFFFFC000  }
0xd4: {  	_ =	swait.ge [sflag:s13], $0x4000  }
0xd5: {  	s1 =	sadd.s32 $0xFFFFFFFF, s1;
	[sflag:s13] =	ssyncset.done $0x0  }
.LBB2_2:
0xd6: {  	[sflag:s13] =	ssyncadd.s32 $0xFFFFC000  }
0xd7: {  	_ =	sfence.sel $0x180000  }
0xd8: {  	[bflag:$0x0] =	sbarrier.arrive $0xFFFF  }
0xd9: {  	_ =	strace $0x90000053  }
0xda: {  	s0 =	stileid.u32;
	[bflag:$0x2] =	sbarrier.arrive $0xFFFF  }
0xdb: {  	p0 =	sne.s32 s0, $0x0;
	s0 =	rddreg [dreg:$0x1]  }
0xdc: {  	s0 =	sadd.s32 @!p0 $0x100000, s0  }
0xdd: {  	[sflag:s0] =	ssyncadd.tile.s32 @!p0 $0x1;
	_ =	shalt  }
.Lfunc_end2:
_tile_overlayer_lowered:
.L_overlay_start_2:
0xde: {  	(tag) =	ssettag $0x2  }
0xdf: {  	s0 =	rddreg [dreg:$0x0];
	s2 =	stileid.u32  }
0xe0: {  	s1 =	rddreg [dreg:$0x1];
	p0 =	sne.s32 s2, $0x0  }
0xe1: {  	s3 =	rddreg [dreg:$0x2];
	[bflag:$0x3] =	sbarrier.arrive $0xFFFF;
	s2 =	simm.s32 @!p0 $0x1C05  }
0xe2: {  	[timem:s3], [sflag:s2] =	dma.local @!p0 [hbm:s0], s1  }
0xe3: {  	s0 =	simm.s32 @!p0 $0x5  }
0xe4: {  	_ =	swait.ge @!p0 [sflag:s0], s1  }
0xe5: {  	s1 =	ssub.s32 @!p0 $0x0, s1;
	[sflag:s0] =	ssyncset.done @!p0 $0x0  }
0xe6: {  	[sflag:s0] =	ssyncadd.s32 @!p0 s1  }
0xe7: {  	[bflag:$0x3] =	sbarrier.arrive $0xFFFF  }
0xe8: {  	_ =	shalt  }

// kernel: kernel.33.cloned.1.call-start
scs
__scs_entry_jumppad:
0x0: {  	(pc) =	sbr.rel $0x88, $3  }
0x1: {  	(tag) =	ssettag $0x0;
	lr =	simm.s32 $0x1  }
0x2: {  	[smem:$0x3F9C] =	sst lr;
	_ =	strace $0xD0000000  }
0x3: {  	_ = 	snop  }
0x4: {  	_ = 	snop  }
0x5: {  	_ = 	snop  }
0x6: {  	_ = 	snop  }
0x7: {  	_ = 	snop  }
__scs_overlays_trampoline_lowered:
0x8: {  	[smem:$0x3FAB] =	sst s0  }
0x9: {  	[smem:$0x3FAC] =	sst s1  }
0xa: {  	[smem:$0x3FAD] =	sst s2  }
0xb: {  	[smem:$0x3FAE] =	sst s3  }
0xc: {  	[smem:$0x3FAF] =	sst s4  }
0xd: {  	[smem:$0x3FB0] =	sst s5  }
0xe: {  	[smem:$0x3FB1] =	sst s6  }
0xf: {  	[smem:$0x3FB2] =	sst s7  }
0x10: {  	[smem:$0x3FB3] =	sst s8  }
0x11: {  	[smem:$0x3FB4] =	sst s9;
	s0 =	simm.s32 @!p0 $0x0  }
0x12: {  	s1 =	sld [smem:$0x3F9A];
	s0 =	simm.s32 @p0 $0x1  }
0x13: {  	[smem:$0x3FB5] =	sst s0;
	s0 =	simm.s32 @!p1 $0x0  }
0x14: {  	s2 =	sld [smem:$0x3F99];
	s0 =	simm.s32 @p1 $0x1  }
0x15: {  	[smem:$0x3FB6] =	sst s0;
	s0 =	simm.s32 @!p2 $0x0  }
0x16: {  	s3 =	sld [smem:$0x3FDB];
	s0 =	simm.s32 @p2 $0x1  }
0x17: {  	s4 =	simm.s32 $0x1BF5;
	[smem:$0x3FB8] =	sst s0  }
0x18: {  	s0 =	sld [smem:$0x3F9B];
	_ =	swait.ge [sflag:s4], $0x0  }
0x19: {  	s7 =	sld [smem:$0x3F9C]  }
0x1a: {  	s8 =	sadd.s32 $0xFFFFE003, lr  }
0x1b: {  	s9 =	sadd.s32 $0xFFFFFEF7, lr;
	s5 =	simm.s32 $0xFFFFFFFF;
	p2 =	slt.u32 s8, $0xFFFFF086  }
0x1c: {  	p1 =	slt.u32 s9, $0xF7A;
	s5 =	simm.s32 @!p2 $0x0  }
0x1d: {  	s5 =	simm.s32 @p1 $0x1;
	p0 =	seq.s32 s7, s2  }
0x1e: {  	s7 =	smul.u32 @!p0 $0xF7A, s2;
	p2 =	seq.s32 @!p0 s5, $0x0  }
0x1f: {  	s9 =	smul.u32 $0xF7A, s1;
	s8 =	simm.s32 @!p0 $0x1BF5;
	p2 =	por !p2, p0  }
0x20: {  	[sflag:s8] =	ssyncset.s32 @!p0 $0xFFFFF086;
	s6 =	sadd.s32 @!p0 s3, s7;
	s7 =	simm.s32 @!p0 $0x108  }
0x21: {  	s3 =	sadd.s32 s3, s9;
	s6 =	sadd.s32 @!p0 $0x88, s6;
	s7 =	simm.s32 @p2 $0x1082  }
0x22: {  	[simem:s7], [sflag:s8] =	dma.local @!p0 [hbm:s6], $0xF7A  }
0x23: {  	s9 =	sor.u32 $0xD0000000, s2;
	s6 =	simm.s32 $0x108;
	_ =	swait.ge @!p0 [sflag:s8], $0x0  }
0x24: {  	s3 =	sadd.s32 $0x88, s3;
	s6 =	simm.s32 @!p1 $0x1082;
	[sflag:s4] =	ssyncset.s32 $0xFFFFF086  }
0x25: {  	[simem:s6], [sflag:s4] =	dma.local [hbm:s3], $0xF7A  }
0x26: {  	[smem:$0x3F9C] =	sst s1;
	(tag) =	ssettag s2;
	_ =	strace s9  }
0x27: {  	s1 =	sld [smem:$0x3FAC]  }
0x28: {  	s2 =	sld [smem:$0x3FAD]  }
0x29: {  	s4 =	sld [smem:$0x3FAF]  }
0x2a: {  	p0 =	seq.s32 s5, $0x0;
	s5 =	sld [smem:$0x3FB0]  }
0x2b: {  	s6 =	sld [smem:$0x3FB1]  }
0x2c: {  	s7 =	sld [smem:$0x3FB2]  }
0x2d: {  	s3 =	simm.s32 $0x108;
	s8 =	sld [smem:$0x3FB3]  }
0x2e: {  	s3 =	simm.s32 @!p0 $0x1082;
	s9 =	sld [smem:$0x3FB4]  }
0x2f: {  	lr =	sadd.s32 s0, s3;
	s0 =	sld [smem:$0x3FAB]  }
0x30: {  	s3 =	sld [smem:$0x3FAE]  }
0x31: {  	[smem:$0x3FB7] =	sst s10  }
0x32: {  	s10 =	sld [smem:$0x3FB5];
	_ =	sdelay $0x3  }
0x33: {  	p0 =	seq.s32 s10, $0x1;
	s10 =	sld [smem:$0x3FB7];
	_ =	sdelay $0x3  }
0x34: {  	[smem:$0x3FB7] =	sst s10  }
0x35: {  	s10 =	sld [smem:$0x3FB6];
	_ =	sdelay $0x3  }
0x36: {  	p1 =	seq.s32 s10, $0x1;
	s10 =	sld [smem:$0x3FB7];
	_ =	sdelay $0x3  }
0x37: {  	[smem:$0x3FB7] =	sst s10  }
0x38: {  	s10 =	sld [smem:$0x3FB8]  }
0x39: {  	_ = 	snop;
	(pc) =	sbr.ind lr, $3  }
0x3a: {  	_ = 	snop  }
0x3b: {  	_ = 	snop  }
0x3c: {  	p2 =	seq.s32 s10, $0x1;
	s10 =	sld [smem:$0x3FB7]  }
0x3d: {  	_ =	shalt  }
0x3e: {  	_ =	shalt  }
0x3f: {  	_ =	shalt  }
0x40: {  	_ =	shalt  }
0x41: {  	_ =	shalt  }
0x42: {  	_ =	shalt  }
0x43: {  	_ =	shalt  }
0x44: {  	_ =	shalt  }
0x45: {  	_ =	shalt  }
0x46: {  	_ =	shalt  }
0x47: {  	_ =	shalt  }
0x48: {  	_ =	shalt  }
0x49: {  	_ =	shalt  }
0x4a: {  	_ =	shalt  }
0x4b: {  	_ =	shalt  }
0x4c: {  	_ =	shalt  }
0x4d: {  	_ =	shalt  }
0x4e: {  	_ =	shalt  }
0x4f: {  	_ =	shalt  }
0x50: {  	_ =	shalt  }
0x51: {  	_ =	shalt  }
0x52: {  	_ =	shalt  }
0x53: {  	_ =	shalt  }
0x54: {  	_ =	shalt  }
0x55: {  	_ =	shalt  }
0x56: {  	_ =	shalt  }
0x57: {  	_ =	shalt  }
0x58: {  	_ =	shalt  }
0x59: {  	_ =	shalt  }
0x5a: {  	_ =	shalt  }
0x5b: {  	_ =	shalt  }
0x5c: {  	_ =	shalt  }
0x5d: {  	_ =	shalt  }
0x5e: {  	_ =	shalt  }
0x5f: {  	_ =	shalt  }
0x60: {  	_ =	shalt  }
0x61: {  	_ =	shalt  }
0x62: {  	_ =	shalt  }
0x63: {  	_ =	shalt  }
0x64: {  	_ =	shalt  }
0x65: {  	_ =	shalt  }
0x66: {  	_ =	shalt  }
0x67: {  	_ =	shalt  }
0x68: {  	_ =	shalt  }
0x69: {  	_ =	shalt  }
0x6a: {  	_ =	shalt  }
0x6b: {  	_ =	shalt  }
0x6c: {  	_ =	shalt  }
0x6d: {  	_ =	shalt  }
0x6e: {  	_ =	shalt  }
0x6f: {  	_ =	shalt  }
0x70: {  	_ =	shalt  }
0x71: {  	_ =	shalt  }
0x72: {  	_ =	shalt  }
0x73: {  	_ =	shalt  }
0x74: {  	_ =	shalt  }
0x75: {  	_ =	shalt  }
0x76: {  	_ =	shalt  }
0x77: {  	_ =	shalt  }
0x78: {  	_ =	shalt  }
0x79: {  	_ =	shalt  }
0x7a: {  	_ =	shalt  }
0x7b: {  	_ =	shalt  }
0x7c: {  	_ =	shalt  }
0x7d: {  	_ =	shalt  }
0x7e: {  	_ =	shalt  }
0x7f: {  	_ =	shalt  }
0x80: {  	_ =	shalt  }
0x81: {  	_ =	shalt  }
0x82: {  	_ =	shalt  }
0x83: {  	_ =	shalt  }
0x84: {  	_ =	shalt  }
0x85: {  	_ =	shalt  }
0x86: {  	_ =	shalt  }
0x87: {  	_ =	shalt  }
.Lfunc_end0:
.L_simem_size_0:
called_computation.6_lowered:
.L_overlay_start_0:
0x88: {  	s2 =	sld [smem:$0x3FD9]  }
0x89: {  	s3 =	sld [smem:$0x3FFE];
	_ =	sdelay $0x1  }
0x8a: {  	s1 =	srdreg.scid  }
0x8b: {  	s0 =	sand.u32 $0x1, s1  }
0x8c: {  	s17 =	sshll.u32 s0, $0xA;
	s2 =	sadd.s32 s3, s2  }
0x8d: {  	s2 =	sadd.s32 s2, s17  }
0x8e: {  	[smem:$0x3FC3] =	sst s2  }
0x8f: {  	_ = 	snop  }
0x90: {  	s18 =	sld [smem:$0x3FC8];
	(tm) =	ssettm $0x1  }
0x91: {  	s19 =	sld [smem:$0x3FFB];
	_ =	sdelay $0x3  }
0x92: {  	_ =	strace s19  }
0x93: {  	s2 =	sld [smem:$0x3FFC];
	_ =	sdelay $0x3  }
0x94: {  	_ =	strace s2  }
0x95: {  	s2 =	sld [smem:$0x3FFD];
	_ =	sdelay $0x3  }
0x96: {  	_ =	strace s2  }
0x97: {  	_ =	strace $0x8FFFFFFF  }
0x98: {  	s20 =	sld [smem:$0x3FDB];
	_ =	sdelay $0x1  }
0x99: {  	s4 =	simm.s32 $_scs_section_size  }
0x9a: {  	s5 =	simm.s32 $_size__tile_overlayer_lowered;
	s6 =	simm.s32 $_tile_overlayer_lowered  }
0x9b: {  	s7 =	simm.s32 $0x1BFF;
	s21 =	sshll.u32 s6, $0x1;
	s4 =	sadd.s32 s4, s20  }
0x9c: {  	s22 =	simm.s32 $0x0;
	s5 =	sshll.u32 s5, $0x1;
	s6 =	sadd.s32 s21, s4  }
0x9d: {  	[timem:s22], [sflag:s7] =	dma.local [hbm:s6], s5  }
0x9e: {  	_ =	swait.ge [sflag:s7], s5  }
0x9f: {  	s5 =	ssub.s32 $0x0, s5;
	[sflag:s7] =	ssyncset.done $0x0  }
0xa0: {  	[sflag:s7] =	ssyncadd.s32 s5;
	_ =	sdelay $0x1  }
0xa1: {  	s23 =	simm.s32 $0x1B8B  }
0xa2: {  	_ =	swait.ge [sflag:s23], $0x1  }
0xa3: {  	[sflag:s23] =	ssyncset.done $0x0  }
0xa4: {  	[sflag:s23] =	ssyncadd.s32 $0xFFFFFFFF  }
0xa5: {  	s5 =	sld [smem:$0x0]  }
0xa6: {  	s6 =	sand.u32 $0xFFFFFFFE, s1  }
0xa7: {  	p0 =	sne.s32 s1, s6  }
0xa8: {  	s6 =	sshll.u32 @p0 s6, $0xE  }
0xa9: {  	s6 =	sadd.s32 @p0 $0x11B8D, s6;
	s7 =	sshll.u32 @p0 s5, $0x11  }
0xaa: {  	s6 =	sor.u32 @p0 s7, s6  }
0xab: {  	[sflag:s6] =	ssyncadd.remote.s32 @p0 $0x1;
	_ =	sdelay $0x1  }
0xac: {  	s6 =	simm.s32 @p0 $0x1B8D  }
0xad: {  	_ =	swait.eq @p0 [sflag:s6], $0x1  }
0xae: {  	[sflag:s6] =	ssyncadd.s32 @p0 $0xFFFFFFFF  }
0xaf: {  	s7 =	sshll.u32 @!p0 s1, $0xE  }
0xb0: {  	s7 =	sor.u32 @!p0 $0x4000, s7;
	s6 =	simm.s32 @!p0 $0x1B8D  }
0xb1: {  	s5 =	sshll.u32 @!p0 s5, $0x11;
	s7 =	sadd.s32 @!p0 $0x11B8D, s7;
	_ =	swait.eq @!p0 [sflag:s6], $0x1  }
0xb2: {  	s5 =	sor.u32 @!p0 s5, s7;
	[sflag:s6] =	ssyncadd.s32 @!p0 $0xFFFFFFFF  }
0xb3: {  	s25 =	simm.s32 $0x1B8E;
	s24 =	sld [smem:$0x3FFE];
	[sflag:s5] =	ssyncadd.remote.s32 @!p0 $0x1  }
0xb4: {  	s26 =	simm.s32 $execute0_lowered;
	[smem:$0x3FD2] =	sst s25  }
0xb5: {  	s6 =	sshll.u32 s26, $0x1;
	_ =	strace $0x8000005B;
	[dreg:$0x1] =	wrdreg $0xFFFFFFFF  }
0xb6: {  	s28 =	simm.s32 $_size_execute0_lowered;
	s4 =	sadd.s32 s4, s6;
	[dreg:$0x0] =	wrdreg $0x0  }
0xb7: {  	s6 =	sshll.u32 s28, $0x1;
	[dreg:$0x2] =	wrdreg s4  }
0xb8: {  	[dreg:$0x3] =	wrdreg s6  }
0xb9: {  	[dreg:$0x4] =	wrdreg $0xC0  }
0xba: {  	_ =	task [dreg:s22], $0x5FFFF  }
0xbb: {  	[dreg:$0x1] =	wrdreg $0xFFFFFFFF  }
0xbc: {  	[dreg:$0x0] =	wrdreg $0x60  }
0xbd: {  	[dreg:$0x2] =	wrdreg s24  }
0xbe: {  	[dreg:$0x3] =	wrdreg s18  }
0xbf: {  	[dreg:$0x4] =	wrdreg $0xF  }
0xc0: {  	_ =	task.clear_ibuf [dreg:s22], $0x5FFFF;
	_ =	strace $0x9000005B  }
0xc1: {  	s29 =	simm.s32 $0xF;
	_ =	strace $0x8000005D  }
0xc2: {  	_ =	swait.ge [sflag:s29], $0x1  }
0xc3: {  	[sflag:s29] =	ssyncadd.s32 $0xFFFFFFFF  }
0xc4: {  	_ =	strace $0x9000005D  }
0xc5: {  	_ =	sfence  }
0xc6: {  	s30 =	sld [smem:$0x0];
	_ =	sdelay $0x2  }
0xc7: {  	s31 =	sshll.u32 s1, $0xD;
	s1 =	sshrl.u32 s1, $0x2  }
0xc8: {  	s4 =	sand.u32 $0x4000, s31;
	s1 =	sadd.s32 s1, s30  }
0xc9: {  	s0 =	sor.u32 s4, s0;
	s1 =	sshll.u32 s1, $0x11  }
0xca: {  	s0 =	sor.u32 s1, s0  }
0xcb: {  	s0 =	sadd.s32 $0x8F2B, s0  }
0xcc: {  	[sflag:s0] =	ssyncadd.remote.s32 $0x1  }
0xcd: {  	_ =	sfence.sel $0xFFFF  }
0xce: {  	[dreg:$0x0] =	wrdreg $0xFFFFFFFF;
	(pc) =	sbr.abs _section_cstart, $3  }
0xcf: {  	[dreg:$0x1] =	wrdreg $0xFFFFFFFF  }
0xd0: {  	_ =	task.clear_ibuf [dreg:s22], $0x2FFFF;
	_ =	strace $0x9FFFFFFF  }
0xd1: {  	(tm) =	ssettm $0x7FFFFFFF  }
tec
execute0_lowered:
.L_overlay_start_1:
0x0: {  	(tag) =	ssettag $0x1  }
0x1: {  	s0 =	srdreg.scid;
	s1 =	rddreg [dreg:$0x0]  }
0x2: {  	s10 =	stileid.u32;
	s2 =	rddreg [dreg:$0x1];
	s31 =	simm.s32 $0x700  }
0x3: {  	s20 =	simm.s32 $0x1700;
	s28 =	simm.s32 $0x3F00;
	s29 =	simm.s32 $0x4700  }
0x4: {  	s30 =	simm.s32 $0x4F00;
	s11 =	simm.s32 $0x9700;
	s12 =	simm.s32 $0x9F00  }
0x5: {  	s13 =	simm.s32 $0xA700;
	s14 =	simm.s32 $0xAF00;
	s8 =	smul.u32 $0x38000, s10  }
0x6: {  	s0 =	sand.u32 $0x1, s0;
	s3 =	sshll.u32 s10, $0x1;
	s10 =	smul.u32 $0x1C0000, s10  }
0x7: {  	s15 =	simm.s32 $0x1;
	s16 =	simm.s32 $0x3;
	s21 =	smul.u32 $0xE0000, s0  }
0x8: {  	s4 =	sor.u32 s0, s3;
	s7 =	ssub.s32 $0x2, s0;
	s0 =	smul.u32 $0x1C000, s0  }
0x9: {  	s17 =	simm.s32 $0x2;
	s18 =	simm.s32 $0x4;
	s5 =	smul.u32 $0xE0, s4  }
0xa: {  	s19 =	simm.s32 $0x0;
	s3 =	simm.s32 $0x0;
	s6 =	smul.u32 $0xE0000, s4  }
0xb: {  	[smem:$0x7FF] =	sst s3;
	s4 =	smul.u32 $0x1C000, s4;
	s9 =	sshrl.u32 s7, $0x1  }
0xc: {  	_ =	strace $0x8000005C;
	s7 =	ssub.s32 s7, s9;
	s23 =	sadd.s32 s21, s10  }
0xd: {  	s21 =	simm.s32 $0xF00;
	s9 =	simm.s32 $0x8F00;
	s10 =	simm.s32 $0xB700  }
0xe: {  	[dreg:$0x9] =	wrdreg s19;
	s5 =	sadd.s32 s5, s1;
	s1 =	sadd.s32 $0xDB9200, s1  }
0xf: {  	s7 =	smax.u32 s7, $0x1;
	s6 =	sshrl.u32 s6, $0x3;
	s24 =	sor.u32 $0x10000, s23  }
0x10: {  	s23 =	simm.s32 $0x8700;
	s5 =	sadd.s32 $0xCD7600, s5;
	[dreg:$0x6] =	wrdreg s7  }
0x11: {  	s4 =	sadd.s32 s4, s1;
	s22 =	sadd.s32 s8, s1;
	s6 =	sadd.s32 s1, s6  }
0x12: {  	s25 =	sshrl.u32 s24, $0x3;
	s24 =	simm.s32 $0x2F00;
	s7 =	simm.s32 $0x7700  }
0x13: {  	s8 =	simm.s32 $0x7F00;
	[dreg:$0x5] =	wrdreg s5;
	s5 =	sadd.s32 $0x100, s2  }
0x14: {  	s0 =	sadd.s32 s0, s22;
	[dreg:$0x7] =	wrdreg s6;
	s4 =	sadd.s32 $0x1B000, s4  }
0x15: {  	s26 =	sadd.s32 s25, s1;
	s22 =	simm.s32 $0x1F00;
	s25 =	simm.s32 $0x3700  }
0x16: {  	v2 =	vlaneseq.u32;
	s1 =	simm.s32 $0x5700;
	s6 =	simm.s32 $0x6F00;
	[dreg:$0x8] =	wrdreg s4  }
0x17: {  	vm0 =	vmmov $0xffff;
	v1 =	vshrl.u32 v2, $0x3;
	s0 =	sadd.s32 $0x1000, s0;
	[dreg:$0x4] =	wrdreg s26;
	s26 =	simm.s32 $0x2700  }
0x18: {  	v0 =	vand.u32 $0x7, v2;
	v2 =	vor.u32 $0x8, v2;
	v1 =	vmul.u32 $0x8, v1;
	s4 =	simm.s32 $0x6700;
	[dreg:$0x3] =	wrdreg s0;
	s0 =	simm.s32 $0x5F00  }
.LBB2_1:
0x19: {  	s19 =	rddreg [dreg:$0x5]  }
0x1a: {  	[tilespmem:s3], [sflag:$0x5] =	stream.linear.gather [hbm4b:s19+s3], $0x700, $0x38;
	[tilespmem:$0x10700] =	vst v63  }
0x1b: {  	s19 =	simm.s32 $0x5  }
0x1c: {  	_ =	swait.ge [sflag:s19], $0x700  }
0x1d: {  	[sflag:s19] =	ssyncset.done $0x0  }
0x1e: {  	[sflag:s19] =	ssyncadd.s32 $0xFFFFF900  }
0x1f: {  	v3 =	vld [tilespmem:$0x0];
	_ =	sdelay $0x4  }
0x20: {  	v4 =	vshll.u32 v3, $0x2  }
0x21: {  	v3 =	vand.u32 $0x7, v3;
	v4 =	vand.u32 $0xFFFFFFE0, v4  }
0x22: {  	v3 =	vor.u32 v3, v4  }
0x23: {  	v4 =	vperm.xlane v3, v0;
	_ =	sdelay $0x1  }
0x24: {  	v4 =	vadd.s32 v1, v4;
	_ =	sdelay $0x1  }
0x25: {  	v3 =	vperm.xlane v3, v2;
	_ =	sdelay $0x1  }
0x26: {  	v3 =	vadd.s32 v1, v3  }
0x27: {  	[tilespmem:s31], [sflag:$0x1] =	stream.indirect_vreg.gather [hbm4b:s2+s3], $0x80, v4, vm0, $0xb8;
	[tilespmem:$0x10700] =	vst v63  }
0x28: {  	_ = 	snop  }
0x29: {  	[tilespmem:s21], [sflag:$0x1] =	stream.indirect_vreg.gather [hbm4b:s5+s3], $0x80, v4, vm0, $0xb8;
	[tilespmem:$0x10700] =	vst v63  }
0x2a: {  	_ = 	snop  }
0x2b: {  	[tilespmem:s20], [sflag:$0x1] =	stream.indirect_vreg.gather [hbm4b:s2+s3], $0x80, v3, vm0, $0xb8;
	[tilespmem:$0x10700] =	vst v63  }
0x2c: {  	_ = 	snop  }
0x2d: {  	[tilespmem:s22], [sflag:$0x1] =	stream.indirect_vreg.gather [hbm4b:s5+s3], $0x80, v3, vm0, $0xb8;
	[tilespmem:$0x10700] =	vst v63  }
0x2e: {  	v3 =	vld [tilespmem:$0x10];
	_ =	sdelay $0x4  }
0x2f: {  	v57 =	vshll.u32 v3, $0x2  }
0x30: {  	v3 =	vand.u32 $0x7, v3;
	v4 =	vand.u32 $0xFFFFFFE0, v57  }
0x31: {  	v3 =	vor.u32 v3, v4  }
0x32: {  	v4 =	vperm.xlane v3, v0;
	_ =	sdelay $0x1  }
0x33: {  	v4 =	vadd.s32 v1, v4;
	_ =	sdelay $0x1  }
0x34: {  	v3 =	vperm.xlane v3, v2;
	_ =	sdelay $0x1  }
0x35: {  	v3 =	vadd.s32 v1, v3  }
0x36: {  	[tilespmem:s26], [sflag:$0x1] =	stream.indirect_vreg.gather [hbm4b:s2+s3], $0x80, v4, vm0, $0xb8;
	[tilespmem:$0x10700] =	vst v63  }
0x37: {  	_ = 	snop  }
0x38: {  	[tilespmem:s24], [sflag:$0x1] =	stream.indirect_vreg.gather [hbm4b:s5+s3], $0x80, v4, vm0, $0xb8;
	[tilespmem:$0x10700] =	vst v63  }
0x39: {  	_ = 	snop  }
0x3a: {  	[tilespmem:s25], [sflag:$0x1] =	stream.indirect_vreg.gather [hbm4b:s2+s3], $0x80, v3, vm0, $0xb8;
	[tilespmem:$0x10700] =	vst v63  }
0x3b: {  	_ = 	snop  }
0x3c: {  	[tilespmem:s28], [sflag:$0x1] =	stream.indirect_vreg.gather [hbm4b:s5+s3], $0x80, v3, vm0, $0xb8;
	[tilespmem:$0x10700] =	vst v63  }
0x3d: {  	v3 =	vld [tilespmem:$0x20];
	_ =	sdelay $0x4  }
0x3e: {  	v58 =	vshll.u32 v3, $0x2  }
0x3f: {  	v3 =	vand.u32 $0x7, v3;
	v4 =	vand.u32 $0xFFFFFFE0, v58  }
0x40: {  	v3 =	vor.u32 v3, v4  }
0x41: {  	v4 =	vperm.xlane v3, v0;
	_ =	sdelay $0x1  }
0x42: {  	v4 =	vadd.s32 v1, v4;
	_ =	sdelay $0x1  }
0x43: {  	v3 =	vperm.xlane v3, v2;
	_ =	sdelay $0x1  }
0x44: {  	v3 =	vadd.s32 v1, v3  }
0x45: {  	[tilespmem:s29], [sflag:$0x1] =	stream.indirect_vreg.gather [hbm4b:s2+s3], $0x80, v4, vm0, $0xb8;
	[tilespmem:$0x10700] =	vst v63  }
0x46: {  	_ = 	snop  }
0x47: {  	[tilespmem:s30], [sflag:$0x1] =	stream.indirect_vreg.gather [hbm4b:s5+s3], $0x80, v4, vm0, $0xb8;
	[tilespmem:$0x10700] =	vst v63  }
0x48: {  	_ = 	snop  }
0x49: {  	[tilespmem:s1], [sflag:$0x1] =	stream.indirect_vreg.gather [hbm4b:s2+s3], $0x80, v3, vm0, $0xb8;
	[tilespmem:$0x10700] =	vst v63  }
0x4a: {  	_ = 	snop  }
0x4b: {  	[tilespmem:s0], [sflag:$0x1] =	stream.indirect_vreg.gather [hbm4b:s5+s3], $0x80, v3, vm0, $0xb8;
	[tilespmem:$0x10700] =	vst v63  }
0x4c: {  	v3 =	vld [tilespmem:$0x30];
	_ =	sdelay $0x4  }
0x4d: {  	v59 =	vshll.u32 v3, $0x2  }
0x4e: {  	v3 =	vand.u32 $0x7, v3;
	v4 =	vand.u32 $0xFFFFFFE0, v59  }
0x4f: {  	v3 =	vor.u32 v3, v4  }
0x50: {  	v4 =	vperm.xlane v3, v0;
	_ =	sdelay $0x1  }
0x51: {  	v4 =	vadd.s32 v1, v4;
	_ =	sdelay $0x1  }
0x52: {  	v3 =	vperm.xlane v3, v2;
	_ =	sdelay $0x1  }
0x53: {  	v3 =	vadd.s32 v1, v3  }
0x54: {  	[tilespmem:s4], [sflag:$0x1] =	stream.indirect_vreg.gather [hbm4b:s2+s3], $0x80, v4, vm0, $0xb8;
	[tilespmem:$0x10700] =	vst v63  }
0x55: {  	_ = 	snop  }
0x56: {  	[tilespmem:s6], [sflag:$0x1] =	stream.indirect_vreg.gather [hbm4b:s5+s3], $0x80, v4, vm0, $0xb8;
	[tilespmem:$0x10700] =	vst v63  }
0x57: {  	_ = 	snop  }
0x58: {  	[tilespmem:s7], [sflag:$0x1] =	stream.indirect_vreg.gather [hbm4b:s2+s3], $0x80, v3, vm0, $0xb8;
	[tilespmem:$0x10700] =	vst v63  }
0x59: {  	_ = 	snop  }
0x5a: {  	[tilespmem:s8], [sflag:$0x1] =	stream.indirect_vreg.gather [hbm4b:s5+s3], $0x80, v3, vm0, $0xb8;
	[tilespmem:$0x10700] =	vst v63  }
0x5b: {  	v3 =	vld [tilespmem:$0x40];
	_ =	sdelay $0x4  }
0x5c: {  	v60 =	vshll.u32 v3, $0x2  }
0x5d: {  	v3 =	vand.u32 $0x7, v3;
	v4 =	vand.u32 $0xFFFFFFE0, v60  }
0x5e: {  	v3 =	vor.u32 v3, v4  }
0x5f: {  	v4 =	vperm.xlane v3, v0;
	_ =	sdelay $0x1  }
0x60: {  	v4 =	vadd.s32 v1, v4;
	_ =	sdelay $0x1  }
0x61: {  	v3 =	vperm.xlane v3, v2;
	_ =	sdelay $0x1  }
0x62: {  	v3 =	vadd.s32 v1, v3  }
0x63: {  	[tilespmem:s23], [sflag:$0x2] =	stream.indirect_vreg.gather [hbm4b:s2+s3], $0x80, v4, vm0, $0xb8;
	[tilespmem:$0x10700] =	vst v63  }
0x64: {  	_ = 	snop  }
0x65: {  	[tilespmem:s9], [sflag:$0x2] =	stream.indirect_vreg.gather [hbm4b:s5+s3], $0x80, v4, vm0, $0xb8;
	[tilespmem:$0x10700] =	vst v63  }
0x66: {  	_ = 	snop  }
0x67: {  	[tilespmem:s11], [sflag:$0x2] =	stream.indirect_vreg.gather [hbm4b:s2+s3], $0x80, v3, vm0, $0xb8;
	[tilespmem:$0x10700] =	vst v63  }
0x68: {  	_ = 	snop  }
0x69: {  	[tilespmem:s12], [sflag:$0x2] =	stream.indirect_vreg.gather [hbm4b:s5+s3], $0x80, v3, vm0, $0xb8;
	[tilespmem:$0x10700] =	vst v63  }
0x6a: {  	v3 =	vld [tilespmem:$0x50];
	_ =	sdelay $0x4  }
0x6b: {  	v61 =	vshll.u32 v3, $0x2  }
0x6c: {  	v3 =	vand.u32 $0x7, v3;
	v4 =	vand.u32 $0xFFFFFFE0, v61  }
0x6d: {  	v3 =	vor.u32 v3, v4  }
0x6e: {  	v4 =	vperm.xlane v3, v0;
	_ =	sdelay $0x1  }
0x6f: {  	v4 =	vadd.s32 v1, v4;
	_ =	sdelay $0x1  }
0x70: {  	v3 =	vperm.xlane v3, v2;
	_ =	sdelay $0x1  }
0x71: {  	v3 =	vadd.s32 v1, v3  }
0x72: {  	[tilespmem:s13], [sflag:$0x2] =	stream.indirect_vreg.gather [hbm4b:s2+s3], $0x80, v4, vm0, $0xb8;
	[tilespmem:$0x10700] =	vst v63  }
0x73: {  	_ = 	snop  }
0x74: {  	[tilespmem:s14], [sflag:$0x2] =	stream.indirect_vreg.gather [hbm4b:s5+s3], $0x80, v4, vm0, $0xb8;
	[tilespmem:$0x10700] =	vst v63  }
0x75: {  	_ = 	snop  }
0x76: {  	[tilespmem:s10], [sflag:$0x2] =	stream.indirect_vreg.gather [hbm4b:s2+s3], $0x80, v3, vm0, $0xb8;
	[tilespmem:$0x10700] =	vst v63  }
0x77: {  	s12 =	simm.s32 $0xBF00  }
0x78: {  	[tilespmem:s12], [sflag:$0x2] =	stream.indirect_vreg.gather [hbm4b:s5+s3], $0x80, v3, vm0, $0xb8;
	[tilespmem:$0x10700] =	vst v63  }
0x79: {  	v3 =	vld [tilespmem:$0x60];
	_ =	sdelay $0x4  }
0x7a: {  	v62 =	vshll.u32 v3, $0x2  }
0x7b: {  	v3 =	vand.u32 $0x7, v3;
	v4 =	vand.u32 $0xFFFFFFE0, v62  }
0x7c: {  	v3 =	vor.u32 v3, v4  }
0x7d: {  	v4 =	vperm.xlane v3, v0;
	_ =	sdelay $0x1  }
0x7e: {  	v4 =	vadd.s32 v1, v4;
	_ =	sdelay $0x1  }
0x7f: {  	v3 =	vperm.xlane v3, v2;
	_ =	sdelay $0x1  }
0x80: {  	s13 =	simm.s32 $0xC700;
	v3 =	vadd.s32 v1, v3  }
0x81: {  	[tilespmem:s13], [sflag:$0x2] =	stream.indirect_vreg.gather [hbm4b:s2+s3], $0x80, v4, vm0, $0xb8;
	[tilespmem:$0x10700] =	vst v63  }
0x82: {  	s14 =	simm.s32 $0xCF00  }
0x83: {  	[tilespmem:s14], [sflag:$0x2] =	stream.indirect_vreg.gather [hbm4b:s5+s3], $0x80, v4, vm0, $0xb8;
	[tilespmem:$0x10700] =	vst v63  }
0x84: {  	s19 =	simm.s32 $0xD700  }
0x85: {  	[tilespmem:s19], [sflag:$0x2] =	stream.indirect_vreg.gather [hbm4b:s2+s3], $0x80, v3, vm0, $0xb8;
	[tilespmem:$0x10700] =	vst v63  }
0x86: {  	s20 =	simm.s32 $0xDF00  }
0x87: {  	[tilespmem:s20], [sflag:$0x2] =	stream.indirect_vreg.gather [hbm4b:s5+s3], $0x80, v3, vm0, $0xb8;
	[tilespmem:$0x10700] =	vst v63  }
0x88: {  	v3 =	vld [tilespmem:$0x70];
	_ =	sdelay $0x4  }
0x89: {  	v63 =	vshll.u32 v3, $0x2  }
0x8a: {  	v3 =	vand.u32 $0x7, v3;
	v4 =	vand.u32 $0xFFFFFFE0, v63  }
0x8b: {  	v3 =	vor.u32 v3, v4  }
0x8c: {  	v4 =	vperm.xlane v3, v0;
	_ =	sdelay $0x1  }
0x8d: {  	v4 =	vadd.s32 v1, v4;
	_ =	sdelay $0x1  }
0x8e: {  	s22 =	simm.s32 $0xE700;
	s24 =	simm.s32 $0xF700;
	v3 =	vperm.xlane v3, v2  }
0x8f: {  	s25 =	simm.s32 $0xFF00;
	s28 =	simm.s32 $0x3700;
	s29 =	simm.s32 $0x3F00  }
0x90: {  	s30 =	simm.s32 $0x4700;
	s1 =	simm.s32 $0x5700;
	s0 =	simm.s32 $0x5F00;
	v3 =	vadd.s32 v1, v3  }
0x91: {  	[tilespmem:s22], [sflag:$0x2] =	stream.indirect_vreg.gather [hbm4b:s2+s3], $0x80, v4, vm0, $0xb8;
	[tilespmem:$0x10700] =	vst v63  }
0x92: {  	s4 =	simm.s32 $0x6700;
	s6 =	simm.s32 $0x6F00;
	s23 =	simm.s32 $0xEF00  }
0x93: {  	[tilespmem:s23], [sflag:$0x2] =	stream.indirect_vreg.gather [hbm4b:s5+s3], $0x80, v4, vm0, $0xb8;
	[tilespmem:$0x10700] =	vst v63  }
0x94: {  	s7 =	simm.s32 $0x7700;
	s8 =	simm.s32 $0x7F00;
	s9 =	simm.s32 $0x8F00  }
0x95: {  	[tilespmem:s24], [sflag:$0x2] =	stream.indirect_vreg.gather [hbm4b:s2+s3], $0x80, v3, vm0, $0xb8;
	[tilespmem:$0x10700] =	vst v63  }
0x96: {  	s11 =	simm.s32 $0x9700;
	s10 =	simm.s32 $0xB700;
	s12 =	simm.s32 $0x9F00  }
0x97: {  	[tilespmem:s25], [sflag:$0x2] =	stream.indirect_vreg.gather [hbm4b:s5+s3], $0x80, v3, vm0, $0xb8;
	[tilespmem:$0x10700] =	vst v63  }
0x98: {  	s13 =	simm.s32 $0xA700;
	s14 =	simm.s32 $0xAF00;
	_ =	swait.ge [sflag:s15], $0x8000  }
0x99: {  	s19 =	simm.s32 $0xF0;
	s20 =	simm.s32 $0x0;
	[sflag:s15] =	ssyncset.done $0x0  }
0x9a: {  	s22 =	simm.s32 $0x1700;
	s26 =	rddreg [dreg:$0x7];
	[sflag:s15] =	ssyncadd.s32 $0xFFFF8000  }
0x9b: {  	[hbm4b:s26+s3] =	stream.linear.scatter [tilespmem:s31], [sflag:$0x3], $0x8000, $0x38;
	[tilespmem:$0x10700] =	vst v63  }
0x9c: {  	s24 =	simm.s32 $0x2700;
	s26 =	simm.s32 $0x700;
	s31 =	simm.s32 $0x4F00  }
.LBB2_2:
0x9d: {  	_ =	swait.ge [sflag:s16], $0x8000  }
0x9e: {  	[sflag:s16] =	ssyncset.done $0x0  }
0x9f: {  	[sflag:s16] =	ssyncadd.s32 $0xFFFF8000  }
0xa0: {  	v3 =	vld [tilespmem:s19+$0xFFFFFF90];
	_ =	sdelay $0x4  }
0xa1: {  	v4 =	vshll.u32 v3, $0x2  }
0xa2: {  	v3 =	vand.u32 $0x7, v3;
	v4 =	vand.u32 $0xFFFFFFE0, v4  }
0xa3: {  	v3 =	vor.u32 v3, v4  }
0xa4: {  	v4 =	vperm.xlane v3, v0;
	_ =	sdelay $0x1  }
0xa5: {  	v4 =	vadd.s32 v1, v4;
	_ =	sdelay $0x1  }
0xa6: {  	v3 =	vperm.xlane v3, v2;
	_ =	sdelay $0x1  }
0xa7: {  	v3 =	vadd.s32 v1, v3  }
0xa8: {  	[tilespmem:s26], [sflag:$0x1] =	stream.indirect_vreg.gather [hbm4b:s2+s3], $0x80, v4, vm0, $0xb8;
	[tilespmem:$0x10700] =	vst v63  }
0xa9: {  	_ = 	snop  }
0xaa: {  	[tilespmem:s21], [sflag:$0x1] =	stream.indirect_vreg.gather [hbm4b:s5+s3], $0x80, v4, vm0, $0xb8;
	[tilespmem:$0x10700] =	vst v63  }
0xab: {  	_ = 	snop  }
0xac: {  	[tilespmem:s22], [sflag:$0x1] =	stream.indirect_vreg.gather [hbm4b:s2+s3], $0x80, v3, vm0, $0xb8;
	[tilespmem:$0x10700] =	vst v63  }
0xad: {  	s23 =	simm.s32 $0x1F00  }
0xae: {  	[tilespmem:s23], [sflag:$0x1] =	stream.indirect_vreg.gather [hbm4b:s5+s3], $0x80, v3, vm0, $0xb8;
	[tilespmem:$0x10700] =	vst v63  }
0xaf: {  	v3 =	vld [tilespmem:s19+$0xFFFFFFA0];
	_ =	sdelay $0x4  }
0xb0: {  	v57 =	vshll.u32 v3, $0x2  }
0xb1: {  	v3 =	vand.u32 $0x7, v3;
	v4 =	vand.u32 $0xFFFFFFE0, v57  }
0xb2: {  	v3 =	vor.u32 v3, v4  }
0xb3: {  	v4 =	vperm.xlane v3, v0;
	_ =	sdelay $0x1  }
0xb4: {  	v4 =	vadd.s32 v1, v4;
	_ =	sdelay $0x1  }
0xb5: {  	v3 =	vperm.xlane v3, v2;
	_ =	sdelay $0x1  }
0xb6: {  	v3 =	vadd.s32 v1, v3  }
0xb7: {  	[tilespmem:s24], [sflag:$0x1] =	stream.indirect_vreg.gather [hbm4b:s2+s3], $0x80, v4, vm0, $0xb8;
	[tilespmem:$0x10700] =	vst v63  }
0xb8: {  	s25 =	simm.s32 $0x2F00  }
0xb9: {  	[tilespmem:s25], [sflag:$0x1] =	stream.indirect_vreg.gather [hbm4b:s5+s3], $0x80, v4, vm0, $0xb8;
	[tilespmem:$0x10700] =	vst v63  }
0xba: {  	_ = 	snop  }
0xbb: {  	[tilespmem:s28], [sflag:$0x1] =	stream.indirect_vreg.gather [hbm4b:s2+s3], $0x80, v3, vm0, $0xb8;
	[tilespmem:$0x10700] =	vst v63  }
0xbc: {  	_ = 	snop  }
0xbd: {  	[tilespmem:s29], [sflag:$0x1] =	stream.indirect_vreg.gather [hbm4b:s5+s3], $0x80, v3, vm0, $0xb8;
	[tilespmem:$0x10700] =	vst v63  }
0xbe: {  	v3 =	vld [tilespmem:s19+$0xFFFFFFB0];
	_ =	sdelay $0x4  }
0xbf: {  	v58 =	vshll.u32 v3, $0x2  }
0xc0: {  	v3 =	vand.u32 $0x7, v3;
	v4 =	vand.u32 $0xFFFFFFE0, v58  }
0xc1: {  	v3 =	vor.u32 v3, v4  }
0xc2: {  	v4 =	vperm.xlane v3, v0;
	_ =	sdelay $0x1  }
0xc3: {  	v4 =	vadd.s32 v1, v4;
	_ =	sdelay $0x1  }
0xc4: {  	v3 =	vperm.xlane v3, v2;
	_ =	sdelay $0x1  }
0xc5: {  	v3 =	vadd.s32 v1, v3  }
0xc6: {  	[tilespmem:s30], [sflag:$0x1] =	stream.indirect_vreg.gather [hbm4b:s2+s3], $0x80, v4, vm0, $0xb8;
	[tilespmem:$0x10700] =	vst v63  }
0xc7: {  	_ = 	snop  }
0xc8: {  	[tilespmem:s31], [sflag:$0x1] =	stream.indirect_vreg.gather [hbm4b:s5+s3], $0x80, v4, vm0, $0xb8;
	[tilespmem:$0x10700] =	vst v63  }
0xc9: {  	_ = 	snop  }
0xca: {  	[tilespmem:s1], [sflag:$0x1] =	stream.indirect_vreg.gather [hbm4b:s2+s3], $0x80, v3, vm0, $0xb8;
	[tilespmem:$0x10700] =	vst v63  }
0xcb: {  	_ = 	snop  }
0xcc: {  	[tilespmem:s0], [sflag:$0x1] =	stream.indirect_vreg.gather [hbm4b:s5+s3], $0x80, v3, vm0, $0xb8;
	[tilespmem:$0x10700] =	vst v63  }
0xcd: {  	v3 =	vld [tilespmem:s19+$0xFFFFFFC0];
	_ =	sdelay $0x4  }
0xce: {  	v59 =	vshll.u32 v3, $0x2  }
0xcf: {  	v3 =	vand.u32 $0x7, v3;
	v4 =	vand.u32 $0xFFFFFFE0, v59  }
0xd0: {  	v3 =	vor.u32 v3, v4  }
0xd1: {  	v4 =	vperm.xlane v3, v0;
	_ =	sdelay $0x1  }
0xd2: {  	v4 =	vadd.s32 v1, v4;
	_ =	sdelay $0x1  }
0xd3: {  	v3 =	vperm.xlane v3, v2;
	_ =	sdelay $0x1  }
0xd4: {  	v3 =	vadd.s32 v1, v3  }
0xd5: {  	[tilespmem:s4], [sflag:$0x1] =	stream.indirect_vreg.gather [hbm4b:s2+s3], $0x80, v4, vm0, $0xb8;
	[tilespmem:$0x10700] =	vst v63  }
0xd6: {  	_ = 	snop  }
0xd7: {  	[tilespmem:s6], [sflag:$0x1] =	stream.indirect_vreg.gather [hbm4b:s5+s3], $0x80, v4, vm0, $0xb8;
	[tilespmem:$0x10700] =	vst v63  }
0xd8: {  	_ = 	snop  }
0xd9: {  	[tilespmem:s7], [sflag:$0x1] =	stream.indirect_vreg.gather [hbm4b:s2+s3], $0x80, v3, vm0, $0xb8;
	[tilespmem:$0x10700] =	vst v63  }
0xda: {  	_ = 	snop  }
0xdb: {  	[tilespmem:s8], [sflag:$0x1] =	stream.indirect_vreg.gather [hbm4b:s5+s3], $0x80, v3, vm0, $0xb8;
	[tilespmem:$0x10700] =	vst v63  }
0xdc: {  	_ =	swait.ge [sflag:s17], $0x8000  }
0xdd: {  	s23 =	rddreg [dreg:$0x3];
	[sflag:s17] =	ssyncset.done $0x0  }
0xde: {  	s25 =	simm.s32 $0x8700;
	[sflag:s17] =	ssyncadd.s32 $0xFFFF8000;
	s21 =	sadd.s32 s20, s23  }
0xdf: {  	[hbm4b:s21+s3] =	stream.linear.scatter [tilespmem:s25], [sflag:$0x4], $0x8000, $0x38;
	[tilespmem:$0x10700] =	vst v63  }
0xe0: {  	_ =	swait.ge [sflag:s18], $0x8000  }
0xe1: {  	[sflag:s18] =	ssyncset.done $0x0  }
0xe2: {  	[sflag:s18] =	ssyncadd.s32 $0xFFFF8000  }
0xe3: {  	v3 =	vld [tilespmem:s19+$0xFFFFFFD0];
	_ =	sdelay $0x4  }
0xe4: {  	v60 =	vshll.u32 v3, $0x2  }
0xe5: {  	v3 =	vand.u32 $0x7, v3;
	v4 =	vand.u32 $0xFFFFFFE0, v60  }
0xe6: {  	v3 =	vor.u32 v3, v4  }
0xe7: {  	v4 =	vperm.xlane v3, v0;
	_ =	sdelay $0x1  }
0xe8: {  	v4 =	vadd.s32 v1, v4;
	_ =	sdelay $0x1  }
0xe9: {  	v3 =	vperm.xlane v3, v2;
	_ =	sdelay $0x1  }
0xea: {  	v3 =	vadd.s32 v1, v3  }
0xeb: {  	[tilespmem:s25], [sflag:$0x2] =	stream.indirect_vreg.gather [hbm4b:s2+s3], $0x80, v4, vm0, $0xb8;
	[tilespmem:$0x10700] =	vst v63  }
0xec: {  	_ = 	snop  }
0xed: {  	[tilespmem:s9], [sflag:$0x2] =	stream.indirect_vreg.gather [hbm4b:s5+s3], $0x80, v4, vm0, $0xb8;
	[tilespmem:$0x10700] =	vst v63  }
0xee: {  	_ = 	snop  }
0xef: {  	[tilespmem:s11], [sflag:$0x2] =	stream.indirect_vreg.gather [hbm4b:s2+s3], $0x80, v3, vm0, $0xb8;
	[tilespmem:$0x10700] =	vst v63  }
0xf0: {  	_ = 	snop  }
0xf1: {  	[tilespmem:s12], [sflag:$0x2] =	stream.indirect_vreg.gather [hbm4b:s5+s3], $0x80, v3, vm0, $0xb8;
	[tilespmem:$0x10700] =	vst v63  }
0xf2: {  	v3 =	vld [tilespmem:s19+$0xFFFFFFE0];
	_ =	sdelay $0x4  }
0xf3: {  	v61 =	vshll.u32 v3, $0x2  }
0xf4: {  	v3 =	vand.u32 $0x7, v3;
	v4 =	vand.u32 $0xFFFFFFE0, v61  }
0xf5: {  	v3 =	vor.u32 v3, v4  }
0xf6: {  	v4 =	vperm.xlane v3, v0;
	_ =	sdelay $0x1  }
0xf7: {  	v4 =	vadd.s32 v1, v4;
	_ =	sdelay $0x1  }
0xf8: {  	v3 =	vperm.xlane v3, v2;
	_ =	sdelay $0x1  }
0xf9: {  	v3 =	vadd.s32 v1, v3  }
0xfa: {  	[tilespmem:s13], [sflag:$0x2] =	stream.indirect_vreg.gather [hbm4b:s2+s3], $0x80, v4, vm0, $0xb8;
	[tilespmem:$0x10700] =	vst v63  }
0xfb: {  	_ = 	snop  }
0xfc: {  	[tilespmem:s14], [sflag:$0x2] =	stream.indirect_vreg.gather [hbm4b:s5+s3], $0x80, v4, vm0, $0xb8;
	[tilespmem:$0x10700] =	vst v63  }
0xfd: {  	_ = 	snop  }
0xfe: {  	[tilespmem:s10], [sflag:$0x2] =	stream.indirect_vreg.gather [hbm4b:s2+s3], $0x80, v3, vm0, $0xb8;
	[tilespmem:$0x10700] =	vst v63  }
0xff: {  	s25 =	simm.s32 $0xBF00  }
0x100: {  	[tilespmem:s25], [sflag:$0x2] =	stream.indirect_vreg.gather [hbm4b:s5+s3], $0x80, v3, vm0, $0xb8;
	[tilespmem:$0x10700] =	vst v63  }
0x101: {  	v3 =	vld [tilespmem:s19+$0xFFFFFFF0];
	_ =	sdelay $0x4  }
0x102: {  	v62 =	vshll.u32 v3, $0x2  }
0x103: {  	v3 =	vand.u32 $0x7, v3;
	v4 =	vand.u32 $0xFFFFFFE0, v62  }
0x104: {  	v3 =	vor.u32 v3, v4  }
0x105: {  	v4 =	vperm.xlane v3, v0;
	_ =	sdelay $0x1  }
0x106: {  	v4 =	vadd.s32 v1, v4;
	_ =	sdelay $0x1  }
0x107: {  	v3 =	vperm.xlane v3, v2;
	_ =	sdelay $0x1  }
0x108: {  	s25 =	simm.s32 $0xC700;
	v3 =	vadd.s32 v1, v3  }
0x109: {  	[tilespmem:s25], [sflag:$0x2] =	stream.indirect_vreg.gather [hbm4b:s2+s3], $0x80, v4, vm0, $0xb8;
	[tilespmem:$0x10700] =	vst v63  }
0x10a: {  	s25 =	simm.s32 $0xCF00  }
0x10b: {  	[tilespmem:s25], [sflag:$0x2] =	stream.indirect_vreg.gather [hbm4b:s5+s3], $0x80, v4, vm0, $0xb8;
	[tilespmem:$0x10700] =	vst v63  }
0x10c: {  	s25 =	simm.s32 $0xD700  }
0x10d: {  	[tilespmem:s25], [sflag:$0x2] =	stream.indirect_vreg.gather [hbm4b:s2+s3], $0x80, v3, vm0, $0xb8;
	[tilespmem:$0x10700] =	vst v63  }
0x10e: {  	s25 =	simm.s32 $0xDF00  }
0x10f: {  	[tilespmem:s25], [sflag:$0x2] =	stream.indirect_vreg.gather [hbm4b:s5+s3], $0x80, v3, vm0, $0xb8;
	[tilespmem:$0x10700] =	vst v63  }
0x110: {  	v3 =	vld [tilespmem:s19+$0x0];
	_ =	sdelay $0x4  }
0x111: {  	v63 =	vshll.u32 v3, $0x2  }
0x112: {  	v3 =	vand.u32 $0x7, v3;
	v4 =	vand.u32 $0xFFFFFFE0, v63  }
0x113: {  	v3 =	vor.u32 v3, v4  }
0x114: {  	v4 =	vperm.xlane v3, v0;
	_ =	sdelay $0x1  }
0x115: {  	v4 =	vadd.s32 v1, v4;
	_ =	sdelay $0x1  }
0x116: {  	v3 =	vperm.xlane v3, v2;
	_ =	sdelay $0x1  }
0x117: {  	s25 =	simm.s32 $0xE700;
	v3 =	vadd.s32 v1, v3  }
0x118: {  	[tilespmem:s25], [sflag:$0x2] =	stream.indirect_vreg.gather [hbm4b:s2+s3], $0x80, v4, vm0, $0xb8;
	[tilespmem:$0x10700] =	vst v63  }
0x119: {  	s25 =	simm.s32 $0xEF00  }
0x11a: {  	[tilespmem:s25], [sflag:$0x2] =	stream.indirect_vreg.gather [hbm4b:s5+s3], $0x80, v4, vm0, $0xb8;
	[tilespmem:$0x10700] =	vst v63  }
0x11b: {  	s25 =	simm.s32 $0xF700  }
0x11c: {  	[tilespmem:s25], [sflag:$0x2] =	stream.indirect_vreg.gather [hbm4b:s2+s3], $0x80, v3, vm0, $0xb8;
	[tilespmem:$0x10700] =	vst v63  }
0x11d: {  	p0 =	sne.s32 s20, $0x18000;
	s25 =	simm.s32 $0xFF00  }
0x11e: {  	[tilespmem:s25], [sflag:$0x2] =	stream.indirect_vreg.gather [hbm4b:s5+s3], $0x80, v3, vm0, $0xb8;
	[tilespmem:$0x10700] =	vst v63  }
.Ltmp0:
0x11f: {  	_ =	swait.ge [sflag:s15], $0x8000;
	(pc) =	sbr.rel @p0 .LBB2_2-.Ltmp0, $4  }
0x120: {  	s25 =	rddreg [dreg:$0x4];
	[sflag:s15] =	ssyncset.done $0x0  }
0x121: {  	s23 =	simm.s32 $0x8700;
	[sflag:s15] =	ssyncadd.s32 $0xFFFF8000;
	s21 =	sadd.s32 s20, s25  }
0x122: {  	[hbm4b:s21+s3] =	stream.linear.scatter [tilespmem:s26], [sflag:$0x3], $0x8000, $0x38;
	[tilespmem:$0x10700] =	vst v63  }
0x123: {  	s19 =	sadd.s32 $0x80, s19;
	s20 =	sadd.s32 $0x2000, s20;
	s21 =	simm.s32 $0xF00  }
0x124: {  	_ =	swait.ge [sflag:s17], $0x8000  }
0x125: {  	[sflag:s17] =	ssyncset.done $0x0  }
0x126: {  	s19 =	rddreg [dreg:$0x8];
	[sflag:s17] =	ssyncadd.s32 $0xFFFF8000  }
0x127: {  	[hbm4b:s19+s3] =	stream.linear.scatter [tilespmem:s23], [sflag:$0x4], $0x8000, $0x38;
	[tilespmem:$0x10700] =	vst v63  }
0x128: {  	_ =	swait.ge [sflag:s16], $0x8000  }
0x129: {  	s20 =	simm.s32 $0x1700;
	[sflag:s16] =	ssyncset.done $0x0  }
0x12a: {  	s22 =	simm.s32 $0x1F00;
	s24 =	simm.s32 $0x2F00;
	[sflag:s16] =	ssyncadd.s32 $0xFFFF8000  }
0x12b: {  	s25 =	simm.s32 $0x3700;
	s28 =	simm.s32 $0x3F00;
	_ =	swait.ge [sflag:s18], $0x8000  }
0x12c: {  	s29 =	simm.s32 $0x4700;
	s30 =	simm.s32 $0x4F00;
	s0 =	rddreg [dreg:$0x9]  }
0x12d: {  	s1 =	simm.s32 $0x5700;
	s26 =	rddreg [dreg:$0x6];
	s0 =	sadd.s32 $0x1, s0  }
0x12e: {  	s4 =	simm.s32 $0x6700;
	s6 =	simm.s32 $0x6F00;
	p0 =	sne.s32 s0, s26  }
.Ltmp1:
0x12f: {  	s7 =	simm.s32 $0x7700;
	s8 =	simm.s32 $0x7F00;
	(pc) =	sbr.rel @p0 .LBB2_1-.Ltmp1, $4  }
0x130: {  	s9 =	simm.s32 $0x8F00;
	s11 =	simm.s32 $0x9700;
	s12 =	simm.s32 $0x9F00  }
0x131: {  	s13 =	simm.s32 $0xA700;
	s14 =	simm.s32 $0xAF00;
	[sflag:s18] =	ssyncset.done $0x0  }
0x132: {  	s10 =	simm.s32 $0xB700;
	s31 =	simm.s32 $0x700;
	[sflag:s18] =	ssyncadd.s32 $0xFFFF8000  }
0x133: {  	[dreg:$0x9] =	wrdreg s0;
	s26 =	simm.s32 $0x2700;
	s0 =	simm.s32 $0x5F00  }
0x134: {  	_ =	sfence.sel $0x180000  }
0x135: {  	[bflag:$0x0] =	sbarrier.arrive $0xFFFF  }
0x136: {  	_ =	strace $0x9000005C  }
0x137: {  	s0 =	stileid.u32;
	[bflag:$0x2] =	sbarrier.arrive $0xFFFF  }
0x138: {  	p0 =	sne.s32 s0, $0x0;
	s0 =	rddreg [dreg:$0x2]  }
0x139: {  	s0 =	sadd.s32 @!p0 $0x100000, s0  }
0x13a: {  	[sflag:s0] =	ssyncadd.tile.s32 @!p0 $0x1;
	_ =	shalt  }
.Lfunc_end2:
_tile_overlayer_lowered:
.L_overlay_start_2:
0x13b: {  	(tag) =	ssettag $0x2  }
0x13c: {  	s0 =	rddreg [dreg:$0x0];
	s2 =	stileid.u32  }
0x13d: {  	s1 =	rddreg [dreg:$0x1];
	p0 =	sne.s32 s2, $0x0  }
0x13e: {  	s3 =	rddreg [dreg:$0x2];
	[bflag:$0x3] =	sbarrier.arrive $0xFFFF;
	s2 =	simm.s32 @!p0 $0x1C05  }
0x13f: {  	[timem:s3], [sflag:s2] =	dma.local @!p0 [hbm:s0], s1  }
0x140: {  	s0 =	simm.s32 @!p0 $0x5  }
0x141: {  	_ =	swait.ge @!p0 [sflag:s0], s1  }
0x142: {  	s1 =	ssub.s32 @!p0 $0x0, s1;
	[sflag:s0] =	ssyncset.done @!p0 $0x0  }
0x143: {  	[sflag:s0] =	ssyncadd.s32 @!p0 s1  }
0x144: {  	[bflag:$0x3] =	sbarrier.arrive $0xFFFF  }
0x145: {  	_ =	shalt  }

// kernel: kernel.36.cloned.1.call-start
scs
__scs_entry_jumppad:
0x0: {  	(pc) =	sbr.rel $0x88, $3  }
0x1: {  	(tag) =	ssettag $0x0;
	lr =	simm.s32 $0x1  }
0x2: {  	[smem:$0x3F9C] =	sst lr;
	_ =	strace $0xD0000000  }
0x3: {  	_ = 	snop  }
0x4: {  	_ = 	snop  }
0x5: {  	_ = 	snop  }
0x6: {  	_ = 	snop  }
0x7: {  	_ = 	snop  }
__scs_overlays_trampoline_lowered:
0x8: {  	[smem:$0x3FAB] =	sst s0  }
0x9: {  	[smem:$0x3FAC] =	sst s1  }
0xa: {  	[smem:$0x3FAD] =	sst s2  }
0xb: {  	[smem:$0x3FAE] =	sst s3  }
0xc: {  	[smem:$0x3FAF] =	sst s4  }
0xd: {  	[smem:$0x3FB0] =	sst s5  }
0xe: {  	[smem:$0x3FB1] =	sst s6  }
0xf: {  	[smem:$0x3FB2] =	sst s7  }
0x10: {  	[smem:$0x3FB3] =	sst s8  }
0x11: {  	[smem:$0x3FB4] =	sst s9;
	s0 =	simm.s32 @!p0 $0x0  }
0x12: {  	s1 =	sld [smem:$0x3F9A];
	s0 =	simm.s32 @p0 $0x1  }
0x13: {  	[smem:$0x3FB5] =	sst s0;
	s0 =	simm.s32 @!p1 $0x0  }
0x14: {  	s2 =	sld [smem:$0x3F99];
	s0 =	simm.s32 @p1 $0x1  }
0x15: {  	[smem:$0x3FB6] =	sst s0;
	s0 =	simm.s32 @!p2 $0x0  }
0x16: {  	s3 =	sld [smem:$0x3FDB];
	s0 =	simm.s32 @p2 $0x1  }
0x17: {  	s4 =	simm.s32 $0x1BF5;
	[smem:$0x3FB8] =	sst s0  }
0x18: {  	s0 =	sld [smem:$0x3F9B];
	_ =	swait.ge [sflag:s4], $0x0  }
0x19: {  	s7 =	sld [smem:$0x3F9C]  }
0x1a: {  	s8 =	sadd.s32 $0xFFFFE003, lr  }
0x1b: {  	s9 =	sadd.s32 $0xFFFFFEF7, lr;
	s5 =	simm.s32 $0xFFFFFFFF;
	p2 =	slt.u32 s8, $0xFFFFF086  }
0x1c: {  	p1 =	slt.u32 s9, $0xF7A;
	s5 =	simm.s32 @!p2 $0x0  }
0x1d: {  	s5 =	simm.s32 @p1 $0x1;
	p0 =	seq.s32 s7, s2  }
0x1e: {  	s7 =	smul.u32 @!p0 $0xF7A, s2;
	p2 =	seq.s32 @!p0 s5, $0x0  }
0x1f: {  	s9 =	smul.u32 $0xF7A, s1;
	s8 =	simm.s32 @!p0 $0x1BF5;
	p2 =	por !p2, p0  }
0x20: {  	[sflag:s8] =	ssyncset.s32 @!p0 $0xFFFFF086;
	s6 =	sadd.s32 @!p0 s3, s7;
	s7 =	simm.s32 @!p0 $0x108  }
0x21: {  	s3 =	sadd.s32 s3, s9;
	s6 =	sadd.s32 @!p0 $0x88, s6;
	s7 =	simm.s32 @p2 $0x1082  }
0x22: {  	[simem:s7], [sflag:s8] =	dma.local @!p0 [hbm:s6], $0xF7A  }
0x23: {  	s9 =	sor.u32 $0xD0000000, s2;
	s6 =	simm.s32 $0x108;
	_ =	swait.ge @!p0 [sflag:s8], $0x0  }
0x24: {  	s3 =	sadd.s32 $0x88, s3;
	s6 =	simm.s32 @!p1 $0x1082;
	[sflag:s4] =	ssyncset.s32 $0xFFFFF086  }
0x25: {  	[simem:s6], [sflag:s4] =	dma.local [hbm:s3], $0xF7A  }
0x26: {  	[smem:$0x3F9C] =	sst s1;
	(tag) =	ssettag s2;
	_ =	strace s9  }
0x27: {  	s1 =	sld [smem:$0x3FAC]  }
0x28: {  	s2 =	sld [smem:$0x3FAD]  }
0x29: {  	s4 =	sld [smem:$0x3FAF]  }
0x2a: {  	p0 =	seq.s32 s5, $0x0;
	s5 =	sld [smem:$0x3FB0]  }
0x2b: {  	s6 =	sld [smem:$0x3FB1]  }
0x2c: {  	s7 =	sld [smem:$0x3FB2]  }
0x2d: {  	s3 =	simm.s32 $0x108;
	s8 =	sld [smem:$0x3FB3]  }
0x2e: {  	s3 =	simm.s32 @!p0 $0x1082;
	s9 =	sld [smem:$0x3FB4]  }
0x2f: {  	lr =	sadd.s32 s0, s3;
	s0 =	sld [smem:$0x3FAB]  }
0x30: {  	s3 =	sld [smem:$0x3FAE]  }
0x31: {  	[smem:$0x3FB7] =	sst s10  }
0x32: {  	s10 =	sld [smem:$0x3FB5];
	_ =	sdelay $0x3  }
0x33: {  	p0 =	seq.s32 s10, $0x1;
	s10 =	sld [smem:$0x3FB7];
	_ =	sdelay $0x3  }
0x34: {  	[smem:$0x3FB7] =	sst s10  }
0x35: {  	s10 =	sld [smem:$0x3FB6];
	_ =	sdelay $0x3  }
0x36: {  	p1 =	seq.s32 s10, $0x1;
	s10 =	sld [smem:$0x3FB7];
	_ =	sdelay $0x3  }
0x37: {  	[smem:$0x3FB7] =	sst s10  }
0x38: {  	s10 =	sld [smem:$0x3FB8]  }
0x39: {  	_ = 	snop;
	(pc) =	sbr.ind lr, $3  }
0x3a: {  	_ = 	snop  }
0x3b: {  	_ = 	snop  }
0x3c: {  	p2 =	seq.s32 s10, $0x1;
	s10 =	sld [smem:$0x3FB7]  }
0x3d: {  	_ =	shalt  }
0x3e: {  	_ =	shalt  }
0x3f: {  	_ =	shalt  }
0x40: {  	_ =	shalt  }
0x41: {  	_ =	shalt  }
0x42: {  	_ =	shalt  }
0x43: {  	_ =	shalt  }
0x44: {  	_ =	shalt  }
0x45: {  	_ =	shalt  }
0x46: {  	_ =	shalt  }
0x47: {  	_ =	shalt  }
0x48: {  	_ =	shalt  }
0x49: {  	_ =	shalt  }
0x4a: {  	_ =	shalt  }
0x4b: {  	_ =	shalt  }
0x4c: {  	_ =	shalt  }
0x4d: {  	_ =	shalt  }
0x4e: {  	_ =	shalt  }
0x4f: {  	_ =	shalt  }
0x50: {  	_ =	shalt  }
0x51: {  	_ =	shalt  }
0x52: {  	_ =	shalt  }
0x53: {  	_ =	shalt  }
0x54: {  	_ =	shalt  }
0x55: {  	_ =	shalt  }
0x56: {  	_ =	shalt  }
0x57: {  	_ =	shalt  }
0x58: {  	_ =	shalt  }
0x59: {  	_ =	shalt  }
0x5a: {  	_ =	shalt  }
0x5b: {  	_ =	shalt  }
0x5c: {  	_ =	shalt  }
0x5d: {  	_ =	shalt  }
0x5e: {  	_ =	shalt  }
0x5f: {  	_ =	shalt  }
0x60: {  	_ =	shalt  }
0x61: {  	_ =	shalt  }
0x62: {  	_ =	shalt  }
0x63: {  	_ =	shalt  }
0x64: {  	_ =	shalt  }
0x65: {  	_ =	shalt  }
0x66: {  	_ =	shalt  }
0x67: {  	_ =	shalt  }
0x68: {  	_ =	shalt  }
0x69: {  	_ =	shalt  }
0x6a: {  	_ =	shalt  }
0x6b: {  	_ =	shalt  }
0x6c: {  	_ =	shalt  }
0x6d: {  	_ =	shalt  }
0x6e: {  	_ =	shalt  }
0x6f: {  	_ =	shalt  }
0x70: {  	_ =	shalt  }
0x71: {  	_ =	shalt  }
0x72: {  	_ =	shalt  }
0x73: {  	_ =	shalt  }
0x74: {  	_ =	shalt  }
0x75: {  	_ =	shalt  }
0x76: {  	_ =	shalt  }
0x77: {  	_ =	shalt  }
0x78: {  	_ =	shalt  }
0x79: {  	_ =	shalt  }
0x7a: {  	_ =	shalt  }
0x7b: {  	_ =	shalt  }
0x7c: {  	_ =	shalt  }
0x7d: {  	_ =	shalt  }
0x7e: {  	_ =	shalt  }
0x7f: {  	_ =	shalt  }
0x80: {  	_ =	shalt  }
0x81: {  	_ =	shalt  }
0x82: {  	_ =	shalt  }
0x83: {  	_ =	shalt  }
0x84: {  	_ =	shalt  }
0x85: {  	_ =	shalt  }
0x86: {  	_ =	shalt  }
0x87: {  	_ =	shalt  }
.Lfunc_end0:
.L_simem_size_0:
called_computation.7_lowered:
.L_overlay_start_0:
0x88: {  	s2 =	sld [smem:$0x3FD9]  }
0x89: {  	s3 =	sld [smem:$0x3FFE];
	_ =	sdelay $0x1  }
0x8a: {  	s1 =	srdreg.scid  }
0x8b: {  	s0 =	sand.u32 $0x1, s1  }
0x8c: {  	s17 =	sshll.u32 s0, $0xA;
	s2 =	sadd.s32 s3, s2  }
0x8d: {  	s2 =	sadd.s32 s2, s17  }
0x8e: {  	[smem:$0x3FC3] =	sst s2  }
0x8f: {  	_ = 	snop  }
0x90: {  	(tm) =	ssettm $0x1  }
0x91: {  	s18 =	sld [smem:$0x3FFB];
	_ =	sdelay $0x3  }
0x92: {  	_ =	strace s18  }
0x93: {  	s2 =	sld [smem:$0x3FFC];
	_ =	sdelay $0x3  }
0x94: {  	_ =	strace s2  }
0x95: {  	s2 =	sld [smem:$0x3FFD];
	_ =	sdelay $0x3  }
0x96: {  	_ =	strace s2  }
0x97: {  	_ =	strace $0x8FFFFFFF  }
0x98: {  	s19 =	sld [smem:$0x3FDB];
	_ =	sdelay $0x1  }
0x99: {  	s20 =	simm.s32 $_scs_section_size  }
0x9a: {  	s4 =	simm.s32 $_size__tile_overlayer_lowered;
	s5 =	simm.s32 $_tile_overlayer_lowered  }
0x9b: {  	s6 =	simm.s32 $0x1BFF;
	s21 =	sshll.u32 s5, $0x1;
	s3 =	sadd.s32 s20, s19  }
0x9c: {  	s22 =	simm.s32 $0x0;
	s4 =	sshll.u32 s4, $0x1;
	s5 =	sadd.s32 s21, s3  }
0x9d: {  	[timem:s22], [sflag:s6] =	dma.local [hbm:s5], s4  }
0x9e: {  	_ =	swait.ge [sflag:s6], s4  }
0x9f: {  	s4 =	ssub.s32 $0x0, s4;
	[sflag:s6] =	ssyncset.done $0x0  }
0xa0: {  	[sflag:s6] =	ssyncadd.s32 s4;
	_ =	sdelay $0x1  }
0xa1: {  	s23 =	simm.s32 $0x1B8B  }
0xa2: {  	_ =	swait.ge [sflag:s23], $0x1  }
0xa3: {  	[sflag:s23] =	ssyncset.done $0x0  }
0xa4: {  	[sflag:s23] =	ssyncadd.s32 $0xFFFFFFFF  }
0xa5: {  	s4 =	sld [smem:$0x0]  }
0xa6: {  	s5 =	sand.u32 $0xFFFFFFFE, s1  }
0xa7: {  	p0 =	sne.s32 s1, s5  }
0xa8: {  	s5 =	sshll.u32 @p0 s5, $0xE  }
0xa9: {  	s5 =	sadd.s32 @p0 $0x11B8D, s5;
	s6 =	sshll.u32 @p0 s4, $0x11  }
0xaa: {  	s5 =	sor.u32 @p0 s6, s5  }
0xab: {  	[sflag:s5] =	ssyncadd.remote.s32 @p0 $0x1;
	_ =	sdelay $0x1  }
0xac: {  	s5 =	simm.s32 @p0 $0x1B8D  }
0xad: {  	_ =	swait.eq @p0 [sflag:s5], $0x1  }
0xae: {  	[sflag:s5] =	ssyncadd.s32 @p0 $0xFFFFFFFF  }
0xaf: {  	s6 =	sshll.u32 @!p0 s1, $0xE  }
0xb0: {  	s6 =	sor.u32 @!p0 $0x4000, s6;
	s5 =	simm.s32 @!p0 $0x1B8D  }
0xb1: {  	s4 =	sshll.u32 @!p0 s4, $0x11;
	s6 =	sadd.s32 @!p0 $0x11B8D, s6;
	_ =	swait.eq @!p0 [sflag:s5], $0x1  }
0xb2: {  	s4 =	sor.u32 @!p0 s4, s6;
	[sflag:s5] =	ssyncadd.s32 @!p0 $0xFFFFFFFF  }
0xb3: {  	s25 =	simm.s32 $0x1B8E;
	s24 =	sld [smem:$0x3FFE];
	[sflag:s4] =	ssyncadd.remote.s32 @!p0 $0x1  }
0xb4: {  	s26 =	simm.s32 $execute0_lowered;
	[smem:$0x3FD2] =	sst s25  }
0xb5: {  	s5 =	sshll.u32 s26, $0x1;
	_ =	strace $0x80000058;
	[dreg:$0x1] =	wrdreg $0xFFFFFFFF  }
0xb6: {  	s28 =	simm.s32 $_size_execute0_lowered;
	s3 =	sadd.s32 s3, s5;
	[dreg:$0x0] =	wrdreg $0x0  }
0xb7: {  	s5 =	sshll.u32 s28, $0x1;
	[dreg:$0x2] =	wrdreg s3  }
0xb8: {  	[dreg:$0x3] =	wrdreg s5  }
0xb9: {  	[dreg:$0x4] =	wrdreg $0xC0  }
0xba: {  	_ =	task [dreg:s22], $0x5FFFF  }
0xbb: {  	[dreg:$0x1] =	wrdreg $0xFFFFFFFF  }
0xbc: {  	[dreg:$0x0] =	wrdreg $0x60  }
0xbd: {  	[dreg:$0x2] =	wrdreg s24  }
0xbe: {  	[dreg:$0x3] =	wrdreg $0x10  }
0xbf: {  	_ =	task.clear_ibuf [dreg:s22], $0x4FFFF;
	_ =	strace $0x90000058  }
0xc0: {  	s29 =	simm.s32 $0x10;
	_ =	strace $0x8000005A  }
0xc1: {  	_ =	swait.ge [sflag:s29], $0x1  }
0xc2: {  	[sflag:s29] =	ssyncadd.s32 $0xFFFFFFFF  }
0xc3: {  	_ =	strace $0x9000005A  }
0xc4: {  	_ =	sfence  }
0xc5: {  	s30 =	sld [smem:$0x0];
	_ =	sdelay $0x2  }
0xc6: {  	s31 =	sshll.u32 s1, $0xD;
	s1 =	sshrl.u32 s1, $0x2  }
0xc7: {  	s4 =	sand.u32 $0x4000, s31;
	s1 =	sadd.s32 s1, s30  }
0xc8: {  	s0 =	sor.u32 s4, s0;
	s1 =	sshll.u32 s1, $0x11  }
0xc9: {  	s0 =	sor.u32 s1, s0  }
0xca: {  	s0 =	sadd.s32 $0x8F2B, s0  }
0xcb: {  	[sflag:s0] =	ssyncadd.remote.s32 $0x1  }
0xcc: {  	_ =	sfence.sel $0xFFFF  }
0xcd: {  	[dreg:$0x0] =	wrdreg $0xFFFFFFFF;
	(pc) =	sbr.abs _section_cstart, $3  }
0xce: {  	[dreg:$0x1] =	wrdreg $0xFFFFFFFF  }
0xcf: {  	_ =	task.clear_ibuf [dreg:s22], $0x2FFFF;
	_ =	strace $0x9FFFFFFF  }
0xd0: {  	(tm) =	ssettm $0x7FFFFFFF  }
0xd1: {  	_ =	shalt  }
tec
execute0_lowered:
.L_overlay_start_1:
0x0: {  	(tag) =	ssettag $0x1  }
0x1: {  	s1 =	srdreg.scid;
	s0 =	stileid.u32  }
0x2: {  	s1 =	sand.u32 $0x1, s1;
	s2 =	sshll.u32 s0, $0x1  }
0x3: {  	s3 =	sor.u32 s1, s2  }
0x4: {  	s4 =	smul.u32 $0xE0, s3  }
0x5: {  	s6 =	smul.u32 $0x38000, s3  }
0x6: {  	s5 =	rddreg [dreg:$0x0];
	s3 =	smul.u32 $0x7000, s3  }
0x7: {  	s7 =	sadd.s32 $0xCD9200, s5;
	s2 =	simm.s32 $0x0;
	s4 =	sadd.s32 s4, s5  }
0x8: {  	[smem:$0x7FF] =	sst s2;
	s31 =	sadd.s32 s7, s3;
	s4 =	sadd.s32 $0xCD7600, s4  }
0x9: {  	_ =	strace $0x80000059;
	s19 =	sadd.s32 $0x800, s31;
	[dreg:$0x2] =	wrdreg s4  }
0xa: {  	s21 =	sadd.s32 $0x1800, s31;
	[dreg:$0x3] =	wrdreg s19  }
0xb: {  	s6 =	sshrl.u32 s6, $0x3;
	s23 =	sadd.s32 $0x2800, s31;
	[dreg:$0x5] =	wrdreg s21  }
0xc: {  	s3 =	sadd.s32 s7, s6;
	s26 =	sadd.s32 $0x3800, s31;
	[dreg:$0x7] =	wrdreg s23  }
0xd: {  	s20 =	sadd.s32 $0x1000, s3;
	[dreg:$0x9] =	wrdreg s26  }
0xe: {  	s22 =	sadd.s32 $0x2000, s3;
	[dreg:$0x4] =	wrdreg s20  }
0xf: {  	[dreg:$0x6] =	wrdreg s22  }
0x10: {  	s24 =	sadd.s32 $0x3000, s3;
	s25 =	rddreg [dreg:$0x2]  }
0x11: {  	s4 =	simm.s32 $0x5;
	[dreg:$0x8] =	wrdreg s24  }
0x12: {  	[tilespmem:s2], [sflag:$0x5] =	stream.linear.gather [hbm4b:s25+s2], $0x700, $0x38;
	[tilespmem:$0x8700] =	vst v63  }
0x13: {  	_ =	swait.ge [sflag:s4], $0x700  }
0x14: {  	s5 =	sadd.s32 $0x7600, s5;
	[sflag:s4] =	ssyncset.done $0x0  }
0x15: {  	s6 =	simm.s32 $0x80;
	s7 =	simm.s32 $0x700;
	[sflag:s4] =	ssyncadd.s32 $0xFFFFF900  }
0x16: {  	[tilespmem:s7], [sflag:$0x1] =	stream.indirect.gather [hbm4b:s5+s6], $0x80, s2, s6, $0xb8;
	[tilespmem:$0x8700] =	vst v63  }
0x17: {  	s8 =	simm.s32 $0x4700;
	s9 =	simm.s32 $0x1  }
0x18: {  	[tilespmem:s8], [sflag:$0x2] =	stream.indirect.gather [hbm4b:s5+s6], $0x80, s6, s6, $0xb8;
	[tilespmem:$0x8700] =	vst v63  }
0x19: {  	_ =	swait.ge [sflag:s9], $0x4000  }
0x1a: {  	[sflag:s9] =	ssyncset.done $0x0  }
0x1b: {  	s10 =	simm.s32 $0x3;
	[sflag:s9] =	ssyncadd.s32 $0xFFFFC000  }
0x1c: {  	[hbm4b:s3+s2] =	stream.linear.scatter [tilespmem:s7], [sflag:$0x3], $0x4000, $0x38;
	[tilespmem:$0x8700] =	vst v63  }
0x1d: {  	_ =	swait.ge [sflag:s10], $0x4000  }
0x1e: {  	[sflag:s10] =	ssyncset.done $0x0  }
0x1f: {  	s11 =	simm.s32 $0x100;
	s12 =	simm.s32 $0x2;
	[sflag:s10] =	ssyncadd.s32 $0xFFFFC000  }
0x20: {  	[tilespmem:s7], [sflag:$0x1] =	stream.indirect.gather [hbm4b:s5+s6], $0x80, s11, s6, $0xb8;
	[tilespmem:$0x8700] =	vst v63  }
0x21: {  	_ =	swait.ge [sflag:s12], $0x4000  }
0x22: {  	[sflag:s12] =	ssyncset.done $0x0  }
0x23: {  	s13 =	simm.s32 $0x4;
	s14 =	rddreg [dreg:$0x3];
	[sflag:s12] =	ssyncadd.s32 $0xFFFFC000  }
0x24: {  	[hbm4b:s14+s2] =	stream.linear.scatter [tilespmem:s8], [sflag:$0x4], $0x4000, $0x38;
	[tilespmem:$0x8700] =	vst v63  }
0x25: {  	_ =	swait.ge [sflag:s13], $0x4000  }
0x26: {  	[sflag:s13] =	ssyncset.done $0x0  }
0x27: {  	s14 =	simm.s32 $0x180;
	[sflag:s13] =	ssyncadd.s32 $0xFFFFC000  }
0x28: {  	[tilespmem:s8], [sflag:$0x2] =	stream.indirect.gather [hbm4b:s5+s6], $0x80, s14, s6, $0xb8;
	[tilespmem:$0x8700] =	vst v63  }
0x29: {  	_ =	swait.ge [sflag:s9], $0x4000  }
0x2a: {  	[sflag:s9] =	ssyncset.done $0x0  }
0x2b: {  	s15 =	rddreg [dreg:$0x4];
	[sflag:s9] =	ssyncadd.s32 $0xFFFFC000  }
0x2c: {  	[hbm4b:s15+s2] =	stream.linear.scatter [tilespmem:s7], [sflag:$0x3], $0x4000, $0x38;
	[tilespmem:$0x8700] =	vst v63  }
0x2d: {  	_ =	swait.ge [sflag:s10], $0x4000  }
0x2e: {  	[sflag:s10] =	ssyncset.done $0x0  }
0x2f: {  	s15 =	simm.s32 $0x200;
	[sflag:s10] =	ssyncadd.s32 $0xFFFFC000  }
0x30: {  	[tilespmem:s7], [sflag:$0x1] =	stream.indirect.gather [hbm4b:s5+s6], $0x80, s15, s6, $0xb8;
	[tilespmem:$0x8700] =	vst v63  }
0x31: {  	_ =	swait.ge [sflag:s12], $0x4000  }
0x32: {  	[sflag:s12] =	ssyncset.done $0x0  }
0x33: {  	s16 =	rddreg [dreg:$0x5];
	[sflag:s12] =	ssyncadd.s32 $0xFFFFC000  }
0x34: {  	[hbm4b:s16+s2] =	stream.linear.scatter [tilespmem:s8], [sflag:$0x4], $0x4000, $0x38;
	[tilespmem:$0x8700] =	vst v63  }
0x35: {  	_ =	swait.ge [sflag:s13], $0x4000  }
0x36: {  	[sflag:s13] =	ssyncset.done $0x0  }
0x37: {  	s16 =	simm.s32 $0x280;
	[sflag:s13] =	ssyncadd.s32 $0xFFFFC000  }
0x38: {  	[tilespmem:s8], [sflag:$0x2] =	stream.indirect.gather [hbm4b:s5+s6], $0x80, s16, s6, $0xb8;
	[tilespmem:$0x8700] =	vst v63  }
0x39: {  	_ =	swait.ge [sflag:s9], $0x4000  }
0x3a: {  	[sflag:s9] =	ssyncset.done $0x0  }
0x3b: {  	s17 =	rddreg [dreg:$0x6];
	[sflag:s9] =	ssyncadd.s32 $0xFFFFC000  }
0x3c: {  	[hbm4b:s17+s2] =	stream.linear.scatter [tilespmem:s7], [sflag:$0x3], $0x4000, $0x38;
	[tilespmem:$0x8700] =	vst v63  }
0x3d: {  	_ =	swait.ge [sflag:s10], $0x4000  }
0x3e: {  	[sflag:s10] =	ssyncset.done $0x0  }
0x3f: {  	s17 =	simm.s32 $0x300;
	[sflag:s10] =	ssyncadd.s32 $0xFFFFC000  }
0x40: {  	[tilespmem:s7], [sflag:$0x1] =	stream.indirect.gather [hbm4b:s5+s6], $0x80, s17, s6, $0xb8;
	[tilespmem:$0x8700] =	vst v63  }
0x41: {  	_ =	swait.ge [sflag:s12], $0x4000  }
0x42: {  	[sflag:s12] =	ssyncset.done $0x0  }
0x43: {  	s18 =	rddreg [dreg:$0x7];
	[sflag:s12] =	ssyncadd.s32 $0xFFFFC000  }
0x44: {  	[hbm4b:s18+s2] =	stream.linear.scatter [tilespmem:s8], [sflag:$0x4], $0x4000, $0x38;
	[tilespmem:$0x8700] =	vst v63  }
0x45: {  	_ =	swait.ge [sflag:s13], $0x4000  }
0x46: {  	[sflag:s13] =	ssyncset.done $0x0  }
0x47: {  	s18 =	simm.s32 $0x380;
	[sflag:s13] =	ssyncadd.s32 $0xFFFFC000  }
0x48: {  	[tilespmem:s8], [sflag:$0x2] =	stream.indirect.gather [hbm4b:s5+s6], $0x80, s18, s6, $0xb8;
	[tilespmem:$0x8700] =	vst v63  }
0x49: {  	_ =	swait.ge [sflag:s9], $0x4000  }
0x4a: {  	[sflag:s9] =	ssyncset.done $0x0  }
0x4b: {  	s19 =	rddreg [dreg:$0x8];
	[sflag:s9] =	ssyncadd.s32 $0xFFFFC000  }
0x4c: {  	[hbm4b:s19+s2] =	stream.linear.scatter [tilespmem:s7], [sflag:$0x3], $0x4000, $0x38;
	[tilespmem:$0x8700] =	vst v63  }
0x4d: {  	_ =	swait.ge [sflag:s10], $0x4000  }
0x4e: {  	[sflag:s10] =	ssyncset.done $0x0  }
0x4f: {  	s19 =	simm.s32 $0x400;
	[sflag:s10] =	ssyncadd.s32 $0xFFFFC000  }
0x50: {  	[tilespmem:s7], [sflag:$0x1] =	stream.indirect.gather [hbm4b:s5+s6], $0x80, s19, s6, $0xb8;
	[tilespmem:$0x8700] =	vst v63  }
0x51: {  	_ =	swait.ge [sflag:s12], $0x4000  }
0x52: {  	[sflag:s12] =	ssyncset.done $0x0  }
0x53: {  	s20 =	rddreg [dreg:$0x9];
	[sflag:s12] =	ssyncadd.s32 $0xFFFFC000  }
0x54: {  	[hbm4b:s20+s2] =	stream.linear.scatter [tilespmem:s8], [sflag:$0x4], $0x4000, $0x38;
	[tilespmem:$0x8700] =	vst v63  }
0x55: {  	_ =	swait.ge [sflag:s13], $0x4000  }
0x56: {  	[sflag:s13] =	ssyncset.done $0x0  }
0x57: {  	s20 =	simm.s32 $0x480;
	[sflag:s13] =	ssyncadd.s32 $0xFFFFC000  }
0x58: {  	[tilespmem:s8], [sflag:$0x2] =	stream.indirect.gather [hbm4b:s5+s6], $0x80, s20, s6, $0xb8;
	[tilespmem:$0x8700] =	vst v63  }
0x59: {  	_ =	swait.ge [sflag:s9], $0x4000  }
0x5a: {  	[sflag:s9] =	ssyncset.done $0x0  }
0x5b: {  	s21 =	sadd.s32 $0x4000, s3;
	[sflag:s9] =	ssyncadd.s32 $0xFFFFC000  }
0x5c: {  	[hbm4b:s21+s2] =	stream.linear.scatter [tilespmem:s7], [sflag:$0x3], $0x4000, $0x38;
	[tilespmem:$0x8700] =	vst v63  }
0x5d: {  	_ =	swait.ge [sflag:s10], $0x4000  }
0x5e: {  	[sflag:s10] =	ssyncset.done $0x0  }
0x5f: {  	s22 =	simm.s32 $0x500;
	[sflag:s10] =	ssyncadd.s32 $0xFFFFC000  }
0x60: {  	[tilespmem:s7], [sflag:$0x1] =	stream.indirect.gather [hbm4b:s5+s6], $0x80, s22, s6, $0xb8;
	[tilespmem:$0x8700] =	vst v63  }
0x61: {  	_ =	swait.ge [sflag:s12], $0x4000  }
0x62: {  	[sflag:s12] =	ssyncset.done $0x0  }
0x63: {  	s23 =	sadd.s32 $0x4800, s31;
	[sflag:s12] =	ssyncadd.s32 $0xFFFFC000  }
0x64: {  	[hbm4b:s23+s2] =	stream.linear.scatter [tilespmem:s8], [sflag:$0x4], $0x4000, $0x38;
	[tilespmem:$0x8700] =	vst v63  }
0x65: {  	_ =	swait.ge [sflag:s13], $0x4000  }
0x66: {  	[sflag:s13] =	ssyncset.done $0x0  }
0x67: {  	s24 =	simm.s32 $0x580;
	[sflag:s13] =	ssyncadd.s32 $0xFFFFC000  }
0x68: {  	[tilespmem:s8], [sflag:$0x2] =	stream.indirect.gather [hbm4b:s5+s6], $0x80, s24, s6, $0xb8;
	[tilespmem:$0x8700] =	vst v63  }
0x69: {  	_ =	swait.ge [sflag:s9], $0x4000  }
0x6a: {  	[sflag:s9] =	ssyncset.done $0x0  }
0x6b: {  	s25 =	sadd.s32 $0x5000, s3;
	[sflag:s9] =	ssyncadd.s32 $0xFFFFC000  }
0x6c: {  	[hbm4b:s25+s2] =	stream.linear.scatter [tilespmem:s7], [sflag:$0x3], $0x4000, $0x38;
	[tilespmem:$0x8700] =	vst v63  }
0x6d: {  	_ =	swait.ge [sflag:s10], $0x4000  }
0x6e: {  	[sflag:s10] =	ssyncset.done $0x0  }
0x6f: {  	s26 =	simm.s32 $0x600;
	[sflag:s10] =	ssyncadd.s32 $0xFFFFC000  }
0x70: {  	[tilespmem:s7], [sflag:$0x1] =	stream.indirect.gather [hbm4b:s5+s6], $0x80, s26, s6, $0xb8;
	[tilespmem:$0x8700] =	vst v63  }
0x71: {  	_ =	swait.ge [sflag:s12], $0x4000  }
0x72: {  	[sflag:s12] =	ssyncset.done $0x0  }
0x73: {  	s28 =	sadd.s32 $0x5800, s31;
	[sflag:s12] =	ssyncadd.s32 $0xFFFFC000  }
0x74: {  	[hbm4b:s28+s2] =	stream.linear.scatter [tilespmem:s8], [sflag:$0x4], $0x4000, $0x38;
	[tilespmem:$0x8700] =	vst v63  }
0x75: {  	_ =	swait.ge [sflag:s13], $0x4000  }
0x76: {  	[sflag:s13] =	ssyncset.done $0x0  }
0x77: {  	s29 =	simm.s32 $0x680;
	[sflag:s13] =	ssyncadd.s32 $0xFFFFC000  }
0x78: {  	[tilespmem:s8], [sflag:$0x2] =	stream.indirect.gather [hbm4b:s5+s6], $0x80, s29, s6, $0xb8;
	[tilespmem:$0x8700] =	vst v63  }
0x79: {  	_ =	swait.ge [sflag:s9], $0x4000  }
0x7a: {  	s1 =	ssub.s32 $0x2, s1;
	[sflag:s9] =	ssyncset.done $0x0  }
0x7b: {  	s0 =	sshrl.u32 s1, $0x1;
	s30 =	sadd.s32 $0x6000, s3;
	[sflag:s9] =	ssyncadd.s32 $0xFFFFC000  }
0x7c: {  	[hbm4b:s30+s2] =	stream.linear.scatter [tilespmem:s7], [sflag:$0x3], $0x4000, $0x38;
	[tilespmem:$0x8700] =	vst v63  }
0x7d: {  	s0 =	ssub.s32 s1, s0;
	_ =	swait.ge [sflag:s12], $0x4000  }
0x7e: {  	s0 =	smax.u32 s0, $0x1;
	[sflag:s12] =	ssyncset.done $0x0  }
0x7f: {  	p0 =	sne.s32 s0, $0x1;
	s31 =	sadd.s32 $0x6800, s31;
	[sflag:s12] =	ssyncadd.s32 $0xFFFFC000  }
0x80: {  	[hbm4b:s31+s2] =	stream.linear.scatter [tilespmem:s8], [sflag:$0x4], $0x4000, $0x38;
	[tilespmem:$0x8700] =	vst v63  }
.Ltmp0:
0x81: {  	_ =	swait.ge [sflag:s10], $0x4000;
	(pc) =	sbr.rel @!p0 .LBB2_2-.Ltmp0, $4  }
0x82: {  	[sflag:s10] =	ssyncset.done $0x0  }
0x83: {  	[sflag:s10] =	ssyncadd.s32 $0xFFFFC000  }
0x84: {  	_ =	swait.ge [sflag:s13], $0x4000  }
0x85: {  	s1 =	sadd.s32 $0xFFFFFFFF, s0;
	[sflag:s13] =	ssyncset.done $0x0  }
.LBB2_1:
0x86: {  	s0 =	rddreg [dreg:$0x2];
	[sflag:s13] =	ssyncadd.s32 $0xFFFFC000  }
0x87: {  	[tilespmem:s2], [sflag:$0x5] =	stream.linear.gather [hbm4b:s0+s2], $0x700, $0x38;
	[tilespmem:$0x8700] =	vst v63  }
0x88: {  	_ =	swait.ge [sflag:s4], $0x700  }
0x89: {  	[sflag:s4] =	ssyncset.done $0x0  }
0x8a: {  	[sflag:s4] =	ssyncadd.s32 $0xFFFFF900  }
0x8b: {  	[tilespmem:s7], [sflag:$0x1] =	stream.indirect.gather [hbm4b:s5+s6], $0x80, s2, s6, $0xb8;
	[tilespmem:$0x8700] =	vst v63  }
0x8c: {  	_ = 	snop  }
0x8d: {  	[tilespmem:s8], [sflag:$0x2] =	stream.indirect.gather [hbm4b:s5+s6], $0x80, s6, s6, $0xb8;
	[tilespmem:$0x8700] =	vst v63  }
0x8e: {  	_ =	swait.ge [sflag:s9], $0x4000  }
0x8f: {  	[sflag:s9] =	ssyncset.done $0x0  }
0x90: {  	[sflag:s9] =	ssyncadd.s32 $0xFFFFC000  }
0x91: {  	[hbm4b:s3+s2] =	stream.linear.scatter [tilespmem:s7], [sflag:$0x3], $0x4000, $0x38;
	[tilespmem:$0x8700] =	vst v63  }
0x92: {  	_ =	swait.ge [sflag:s10], $0x4000  }
0x93: {  	[sflag:s10] =	ssyncset.done $0x0  }
0x94: {  	[sflag:s10] =	ssyncadd.s32 $0xFFFFC000  }
0x95: {  	[tilespmem:s7], [sflag:$0x1] =	stream.indirect.gather [hbm4b:s5+s6], $0x80, s11, s6, $0xb8;
	[tilespmem:$0x8700] =	vst v63  }
0x96: {  	_ =	swait.ge [sflag:s12], $0x4000  }
0x97: {  	[sflag:s12] =	ssyncset.done $0x0  }
0x98: {  	s0 =	rddreg [dreg:$0x3];
	[sflag:s12] =	ssyncadd.s32 $0xFFFFC000  }
0x99: {  	[hbm4b:s0+s2] =	stream.linear.scatter [tilespmem:s8], [sflag:$0x4], $0x4000, $0x38;
	[tilespmem:$0x8700] =	vst v63  }
0x9a: {  	_ =	swait.ge [sflag:s13], $0x4000  }
0x9b: {  	[sflag:s13] =	ssyncset.done $0x0  }
0x9c: {  	[sflag:s13] =	ssyncadd.s32 $0xFFFFC000  }
0x9d: {  	[tilespmem:s8], [sflag:$0x2] =	stream.indirect.gather [hbm4b:s5+s6], $0x80, s14, s6, $0xb8;
	[tilespmem:$0x8700] =	vst v63  }
0x9e: {  	_ =	swait.ge [sflag:s9], $0x4000  }
0x9f: {  	[sflag:s9] =	ssyncset.done $0x0  }
0xa0: {  	s0 =	rddreg [dreg:$0x4];
	[sflag:s9] =	ssyncadd.s32 $0xFFFFC000  }
0xa1: {  	[hbm4b:s0+s2] =	stream.linear.scatter [tilespmem:s7], [sflag:$0x3], $0x4000, $0x38;
	[tilespmem:$0x8700] =	vst v63  }
0xa2: {  	_ =	swait.ge [sflag:s10], $0x4000  }
0xa3: {  	[sflag:s10] =	ssyncset.done $0x0  }
0xa4: {  	[sflag:s10] =	ssyncadd.s32 $0xFFFFC000  }
0xa5: {  	[tilespmem:s7], [sflag:$0x1] =	stream.indirect.gather [hbm4b:s5+s6], $0x80, s15, s6, $0xb8;
	[tilespmem:$0x8700] =	vst v63  }
0xa6: {  	_ =	swait.ge [sflag:s12], $0x4000  }
0xa7: {  	[sflag:s12] =	ssyncset.done $0x0  }
0xa8: {  	s0 =	rddreg [dreg:$0x5];
	[sflag:s12] =	ssyncadd.s32 $0xFFFFC000  }
0xa9: {  	[hbm4b:s0+s2] =	stream.linear.scatter [tilespmem:s8], [sflag:$0x4], $0x4000, $0x38;
	[tilespmem:$0x8700] =	vst v63  }
0xaa: {  	_ =	swait.ge [sflag:s13], $0x4000  }
0xab: {  	[sflag:s13] =	ssyncset.done $0x0  }
0xac: {  	[sflag:s13] =	ssyncadd.s32 $0xFFFFC000  }
0xad: {  	[tilespmem:s8], [sflag:$0x2] =	stream.indirect.gather [hbm4b:s5+s6], $0x80, s16, s6, $0xb8;
	[tilespmem:$0x8700] =	vst v63  }
0xae: {  	_ =	swait.ge [sflag:s9], $0x4000  }
0xaf: {  	[sflag:s9] =	ssyncset.done $0x0  }
0xb0: {  	s0 =	rddreg [dreg:$0x6];
	[sflag:s9] =	ssyncadd.s32 $0xFFFFC000  }
0xb1: {  	[hbm4b:s0+s2] =	stream.linear.scatter [tilespmem:s7], [sflag:$0x3], $0x4000, $0x38;
	[tilespmem:$0x8700] =	vst v63  }
0xb2: {  	_ =	swait.ge [sflag:s10], $0x4000  }
0xb3: {  	[sflag:s10] =	ssyncset.done $0x0  }
0xb4: {  	[sflag:s10] =	ssyncadd.s32 $0xFFFFC000  }
0xb5: {  	[tilespmem:s7], [sflag:$0x1] =	stream.indirect.gather [hbm4b:s5+s6], $0x80, s17, s6, $0xb8;
	[tilespmem:$0x8700] =	vst v63  }
0xb6: {  	_ =	swait.ge [sflag:s12], $0x4000  }
0xb7: {  	[sflag:s12] =	ssyncset.done $0x0  }
0xb8: {  	s0 =	rddreg [dreg:$0x7];
	[sflag:s12] =	ssyncadd.s32 $0xFFFFC000  }
0xb9: {  	[hbm4b:s0+s2] =	stream.linear.scatter [tilespmem:s8], [sflag:$0x4], $0x4000, $0x38;
	[tilespmem:$0x8700] =	vst v63  }
0xba: {  	_ =	swait.ge [sflag:s13], $0x4000  }
0xbb: {  	[sflag:s13] =	ssyncset.done $0x0  }
0xbc: {  	[sflag:s13] =	ssyncadd.s32 $0xFFFFC000  }
0xbd: {  	[tilespmem:s8], [sflag:$0x2] =	stream.indirect.gather [hbm4b:s5+s6], $0x80, s18, s6, $0xb8;
	[tilespmem:$0x8700] =	vst v63  }
0xbe: {  	_ =	swait.ge [sflag:s9], $0x4000  }
0xbf: {  	[sflag:s9] =	ssyncset.done $0x0  }
0xc0: {  	s0 =	rddreg [dreg:$0x8];
	[sflag:s9] =	ssyncadd.s32 $0xFFFFC000  }
0xc1: {  	[hbm4b:s0+s2] =	stream.linear.scatter [tilespmem:s7], [sflag:$0x3], $0x4000, $0x38;
	[tilespmem:$0x8700] =	vst v63  }
0xc2: {  	_ =	swait.ge [sflag:s10], $0x4000  }
0xc3: {  	[sflag:s10] =	ssyncset.done $0x0  }
0xc4: {  	[sflag:s10] =	ssyncadd.s32 $0xFFFFC000  }
0xc5: {  	[tilespmem:s7], [sflag:$0x1] =	stream.indirect.gather [hbm4b:s5+s6], $0x80, s19, s6, $0xb8;
	[tilespmem:$0x8700] =	vst v63  }
0xc6: {  	_ =	swait.ge [sflag:s12], $0x4000  }
0xc7: {  	[sflag:s12] =	ssyncset.done $0x0  }
0xc8: {  	s0 =	rddreg [dreg:$0x9];
	[sflag:s12] =	ssyncadd.s32 $0xFFFFC000  }
0xc9: {  	[hbm4b:s0+s2] =	stream.linear.scatter [tilespmem:s8], [sflag:$0x4], $0x4000, $0x38;
	[tilespmem:$0x8700] =	vst v63  }
0xca: {  	_ =	swait.ge [sflag:s13], $0x4000  }
0xcb: {  	[sflag:s13] =	ssyncset.done $0x0  }
0xcc: {  	[sflag:s13] =	ssyncadd.s32 $0xFFFFC000  }
0xcd: {  	[tilespmem:s8], [sflag:$0x2] =	stream.indirect.gather [hbm4b:s5+s6], $0x80, s20, s6, $0xb8;
	[tilespmem:$0x8700] =	vst v63  }
0xce: {  	_ =	swait.ge [sflag:s9], $0x4000  }
0xcf: {  	[sflag:s9] =	ssyncset.done $0x0  }
0xd0: {  	[sflag:s9] =	ssyncadd.s32 $0xFFFFC000  }
0xd1: {  	[hbm4b:s21+s2] =	stream.linear.scatter [tilespmem:s7], [sflag:$0x3], $0x4000, $0x38;
	[tilespmem:$0x8700] =	vst v63  }
0xd2: {  	_ =	swait.ge [sflag:s10], $0x4000  }
0xd3: {  	[sflag:s10] =	ssyncset.done $0x0  }
0xd4: {  	[sflag:s10] =	ssyncadd.s32 $0xFFFFC000  }
0xd5: {  	[tilespmem:s7], [sflag:$0x1] =	stream.indirect.gather [hbm4b:s5+s6], $0x80, s22, s6, $0xb8;
	[tilespmem:$0x8700] =	vst v63  }
0xd6: {  	_ =	swait.ge [sflag:s12], $0x4000  }
0xd7: {  	[sflag:s12] =	ssyncset.done $0x0  }
0xd8: {  	[sflag:s12] =	ssyncadd.s32 $0xFFFFC000  }
0xd9: {  	[hbm4b:s23+s2] =	stream.linear.scatter [tilespmem:s8], [sflag:$0x4], $0x4000, $0x38;
	[tilespmem:$0x8700] =	vst v63  }
0xda: {  	_ =	swait.ge [sflag:s13], $0x4000  }
0xdb: {  	[sflag:s13] =	ssyncset.done $0x0  }
0xdc: {  	[sflag:s13] =	ssyncadd.s32 $0xFFFFC000  }
0xdd: {  	[tilespmem:s8], [sflag:$0x2] =	stream.indirect.gather [hbm4b:s5+s6], $0x80, s24, s6, $0xb8;
	[tilespmem:$0x8700] =	vst v63  }
0xde: {  	_ =	swait.ge [sflag:s9], $0x4000  }
0xdf: {  	[sflag:s9] =	ssyncset.done $0x0  }
0xe0: {  	[sflag:s9] =	ssyncadd.s32 $0xFFFFC000  }
0xe1: {  	[hbm4b:s25+s2] =	stream.linear.scatter [tilespmem:s7], [sflag:$0x3], $0x4000, $0x38;
	[tilespmem:$0x8700] =	vst v63  }
0xe2: {  	_ =	swait.ge [sflag:s10], $0x4000  }
0xe3: {  	[sflag:s10] =	ssyncset.done $0x0  }
0xe4: {  	[sflag:s10] =	ssyncadd.s32 $0xFFFFC000  }
0xe5: {  	[tilespmem:s7], [sflag:$0x1] =	stream.indirect.gather [hbm4b:s5+s6], $0x80, s26, s6, $0xb8;
	[tilespmem:$0x8700] =	vst v63  }
0xe6: {  	_ =	swait.ge [sflag:s12], $0x4000  }
0xe7: {  	[sflag:s12] =	ssyncset.done $0x0  }
0xe8: {  	[sflag:s12] =	ssyncadd.s32 $0xFFFFC000  }
0xe9: {  	[hbm4b:s28+s2] =	stream.linear.scatter [tilespmem:s8], [sflag:$0x4], $0x4000, $0x38;
	[tilespmem:$0x8700] =	vst v63  }
0xea: {  	_ =	swait.ge [sflag:s13], $0x4000  }
0xeb: {  	[sflag:s13] =	ssyncset.done $0x0  }
0xec: {  	[sflag:s13] =	ssyncadd.s32 $0xFFFFC000  }
0xed: {  	[tilespmem:s8], [sflag:$0x2] =	stream.indirect.gather [hbm4b:s5+s6], $0x80, s29, s6, $0xb8;
	[tilespmem:$0x8700] =	vst v63  }
0xee: {  	_ =	swait.ge [sflag:s9], $0x4000  }
0xef: {  	[sflag:s9] =	ssyncset.done $0x0  }
0xf0: {  	[sflag:s9] =	ssyncadd.s32 $0xFFFFC000  }
0xf1: {  	[hbm4b:s30+s2] =	stream.linear.scatter [tilespmem:s7], [sflag:$0x3], $0x4000, $0x38;
	[tilespmem:$0x8700] =	vst v63  }
0xf2: {  	_ =	swait.ge [sflag:s12], $0x4000  }
0xf3: {  	[sflag:s12] =	ssyncset.done $0x0  }
0xf4: {  	p0 =	sne.s32 s1, $0x1;
	[sflag:s12] =	ssyncadd.s32 $0xFFFFC000  }
0xf5: {  	[hbm4b:s31+s2] =	stream.linear.scatter [tilespmem:s8], [sflag:$0x4], $0x4000, $0x38;
	[tilespmem:$0x8700] =	vst v63  }
.Ltmp1:
0xf6: {  	_ =	swait.ge [sflag:s10], $0x4000;
	(pc) =	sbr.rel @p0 .LBB2_1-.Ltmp1, $4  }
0xf7: {  	[sflag:s10] =	ssyncset.done $0x0  }
0xf8: {  	[sflag:s10] =	ssyncadd.s32 $0xFFFFC000  }
0xf9: {  	_ =	swait.ge [sflag:s13], $0x4000  }
0xfa: {  	s1 =	sadd.s32 $0xFFFFFFFF, s1;
	[sflag:s13] =	ssyncset.done $0x0  }
.LBB2_2:
0xfb: {  	[sflag:s13] =	ssyncadd.s32 $0xFFFFC000  }
0xfc: {  	_ =	sfence.sel $0x180000  }
0xfd: {  	[bflag:$0x0] =	sbarrier.arrive $0xFFFF  }
0xfe: {  	_ =	strace $0x90000059  }
0xff: {  	s0 =	stileid.u32;
	[bflag:$0x2] =	sbarrier.arrive $0xFFFF  }
0x100: {  	p0 =	sne.s32 s0, $0x0;
	s0 =	rddreg [dreg:$0x1]  }
0x101: {  	s0 =	sadd.s32 @!p0 $0x100000, s0  }
0x102: {  	[sflag:s0] =	ssyncadd.tile.s32 @!p0 $0x1;
	_ =	shalt  }
.Lfunc_end2:
_tile_overlayer_lowered:
.L_overlay_start_2:
0x103: {  	(tag) =	ssettag $0x2  }
0x104: {  	s0 =	rddreg [dreg:$0x0];
	s2 =	stileid.u32  }
0x105: {  	s1 =	rddreg [dreg:$0x1];
	p0 =	sne.s32 s2, $0x0  }
0x106: {  	s3 =	rddreg [dreg:$0x2];
	[bflag:$0x3] =	sbarrier.arrive $0xFFFF;
	s2 =	simm.s32 @!p0 $0x1C05  }
0x107: {  	[timem:s3], [sflag:s2] =	dma.local @!p0 [hbm:s0], s1  }
0x108: {  	s0 =	simm.s32 @!p0 $0x5  }
0x109: {  	_ =	swait.ge @!p0 [sflag:s0], s1  }
0x10a: {  	s1 =	ssub.s32 @!p0 $0x0, s1;
	[sflag:s0] =	ssyncset.done @!p0 $0x0  }
0x10b: {  	[sflag:s0] =	ssyncadd.s32 @!p0 s1  }
0x10c: {  	[bflag:$0x3] =	sbarrier.arrive $0xFFFF  }
0x10d: {  	_ =	shalt  }

</sc_bundles>
